<compile_context>
chip_gen: v7x
topology: tpu7x:2x2x1
jax: 0.10.2.dev20260603
libtpu: 0.0.44.dev20260713+nightly
codegen_flags: <defaults>
</compile_context>

<pallas_src>
import functools

import jax
import jax.numpy as jnp
from jax import lax
from jax.experimental import pallas as pl
from jax.experimental.pallas import tpu as pltpu
from jax.experimental.pallas import tpu_sc as plsc

N_EMB = 1000000
D = 64
B = 16384

NC, NS, L = 2, 16, 16
NW = NC * NS
BLK = 128
BPWK = 244
WB = 4
WIN = WB * BLK
NWIN = BPWK // WB
TAIL0 = NW * BPWK * BLK
TAILN = N_EMB - TAIL0
MCAP = 4096
NBKT = 64
BCAP = 64


def _make_gather_kernel():
    mesh = plsc.VectorSubcoreMesh(
        core_axis_name="c", subcore_axis_name="s",
        num_cores=NC, num_subcores=NS)

    @functools.partial(
        pl.kernel,
        out_type=(jax.ShapeDtypeStruct((B + 8, 2 * D), jnp.float32),
                  jax.ShapeDtypeStruct((B + 8, 2 * D), jnp.float32)),
        mesh=mesh,
        scratch_types=[
            pltpu.VMEM((B,), jnp.int32),
            pltpu.VMEM((B,), jnp.int32),
            pltpu.VMEM((MCAP,), jnp.int32),
            pltpu.VMEM((MCAP,), jnp.int32),
            pltpu.VMEM((MCAP,), jnp.int32),
            pltpu.VMEM((MCAP,), jnp.int32),
            pltpu.VMEM((NBKT * BCAP + L,), jnp.int32),
            pltpu.VMEM((NBKT * BCAP + L,), jnp.int32),
            pltpu.SMEM((NBKT,), jnp.int32),
            pltpu.SMEM((NBKT,), jnp.int32),
            pltpu.VMEM((D, TAILN), jnp.float32),
            pltpu.VMEM((8 * L, 2 * D), jnp.float32),
            pltpu.VMEM((8, L), jnp.int32),
            pltpu.VMEM((L,), jnp.int32),
            pltpu.SemaphoreType.DMA,
        ],
        compiler_params=pltpu.CompilerParams(
            needs_layout_passes=False, use_tc_tiling_on_sc=True),
    )
    def gather_kernel(embt, sid, tid, souts, touts, sidv, tidv,
                      msid, mspid, mtid, mtpid, sbkt, tbkt, scnt, tcnt,
                      win, stag, pidr, colb, sem):
        w = lax.axis_index("s") * NC + lax.axis_index("c")
        lo_blk = w * BPWK
        base_id = lo_blk * BLK
        is_last = w == NW - 1
        hi_blk = lo_blk + BPWK + jnp.where(is_last, 5, 0)

        pltpu.sync_copy(sid, sidv)
        pltpu.sync_copy(tid, tidv)
        for b in range(NBKT):
            scnt[b] = 0
            tcnt[b] = 0

        lanes = lax.iota(jnp.int32, L)

        def scan_body(i, offs):
            off_s, off_t = offs
            pidx = lanes + i * L
            s16 = sidv[pl.ds(i * L, L)]
            t16 = tidv[pl.ds(i * L, L)]
            sblk = lax.shift_right_logical(s16, 7)
            tblk = lax.shift_right_logical(t16, 7)
            ms = (sblk >= lo_blk) & (sblk < hi_blk)
            mt = (tblk >= lo_blk) & (tblk < hi_blk)
            plsc.store_compressed(msid.at[pl.ds(off_s, L)], s16, mask=ms)
            plsc.store_compressed(mspid.at[pl.ds(off_s, L)], pidx, mask=ms)
            plsc.store_compressed(mtid.at[pl.ds(off_t, L)], t16, mask=mt)
            plsc.store_compressed(mtpid.at[pl.ds(off_t, L)], pidx, mask=mt)
            ns = plsc.all_reduce_population_count(ms)[0]
            nt = plsc.all_reduce_population_count(mt)[0]
            off_s = jnp.minimum(off_s + ns, MCAP - L)
            off_t = jnp.minimum(off_t + nt, MCAP - L)
            return (off_s, off_t)

        with jax.named_scope("ph_scan"):
            cnt_s, cnt_t = lax.fori_loop(
                0, B // L, scan_body, (jnp.int32(0), jnp.int32(0)))

        def bucketize(mid, mpid, cnt, bkt, bcnt):
            def bk_body(k, carry):
                ids16 = mid[pl.ds(k * L, L)]
                pid16 = mpid[pl.ds(k * L, L)]
                valid = (lanes + k * L) < cnt
                lid16 = ids16 - base_id
                win16 = lax.shift_right_logical(lid16, 9)
                win16 = jnp.where(valid, win16, NBKT - 1)
                packed = (lid16 << 14) | pid16
                for j in range(L):
                    wv = win16[j]
                    slot = bcnt[wv]
                    bcnt[wv] = slot + 1
                    pos = wv * BCAP + jnp.minimum(slot, BCAP - 1)
                    plsc.store_compressed(
                        bkt.at[pl.ds(pos, L)], packed, mask=lanes == j)
                return carry

            lax.fori_loop(0, (cnt + L - 1) // L, bk_body, 0)

        with jax.named_scope("ph_bucket"):
            bucketize(msid, mspid, cnt_s, sbkt, scnt)
            bucketize(mtid, mtpid, cnt_t, tbkt, tcnt)

        def ring_wait(_, c):
            pltpu.make_async_copy(souts.at[pl.ds(0, L)],
                                  stag.at[pl.ds(0, L)], sem).wait()
            return c

        def drain(bkt, n, bidx, cb, width, out_hbm, gk):
            def chunk(k, gk):
                packed = bkt[pl.ds(bidx * BCAP + k * L, L)]
                lid16 = lax.shift_right_logical(packed, 14)
                pid16 = packed & (B - 1)
                valid = (lanes + k * L) < n
                col16 = jnp.clip(lid16 - cb, 0, width - 1)
                pid16 = jnp.where(valid, pid16, B)
                lax.fori_loop(0, jnp.where(gk >= 8, 1, 0), ring_wait, 0)
                slot = gk & 7
                ring = slot * L
                colb[...] = col16
                pidr[slot] = pid16

                def lane(j, c):
                    cols = plsc.load_gather(
                        colb, [jnp.full((L,), j, jnp.int32)])
                    for q in range(D // L):
                        v = plsc.load_gather(win, [lanes + q * L, cols])
                        stag[ring + j, pl.ds(q * L, L)] = v
                    return c

                lax.fori_loop(0, L, lane, 0)
                pltpu.async_copy(stag.at[pl.ds(ring, L)],
                                 out_hbm.at[pidr.at[slot]], sem)
                return gk + 1

            return lax.fori_loop(0, (n + L - 1) // L, chunk, gk)

        def window_body(i, gk):
            b0 = pl.multiple_of(base_id + i * WIN, BLK)
            pltpu.sync_copy(embt.at[:, pl.ds(b0, WIN)],
                            win.at[:, pl.ds(0, WIN)])
            gk = drain(sbkt, jnp.minimum(scnt[i], BCAP), i, i * WIN,
                       WIN, souts, gk)
            gk = drain(tbkt, jnp.minimum(tcnt[i], BCAP), i, i * WIN,
                       WIN, touts, gk)
            return gk

        with jax.named_scope("ph_windows"):
            gk = lax.fori_loop(0, NWIN, window_body, jnp.int32(0))

        @pl.when(is_last)
        def _tail():
            pltpu.sync_copy(embt.at[:, pl.ds(TAIL0, TAILN - BLK // 2)],
                            win.at[:, pl.ds(0, TAILN - BLK // 2)])
            pltpu.sync_copy(
                embt.at[:, pl.ds(TAIL0 + TAILN - BLK // 2, BLK // 2)],
                win.at[:, pl.ds(TAILN - BLK // 2, BLK // 2)])
            g2 = gk
            for tw in (NWIN, NWIN + 1):
                g2 = drain(sbkt, jnp.minimum(scnt[tw], BCAP), tw,
                           NWIN * WIN, TAILN, souts, g2)
                g2 = drain(tbkt, jnp.minimum(tcnt[tw], BCAP), tw,
                           NWIN * WIN, TAILN, touts, g2)
            lax.fori_loop(0, jnp.minimum(g2, 8), ring_wait, 0)

        @pl.when(jnp.logical_not(is_last))
        def _final_drain():
            lax.fori_loop(0, jnp.minimum(gk, 8), ring_wait, 0)

    return gather_kernel


_gather_call = _make_gather_kernel()


def _loss_body(s_ref, t_ref, td_ref, cf_ref, out_ref):
    d = (s_ref[pl.ds(0, B), pl.ds(0, D)] -
         t_ref[pl.ds(0, B), pl.ds(0, D)])
    ssq = jnp.sum(d * d, axis=1)
    err = jnp.sqrt(ssq) * 0.125 - td_ref[...]
    out_ref[0, 0] = jnp.sum(err * err * cf_ref[...]) * (1.0 / B)


_loss_call = pl.pallas_call(
    _loss_body,
    out_shape=jax.ShapeDtypeStruct((1, 1), jnp.float32),
    out_specs=pl.BlockSpec(memory_space=pltpu.SMEM),
)


def kernel(embeddings, source_id, target_id, target_distance, confidence):
    sid = source_id.astype(jnp.int32)
    tid = target_id.astype(jnp.int32)
    srows, trows = _gather_call(embeddings.T, sid, tid)
    loss = _loss_call(srows, trows, target_distance, confidence)
    return loss[0, 0]

# --- scband reference (transcript-rebuilt; emitter-appended) ---
"""Pipeline reference for scband-distance-loss-22247930593467 (READ-ONLY COPY).

The authoritative reference and input builder live on the scoring server;
editing this copy changes nothing except your own understanding.
"""

import jax, jax.numpy as jnp
import numpy as np

N_EMB = 1000000
D = 64
B = 16384

def setup_inputs(seed: int = 0) -> dict:
    key = jax.random.key(seed)
    k1, k2, k3, k4, k5 = jax.random.split(key, 5)
    embeddings = jax.random.normal(k1, (N_EMB, D), dtype=jnp.float32)
    source_id = jax.random.randint(k2, (B,), 0, N_EMB, dtype=jnp.int64)
    target_id = jax.random.randint(k3, (B,), 0, N_EMB, dtype=jnp.int64)
    target_distance = jax.random.uniform(k4, (B,), dtype=jnp.float32)
    confidence = jax.random.uniform(k5, (B,), dtype=jnp.float32)
    return {
        "embeddings": embeddings,
        "source_id": source_id,
        "target_id": target_id,
        "target_distance": target_distance,
        "confidence": confidence,
    }

def reference(embeddings, source_id, target_id, target_distance, confidence):
    # gather rows (memory-bound)
    source_embeds = jnp.take(embeddings, source_id, axis=0)
    target_embeds = jnp.take(embeddings, target_id, axis=0)
    diff = source_embeds - target_embeds
    actual_dists = jnp.linalg.norm(diff, axis=1) / np.sqrt(embeddings.shape[1]).astype(np.float32)
    errors = (actual_dists - target_distance) ** 2
    weighted_errors = errors * confidence
    return jnp.mean(weighted_errors)

if __name__ == "__main__":
    import jax
    _d = setup_inputs()
    print(jax.jit(kernel)(*tuple(_d.values())))

</pallas_src>

<mosaic_0001>
#map = affine_map<(d0, d1) -> (0, 0)>
#map1 = affine_map<(d0, d1) -> (0)>
module attributes {stable_mosaic.version = 14 : i64} {
  func.func @gather_kernel(%arg0: i32, %arg1: i32, %arg2: memref<64x1000000xf32, #tpu.memory_space<hbm>>, %arg3: memref<16384xi32, #tpu.memory_space<hbm>>, %arg4: memref<16384xi32, #tpu.memory_space<hbm>>, %arg5: memref<16392x128xf32, #tpu.memory_space<hbm>>, %arg6: memref<16392x128xf32, #tpu.memory_space<hbm>>, %arg7: memref<16384xi32, #tpu.memory_space<vmem>>, %arg8: memref<16384xi32, #tpu.memory_space<vmem>>, %arg9: memref<4096xi32, #tpu.memory_space<vmem>>, %arg10: memref<4096xi32, #tpu.memory_space<vmem>>, %arg11: memref<4096xi32, #tpu.memory_space<vmem>>, %arg12: memref<4096xi32, #tpu.memory_space<vmem>>, %arg13: memref<4112xi32, #tpu.memory_space<vmem>>, %arg14: memref<4112xi32, #tpu.memory_space<vmem>>, %arg15: memref<64xi32, #tpu.memory_space<smem>>, %arg16: memref<64xi32, #tpu.memory_space<smem>>, %arg17: memref<64x576xf32, #tpu.memory_space<vmem>>, %arg18: memref<128x128xf32, #tpu.memory_space<vmem>>, %arg19: memref<8x16xi32, #tpu.memory_space<vmem>>, %arg20: memref<16xi32, #tpu.memory_space<vmem>>, %arg21: memref<!tpu.dma_semaphore, #tpu.memory_space<semaphore_mem>>) attributes {dimension_semantics = [#tpu.dimension_semantics<core_parallel>, #tpu.dimension_semantics<subcore_parallel>], iteration_bounds = array<i64: 2, 16>, scalar_prefetch = 0 : i64, scratch_operands = 15 : i64, tpu.core_type = #tpu.core_type<sc_vector_subcore>, window_params = [{transform_indices = #map}, {transform_indices = #map1}, {transform_indices = #map1}, {transform_indices = #map}, {transform_indices = #map}]} {
    %mul3A = arith.constant 2 : i32
    %mul3A_0 = arith.muli %arg1, %mul3A : i32
    %add3A = arith.addi %mul3A_0, %arg0 : i32
    %mul3A_1 = arith.constant 244 : i32
    %mul3A_2 = arith.muli %add3A, %mul3A_1 : i32
    %mul3A_3 = arith.constant 128 : i32
    %mul3A_4 = arith.muli %mul3A_2, %mul3A_3 : i32
    %eq3A = arith.constant 31 : i32
    %eq3A_5 = arith.cmpi eq, %add3A, %eq3A : i32
    %add3A_6 = arith.constant 244 : i32
    %add3A_7 = arith.addi %mul3A_2, %add3A_6 : i32
    %jit3A = arith.constant 5 : i32
    %jit3A_8 = arith.constant 0 : i32
    %select_n3A = arith.select %eq3A_5, %jit3A, %jit3A_8 : i32
    %add3A_9 = arith.addi %add3A_7, %select_n3A : i32
    "tpu.region"() ({
      %run_scoped3A = tpu.sem_alloc : memref<!tpu.dma_semaphore, #tpu.memory_space<semaphore_mem>>
      tpu.enqueue_dma source(%arg3 : memref<16384xi32, #tpu.memory_space<hbm>>) target(%arg7 : memref<16384xi32, #tpu.memory_space<vmem>>) target_semaphore(%run_scoped3A : memref<!tpu.dma_semaphore, #tpu.memory_space<semaphore_mem>>)
      tpu.wait_dma2 semaphore(%run_scoped3A : memref<!tpu.dma_semaphore, #tpu.memory_space<semaphore_mem>>) src(%arg3 : memref<16384xi32, #tpu.memory_space<hbm>>) dst(%arg7 : memref<16384xi32, #tpu.memory_space<vmem>>)
      tpu.yield
    }) : () -> ()
    "tpu.region"() ({
      %run_scoped3A = tpu.sem_alloc : memref<!tpu.dma_semaphore, #tpu.memory_space<semaphore_mem>>
      tpu.enqueue_dma source(%arg4 : memref<16384xi32, #tpu.memory_space<hbm>>) target(%arg8 : memref<16384xi32, #tpu.memory_space<vmem>>) target_semaphore(%run_scoped3A : memref<!tpu.dma_semaphore, #tpu.memory_space<semaphore_mem>>)
      tpu.wait_dma2 semaphore(%run_scoped3A : memref<!tpu.dma_semaphore, #tpu.memory_space<semaphore_mem>>) src(%arg4 : memref<16384xi32, #tpu.memory_space<hbm>>) dst(%arg8 : memref<16384xi32, #tpu.memory_space<vmem>>)
      tpu.yield
    }) : () -> ()
    %swap3A = arith.constant 0 : i32
    %swap3A_10 = arith.constant 0 : i32
    %swap3A_11 = arith.index_cast %swap3A_10 : i32 to index
    %swap3A_12 = memref.load %arg15[%swap3A_11] : memref<64xi32, #tpu.memory_space<smem>>
    memref.store %swap3A, %arg15[%swap3A_11] : memref<64xi32, #tpu.memory_space<smem>>
    %swap3A_13 = arith.constant 0 : i32
    %swap3A_14 = arith.constant 0 : i32
    %swap3A_15 = arith.index_cast %swap3A_14 : i32 to index
    %swap3A_16 = memref.load %arg16[%swap3A_15] : memref<64xi32, #tpu.memory_space<smem>>
    memref.store %swap3A_13, %arg16[%swap3A_15] : memref<64xi32, #tpu.memory_space<smem>>
    %swap3A_17 = arith.constant 0 : i32
    %swap3A_18 = arith.constant 1 : i32
    %swap3A_19 = arith.index_cast %swap3A_18 : i32 to index
    %swap3A_20 = memref.load %arg15[%swap3A_19] : memref<64xi32, #tpu.memory_space<smem>>
    memref.store %swap3A_17, %arg15[%swap3A_19] : memref<64xi32, #tpu.memory_space<smem>>
    %swap3A_21 = arith.constant 0 : i32
    %swap3A_22 = arith.constant 1 : i32
    %swap3A_23 = arith.index_cast %swap3A_22 : i32 to index
    %swap3A_24 = memref.load %arg16[%swap3A_23] : memref<64xi32, #tpu.memory_space<smem>>
    memref.store %swap3A_21, %arg16[%swap3A_23] : memref<64xi32, #tpu.memory_space<smem>>
    %swap3A_25 = arith.constant 0 : i32
    %swap3A_26 = arith.constant 2 : i32
    %swap3A_27 = arith.index_cast %swap3A_26 : i32 to index
    %swap3A_28 = memref.load %arg15[%swap3A_27] : memref<64xi32, #tpu.memory_space<smem>>
    memref.store %swap3A_25, %arg15[%swap3A_27] : memref<64xi32, #tpu.memory_space<smem>>
    %swap3A_29 = arith.constant 0 : i32
    %swap3A_30 = arith.constant 2 : i32
    %swap3A_31 = arith.index_cast %swap3A_30 : i32 to index
    %swap3A_32 = memref.load %arg16[%swap3A_31] : memref<64xi32, #tpu.memory_space<smem>>
    memref.store %swap3A_29, %arg16[%swap3A_31] : memref<64xi32, #tpu.memory_space<smem>>
    %swap3A_33 = arith.constant 0 : i32
    %swap3A_34 = arith.constant 3 : i32
    %swap3A_35 = arith.index_cast %swap3A_34 : i32 to index
    %swap3A_36 = memref.load %arg15[%swap3A_35] : memref<64xi32, #tpu.memory_space<smem>>
    memref.store %swap3A_33, %arg15[%swap3A_35] : memref<64xi32, #tpu.memory_space<smem>>
    %swap3A_37 = arith.constant 0 : i32
    %swap3A_38 = arith.constant 3 : i32
    %swap3A_39 = arith.index_cast %swap3A_38 : i32 to index
    %swap3A_40 = memref.load %arg16[%swap3A_39] : memref<64xi32, #tpu.memory_space<smem>>
    memref.store %swap3A_37, %arg16[%swap3A_39] : memref<64xi32, #tpu.memory_space<smem>>
    %swap3A_41 = arith.constant 0 : i32
    %swap3A_42 = arith.constant 4 : i32
    %swap3A_43 = arith.index_cast %swap3A_42 : i32 to index
    %swap3A_44 = memref.load %arg15[%swap3A_43] : memref<64xi32, #tpu.memory_space<smem>>
    memref.store %swap3A_41, %arg15[%swap3A_43] : memref<64xi32, #tpu.memory_space<smem>>
    %swap3A_45 = arith.constant 0 : i32
    %swap3A_46 = arith.constant 4 : i32
    %swap3A_47 = arith.index_cast %swap3A_46 : i32 to index
    %swap3A_48 = memref.load %arg16[%swap3A_47] : memref<64xi32, #tpu.memory_space<smem>>
    memref.store %swap3A_45, %arg16[%swap3A_47] : memref<64xi32, #tpu.memory_space<smem>>
    %swap3A_49 = arith.constant 0 : i32
    %swap3A_50 = arith.constant 5 : i32
    %swap3A_51 = arith.index_cast %swap3A_50 : i32 to index
    %swap3A_52 = memref.load %arg15[%swap3A_51] : memref<64xi32, #tpu.memory_space<smem>>
    memref.store %swap3A_49, %arg15[%swap3A_51] : memref<64xi32, #tpu.memory_space<smem>>
    %swap3A_53 = arith.constant 0 : i32
    %swap3A_54 = arith.constant 5 : i32
    %swap3A_55 = arith.index_cast %swap3A_54 : i32 to index
    %swap3A_56 = memref.load %arg16[%swap3A_55] : memref<64xi32, #tpu.memory_space<smem>>
    memref.store %swap3A_53, %arg16[%swap3A_55] : memref<64xi32, #tpu.memory_space<smem>>
    %swap3A_57 = arith.constant 0 : i32
    %swap3A_58 = arith.constant 6 : i32
    %swap3A_59 = arith.index_cast %swap3A_58 : i32 to index
    %swap3A_60 = memref.load %arg15[%swap3A_59] : memref<64xi32, #tpu.memory_space<smem>>
    memref.store %swap3A_57, %arg15[%swap3A_59] : memref<64xi32, #tpu.memory_space<smem>>
    %swap3A_61 = arith.constant 0 : i32
    %swap3A_62 = arith.constant 6 : i32
    %swap3A_63 = arith.index_cast %swap3A_62 : i32 to index
    %swap3A_64 = memref.load %arg16[%swap3A_63] : memref<64xi32, #tpu.memory_space<smem>>
    memref.store %swap3A_61, %arg16[%swap3A_63] : memref<64xi32, #tpu.memory_space<smem>>
    %swap3A_65 = arith.constant 0 : i32
    %swap3A_66 = arith.constant 7 : i32
    %swap3A_67 = arith.index_cast %swap3A_66 : i32 to index
    %swap3A_68 = memref.load %arg15[%swap3A_67] : memref<64xi32, #tpu.memory_space<smem>>
    memref.store %swap3A_65, %arg15[%swap3A_67] : memref<64xi32, #tpu.memory_space<smem>>
    %swap3A_69 = arith.constant 0 : i32
    %swap3A_70 = arith.constant 7 : i32
    %swap3A_71 = arith.index_cast %swap3A_70 : i32 to index
    %swap3A_72 = memref.load %arg16[%swap3A_71] : memref<64xi32, #tpu.memory_space<smem>>
    memref.store %swap3A_69, %arg16[%swap3A_71] : memref<64xi32, #tpu.memory_space<smem>>
    %swap3A_73 = arith.constant 0 : i32
    %swap3A_74 = arith.constant 8 : i32
    %swap3A_75 = arith.index_cast %swap3A_74 : i32 to index
    %swap3A_76 = memref.load %arg15[%swap3A_75] : memref<64xi32, #tpu.memory_space<smem>>
    memref.store %swap3A_73, %arg15[%swap3A_75] : memref<64xi32, #tpu.memory_space<smem>>
    %swap3A_77 = arith.constant 0 : i32
    %swap3A_78 = arith.constant 8 : i32
    %swap3A_79 = arith.index_cast %swap3A_78 : i32 to index
    %swap3A_80 = memref.load %arg16[%swap3A_79] : memref<64xi32, #tpu.memory_space<smem>>
    memref.store %swap3A_77, %arg16[%swap3A_79] : memref<64xi32, #tpu.memory_space<smem>>
    %swap3A_81 = arith.constant 0 : i32
    %swap3A_82 = arith.constant 9 : i32
    %swap3A_83 = arith.index_cast %swap3A_82 : i32 to index
    %swap3A_84 = memref.load %arg15[%swap3A_83] : memref<64xi32, #tpu.memory_space<smem>>
    memref.store %swap3A_81, %arg15[%swap3A_83] : memref<64xi32, #tpu.memory_space<smem>>
    %swap3A_85 = arith.constant 0 : i32
    %swap3A_86 = arith.constant 9 : i32
    %swap3A_87 = arith.index_cast %swap3A_86 : i32 to index
    %swap3A_88 = memref.load %arg16[%swap3A_87] : memref<64xi32, #tpu.memory_space<smem>>
    memref.store %swap3A_85, %arg16[%swap3A_87] : memref<64xi32, #tpu.memory_space<smem>>
    %swap3A_89 = arith.constant 0 : i32
    %swap3A_90 = arith.constant 10 : i32
    %swap3A_91 = arith.index_cast %swap3A_90 : i32 to index
    %swap3A_92 = memref.load %arg15[%swap3A_91] : memref<64xi32, #tpu.memory_space<smem>>
    memref.store %swap3A_89, %arg15[%swap3A_91] : memref<64xi32, #tpu.memory_space<smem>>
    %swap3A_93 = arith.constant 0 : i32
    %swap3A_94 = arith.constant 10 : i32
    %swap3A_95 = arith.index_cast %swap3A_94 : i32 to index
    %swap3A_96 = memref.load %arg16[%swap3A_95] : memref<64xi32, #tpu.memory_space<smem>>
    memref.store %swap3A_93, %arg16[%swap3A_95] : memref<64xi32, #tpu.memory_space<smem>>
    %swap3A_97 = arith.constant 0 : i32
    %swap3A_98 = arith.constant 11 : i32
    %swap3A_99 = arith.index_cast %swap3A_98 : i32 to index
    %swap3A_100 = memref.load %arg15[%swap3A_99] : memref<64xi32, #tpu.memory_space<smem>>
    memref.store %swap3A_97, %arg15[%swap3A_99] : memref<64xi32, #tpu.memory_space<smem>>
    %swap3A_101 = arith.constant 0 : i32
    %swap3A_102 = arith.constant 11 : i32
    %swap3A_103 = arith.index_cast %swap3A_102 : i32 to index
    %swap3A_104 = memref.load %arg16[%swap3A_103] : memref<64xi32, #tpu.memory_space<smem>>
    memref.store %swap3A_101, %arg16[%swap3A_103] : memref<64xi32, #tpu.memory_space<smem>>
    %swap3A_105 = arith.constant 0 : i32
    %swap3A_106 = arith.constant 12 : i32
    %swap3A_107 = arith.index_cast %swap3A_106 : i32 to index
    %swap3A_108 = memref.load %arg15[%swap3A_107] : memref<64xi32, #tpu.memory_space<smem>>
    memref.store %swap3A_105, %arg15[%swap3A_107] : memref<64xi32, #tpu.memory_space<smem>>
    %swap3A_109 = arith.constant 0 : i32
    %swap3A_110 = arith.constant 12 : i32
    %swap3A_111 = arith.index_cast %swap3A_110 : i32 to index
    %swap3A_112 = memref.load %arg16[%swap3A_111] : memref<64xi32, #tpu.memory_space<smem>>
    memref.store %swap3A_109, %arg16[%swap3A_111] : memref<64xi32, #tpu.memory_space<smem>>
    %swap3A_113 = arith.constant 0 : i32
    %swap3A_114 = arith.constant 13 : i32
    %swap3A_115 = arith.index_cast %swap3A_114 : i32 to index
    %swap3A_116 = memref.load %arg15[%swap3A_115] : memref<64xi32, #tpu.memory_space<smem>>
    memref.store %swap3A_113, %arg15[%swap3A_115] : memref<64xi32, #tpu.memory_space<smem>>
    %swap3A_117 = arith.constant 0 : i32
    %swap3A_118 = arith.constant 13 : i32
    %swap3A_119 = arith.index_cast %swap3A_118 : i32 to index
    %swap3A_120 = memref.load %arg16[%swap3A_119] : memref<64xi32, #tpu.memory_space<smem>>
    memref.store %swap3A_117, %arg16[%swap3A_119] : memref<64xi32, #tpu.memory_space<smem>>
    %swap3A_121 = arith.constant 0 : i32
    %swap3A_122 = arith.constant 14 : i32
    %swap3A_123 = arith.index_cast %swap3A_122 : i32 to index
    %swap3A_124 = memref.load %arg15[%swap3A_123] : memref<64xi32, #tpu.memory_space<smem>>
    memref.store %swap3A_121, %arg15[%swap3A_123] : memref<64xi32, #tpu.memory_space<smem>>
    %swap3A_125 = arith.constant 0 : i32
    %swap3A_126 = arith.constant 14 : i32
    %swap3A_127 = arith.index_cast %swap3A_126 : i32 to index
    %swap3A_128 = memref.load %arg16[%swap3A_127] : memref<64xi32, #tpu.memory_space<smem>>
    memref.store %swap3A_125, %arg16[%swap3A_127] : memref<64xi32, #tpu.memory_space<smem>>
    %swap3A_129 = arith.constant 0 : i32
    %swap3A_130 = arith.constant 15 : i32
    %swap3A_131 = arith.index_cast %swap3A_130 : i32 to index
    %swap3A_132 = memref.load %arg15[%swap3A_131] : memref<64xi32, #tpu.memory_space<smem>>
    memref.store %swap3A_129, %arg15[%swap3A_131] : memref<64xi32, #tpu.memory_space<smem>>
    %swap3A_133 = arith.constant 0 : i32
    %swap3A_134 = arith.constant 15 : i32
    %swap3A_135 = arith.index_cast %swap3A_134 : i32 to index
    %swap3A_136 = memref.load %arg16[%swap3A_135] : memref<64xi32, #tpu.memory_space<smem>>
    memref.store %swap3A_133, %arg16[%swap3A_135] : memref<64xi32, #tpu.memory_space<smem>>
    %swap3A_137 = arith.constant 0 : i32
    %swap3A_138 = arith.constant 16 : i32
    %swap3A_139 = arith.index_cast %swap3A_138 : i32 to index
    %swap3A_140 = memref.load %arg15[%swap3A_139] : memref<64xi32, #tpu.memory_space<smem>>
    memref.store %swap3A_137, %arg15[%swap3A_139] : memref<64xi32, #tpu.memory_space<smem>>
    %swap3A_141 = arith.constant 0 : i32
    %swap3A_142 = arith.constant 16 : i32
    %swap3A_143 = arith.index_cast %swap3A_142 : i32 to index
    %swap3A_144 = memref.load %arg16[%swap3A_143] : memref<64xi32, #tpu.memory_space<smem>>
    memref.store %swap3A_141, %arg16[%swap3A_143] : memref<64xi32, #tpu.memory_space<smem>>
    %swap3A_145 = arith.constant 0 : i32
    %swap3A_146 = arith.constant 17 : i32
    %swap3A_147 = arith.index_cast %swap3A_146 : i32 to index
    %swap3A_148 = memref.load %arg15[%swap3A_147] : memref<64xi32, #tpu.memory_space<smem>>
    memref.store %swap3A_145, %arg15[%swap3A_147] : memref<64xi32, #tpu.memory_space<smem>>
    %swap3A_149 = arith.constant 0 : i32
    %swap3A_150 = arith.constant 17 : i32
    %swap3A_151 = arith.index_cast %swap3A_150 : i32 to index
    %swap3A_152 = memref.load %arg16[%swap3A_151] : memref<64xi32, #tpu.memory_space<smem>>
    memref.store %swap3A_149, %arg16[%swap3A_151] : memref<64xi32, #tpu.memory_space<smem>>
    %swap3A_153 = arith.constant 0 : i32
    %swap3A_154 = arith.constant 18 : i32
    %swap3A_155 = arith.index_cast %swap3A_154 : i32 to index
    %swap3A_156 = memref.load %arg15[%swap3A_155] : memref<64xi32, #tpu.memory_space<smem>>
    memref.store %swap3A_153, %arg15[%swap3A_155] : memref<64xi32, #tpu.memory_space<smem>>
    %swap3A_157 = arith.constant 0 : i32
    %swap3A_158 = arith.constant 18 : i32
    %swap3A_159 = arith.index_cast %swap3A_158 : i32 to index
    %swap3A_160 = memref.load %arg16[%swap3A_159] : memref<64xi32, #tpu.memory_space<smem>>
    memref.store %swap3A_157, %arg16[%swap3A_159] : memref<64xi32, #tpu.memory_space<smem>>
    %swap3A_161 = arith.constant 0 : i32
    %swap3A_162 = arith.constant 19 : i32
    %swap3A_163 = arith.index_cast %swap3A_162 : i32 to index
    %swap3A_164 = memref.load %arg15[%swap3A_163] : memref<64xi32, #tpu.memory_space<smem>>
    memref.store %swap3A_161, %arg15[%swap3A_163] : memref<64xi32, #tpu.memory_space<smem>>
    %swap3A_165 = arith.constant 0 : i32
    %swap3A_166 = arith.constant 19 : i32
    %swap3A_167 = arith.index_cast %swap3A_166 : i32 to index
    %swap3A_168 = memref.load %arg16[%swap3A_167] : memref<64xi32, #tpu.memory_space<smem>>
    memref.store %swap3A_165, %arg16[%swap3A_167] : memref<64xi32, #tpu.memory_space<smem>>
    %swap3A_169 = arith.constant 0 : i32
    %swap3A_170 = arith.constant 20 : i32
    %swap3A_171 = arith.index_cast %swap3A_170 : i32 to index
    %swap3A_172 = memref.load %arg15[%swap3A_171] : memref<64xi32, #tpu.memory_space<smem>>
    memref.store %swap3A_169, %arg15[%swap3A_171] : memref<64xi32, #tpu.memory_space<smem>>
    %swap3A_173 = arith.constant 0 : i32
    %swap3A_174 = arith.constant 20 : i32
    %swap3A_175 = arith.index_cast %swap3A_174 : i32 to index
    %swap3A_176 = memref.load %arg16[%swap3A_175] : memref<64xi32, #tpu.memory_space<smem>>
    memref.store %swap3A_173, %arg16[%swap3A_175] : memref<64xi32, #tpu.memory_space<smem>>
    %swap3A_177 = arith.constant 0 : i32
    %swap3A_178 = arith.constant 21 : i32
    %swap3A_179 = arith.index_cast %swap3A_178 : i32 to index
    %swap3A_180 = memref.load %arg15[%swap3A_179] : memref<64xi32, #tpu.memory_space<smem>>
    memref.store %swap3A_177, %arg15[%swap3A_179] : memref<64xi32, #tpu.memory_space<smem>>
    %swap3A_181 = arith.constant 0 : i32
    %swap3A_182 = arith.constant 21 : i32
    %swap3A_183 = arith.index_cast %swap3A_182 : i32 to index
    %swap3A_184 = memref.load %arg16[%swap3A_183] : memref<64xi32, #tpu.memory_space<smem>>
    memref.store %swap3A_181, %arg16[%swap3A_183] : memref<64xi32, #tpu.memory_space<smem>>
    %swap3A_185 = arith.constant 0 : i32
    %swap3A_186 = arith.constant 22 : i32
    %swap3A_187 = arith.index_cast %swap3A_186 : i32 to index
    %swap3A_188 = memref.load %arg15[%swap3A_187] : memref<64xi32, #tpu.memory_space<smem>>
    memref.store %swap3A_185, %arg15[%swap3A_187] : memref<64xi32, #tpu.memory_space<smem>>
    %swap3A_189 = arith.constant 0 : i32
    %swap3A_190 = arith.constant 22 : i32
    %swap3A_191 = arith.index_cast %swap3A_190 : i32 to index
    %swap3A_192 = memref.load %arg16[%swap3A_191] : memref<64xi32, #tpu.memory_space<smem>>
    memref.store %swap3A_189, %arg16[%swap3A_191] : memref<64xi32, #tpu.memory_space<smem>>
    %swap3A_193 = arith.constant 0 : i32
    %swap3A_194 = arith.constant 23 : i32
    %swap3A_195 = arith.index_cast %swap3A_194 : i32 to index
    %swap3A_196 = memref.load %arg15[%swap3A_195] : memref<64xi32, #tpu.memory_space<smem>>
    memref.store %swap3A_193, %arg15[%swap3A_195] : memref<64xi32, #tpu.memory_space<smem>>
    %swap3A_197 = arith.constant 0 : i32
    %swap3A_198 = arith.constant 23 : i32
    %swap3A_199 = arith.index_cast %swap3A_198 : i32 to index
    %swap3A_200 = memref.load %arg16[%swap3A_199] : memref<64xi32, #tpu.memory_space<smem>>
    memref.store %swap3A_197, %arg16[%swap3A_199] : memref<64xi32, #tpu.memory_space<smem>>
    %swap3A_201 = arith.constant 0 : i32
    %swap3A_202 = arith.constant 24 : i32
    %swap3A_203 = arith.index_cast %swap3A_202 : i32 to index
    %swap3A_204 = memref.load %arg15[%swap3A_203] : memref<64xi32, #tpu.memory_space<smem>>
    memref.store %swap3A_201, %arg15[%swap3A_203] : memref<64xi32, #tpu.memory_space<smem>>
    %swap3A_205 = arith.constant 0 : i32
    %swap3A_206 = arith.constant 24 : i32
    %swap3A_207 = arith.index_cast %swap3A_206 : i32 to index
    %swap3A_208 = memref.load %arg16[%swap3A_207] : memref<64xi32, #tpu.memory_space<smem>>
    memref.store %swap3A_205, %arg16[%swap3A_207] : memref<64xi32, #tpu.memory_space<smem>>
    %swap3A_209 = arith.constant 0 : i32
    %swap3A_210 = arith.constant 25 : i32
    %swap3A_211 = arith.index_cast %swap3A_210 : i32 to index
    %swap3A_212 = memref.load %arg15[%swap3A_211] : memref<64xi32, #tpu.memory_space<smem>>
    memref.store %swap3A_209, %arg15[%swap3A_211] : memref<64xi32, #tpu.memory_space<smem>>
    %swap3A_213 = arith.constant 0 : i32
    %swap3A_214 = arith.constant 25 : i32
    %swap3A_215 = arith.index_cast %swap3A_214 : i32 to index
    %swap3A_216 = memref.load %arg16[%swap3A_215] : memref<64xi32, #tpu.memory_space<smem>>
    memref.store %swap3A_213, %arg16[%swap3A_215] : memref<64xi32, #tpu.memory_space<smem>>
    %swap3A_217 = arith.constant 0 : i32
    %swap3A_218 = arith.constant 26 : i32
    %swap3A_219 = arith.index_cast %swap3A_218 : i32 to index
    %swap3A_220 = memref.load %arg15[%swap3A_219] : memref<64xi32, #tpu.memory_space<smem>>
    memref.store %swap3A_217, %arg15[%swap3A_219] : memref<64xi32, #tpu.memory_space<smem>>
    %swap3A_221 = arith.constant 0 : i32
    %swap3A_222 = arith.constant 26 : i32
    %swap3A_223 = arith.index_cast %swap3A_222 : i32 to index
    %swap3A_224 = memref.load %arg16[%swap3A_223] : memref<64xi32, #tpu.memory_space<smem>>
    memref.store %swap3A_221, %arg16[%swap3A_223] : memref<64xi32, #tpu.memory_space<smem>>
    %swap3A_225 = arith.constant 0 : i32
    %swap3A_226 = arith.constant 27 : i32
    %swap3A_227 = arith.index_cast %swap3A_226 : i32 to index
    %swap3A_228 = memref.load %arg15[%swap3A_227] : memref<64xi32, #tpu.memory_space<smem>>
    memref.store %swap3A_225, %arg15[%swap3A_227] : memref<64xi32, #tpu.memory_space<smem>>
    %swap3A_229 = arith.constant 0 : i32
    %swap3A_230 = arith.constant 27 : i32
    %swap3A_231 = arith.index_cast %swap3A_230 : i32 to index
    %swap3A_232 = memref.load %arg16[%swap3A_231] : memref<64xi32, #tpu.memory_space<smem>>
    memref.store %swap3A_229, %arg16[%swap3A_231] : memref<64xi32, #tpu.memory_space<smem>>
    %swap3A_233 = arith.constant 0 : i32
    %swap3A_234 = arith.constant 28 : i32
    %swap3A_235 = arith.index_cast %swap3A_234 : i32 to index
    %swap3A_236 = memref.load %arg15[%swap3A_235] : memref<64xi32, #tpu.memory_space<smem>>
    memref.store %swap3A_233, %arg15[%swap3A_235] : memref<64xi32, #tpu.memory_space<smem>>
    %swap3A_237 = arith.constant 0 : i32
    %swap3A_238 = arith.constant 28 : i32
    %swap3A_239 = arith.index_cast %swap3A_238 : i32 to index
    %swap3A_240 = memref.load %arg16[%swap3A_239] : memref<64xi32, #tpu.memory_space<smem>>
    memref.store %swap3A_237, %arg16[%swap3A_239] : memref<64xi32, #tpu.memory_space<smem>>
    %swap3A_241 = arith.constant 0 : i32
    %swap3A_242 = arith.constant 29 : i32
    %swap3A_243 = arith.index_cast %swap3A_242 : i32 to index
    %swap3A_244 = memref.load %arg15[%swap3A_243] : memref<64xi32, #tpu.memory_space<smem>>
    memref.store %swap3A_241, %arg15[%swap3A_243] : memref<64xi32, #tpu.memory_space<smem>>
    %swap3A_245 = arith.constant 0 : i32
    %swap3A_246 = arith.constant 29 : i32
    %swap3A_247 = arith.index_cast %swap3A_246 : i32 to index
    %swap3A_248 = memref.load %arg16[%swap3A_247] : memref<64xi32, #tpu.memory_space<smem>>
    memref.store %swap3A_245, %arg16[%swap3A_247] : memref<64xi32, #tpu.memory_space<smem>>
    %swap3A_249 = arith.constant 0 : i32
    %swap3A_250 = arith.constant 30 : i32
    %swap3A_251 = arith.index_cast %swap3A_250 : i32 to index
    %swap3A_252 = memref.load %arg15[%swap3A_251] : memref<64xi32, #tpu.memory_space<smem>>
    memref.store %swap3A_249, %arg15[%swap3A_251] : memref<64xi32, #tpu.memory_space<smem>>
    %swap3A_253 = arith.constant 0 : i32
    %swap3A_254 = arith.constant 30 : i32
    %swap3A_255 = arith.index_cast %swap3A_254 : i32 to index
    %swap3A_256 = memref.load %arg16[%swap3A_255] : memref<64xi32, #tpu.memory_space<smem>>
    memref.store %swap3A_253, %arg16[%swap3A_255] : memref<64xi32, #tpu.memory_space<smem>>
    %swap3A_257 = arith.constant 0 : i32
    %swap3A_258 = arith.constant 31 : i32
    %swap3A_259 = arith.index_cast %swap3A_258 : i32 to index
    %swap3A_260 = memref.load %arg15[%swap3A_259] : memref<64xi32, #tpu.memory_space<smem>>
    memref.store %swap3A_257, %arg15[%swap3A_259] : memref<64xi32, #tpu.memory_space<smem>>
    %swap3A_261 = arith.constant 0 : i32
    %swap3A_262 = arith.constant 31 : i32
    %swap3A_263 = arith.index_cast %swap3A_262 : i32 to index
    %swap3A_264 = memref.load %arg16[%swap3A_263] : memref<64xi32, #tpu.memory_space<smem>>
    memref.store %swap3A_261, %arg16[%swap3A_263] : memref<64xi32, #tpu.memory_space<smem>>
    %swap3A_265 = arith.constant 0 : i32
    %swap3A_266 = arith.constant 32 : i32
    %swap3A_267 = arith.index_cast %swap3A_266 : i32 to index
    %swap3A_268 = memref.load %arg15[%swap3A_267] : memref<64xi32, #tpu.memory_space<smem>>
    memref.store %swap3A_265, %arg15[%swap3A_267] : memref<64xi32, #tpu.memory_space<smem>>
    %swap3A_269 = arith.constant 0 : i32
    %swap3A_270 = arith.constant 32 : i32
    %swap3A_271 = arith.index_cast %swap3A_270 : i32 to index
    %swap3A_272 = memref.load %arg16[%swap3A_271] : memref<64xi32, #tpu.memory_space<smem>>
    memref.store %swap3A_269, %arg16[%swap3A_271] : memref<64xi32, #tpu.memory_space<smem>>
    %swap3A_273 = arith.constant 0 : i32
    %swap3A_274 = arith.constant 33 : i32
    %swap3A_275 = arith.index_cast %swap3A_274 : i32 to index
    %swap3A_276 = memref.load %arg15[%swap3A_275] : memref<64xi32, #tpu.memory_space<smem>>
    memref.store %swap3A_273, %arg15[%swap3A_275] : memref<64xi32, #tpu.memory_space<smem>>
    %swap3A_277 = arith.constant 0 : i32
    %swap3A_278 = arith.constant 33 : i32
    %swap3A_279 = arith.index_cast %swap3A_278 : i32 to index
    %swap3A_280 = memref.load %arg16[%swap3A_279] : memref<64xi32, #tpu.memory_space<smem>>
    memref.store %swap3A_277, %arg16[%swap3A_279] : memref<64xi32, #tpu.memory_space<smem>>
    %swap3A_281 = arith.constant 0 : i32
    %swap3A_282 = arith.constant 34 : i32
    %swap3A_283 = arith.index_cast %swap3A_282 : i32 to index
    %swap3A_284 = memref.load %arg15[%swap3A_283] : memref<64xi32, #tpu.memory_space<smem>>
    memref.store %swap3A_281, %arg15[%swap3A_283] : memref<64xi32, #tpu.memory_space<smem>>
    %swap3A_285 = arith.constant 0 : i32
    %swap3A_286 = arith.constant 34 : i32
    %swap3A_287 = arith.index_cast %swap3A_286 : i32 to index
    %swap3A_288 = memref.load %arg16[%swap3A_287] : memref<64xi32, #tpu.memory_space<smem>>
    memref.store %swap3A_285, %arg16[%swap3A_287] : memref<64xi32, #tpu.memory_space<smem>>
    %swap3A_289 = arith.constant 0 : i32
    %swap3A_290 = arith.constant 35 : i32
    %swap3A_291 = arith.index_cast %swap3A_290 : i32 to index
    %swap3A_292 = memref.load %arg15[%swap3A_291] : memref<64xi32, #tpu.memory_space<smem>>
    memref.store %swap3A_289, %arg15[%swap3A_291] : memref<64xi32, #tpu.memory_space<smem>>
    %swap3A_293 = arith.constant 0 : i32
    %swap3A_294 = arith.constant 35 : i32
    %swap3A_295 = arith.index_cast %swap3A_294 : i32 to index
    %swap3A_296 = memref.load %arg16[%swap3A_295] : memref<64xi32, #tpu.memory_space<smem>>
    memref.store %swap3A_293, %arg16[%swap3A_295] : memref<64xi32, #tpu.memory_space<smem>>
    %swap3A_297 = arith.constant 0 : i32
    %swap3A_298 = arith.constant 36 : i32
    %swap3A_299 = arith.index_cast %swap3A_298 : i32 to index
    %swap3A_300 = memref.load %arg15[%swap3A_299] : memref<64xi32, #tpu.memory_space<smem>>
    memref.store %swap3A_297, %arg15[%swap3A_299] : memref<64xi32, #tpu.memory_space<smem>>
    %swap3A_301 = arith.constant 0 : i32
    %swap3A_302 = arith.constant 36 : i32
    %swap3A_303 = arith.index_cast %swap3A_302 : i32 to index
    %swap3A_304 = memref.load %arg16[%swap3A_303] : memref<64xi32, #tpu.memory_space<smem>>
    memref.store %swap3A_301, %arg16[%swap3A_303] : memref<64xi32, #tpu.memory_space<smem>>
    %swap3A_305 = arith.constant 0 : i32
    %swap3A_306 = arith.constant 37 : i32
    %swap3A_307 = arith.index_cast %swap3A_306 : i32 to index
    %swap3A_308 = memref.load %arg15[%swap3A_307] : memref<64xi32, #tpu.memory_space<smem>>
    memref.store %swap3A_305, %arg15[%swap3A_307] : memref<64xi32, #tpu.memory_space<smem>>
    %swap3A_309 = arith.constant 0 : i32
    %swap3A_310 = arith.constant 37 : i32
    %swap3A_311 = arith.index_cast %swap3A_310 : i32 to index
    %swap3A_312 = memref.load %arg16[%swap3A_311] : memref<64xi32, #tpu.memory_space<smem>>
    memref.store %swap3A_309, %arg16[%swap3A_311] : memref<64xi32, #tpu.memory_space<smem>>
    %swap3A_313 = arith.constant 0 : i32
    %swap3A_314 = arith.constant 38 : i32
    %swap3A_315 = arith.index_cast %swap3A_314 : i32 to index
    %swap3A_316 = memref.load %arg15[%swap3A_315] : memref<64xi32, #tpu.memory_space<smem>>
    memref.store %swap3A_313, %arg15[%swap3A_315] : memref<64xi32, #tpu.memory_space<smem>>
    %swap3A_317 = arith.constant 0 : i32
    %swap3A_318 = arith.constant 38 : i32
    %swap3A_319 = arith.index_cast %swap3A_318 : i32 to index
    %swap3A_320 = memref.load %arg16[%swap3A_319] : memref<64xi32, #tpu.memory_space<smem>>
    memref.store %swap3A_317, %arg16[%swap3A_319] : memref<64xi32, #tpu.memory_space<smem>>
    %swap3A_321 = arith.constant 0 : i32
    %swap3A_322 = arith.constant 39 : i32
    %swap3A_323 = arith.index_cast %swap3A_322 : i32 to index
    %swap3A_324 = memref.load %arg15[%swap3A_323] : memref<64xi32, #tpu.memory_space<smem>>
    memref.store %swap3A_321, %arg15[%swap3A_323] : memref<64xi32, #tpu.memory_space<smem>>
    %swap3A_325 = arith.constant 0 : i32
    %swap3A_326 = arith.constant 39 : i32
    %swap3A_327 = arith.index_cast %swap3A_326 : i32 to index
    %swap3A_328 = memref.load %arg16[%swap3A_327] : memref<64xi32, #tpu.memory_space<smem>>
    memref.store %swap3A_325, %arg16[%swap3A_327] : memref<64xi32, #tpu.memory_space<smem>>
    %swap3A_329 = arith.constant 0 : i32
    %swap3A_330 = arith.constant 40 : i32
    %swap3A_331 = arith.index_cast %swap3A_330 : i32 to index
    %swap3A_332 = memref.load %arg15[%swap3A_331] : memref<64xi32, #tpu.memory_space<smem>>
    memref.store %swap3A_329, %arg15[%swap3A_331] : memref<64xi32, #tpu.memory_space<smem>>
    %swap3A_333 = arith.constant 0 : i32
    %swap3A_334 = arith.constant 40 : i32
    %swap3A_335 = arith.index_cast %swap3A_334 : i32 to index
    %swap3A_336 = memref.load %arg16[%swap3A_335] : memref<64xi32, #tpu.memory_space<smem>>
    memref.store %swap3A_333, %arg16[%swap3A_335] : memref<64xi32, #tpu.memory_space<smem>>
    %swap3A_337 = arith.constant 0 : i32
    %swap3A_338 = arith.constant 41 : i32
    %swap3A_339 = arith.index_cast %swap3A_338 : i32 to index
    %swap3A_340 = memref.load %arg15[%swap3A_339] : memref<64xi32, #tpu.memory_space<smem>>
    memref.store %swap3A_337, %arg15[%swap3A_339] : memref<64xi32, #tpu.memory_space<smem>>
    %swap3A_341 = arith.constant 0 : i32
    %swap3A_342 = arith.constant 41 : i32
    %swap3A_343 = arith.index_cast %swap3A_342 : i32 to index
    %swap3A_344 = memref.load %arg16[%swap3A_343] : memref<64xi32, #tpu.memory_space<smem>>
    memref.store %swap3A_341, %arg16[%swap3A_343] : memref<64xi32, #tpu.memory_space<smem>>
    %swap3A_345 = arith.constant 0 : i32
    %swap3A_346 = arith.constant 42 : i32
    %swap3A_347 = arith.index_cast %swap3A_346 : i32 to index
    %swap3A_348 = memref.load %arg15[%swap3A_347] : memref<64xi32, #tpu.memory_space<smem>>
    memref.store %swap3A_345, %arg15[%swap3A_347] : memref<64xi32, #tpu.memory_space<smem>>
    %swap3A_349 = arith.constant 0 : i32
    %swap3A_350 = arith.constant 42 : i32
    %swap3A_351 = arith.index_cast %swap3A_350 : i32 to index
    %swap3A_352 = memref.load %arg16[%swap3A_351] : memref<64xi32, #tpu.memory_space<smem>>
    memref.store %swap3A_349, %arg16[%swap3A_351] : memref<64xi32, #tpu.memory_space<smem>>
    %swap3A_353 = arith.constant 0 : i32
    %swap3A_354 = arith.constant 43 : i32
    %swap3A_355 = arith.index_cast %swap3A_354 : i32 to index
    %swap3A_356 = memref.load %arg15[%swap3A_355] : memref<64xi32, #tpu.memory_space<smem>>
    memref.store %swap3A_353, %arg15[%swap3A_355] : memref<64xi32, #tpu.memory_space<smem>>
    %swap3A_357 = arith.constant 0 : i32
    %swap3A_358 = arith.constant 43 : i32
    %swap3A_359 = arith.index_cast %swap3A_358 : i32 to index
    %swap3A_360 = memref.load %arg16[%swap3A_359] : memref<64xi32, #tpu.memory_space<smem>>
    memref.store %swap3A_357, %arg16[%swap3A_359] : memref<64xi32, #tpu.memory_space<smem>>
    %swap3A_361 = arith.constant 0 : i32
    %swap3A_362 = arith.constant 44 : i32
    %swap3A_363 = arith.index_cast %swap3A_362 : i32 to index
    %swap3A_364 = memref.load %arg15[%swap3A_363] : memref<64xi32, #tpu.memory_space<smem>>
    memref.store %swap3A_361, %arg15[%swap3A_363] : memref<64xi32, #tpu.memory_space<smem>>
    %swap3A_365 = arith.constant 0 : i32
    %swap3A_366 = arith.constant 44 : i32
    %swap3A_367 = arith.index_cast %swap3A_366 : i32 to index
    %swap3A_368 = memref.load %arg16[%swap3A_367] : memref<64xi32, #tpu.memory_space<smem>>
    memref.store %swap3A_365, %arg16[%swap3A_367] : memref<64xi32, #tpu.memory_space<smem>>
    %swap3A_369 = arith.constant 0 : i32
    %swap3A_370 = arith.constant 45 : i32
    %swap3A_371 = arith.index_cast %swap3A_370 : i32 to index
    %swap3A_372 = memref.load %arg15[%swap3A_371] : memref<64xi32, #tpu.memory_space<smem>>
    memref.store %swap3A_369, %arg15[%swap3A_371] : memref<64xi32, #tpu.memory_space<smem>>
    %swap3A_373 = arith.constant 0 : i32
    %swap3A_374 = arith.constant 45 : i32
    %swap3A_375 = arith.index_cast %swap3A_374 : i32 to index
    %swap3A_376 = memref.load %arg16[%swap3A_375] : memref<64xi32, #tpu.memory_space<smem>>
    memref.store %swap3A_373, %arg16[%swap3A_375] : memref<64xi32, #tpu.memory_space<smem>>
    %swap3A_377 = arith.constant 0 : i32
    %swap3A_378 = arith.constant 46 : i32
    %swap3A_379 = arith.index_cast %swap3A_378 : i32 to index
    %swap3A_380 = memref.load %arg15[%swap3A_379] : memref<64xi32, #tpu.memory_space<smem>>
    memref.store %swap3A_377, %arg15[%swap3A_379] : memref<64xi32, #tpu.memory_space<smem>>
    %swap3A_381 = arith.constant 0 : i32
    %swap3A_382 = arith.constant 46 : i32
    %swap3A_383 = arith.index_cast %swap3A_382 : i32 to index
    %swap3A_384 = memref.load %arg16[%swap3A_383] : memref<64xi32, #tpu.memory_space<smem>>
    memref.store %swap3A_381, %arg16[%swap3A_383] : memref<64xi32, #tpu.memory_space<smem>>
    %swap3A_385 = arith.constant 0 : i32
    %swap3A_386 = arith.constant 47 : i32
    %swap3A_387 = arith.index_cast %swap3A_386 : i32 to index
    %swap3A_388 = memref.load %arg15[%swap3A_387] : memref<64xi32, #tpu.memory_space<smem>>
    memref.store %swap3A_385, %arg15[%swap3A_387] : memref<64xi32, #tpu.memory_space<smem>>
    %swap3A_389 = arith.constant 0 : i32
    %swap3A_390 = arith.constant 47 : i32
    %swap3A_391 = arith.index_cast %swap3A_390 : i32 to index
    %swap3A_392 = memref.load %arg16[%swap3A_391] : memref<64xi32, #tpu.memory_space<smem>>
    memref.store %swap3A_389, %arg16[%swap3A_391] : memref<64xi32, #tpu.memory_space<smem>>
    %swap3A_393 = arith.constant 0 : i32
    %swap3A_394 = arith.constant 48 : i32
    %swap3A_395 = arith.index_cast %swap3A_394 : i32 to index
    %swap3A_396 = memref.load %arg15[%swap3A_395] : memref<64xi32, #tpu.memory_space<smem>>
    memref.store %swap3A_393, %arg15[%swap3A_395] : memref<64xi32, #tpu.memory_space<smem>>
    %swap3A_397 = arith.constant 0 : i32
    %swap3A_398 = arith.constant 48 : i32
    %swap3A_399 = arith.index_cast %swap3A_398 : i32 to index
    %swap3A_400 = memref.load %arg16[%swap3A_399] : memref<64xi32, #tpu.memory_space<smem>>
    memref.store %swap3A_397, %arg16[%swap3A_399] : memref<64xi32, #tpu.memory_space<smem>>
    %swap3A_401 = arith.constant 0 : i32
    %swap3A_402 = arith.constant 49 : i32
    %swap3A_403 = arith.index_cast %swap3A_402 : i32 to index
    %swap3A_404 = memref.load %arg15[%swap3A_403] : memref<64xi32, #tpu.memory_space<smem>>
    memref.store %swap3A_401, %arg15[%swap3A_403] : memref<64xi32, #tpu.memory_space<smem>>
    %swap3A_405 = arith.constant 0 : i32
    %swap3A_406 = arith.constant 49 : i32
    %swap3A_407 = arith.index_cast %swap3A_406 : i32 to index
    %swap3A_408 = memref.load %arg16[%swap3A_407] : memref<64xi32, #tpu.memory_space<smem>>
    memref.store %swap3A_405, %arg16[%swap3A_407] : memref<64xi32, #tpu.memory_space<smem>>
    %swap3A_409 = arith.constant 0 : i32
    %swap3A_410 = arith.constant 50 : i32
    %swap3A_411 = arith.index_cast %swap3A_410 : i32 to index
    %swap3A_412 = memref.load %arg15[%swap3A_411] : memref<64xi32, #tpu.memory_space<smem>>
    memref.store %swap3A_409, %arg15[%swap3A_411] : memref<64xi32, #tpu.memory_space<smem>>
    %swap3A_413 = arith.constant 0 : i32
    %swap3A_414 = arith.constant 50 : i32
    %swap3A_415 = arith.index_cast %swap3A_414 : i32 to index
    %swap3A_416 = memref.load %arg16[%swap3A_415] : memref<64xi32, #tpu.memory_space<smem>>
    memref.store %swap3A_413, %arg16[%swap3A_415] : memref<64xi32, #tpu.memory_space<smem>>
    %swap3A_417 = arith.constant 0 : i32
    %swap3A_418 = arith.constant 51 : i32
    %swap3A_419 = arith.index_cast %swap3A_418 : i32 to index
    %swap3A_420 = memref.load %arg15[%swap3A_419] : memref<64xi32, #tpu.memory_space<smem>>
    memref.store %swap3A_417, %arg15[%swap3A_419] : memref<64xi32, #tpu.memory_space<smem>>
    %swap3A_421 = arith.constant 0 : i32
    %swap3A_422 = arith.constant 51 : i32
    %swap3A_423 = arith.index_cast %swap3A_422 : i32 to index
    %swap3A_424 = memref.load %arg16[%swap3A_423] : memref<64xi32, #tpu.memory_space<smem>>
    memref.store %swap3A_421, %arg16[%swap3A_423] : memref<64xi32, #tpu.memory_space<smem>>
    %swap3A_425 = arith.constant 0 : i32
    %swap3A_426 = arith.constant 52 : i32
    %swap3A_427 = arith.index_cast %swap3A_426 : i32 to index
    %swap3A_428 = memref.load %arg15[%swap3A_427] : memref<64xi32, #tpu.memory_space<smem>>
    memref.store %swap3A_425, %arg15[%swap3A_427] : memref<64xi32, #tpu.memory_space<smem>>
    %swap3A_429 = arith.constant 0 : i32
    %swap3A_430 = arith.constant 52 : i32
    %swap3A_431 = arith.index_cast %swap3A_430 : i32 to index
    %swap3A_432 = memref.load %arg16[%swap3A_431] : memref<64xi32, #tpu.memory_space<smem>>
    memref.store %swap3A_429, %arg16[%swap3A_431] : memref<64xi32, #tpu.memory_space<smem>>
    %swap3A_433 = arith.constant 0 : i32
    %swap3A_434 = arith.constant 53 : i32
    %swap3A_435 = arith.index_cast %swap3A_434 : i32 to index
    %swap3A_436 = memref.load %arg15[%swap3A_435] : memref<64xi32, #tpu.memory_space<smem>>
    memref.store %swap3A_433, %arg15[%swap3A_435] : memref<64xi32, #tpu.memory_space<smem>>
    %swap3A_437 = arith.constant 0 : i32
    %swap3A_438 = arith.constant 53 : i32
    %swap3A_439 = arith.index_cast %swap3A_438 : i32 to index
    %swap3A_440 = memref.load %arg16[%swap3A_439] : memref<64xi32, #tpu.memory_space<smem>>
    memref.store %swap3A_437, %arg16[%swap3A_439] : memref<64xi32, #tpu.memory_space<smem>>
    %swap3A_441 = arith.constant 0 : i32
    %swap3A_442 = arith.constant 54 : i32
    %swap3A_443 = arith.index_cast %swap3A_442 : i32 to index
    %swap3A_444 = memref.load %arg15[%swap3A_443] : memref<64xi32, #tpu.memory_space<smem>>
    memref.store %swap3A_441, %arg15[%swap3A_443] : memref<64xi32, #tpu.memory_space<smem>>
    %swap3A_445 = arith.constant 0 : i32
    %swap3A_446 = arith.constant 54 : i32
    %swap3A_447 = arith.index_cast %swap3A_446 : i32 to index
    %swap3A_448 = memref.load %arg16[%swap3A_447] : memref<64xi32, #tpu.memory_space<smem>>
    memref.store %swap3A_445, %arg16[%swap3A_447] : memref<64xi32, #tpu.memory_space<smem>>
    %swap3A_449 = arith.constant 0 : i32
    %swap3A_450 = arith.constant 55 : i32
    %swap3A_451 = arith.index_cast %swap3A_450 : i32 to index
    %swap3A_452 = memref.load %arg15[%swap3A_451] : memref<64xi32, #tpu.memory_space<smem>>
    memref.store %swap3A_449, %arg15[%swap3A_451] : memref<64xi32, #tpu.memory_space<smem>>
    %swap3A_453 = arith.constant 0 : i32
    %swap3A_454 = arith.constant 55 : i32
    %swap3A_455 = arith.index_cast %swap3A_454 : i32 to index
    %swap3A_456 = memref.load %arg16[%swap3A_455] : memref<64xi32, #tpu.memory_space<smem>>
    memref.store %swap3A_453, %arg16[%swap3A_455] : memref<64xi32, #tpu.memory_space<smem>>
    %swap3A_457 = arith.constant 0 : i32
    %swap3A_458 = arith.constant 56 : i32
    %swap3A_459 = arith.index_cast %swap3A_458 : i32 to index
    %swap3A_460 = memref.load %arg15[%swap3A_459] : memref<64xi32, #tpu.memory_space<smem>>
    memref.store %swap3A_457, %arg15[%swap3A_459] : memref<64xi32, #tpu.memory_space<smem>>
    %swap3A_461 = arith.constant 0 : i32
    %swap3A_462 = arith.constant 56 : i32
    %swap3A_463 = arith.index_cast %swap3A_462 : i32 to index
    %swap3A_464 = memref.load %arg16[%swap3A_463] : memref<64xi32, #tpu.memory_space<smem>>
    memref.store %swap3A_461, %arg16[%swap3A_463] : memref<64xi32, #tpu.memory_space<smem>>
    %swap3A_465 = arith.constant 0 : i32
    %swap3A_466 = arith.constant 57 : i32
    %swap3A_467 = arith.index_cast %swap3A_466 : i32 to index
    %swap3A_468 = memref.load %arg15[%swap3A_467] : memref<64xi32, #tpu.memory_space<smem>>
    memref.store %swap3A_465, %arg15[%swap3A_467] : memref<64xi32, #tpu.memory_space<smem>>
    %swap3A_469 = arith.constant 0 : i32
    %swap3A_470 = arith.constant 57 : i32
    %swap3A_471 = arith.index_cast %swap3A_470 : i32 to index
    %swap3A_472 = memref.load %arg16[%swap3A_471] : memref<64xi32, #tpu.memory_space<smem>>
    memref.store %swap3A_469, %arg16[%swap3A_471] : memref<64xi32, #tpu.memory_space<smem>>
    %swap3A_473 = arith.constant 0 : i32
    %swap3A_474 = arith.constant 58 : i32
    %swap3A_475 = arith.index_cast %swap3A_474 : i32 to index
    %swap3A_476 = memref.load %arg15[%swap3A_475] : memref<64xi32, #tpu.memory_space<smem>>
    memref.store %swap3A_473, %arg15[%swap3A_475] : memref<64xi32, #tpu.memory_space<smem>>
    %swap3A_477 = arith.constant 0 : i32
    %swap3A_478 = arith.constant 58 : i32
    %swap3A_479 = arith.index_cast %swap3A_478 : i32 to index
    %swap3A_480 = memref.load %arg16[%swap3A_479] : memref<64xi32, #tpu.memory_space<smem>>
    memref.store %swap3A_477, %arg16[%swap3A_479] : memref<64xi32, #tpu.memory_space<smem>>
    %swap3A_481 = arith.constant 0 : i32
    %swap3A_482 = arith.constant 59 : i32
    %swap3A_483 = arith.index_cast %swap3A_482 : i32 to index
    %swap3A_484 = memref.load %arg15[%swap3A_483] : memref<64xi32, #tpu.memory_space<smem>>
    memref.store %swap3A_481, %arg15[%swap3A_483] : memref<64xi32, #tpu.memory_space<smem>>
    %swap3A_485 = arith.constant 0 : i32
    %swap3A_486 = arith.constant 59 : i32
    %swap3A_487 = arith.index_cast %swap3A_486 : i32 to index
    %swap3A_488 = memref.load %arg16[%swap3A_487] : memref<64xi32, #tpu.memory_space<smem>>
    memref.store %swap3A_485, %arg16[%swap3A_487] : memref<64xi32, #tpu.memory_space<smem>>
    %swap3A_489 = arith.constant 0 : i32
    %swap3A_490 = arith.constant 60 : i32
    %swap3A_491 = arith.index_cast %swap3A_490 : i32 to index
    %swap3A_492 = memref.load %arg15[%swap3A_491] : memref<64xi32, #tpu.memory_space<smem>>
    memref.store %swap3A_489, %arg15[%swap3A_491] : memref<64xi32, #tpu.memory_space<smem>>
    %swap3A_493 = arith.constant 0 : i32
    %swap3A_494 = arith.constant 60 : i32
    %swap3A_495 = arith.index_cast %swap3A_494 : i32 to index
    %swap3A_496 = memref.load %arg16[%swap3A_495] : memref<64xi32, #tpu.memory_space<smem>>
    memref.store %swap3A_493, %arg16[%swap3A_495] : memref<64xi32, #tpu.memory_space<smem>>
    %swap3A_497 = arith.constant 0 : i32
    %swap3A_498 = arith.constant 61 : i32
    %swap3A_499 = arith.index_cast %swap3A_498 : i32 to index
    %swap3A_500 = memref.load %arg15[%swap3A_499] : memref<64xi32, #tpu.memory_space<smem>>
    memref.store %swap3A_497, %arg15[%swap3A_499] : memref<64xi32, #tpu.memory_space<smem>>
    %swap3A_501 = arith.constant 0 : i32
    %swap3A_502 = arith.constant 61 : i32
    %swap3A_503 = arith.index_cast %swap3A_502 : i32 to index
    %swap3A_504 = memref.load %arg16[%swap3A_503] : memref<64xi32, #tpu.memory_space<smem>>
    memref.store %swap3A_501, %arg16[%swap3A_503] : memref<64xi32, #tpu.memory_space<smem>>
    %swap3A_505 = arith.constant 0 : i32
    %swap3A_506 = arith.constant 62 : i32
    %swap3A_507 = arith.index_cast %swap3A_506 : i32 to index
    %swap3A_508 = memref.load %arg15[%swap3A_507] : memref<64xi32, #tpu.memory_space<smem>>
    memref.store %swap3A_505, %arg15[%swap3A_507] : memref<64xi32, #tpu.memory_space<smem>>
    %swap3A_509 = arith.constant 0 : i32
    %swap3A_510 = arith.constant 62 : i32
    %swap3A_511 = arith.index_cast %swap3A_510 : i32 to index
    %swap3A_512 = memref.load %arg16[%swap3A_511] : memref<64xi32, #tpu.memory_space<smem>>
    memref.store %swap3A_509, %arg16[%swap3A_511] : memref<64xi32, #tpu.memory_space<smem>>
    %swap3A_513 = arith.constant 0 : i32
    %swap3A_514 = arith.constant 63 : i32
    %swap3A_515 = arith.index_cast %swap3A_514 : i32 to index
    %swap3A_516 = memref.load %arg15[%swap3A_515] : memref<64xi32, #tpu.memory_space<smem>>
    memref.store %swap3A_513, %arg15[%swap3A_515] : memref<64xi32, #tpu.memory_space<smem>>
    %swap3A_517 = arith.constant 0 : i32
    %swap3A_518 = arith.constant 63 : i32
    %swap3A_519 = arith.index_cast %swap3A_518 : i32 to index
    %swap3A_520 = memref.load %arg16[%swap3A_519] : memref<64xi32, #tpu.memory_space<smem>>
    memref.store %swap3A_517, %arg16[%swap3A_519] : memref<64xi32, #tpu.memory_space<smem>>
    %iota3A = tpu.iota {dimensions = array<i32: 0>} : vector<16xi32>
    "tpu.trace_start"() <{level = 10 : i32, message = "ph_scan"}> : () -> ()
    %scan3A = arith.constant 0 : i32
    %scan3A_521 = arith.constant 0 : i32
    %scan3A_522 = arith.constant 0 : i32
    %scan3A_523 = arith.constant 1024 : i32
    %scan3A_524 = arith.addi %scan3A_522, %scan3A_523 : i32
    %scan3A_525 = arith.constant 1 : i32
    %scan3A_526:2 = scf.for %scan3A_609 = %scan3A_522 to %scan3A_524 step %scan3A_525 iter_args(%scan3A_610 = %scan3A, %scan3A_611 = %scan3A_521) -> (i32, i32)  : i32 {
      %mul3A_612 = arith.constant 16 : i32
      %mul3A_613 = arith.muli %scan3A_609, %mul3A_612 : i32
      %add3A_614 = vector.broadcast %mul3A_613 : i32 to vector<16xi32>
      %add3A_615 = arith.addi %iota3A, %add3A_614 : vector<16xi32>
      %mul3A_616 = arith.constant 16 : i32
      %mul3A_617 = arith.muli %scan3A_609, %mul3A_616 : i32
      %get3A = arith.index_cast %mul3A_617 : i32 to index
      %get3A_618 = tpu.vector_load %arg7[%get3A] {strides = array<i32>} : memref<16384xi32, #tpu.memory_space<vmem>>, vector<16xi32>,
      %mul3A_619 = arith.constant 16 : i32
      %mul3A_620 = arith.muli %scan3A_609, %mul3A_619 : i32
      %get3A_621 = arith.index_cast %mul3A_620 : i32 to index
      %get3A_622 = tpu.vector_load %arg8[%get3A_621] {strides = array<i32>} : memref<16384xi32, #tpu.memory_space<vmem>>, vector<16xi32>,
      %shift_right_logical3A = arith.constant 7 : i32
      %shift_right_logical3A_623 = vector.broadcast %shift_right_logical3A : i32 to vector<16xi32>
      %shift_right_logical3A_624 = arith.shrui %get3A_618, %shift_right_logical3A_623 : vector<16xi32>
      %shift_right_logical3A_625 = arith.constant 7 : i32
      %shift_right_logical3A_626 = vector.broadcast %shift_right_logical3A_625 : i32 to vector<16xi32>
      %shift_right_logical3A_627 = arith.shrui %get3A_622, %shift_right_logical3A_626 : vector<16xi32>
      %ge3A = vector.broadcast %mul3A_2 : i32 to vector<16xi32>
      %ge3A_628 = arith.cmpi sge, %shift_right_logical3A_624, %ge3A : vector<16xi32>
      %lt3A = vector.broadcast %add3A_9 : i32 to vector<16xi32>
      %lt3A_629 = arith.cmpi slt, %shift_right_logical3A_624, %lt3A : vector<16xi32>
      %and3A_630 = arith.andi %ge3A_628, %lt3A_629 : vector<16xi1>
      %ge3A_631 = vector.broadcast %mul3A_2 : i32 to vector<16xi32>
      %ge3A_632 = arith.cmpi sge, %shift_right_logical3A_627, %ge3A_631 : vector<16xi32>
      %lt3A_633 = vector.broadcast %add3A_9 : i32 to vector<16xi32>
      %lt3A_634 = arith.cmpi slt, %shift_right_logical3A_627, %lt3A_633 : vector<16xi32>
      %and3A_635 = arith.andi %ge3A_632, %lt3A_634 : vector<16xi1>
      %swap3A_636 = arith.index_cast %scan3A_610 : i32 to index
      %swap3A_637 = tpu.vector_load %arg9[%swap3A_636] masked %and3A_630 {strides = array<i32>} : memref<4096xi32, #tpu.memory_space<vmem>>, vector<16xi32>, vector<16xi1>
      tpu.vector_store %arg9[%swap3A_636], %get3A_618 masked %and3A_630 {strides = array<i32>} : memref<4096xi32, #tpu.memory_space<vmem>>, vector<16xi32>, vector<16xi1>
      %swap3A_638 = arith.index_cast %scan3A_610 : i32 to index
      %swap3A_639 = tpu.vector_load %arg10[%swap3A_638] masked %and3A_630 {strides = array<i32>} : memref<4096xi32, #tpu.memory_space<vmem>>, vector<16xi32>, vector<16xi1>
      tpu.vector_store %arg10[%swap3A_638], %add3A_615 masked %and3A_630 {strides = array<i32>} : memref<4096xi32, #tpu.memory_space<vmem>>, vector<16xi32>, vector<16xi1>
      %swap3A_640 = arith.index_cast %scan3A_611 : i32 to index
      %swap3A_641 = tpu.vector_load %arg11[%swap3A_640] masked %and3A_635 {strides = array<i32>} : memref<4096xi32, #tpu.memory_space<vmem>>, vector<16xi32>, vector<16xi1>
      tpu.vector_store %arg11[%swap3A_640], %get3A_622 masked %and3A_635 {strides = array<i32>} : memref<4096xi32, #tpu.memory_space<vmem>>, vector<16xi32>, vector<16xi1>
      %swap3A_642 = arith.index_cast %scan3A_611 : i32 to index
      %swap3A_643 = tpu.vector_load %arg12[%swap3A_642] masked %and3A_635 {strides = array<i32>} : memref<4096xi32, #tpu.memory_space<vmem>>, vector<16xi32>, vector<16xi1>
      tpu.vector_store %arg12[%swap3A_642], %add3A_615 masked %and3A_635 {strides = array<i32>} : memref<4096xi32, #tpu.memory_space<vmem>>, vector<16xi32>, vector<16xi1>
      %all_reduce_population_count3A = tpu.all_reduce %and3A_630 {dim = 0 : i64, kind = #tpu.reduction_kind<sum>} : vector<16xi1> -> vector<16xi32>
      %slice3A = vector.extract_strided_slice %all_reduce_population_count3A {offsets = [0], sizes = [1], strides = [1]} : vector<16xi32> to vector<1xi32>
      %squeeze3A = vector.extract %slice3A[0] : i32 from vector<1xi32>
      %all_reduce_population_count3A_644 = tpu.all_reduce %and3A_635 {dim = 0 : i64, kind = #tpu.reduction_kind<sum>} : vector<16xi1> -> vector<16xi32>
      %slice3A_645 = vector.extract_strided_slice %all_reduce_population_count3A_644 {offsets = [0], sizes = [1], strides = [1]} : vector<16xi32> to vector<1xi32>
      %squeeze3A_646 = vector.extract %slice3A_645[0] : i32 from vector<1xi32>
      %add3A_647 = arith.addi %scan3A_610, %squeeze3A : i32
      %min3A = arith.constant 4080 : i32
      %min3A_648 = arith.minsi %add3A_647, %min3A : i32
      %add3A_649 = arith.addi %scan3A_611, %squeeze3A_646 : i32
      %min3A_650 = arith.constant 4080 : i32
      %min3A_651 = arith.minsi %add3A_649, %min3A_650 : i32
      scf.yield %min3A_648, %min3A_651 : i32, i32
    }
    %scan3A_527 = arith.constant 1024 : i32
    "tpu.trace_stop"() : () -> ()
    "tpu.trace_start"() <{level = 10 : i32, message = "ph_bucket"}> : () -> ()
    %add3A_528 = arith.constant 16 : i32
    %add3A_529 = arith.addi %scan3A_526#0, %add3A_528 : i32
    %sub3A = arith.constant 1 : i32
    %sub3A_530 = arith.subi %add3A_529, %sub3A : i32
    %jit3A_531 = arith.constant 16 : i32
    %div3A = arith.divsi %sub3A_530, %jit3A_531 : i32
    %sign3A = arith.constant 0 : i32
    %sign3A_532 = arith.cmpi sgt, %sub3A_530, %sign3A : i32
    %sign3A_533 = arith.extui %sign3A_532 : i1 to i32
    %sign3A_534 = arith.constant 0 : i32
    %sign3A_535 = arith.cmpi slt, %sub3A_530, %sign3A_534 : i32
    %sign3A_536 = arith.extui %sign3A_535 : i1 to i32
    %sign3A_537 = arith.subi %sign3A_533, %sign3A_536 : i32
    %sign3A_538 = arith.constant 0 : i32
    %sign3A_539 = arith.cmpi sgt, %jit3A_531, %sign3A_538 : i32
    %sign3A_540 = arith.extui %sign3A_539 : i1 to i32
    %sign3A_541 = arith.constant 0 : i32
    %sign3A_542 = arith.cmpi slt, %jit3A_531, %sign3A_541 : i32
    %sign3A_543 = arith.extui %sign3A_542 : i1 to i32
    %sign3A_544 = arith.subi %sign3A_540, %sign3A_543 : i32
    %ne3A = arith.cmpi ne, %sign3A_537, %sign3A_544 : i32
    %rem3A = arith.remsi %sub3A_530, %jit3A_531 : i32
    %ne3A_545 = arith.constant 0 : i32
    %ne3A_546 = arith.cmpi ne, %rem3A, %ne3A_545 : i32
    %and3A = arith.andi %ne3A, %ne3A_546 : i1
    %sub3A_547 = arith.constant 1 : i32
    %sub3A_548 = arith.subi %div3A, %sub3A_547 : i32
    %select_n3A_549 = arith.select %and3A, %sub3A_548, %div3A : i32
    %while3A = arith.constant 0 : i32
    %while3A_550 = arith.constant 0 : i32
    %while3A_551 = arith.subi %select_n3A_549, %while3A_550 : i32
    %while3A_552 = arith.addi %while3A_550, %while3A_551 : i32
    %while3A_553 = arith.constant 1 : i32
    %while3A_554 = arith.divsi %while3A_551, %while3A_553 : i32
    %while3A_555 = arith.muli %while3A_554, %while3A_553 : i32
    %while3A_556 = arith.addi %while3A_550, %while3A_555 : i32
    %while3A_557 = arith.constant 1 : i32
    scf.for %while3A_609 = %while3A_550 to %while3A_556 step %while3A_557  : i32 {
      %mul3A_610 = arith.constant 16 : i32
      %mul3A_611 = arith.muli %while3A_609, %mul3A_610 : i32
      %get3A = arith.index_cast %mul3A_611 : i32 to index
      %get3A_612 = tpu.vector_load %arg9[%get3A] {strides = array<i32>} : memref<4096xi32, #tpu.memory_space<vmem>>, vector<16xi32>,
      %mul3A_613 = arith.constant 16 : i32
      %mul3A_614 = arith.muli %while3A_609, %mul3A_613 : i32
      %get3A_615 = arith.index_cast %mul3A_614 : i32 to index
      %get3A_616 = tpu.vector_load %arg10[%get3A_615] {strides = array<i32>} : memref<4096xi32, #tpu.memory_space<vmem>>, vector<16xi32>,
      %mul3A_617 = arith.constant 16 : i32
      %mul3A_618 = arith.muli %while3A_609, %mul3A_617 : i32
      %add3A_619 = vector.broadcast %mul3A_618 : i32 to vector<16xi32>
      %add3A_620 = arith.addi %iota3A, %add3A_619 : vector<16xi32>
      %lt3A = vector.broadcast %scan3A_526#0 : i32 to vector<16xi32>
      %lt3A_621 = arith.cmpi slt, %add3A_620, %lt3A : vector<16xi32>
      %sub3A_622 = vector.broadcast %mul3A_4 : i32 to vector<16xi32>
      %sub3A_623 = arith.subi %get3A_612, %sub3A_622 : vector<16xi32>
      %shift_right_logical3A = arith.constant 9 : i32
      %shift_right_logical3A_624 = vector.broadcast %shift_right_logical3A : i32 to vector<16xi32>
      %shift_right_logical3A_625 = arith.shrui %sub3A_623, %shift_right_logical3A_624 : vector<16xi32>
      %jit3A_626 = arith.constant 63 : i32
      %broadcast_in_dim3A = vector.broadcast %jit3A_626 : i32 to vector<16xi32>
      %select_n3A_627 = arith.select %lt3A_621, %shift_right_logical3A_625, %broadcast_in_dim3A : vector<16xi1>, vector<16xi32>
      %shift_left3A = arith.constant 14 : i32
      %shift_left3A_628 = vector.broadcast %shift_left3A : i32 to vector<16xi32>
      %shift_left3A_629 = arith.shli %sub3A_623, %shift_left3A_628 : vector<16xi32>
      %or3A = arith.ori %shift_left3A_629, %get3A_616 : vector<16xi32>
      %slice3A = vector.extract_strided_slice %select_n3A_627 {offsets = [0], sizes = [1], strides = [1]} : vector<16xi32> to vector<1xi32>
      %squeeze3A = vector.extract %slice3A[0] : i32 from vector<1xi32>
      %get3A_630 = arith.index_cast %squeeze3A : i32 to index
      %get3A_631 = memref.load %arg15[%get3A_630] : memref<64xi32, #tpu.memory_space<smem>>
      %add3A_632 = arith.constant 1 : i32
      %add3A_633 = arith.addi %get3A_631, %add3A_632 : i32
      %swap3A_634 = arith.index_cast %squeeze3A : i32 to index
      %swap3A_635 = memref.load %arg15[%swap3A_634] : memref<64xi32, #tpu.memory_space<smem>>
      memref.store %add3A_633, %arg15[%swap3A_634] : memref<64xi32, #tpu.memory_space<smem>>
      %mul3A_636 = arith.constant 64 : i32
      %mul3A_637 = arith.muli %squeeze3A, %mul3A_636 : i32
      %min3A = arith.constant 63 : i32
      %min3A_638 = arith.minsi %get3A_631, %min3A : i32
      %add3A_639 = arith.addi %mul3A_637, %min3A_638 : i32
      %eq3A_640 = arith.constant 0 : i32
      %eq3A_641 = vector.broadcast %eq3A_640 : i32 to vector<16xi32>
      %eq3A_642 = arith.cmpi eq, %iota3A, %eq3A_641 : vector<16xi32>
      %swap3A_643 = arith.index_cast %add3A_639 : i32 to index
      %swap3A_644 = tpu.vector_load %arg13[%swap3A_643] masked %eq3A_642 {strides = array<i32>} : memref<4112xi32, #tpu.memory_space<vmem>>, vector<16xi32>, vector<16xi1>
      tpu.vector_store %arg13[%swap3A_643], %or3A masked %eq3A_642 {strides = array<i32>} : memref<4112xi32, #tpu.memory_space<vmem>>, vector<16xi32>, vector<16xi1>
      %slice3A_645 = vector.extract_strided_slice %select_n3A_627 {offsets = [1], sizes = [1], strides = [1]} : vector<16xi32> to vector<1xi32>
      %squeeze3A_646 = vector.extract %slice3A_645[0] : i32 from vector<1xi32>
      %get3A_647 = arith.index_cast %squeeze3A_646 : i32 to index
      %get3A_648 = memref.load %arg15[%get3A_647] : memref<64xi32, #tpu.memory_space<smem>>
      %add3A_649 = arith.constant 1 : i32
      %add3A_650 = arith.addi %get3A_648, %add3A_649 : i32
      %swap3A_651 = arith.index_cast %squeeze3A_646 : i32 to index
      %swap3A_652 = memref.load %arg15[%swap3A_651] : memref<64xi32, #tpu.memory_space<smem>>
      memref.store %add3A_650, %arg15[%swap3A_651] : memref<64xi32, #tpu.memory_space<smem>>
      %mul3A_653 = arith.constant 64 : i32
      %mul3A_654 = arith.muli %squeeze3A_646, %mul3A_653 : i32
      %min3A_655 = arith.constant 63 : i32
      %min3A_656 = arith.minsi %get3A_648, %min3A_655 : i32
      %add3A_657 = arith.addi %mul3A_654, %min3A_656 : i32
      %eq3A_658 = arith.constant 1 : i32
      %eq3A_659 = vector.broadcast %eq3A_658 : i32 to vector<16xi32>
      %eq3A_660 = arith.cmpi eq, %iota3A, %eq3A_659 : vector<16xi32>
      %swap3A_661 = arith.index_cast %add3A_657 : i32 to index
      %swap3A_662 = tpu.vector_load %arg13[%swap3A_661] masked %eq3A_660 {strides = array<i32>} : memref<4112xi32, #tpu.memory_space<vmem>>, vector<16xi32>, vector<16xi1>
      tpu.vector_store %arg13[%swap3A_661], %or3A masked %eq3A_660 {strides = array<i32>} : memref<4112xi32, #tpu.memory_space<vmem>>, vector<16xi32>, vector<16xi1>
      %slice3A_663 = vector.extract_strided_slice %select_n3A_627 {offsets = [2], sizes = [1], strides = [1]} : vector<16xi32> to vector<1xi32>
      %squeeze3A_664 = vector.extract %slice3A_663[0] : i32 from vector<1xi32>
      %get3A_665 = arith.index_cast %squeeze3A_664 : i32 to index
      %get3A_666 = memref.load %arg15[%get3A_665] : memref<64xi32, #tpu.memory_space<smem>>
      %add3A_667 = arith.constant 1 : i32
      %add3A_668 = arith.addi %get3A_666, %add3A_667 : i32
      %swap3A_669 = arith.index_cast %squeeze3A_664 : i32 to index
      %swap3A_670 = memref.load %arg15[%swap3A_669] : memref<64xi32, #tpu.memory_space<smem>>
      memref.store %add3A_668, %arg15[%swap3A_669] : memref<64xi32, #tpu.memory_space<smem>>
      %mul3A_671 = arith.constant 64 : i32
      %mul3A_672 = arith.muli %squeeze3A_664, %mul3A_671 : i32
      %min3A_673 = arith.constant 63 : i32
      %min3A_674 = arith.minsi %get3A_666, %min3A_673 : i32
      %add3A_675 = arith.addi %mul3A_672, %min3A_674 : i32
      %eq3A_676 = arith.constant 2 : i32
      %eq3A_677 = vector.broadcast %eq3A_676 : i32 to vector<16xi32>
      %eq3A_678 = arith.cmpi eq, %iota3A, %eq3A_677 : vector<16xi32>
      %swap3A_679 = arith.index_cast %add3A_675 : i32 to index
      %swap3A_680 = tpu.vector_load %arg13[%swap3A_679] masked %eq3A_678 {strides = array<i32>} : memref<4112xi32, #tpu.memory_space<vmem>>, vector<16xi32>, vector<16xi1>
      tpu.vector_store %arg13[%swap3A_679], %or3A masked %eq3A_678 {strides = array<i32>} : memref<4112xi32, #tpu.memory_space<vmem>>, vector<16xi32>, vector<16xi1>
      %slice3A_681 = vector.extract_strided_slice %select_n3A_627 {offsets = [3], sizes = [1], strides = [1]} : vector<16xi32> to vector<1xi32>
      %squeeze3A_682 = vector.extract %slice3A_681[0] : i32 from vector<1xi32>
      %get3A_683 = arith.index_cast %squeeze3A_682 : i32 to index
      %get3A_684 = memref.load %arg15[%get3A_683] : memref<64xi32, #tpu.memory_space<smem>>
      %add3A_685 = arith.constant 1 : i32
      %add3A_686 = arith.addi %get3A_684, %add3A_685 : i32
      %swap3A_687 = arith.index_cast %squeeze3A_682 : i32 to index
      %swap3A_688 = memref.load %arg15[%swap3A_687] : memref<64xi32, #tpu.memory_space<smem>>
      memref.store %add3A_686, %arg15[%swap3A_687] : memref<64xi32, #tpu.memory_space<smem>>
      %mul3A_689 = arith.constant 64 : i32
      %mul3A_690 = arith.muli %squeeze3A_682, %mul3A_689 : i32
      %min3A_691 = arith.constant 63 : i32
      %min3A_692 = arith.minsi %get3A_684, %min3A_691 : i32
      %add3A_693 = arith.addi %mul3A_690, %min3A_692 : i32
      %eq3A_694 = arith.constant 3 : i32
      %eq3A_695 = vector.broadcast %eq3A_694 : i32 to vector<16xi32>
      %eq3A_696 = arith.cmpi eq, %iota3A, %eq3A_695 : vector<16xi32>
      %swap3A_697 = arith.index_cast %add3A_693 : i32 to index
      %swap3A_698 = tpu.vector_load %arg13[%swap3A_697] masked %eq3A_696 {strides = array<i32>} : memref<4112xi32, #tpu.memory_space<vmem>>, vector<16xi32>, vector<16xi1>
      tpu.vector_store %arg13[%swap3A_697], %or3A masked %eq3A_696 {strides = array<i32>} : memref<4112xi32, #tpu.memory_space<vmem>>, vector<16xi32>, vector<16xi1>
      %slice3A_699 = vector.extract_strided_slice %select_n3A_627 {offsets = [4], sizes = [1], strides = [1]} : vector<16xi32> to vector<1xi32>
      %squeeze3A_700 = vector.extract %slice3A_699[0] : i32 from vector<1xi32>
      %get3A_701 = arith.index_cast %squeeze3A_700 : i32 to index
      %get3A_702 = memref.load %arg15[%get3A_701] : memref<64xi32, #tpu.memory_space<smem>>
      %add3A_703 = arith.constant 1 : i32
      %add3A_704 = arith.addi %get3A_702, %add3A_703 : i32
      %swap3A_705 = arith.index_cast %squeeze3A_700 : i32 to index
      %swap3A_706 = memref.load %arg15[%swap3A_705] : memref<64xi32, #tpu.memory_space<smem>>
      memref.store %add3A_704, %arg15[%swap3A_705] : memref<64xi32, #tpu.memory_space<smem>>
      %mul3A_707 = arith.constant 64 : i32
      %mul3A_708 = arith.muli %squeeze3A_700, %mul3A_707 : i32
      %min3A_709 = arith.constant 63 : i32
      %min3A_710 = arith.minsi %get3A_702, %min3A_709 : i32
      %add3A_711 = arith.addi %mul3A_708, %min3A_710 : i32
      %eq3A_712 = arith.constant 4 : i32
      %eq3A_713 = vector.broadcast %eq3A_712 : i32 to vector<16xi32>
      %eq3A_714 = arith.cmpi eq, %iota3A, %eq3A_713 : vector<16xi32>
      %swap3A_715 = arith.index_cast %add3A_711 : i32 to index
      %swap3A_716 = tpu.vector_load %arg13[%swap3A_715] masked %eq3A_714 {strides = array<i32>} : memref<4112xi32, #tpu.memory_space<vmem>>, vector<16xi32>, vector<16xi1>
      tpu.vector_store %arg13[%swap3A_715], %or3A masked %eq3A_714 {strides = array<i32>} : memref<4112xi32, #tpu.memory_space<vmem>>, vector<16xi32>, vector<16xi1>
      %slice3A_717 = vector.extract_strided_slice %select_n3A_627 {offsets = [5], sizes = [1], strides = [1]} : vector<16xi32> to vector<1xi32>
      %squeeze3A_718 = vector.extract %slice3A_717[0] : i32 from vector<1xi32>
      %get3A_719 = arith.index_cast %squeeze3A_718 : i32 to index
      %get3A_720 = memref.load %arg15[%get3A_719] : memref<64xi32, #tpu.memory_space<smem>>
      %add3A_721 = arith.constant 1 : i32
      %add3A_722 = arith.addi %get3A_720, %add3A_721 : i32
      %swap3A_723 = arith.index_cast %squeeze3A_718 : i32 to index
      %swap3A_724 = memref.load %arg15[%swap3A_723] : memref<64xi32, #tpu.memory_space<smem>>
      memref.store %add3A_722, %arg15[%swap3A_723] : memref<64xi32, #tpu.memory_space<smem>>
      %mul3A_725 = arith.constant 64 : i32
      %mul3A_726 = arith.muli %squeeze3A_718, %mul3A_725 : i32
      %min3A_727 = arith.constant 63 : i32
      %min3A_728 = arith.minsi %get3A_720, %min3A_727 : i32
      %add3A_729 = arith.addi %mul3A_726, %min3A_728 : i32
      %eq3A_730 = arith.constant 5 : i32
      %eq3A_731 = vector.broadcast %eq3A_730 : i32 to vector<16xi32>
      %eq3A_732 = arith.cmpi eq, %iota3A, %eq3A_731 : vector<16xi32>
      %swap3A_733 = arith.index_cast %add3A_729 : i32 to index
      %swap3A_734 = tpu.vector_load %arg13[%swap3A_733] masked %eq3A_732 {strides = array<i32>} : memref<4112xi32, #tpu.memory_space<vmem>>, vector<16xi32>, vector<16xi1>
      tpu.vector_store %arg13[%swap3A_733], %or3A masked %eq3A_732 {strides = array<i32>} : memref<4112xi32, #tpu.memory_space<vmem>>, vector<16xi32>, vector<16xi1>
      %slice3A_735 = vector.extract_strided_slice %select_n3A_627 {offsets = [6], sizes = [1], strides = [1]} : vector<16xi32> to vector<1xi32>
      %squeeze3A_736 = vector.extract %slice3A_735[0] : i32 from vector<1xi32>
      %get3A_737 = arith.index_cast %squeeze3A_736 : i32 to index
      %get3A_738 = memref.load %arg15[%get3A_737] : memref<64xi32, #tpu.memory_space<smem>>
      %add3A_739 = arith.constant 1 : i32
      %add3A_740 = arith.addi %get3A_738, %add3A_739 : i32
      %swap3A_741 = arith.index_cast %squeeze3A_736 : i32 to index
      %swap3A_742 = memref.load %arg15[%swap3A_741] : memref<64xi32, #tpu.memory_space<smem>>
      memref.store %add3A_740, %arg15[%swap3A_741] : memref<64xi32, #tpu.memory_space<smem>>
      %mul3A_743 = arith.constant 64 : i32
      %mul3A_744 = arith.muli %squeeze3A_736, %mul3A_743 : i32
      %min3A_745 = arith.constant 63 : i32
      %min3A_746 = arith.minsi %get3A_738, %min3A_745 : i32
      %add3A_747 = arith.addi %mul3A_744, %min3A_746 : i32
      %eq3A_748 = arith.constant 6 : i32
      %eq3A_749 = vector.broadcast %eq3A_748 : i32 to vector<16xi32>
      %eq3A_750 = arith.cmpi eq, %iota3A, %eq3A_749 : vector<16xi32>
      %swap3A_751 = arith.index_cast %add3A_747 : i32 to index
      %swap3A_752 = tpu.vector_load %arg13[%swap3A_751] masked %eq3A_750 {strides = array<i32>} : memref<4112xi32, #tpu.memory_space<vmem>>, vector<16xi32>, vector<16xi1>
      tpu.vector_store %arg13[%swap3A_751], %or3A masked %eq3A_750 {strides = array<i32>} : memref<4112xi32, #tpu.memory_space<vmem>>, vector<16xi32>, vector<16xi1>
      %slice3A_753 = vector.extract_strided_slice %select_n3A_627 {offsets = [7], sizes = [1], strides = [1]} : vector<16xi32> to vector<1xi32>
      %squeeze3A_754 = vector.extract %slice3A_753[0] : i32 from vector<1xi32>
      %get3A_755 = arith.index_cast %squeeze3A_754 : i32 to index
      %get3A_756 = memref.load %arg15[%get3A_755] : memref<64xi32, #tpu.memory_space<smem>>
      %add3A_757 = arith.constant 1 : i32
      %add3A_758 = arith.addi %get3A_756, %add3A_757 : i32
      %swap3A_759 = arith.index_cast %squeeze3A_754 : i32 to index
      %swap3A_760 = memref.load %arg15[%swap3A_759] : memref<64xi32, #tpu.memory_space<smem>>
      memref.store %add3A_758, %arg15[%swap3A_759] : memref<64xi32, #tpu.memory_space<smem>>
      %mul3A_761 = arith.constant 64 : i32
      %mul3A_762 = arith.muli %squeeze3A_754, %mul3A_761 : i32
      %min3A_763 = arith.constant 63 : i32
      %min3A_764 = arith.minsi %get3A_756, %min3A_763 : i32
      %add3A_765 = arith.addi %mul3A_762, %min3A_764 : i32
      %eq3A_766 = arith.constant 7 : i32
      %eq3A_767 = vector.broadcast %eq3A_766 : i32 to vector<16xi32>
      %eq3A_768 = arith.cmpi eq, %iota3A, %eq3A_767 : vector<16xi32>
      %swap3A_769 = arith.index_cast %add3A_765 : i32 to index
      %swap3A_770 = tpu.vector_load %arg13[%swap3A_769] masked %eq3A_768 {strides = array<i32>} : memref<4112xi32, #tpu.memory_space<vmem>>, vector<16xi32>, vector<16xi1>
      tpu.vector_store %arg13[%swap3A_769], %or3A masked %eq3A_768 {strides = array<i32>} : memref<4112xi32, #tpu.memory_space<vmem>>, vector<16xi32>, vector<16xi1>
      %slice3A_771 = vector.extract_strided_slice %select_n3A_627 {offsets = [8], sizes = [1], strides = [1]} : vector<16xi32> to vector<1xi32>
      %squeeze3A_772 = vector.extract %slice3A_771[0] : i32 from vector<1xi32>
      %get3A_773 = arith.index_cast %squeeze3A_772 : i32 to index
      %get3A_774 = memref.load %arg15[%get3A_773] : memref<64xi32, #tpu.memory_space<smem>>
      %add3A_775 = arith.constant 1 : i32
      %add3A_776 = arith.addi %get3A_774, %add3A_775 : i32
      %swap3A_777 = arith.index_cast %squeeze3A_772 : i32 to index
      %swap3A_778 = memref.load %arg15[%swap3A_777] : memref<64xi32, #tpu.memory_space<smem>>
      memref.store %add3A_776, %arg15[%swap3A_777] : memref<64xi32, #tpu.memory_space<smem>>
      %mul3A_779 = arith.constant 64 : i32
      %mul3A_780 = arith.muli %squeeze3A_772, %mul3A_779 : i32
      %min3A_781 = arith.constant 63 : i32
      %min3A_782 = arith.minsi %get3A_774, %min3A_781 : i32
      %add3A_783 = arith.addi %mul3A_780, %min3A_782 : i32
      %eq3A_784 = arith.constant 8 : i32
      %eq3A_785 = vector.broadcast %eq3A_784 : i32 to vector<16xi32>
      %eq3A_786 = arith.cmpi eq, %iota3A, %eq3A_785 : vector<16xi32>
      %swap3A_787 = arith.index_cast %add3A_783 : i32 to index
      %swap3A_788 = tpu.vector_load %arg13[%swap3A_787] masked %eq3A_786 {strides = array<i32>} : memref<4112xi32, #tpu.memory_space<vmem>>, vector<16xi32>, vector<16xi1>
      tpu.vector_store %arg13[%swap3A_787], %or3A masked %eq3A_786 {strides = array<i32>} : memref<4112xi32, #tpu.memory_space<vmem>>, vector<16xi32>, vector<16xi1>
      %slice3A_789 = vector.extract_strided_slice %select_n3A_627 {offsets = [9], sizes = [1], strides = [1]} : vector<16xi32> to vector<1xi32>
      %squeeze3A_790 = vector.extract %slice3A_789[0] : i32 from vector<1xi32>
      %get3A_791 = arith.index_cast %squeeze3A_790 : i32 to index
      %get3A_792 = memref.load %arg15[%get3A_791] : memref<64xi32, #tpu.memory_space<smem>>
      %add3A_793 = arith.constant 1 : i32
      %add3A_794 = arith.addi %get3A_792, %add3A_793 : i32
      %swap3A_795 = arith.index_cast %squeeze3A_790 : i32 to index
      %swap3A_796 = memref.load %arg15[%swap3A_795] : memref<64xi32, #tpu.memory_space<smem>>
      memref.store %add3A_794, %arg15[%swap3A_795] : memref<64xi32, #tpu.memory_space<smem>>
      %mul3A_797 = arith.constant 64 : i32
      %mul3A_798 = arith.muli %squeeze3A_790, %mul3A_797 : i32
      %min3A_799 = arith.constant 63 : i32
      %min3A_800 = arith.minsi %get3A_792, %min3A_799 : i32
      %add3A_801 = arith.addi %mul3A_798, %min3A_800 : i32
      %eq3A_802 = arith.constant 9 : i32
      %eq3A_803 = vector.broadcast %eq3A_802 : i32 to vector<16xi32>
      %eq3A_804 = arith.cmpi eq, %iota3A, %eq3A_803 : vector<16xi32>
      %swap3A_805 = arith.index_cast %add3A_801 : i32 to index
      %swap3A_806 = tpu.vector_load %arg13[%swap3A_805] masked %eq3A_804 {strides = array<i32>} : memref<4112xi32, #tpu.memory_space<vmem>>, vector<16xi32>, vector<16xi1>
      tpu.vector_store %arg13[%swap3A_805], %or3A masked %eq3A_804 {strides = array<i32>} : memref<4112xi32, #tpu.memory_space<vmem>>, vector<16xi32>, vector<16xi1>
      %slice3A_807 = vector.extract_strided_slice %select_n3A_627 {offsets = [10], sizes = [1], strides = [1]} : vector<16xi32> to vector<1xi32>
      %squeeze3A_808 = vector.extract %slice3A_807[0] : i32 from vector<1xi32>
      %get3A_809 = arith.index_cast %squeeze3A_808 : i32 to index
      %get3A_810 = memref.load %arg15[%get3A_809] : memref<64xi32, #tpu.memory_space<smem>>
      %add3A_811 = arith.constant 1 : i32
      %add3A_812 = arith.addi %get3A_810, %add3A_811 : i32
      %swap3A_813 = arith.index_cast %squeeze3A_808 : i32 to index
      %swap3A_814 = memref.load %arg15[%swap3A_813] : memref<64xi32, #tpu.memory_space<smem>>
      memref.store %add3A_812, %arg15[%swap3A_813] : memref<64xi32, #tpu.memory_space<smem>>
      %mul3A_815 = arith.constant 64 : i32
      %mul3A_816 = arith.muli %squeeze3A_808, %mul3A_815 : i32
      %min3A_817 = arith.constant 63 : i32
      %min3A_818 = arith.minsi %get3A_810, %min3A_817 : i32
      %add3A_819 = arith.addi %mul3A_816, %min3A_818 : i32
      %eq3A_820 = arith.constant 10 : i32
      %eq3A_821 = vector.broadcast %eq3A_820 : i32 to vector<16xi32>
      %eq3A_822 = arith.cmpi eq, %iota3A, %eq3A_821 : vector<16xi32>
      %swap3A_823 = arith.index_cast %add3A_819 : i32 to index
      %swap3A_824 = tpu.vector_load %arg13[%swap3A_823] masked %eq3A_822 {strides = array<i32>} : memref<4112xi32, #tpu.memory_space<vmem>>, vector<16xi32>, vector<16xi1>
      tpu.vector_store %arg13[%swap3A_823], %or3A masked %eq3A_822 {strides = array<i32>} : memref<4112xi32, #tpu.memory_space<vmem>>, vector<16xi32>, vector<16xi1>
      %slice3A_825 = vector.extract_strided_slice %select_n3A_627 {offsets = [11], sizes = [1], strides = [1]} : vector<16xi32> to vector<1xi32>
      %squeeze3A_826 = vector.extract %slice3A_825[0] : i32 from vector<1xi32>
      %get3A_827 = arith.index_cast %squeeze3A_826 : i32 to index
      %get3A_828 = memref.load %arg15[%get3A_827] : memref<64xi32, #tpu.memory_space<smem>>
      %add3A_829 = arith.constant 1 : i32
      %add3A_830 = arith.addi %get3A_828, %add3A_829 : i32
      %swap3A_831 = arith.index_cast %squeeze3A_826 : i32 to index
      %swap3A_832 = memref.load %arg15[%swap3A_831] : memref<64xi32, #tpu.memory_space<smem>>
      memref.store %add3A_830, %arg15[%swap3A_831] : memref<64xi32, #tpu.memory_space<smem>>
      %mul3A_833 = arith.constant 64 : i32
      %mul3A_834 = arith.muli %squeeze3A_826, %mul3A_833 : i32
      %min3A_835 = arith.constant 63 : i32
      %min3A_836 = arith.minsi %get3A_828, %min3A_835 : i32
      %add3A_837 = arith.addi %mul3A_834, %min3A_836 : i32
      %eq3A_838 = arith.constant 11 : i32
      %eq3A_839 = vector.broadcast %eq3A_838 : i32 to vector<16xi32>
      %eq3A_840 = arith.cmpi eq, %iota3A, %eq3A_839 : vector<16xi32>
      %swap3A_841 = arith.index_cast %add3A_837 : i32 to index
      %swap3A_842 = tpu.vector_load %arg13[%swap3A_841] masked %eq3A_840 {strides = array<i32>} : memref<4112xi32, #tpu.memory_space<vmem>>, vector<16xi32>, vector<16xi1>
      tpu.vector_store %arg13[%swap3A_841], %or3A masked %eq3A_840 {strides = array<i32>} : memref<4112xi32, #tpu.memory_space<vmem>>, vector<16xi32>, vector<16xi1>
      %slice3A_843 = vector.extract_strided_slice %select_n3A_627 {offsets = [12], sizes = [1], strides = [1]} : vector<16xi32> to vector<1xi32>
      %squeeze3A_844 = vector.extract %slice3A_843[0] : i32 from vector<1xi32>
      %get3A_845 = arith.index_cast %squeeze3A_844 : i32 to index
      %get3A_846 = memref.load %arg15[%get3A_845] : memref<64xi32, #tpu.memory_space<smem>>
      %add3A_847 = arith.constant 1 : i32
      %add3A_848 = arith.addi %get3A_846, %add3A_847 : i32
      %swap3A_849 = arith.index_cast %squeeze3A_844 : i32 to index
      %swap3A_850 = memref.load %arg15[%swap3A_849] : memref<64xi32, #tpu.memory_space<smem>>
      memref.store %add3A_848, %arg15[%swap3A_849] : memref<64xi32, #tpu.memory_space<smem>>
      %mul3A_851 = arith.constant 64 : i32
      %mul3A_852 = arith.muli %squeeze3A_844, %mul3A_851 : i32
      %min3A_853 = arith.constant 63 : i32
      %min3A_854 = arith.minsi %get3A_846, %min3A_853 : i32
      %add3A_855 = arith.addi %mul3A_852, %min3A_854 : i32
      %eq3A_856 = arith.constant 12 : i32
      %eq3A_857 = vector.broadcast %eq3A_856 : i32 to vector<16xi32>
      %eq3A_858 = arith.cmpi eq, %iota3A, %eq3A_857 : vector<16xi32>
      %swap3A_859 = arith.index_cast %add3A_855 : i32 to index
      %swap3A_860 = tpu.vector_load %arg13[%swap3A_859] masked %eq3A_858 {strides = array<i32>} : memref<4112xi32, #tpu.memory_space<vmem>>, vector<16xi32>, vector<16xi1>
      tpu.vector_store %arg13[%swap3A_859], %or3A masked %eq3A_858 {strides = array<i32>} : memref<4112xi32, #tpu.memory_space<vmem>>, vector<16xi32>, vector<16xi1>
      %slice3A_861 = vector.extract_strided_slice %select_n3A_627 {offsets = [13], sizes = [1], strides = [1]} : vector<16xi32> to vector<1xi32>
      %squeeze3A_862 = vector.extract %slice3A_861[0] : i32 from vector<1xi32>
      %get3A_863 = arith.index_cast %squeeze3A_862 : i32 to index
      %get3A_864 = memref.load %arg15[%get3A_863] : memref<64xi32, #tpu.memory_space<smem>>
      %add3A_865 = arith.constant 1 : i32
      %add3A_866 = arith.addi %get3A_864, %add3A_865 : i32
      %swap3A_867 = arith.index_cast %squeeze3A_862 : i32 to index
      %swap3A_868 = memref.load %arg15[%swap3A_867] : memref<64xi32, #tpu.memory_space<smem>>
      memref.store %add3A_866, %arg15[%swap3A_867] : memref<64xi32, #tpu.memory_space<smem>>
      %mul3A_869 = arith.constant 64 : i32
      %mul3A_870 = arith.muli %squeeze3A_862, %mul3A_869 : i32
      %min3A_871 = arith.constant 63 : i32
      %min3A_872 = arith.minsi %get3A_864, %min3A_871 : i32
      %add3A_873 = arith.addi %mul3A_870, %min3A_872 : i32
      %eq3A_874 = arith.constant 13 : i32
      %eq3A_875 = vector.broadcast %eq3A_874 : i32 to vector<16xi32>
      %eq3A_876 = arith.cmpi eq, %iota3A, %eq3A_875 : vector<16xi32>
      %swap3A_877 = arith.index_cast %add3A_873 : i32 to index
      %swap3A_878 = tpu.vector_load %arg13[%swap3A_877] masked %eq3A_876 {strides = array<i32>} : memref<4112xi32, #tpu.memory_space<vmem>>, vector<16xi32>, vector<16xi1>
      tpu.vector_store %arg13[%swap3A_877], %or3A masked %eq3A_876 {strides = array<i32>} : memref<4112xi32, #tpu.memory_space<vmem>>, vector<16xi32>, vector<16xi1>
      %slice3A_879 = vector.extract_strided_slice %select_n3A_627 {offsets = [14], sizes = [1], strides = [1]} : vector<16xi32> to vector<1xi32>
      %squeeze3A_880 = vector.extract %slice3A_879[0] : i32 from vector<1xi32>
      %get3A_881 = arith.index_cast %squeeze3A_880 : i32 to index
      %get3A_882 = memref.load %arg15[%get3A_881] : memref<64xi32, #tpu.memory_space<smem>>
      %add3A_883 = arith.constant 1 : i32
      %add3A_884 = arith.addi %get3A_882, %add3A_883 : i32
      %swap3A_885 = arith.index_cast %squeeze3A_880 : i32 to index
      %swap3A_886 = memref.load %arg15[%swap3A_885] : memref<64xi32, #tpu.memory_space<smem>>
      memref.store %add3A_884, %arg15[%swap3A_885] : memref<64xi32, #tpu.memory_space<smem>>
      %mul3A_887 = arith.constant 64 : i32
      %mul3A_888 = arith.muli %squeeze3A_880, %mul3A_887 : i32
      %min3A_889 = arith.constant 63 : i32
      %min3A_890 = arith.minsi %get3A_882, %min3A_889 : i32
      %add3A_891 = arith.addi %mul3A_888, %min3A_890 : i32
      %eq3A_892 = arith.constant 14 : i32
      %eq3A_893 = vector.broadcast %eq3A_892 : i32 to vector<16xi32>
      %eq3A_894 = arith.cmpi eq, %iota3A, %eq3A_893 : vector<16xi32>
      %swap3A_895 = arith.index_cast %add3A_891 : i32 to index
      %swap3A_896 = tpu.vector_load %arg13[%swap3A_895] masked %eq3A_894 {strides = array<i32>} : memref<4112xi32, #tpu.memory_space<vmem>>, vector<16xi32>, vector<16xi1>
      tpu.vector_store %arg13[%swap3A_895], %or3A masked %eq3A_894 {strides = array<i32>} : memref<4112xi32, #tpu.memory_space<vmem>>, vector<16xi32>, vector<16xi1>
      %slice3A_897 = vector.extract_strided_slice %select_n3A_627 {offsets = [15], sizes = [1], strides = [1]} : vector<16xi32> to vector<1xi32>
      %squeeze3A_898 = vector.extract %slice3A_897[0] : i32 from vector<1xi32>
      %get3A_899 = arith.index_cast %squeeze3A_898 : i32 to index
      %get3A_900 = memref.load %arg15[%get3A_899] : memref<64xi32, #tpu.memory_space<smem>>
      %add3A_901 = arith.constant 1 : i32
      %add3A_902 = arith.addi %get3A_900, %add3A_901 : i32
      %swap3A_903 = arith.index_cast %squeeze3A_898 : i32 to index
      %swap3A_904 = memref.load %arg15[%swap3A_903] : memref<64xi32, #tpu.memory_space<smem>>
      memref.store %add3A_902, %arg15[%swap3A_903] : memref<64xi32, #tpu.memory_space<smem>>
      %mul3A_905 = arith.constant 64 : i32
      %mul3A_906 = arith.muli %squeeze3A_898, %mul3A_905 : i32
      %min3A_907 = arith.constant 63 : i32
      %min3A_908 = arith.minsi %get3A_900, %min3A_907 : i32
      %add3A_909 = arith.addi %mul3A_906, %min3A_908 : i32
      %eq3A_910 = arith.constant 15 : i32
      %eq3A_911 = vector.broadcast %eq3A_910 : i32 to vector<16xi32>
      %eq3A_912 = arith.cmpi eq, %iota3A, %eq3A_911 : vector<16xi32>
      %swap3A_913 = arith.index_cast %add3A_909 : i32 to index
      %swap3A_914 = tpu.vector_load %arg13[%swap3A_913] masked %eq3A_912 {strides = array<i32>} : memref<4112xi32, #tpu.memory_space<vmem>>, vector<16xi32>, vector<16xi1>
      tpu.vector_store %arg13[%swap3A_913], %or3A masked %eq3A_912 {strides = array<i32>} : memref<4112xi32, #tpu.memory_space<vmem>>, vector<16xi32>, vector<16xi1>
    }
    %while3A_558 = arith.constant 1 : i32
    scf.for %while3A_609 = %while3A_556 to %while3A_552 step %while3A_558  : i32 {
      %mul3A_610 = arith.constant 16 : i32
      %mul3A_611 = arith.muli %while3A_609, %mul3A_610 : i32
      %get3A = arith.index_cast %mul3A_611 : i32 to index
      %get3A_612 = tpu.vector_load %arg9[%get3A] {strides = array<i32>} : memref<4096xi32, #tpu.memory_space<vmem>>, vector<16xi32>,
      %mul3A_613 = arith.constant 16 : i32
      %mul3A_614 = arith.muli %while3A_609, %mul3A_613 : i32
      %get3A_615 = arith.index_cast %mul3A_614 : i32 to index
      %get3A_616 = tpu.vector_load %arg10[%get3A_615] {strides = array<i32>} : memref<4096xi32, #tpu.memory_space<vmem>>, vector<16xi32>,
      %mul3A_617 = arith.constant 16 : i32
      %mul3A_618 = arith.muli %while3A_609, %mul3A_617 : i32
      %add3A_619 = vector.broadcast %mul3A_618 : i32 to vector<16xi32>
      %add3A_620 = arith.addi %iota3A, %add3A_619 : vector<16xi32>
      %lt3A = vector.broadcast %scan3A_526#0 : i32 to vector<16xi32>
      %lt3A_621 = arith.cmpi slt, %add3A_620, %lt3A : vector<16xi32>
      %sub3A_622 = vector.broadcast %mul3A_4 : i32 to vector<16xi32>
      %sub3A_623 = arith.subi %get3A_612, %sub3A_622 : vector<16xi32>
      %shift_right_logical3A = arith.constant 9 : i32
      %shift_right_logical3A_624 = vector.broadcast %shift_right_logical3A : i32 to vector<16xi32>
      %shift_right_logical3A_625 = arith.shrui %sub3A_623, %shift_right_logical3A_624 : vector<16xi32>
      %jit3A_626 = arith.constant 63 : i32
      %broadcast_in_dim3A = vector.broadcast %jit3A_626 : i32 to vector<16xi32>
      %select_n3A_627 = arith.select %lt3A_621, %shift_right_logical3A_625, %broadcast_in_dim3A : vector<16xi1>, vector<16xi32>
      %shift_left3A = arith.constant 14 : i32
      %shift_left3A_628 = vector.broadcast %shift_left3A : i32 to vector<16xi32>
      %shift_left3A_629 = arith.shli %sub3A_623, %shift_left3A_628 : vector<16xi32>
      %or3A = arith.ori %shift_left3A_629, %get3A_616 : vector<16xi32>
      %slice3A = vector.extract_strided_slice %select_n3A_627 {offsets = [0], sizes = [1], strides = [1]} : vector<16xi32> to vector<1xi32>
      %squeeze3A = vector.extract %slice3A[0] : i32 from vector<1xi32>
      %get3A_630 = arith.index_cast %squeeze3A : i32 to index
      %get3A_631 = memref.load %arg15[%get3A_630] : memref<64xi32, #tpu.memory_space<smem>>
      %add3A_632 = arith.constant 1 : i32
      %add3A_633 = arith.addi %get3A_631, %add3A_632 : i32
      %swap3A_634 = arith.index_cast %squeeze3A : i32 to index
      %swap3A_635 = memref.load %arg15[%swap3A_634] : memref<64xi32, #tpu.memory_space<smem>>
      memref.store %add3A_633, %arg15[%swap3A_634] : memref<64xi32, #tpu.memory_space<smem>>
      %mul3A_636 = arith.constant 64 : i32
      %mul3A_637 = arith.muli %squeeze3A, %mul3A_636 : i32
      %min3A = arith.constant 63 : i32
      %min3A_638 = arith.minsi %get3A_631, %min3A : i32
      %add3A_639 = arith.addi %mul3A_637, %min3A_638 : i32
      %eq3A_640 = arith.constant 0 : i32
      %eq3A_641 = vector.broadcast %eq3A_640 : i32 to vector<16xi32>
      %eq3A_642 = arith.cmpi eq, %iota3A, %eq3A_641 : vector<16xi32>
      %swap3A_643 = arith.index_cast %add3A_639 : i32 to index
      %swap3A_644 = tpu.vector_load %arg13[%swap3A_643] masked %eq3A_642 {strides = array<i32>} : memref<4112xi32, #tpu.memory_space<vmem>>, vector<16xi32>, vector<16xi1>
      tpu.vector_store %arg13[%swap3A_643], %or3A masked %eq3A_642 {strides = array<i32>} : memref<4112xi32, #tpu.memory_space<vmem>>, vector<16xi32>, vector<16xi1>
      %slice3A_645 = vector.extract_strided_slice %select_n3A_627 {offsets = [1], sizes = [1], strides = [1]} : vector<16xi32> to vector<1xi32>
      %squeeze3A_646 = vector.extract %slice3A_645[0] : i32 from vector<1xi32>
      %get3A_647 = arith.index_cast %squeeze3A_646 : i32 to index
      %get3A_648 = memref.load %arg15[%get3A_647] : memref<64xi32, #tpu.memory_space<smem>>
      %add3A_649 = arith.constant 1 : i32
      %add3A_650 = arith.addi %get3A_648, %add3A_649 : i32
      %swap3A_651 = arith.index_cast %squeeze3A_646 : i32 to index
      %swap3A_652 = memref.load %arg15[%swap3A_651] : memref<64xi32, #tpu.memory_space<smem>>
      memref.store %add3A_650, %arg15[%swap3A_651] : memref<64xi32, #tpu.memory_space<smem>>
      %mul3A_653 = arith.constant 64 : i32
      %mul3A_654 = arith.muli %squeeze3A_646, %mul3A_653 : i32
      %min3A_655 = arith.constant 63 : i32
      %min3A_656 = arith.minsi %get3A_648, %min3A_655 : i32
      %add3A_657 = arith.addi %mul3A_654, %min3A_656 : i32
      %eq3A_658 = arith.constant 1 : i32
      %eq3A_659 = vector.broadcast %eq3A_658 : i32 to vector<16xi32>
      %eq3A_660 = arith.cmpi eq, %iota3A, %eq3A_659 : vector<16xi32>
      %swap3A_661 = arith.index_cast %add3A_657 : i32 to index
      %swap3A_662 = tpu.vector_load %arg13[%swap3A_661] masked %eq3A_660 {strides = array<i32>} : memref<4112xi32, #tpu.memory_space<vmem>>, vector<16xi32>, vector<16xi1>
      tpu.vector_store %arg13[%swap3A_661], %or3A masked %eq3A_660 {strides = array<i32>} : memref<4112xi32, #tpu.memory_space<vmem>>, vector<16xi32>, vector<16xi1>
      %slice3A_663 = vector.extract_strided_slice %select_n3A_627 {offsets = [2], sizes = [1], strides = [1]} : vector<16xi32> to vector<1xi32>
      %squeeze3A_664 = vector.extract %slice3A_663[0] : i32 from vector<1xi32>
      %get3A_665 = arith.index_cast %squeeze3A_664 : i32 to index
      %get3A_666 = memref.load %arg15[%get3A_665] : memref<64xi32, #tpu.memory_space<smem>>
      %add3A_667 = arith.constant 1 : i32
      %add3A_668 = arith.addi %get3A_666, %add3A_667 : i32
      %swap3A_669 = arith.index_cast %squeeze3A_664 : i32 to index
      %swap3A_670 = memref.load %arg15[%swap3A_669] : memref<64xi32, #tpu.memory_space<smem>>
      memref.store %add3A_668, %arg15[%swap3A_669] : memref<64xi32, #tpu.memory_space<smem>>
      %mul3A_671 = arith.constant 64 : i32
      %mul3A_672 = arith.muli %squeeze3A_664, %mul3A_671 : i32
      %min3A_673 = arith.constant 63 : i32
      %min3A_674 = arith.minsi %get3A_666, %min3A_673 : i32
      %add3A_675 = arith.addi %mul3A_672, %min3A_674 : i32
      %eq3A_676 = arith.constant 2 : i32
      %eq3A_677 = vector.broadcast %eq3A_676 : i32 to vector<16xi32>
      %eq3A_678 = arith.cmpi eq, %iota3A, %eq3A_677 : vector<16xi32>
      %swap3A_679 = arith.index_cast %add3A_675 : i32 to index
      %swap3A_680 = tpu.vector_load %arg13[%swap3A_679] masked %eq3A_678 {strides = array<i32>} : memref<4112xi32, #tpu.memory_space<vmem>>, vector<16xi32>, vector<16xi1>
      tpu.vector_store %arg13[%swap3A_679], %or3A masked %eq3A_678 {strides = array<i32>} : memref<4112xi32, #tpu.memory_space<vmem>>, vector<16xi32>, vector<16xi1>
      %slice3A_681 = vector.extract_strided_slice %select_n3A_627 {offsets = [3], sizes = [1], strides = [1]} : vector<16xi32> to vector<1xi32>
      %squeeze3A_682 = vector.extract %slice3A_681[0] : i32 from vector<1xi32>
      %get3A_683 = arith.index_cast %squeeze3A_682 : i32 to index
      %get3A_684 = memref.load %arg15[%get3A_683] : memref<64xi32, #tpu.memory_space<smem>>
      %add3A_685 = arith.constant 1 : i32
      %add3A_686 = arith.addi %get3A_684, %add3A_685 : i32
      %swap3A_687 = arith.index_cast %squeeze3A_682 : i32 to index
      %swap3A_688 = memref.load %arg15[%swap3A_687] : memref<64xi32, #tpu.memory_space<smem>>
      memref.store %add3A_686, %arg15[%swap3A_687] : memref<64xi32, #tpu.memory_space<smem>>
      %mul3A_689 = arith.constant 64 : i32
      %mul3A_690 = arith.muli %squeeze3A_682, %mul3A_689 : i32
      %min3A_691 = arith.constant 63 : i32
      %min3A_692 = arith.minsi %get3A_684, %min3A_691 : i32
      %add3A_693 = arith.addi %mul3A_690, %min3A_692 : i32
      %eq3A_694 = arith.constant 3 : i32
      %eq3A_695 = vector.broadcast %eq3A_694 : i32 to vector<16xi32>
      %eq3A_696 = arith.cmpi eq, %iota3A, %eq3A_695 : vector<16xi32>
      %swap3A_697 = arith.index_cast %add3A_693 : i32 to index
      %swap3A_698 = tpu.vector_load %arg13[%swap3A_697] masked %eq3A_696 {strides = array<i32>} : memref<4112xi32, #tpu.memory_space<vmem>>, vector<16xi32>, vector<16xi1>
      tpu.vector_store %arg13[%swap3A_697], %or3A masked %eq3A_696 {strides = array<i32>} : memref<4112xi32, #tpu.memory_space<vmem>>, vector<16xi32>, vector<16xi1>
      %slice3A_699 = vector.extract_strided_slice %select_n3A_627 {offsets = [4], sizes = [1], strides = [1]} : vector<16xi32> to vector<1xi32>
      %squeeze3A_700 = vector.extract %slice3A_699[0] : i32 from vector<1xi32>
      %get3A_701 = arith.index_cast %squeeze3A_700 : i32 to index
      %get3A_702 = memref.load %arg15[%get3A_701] : memref<64xi32, #tpu.memory_space<smem>>
      %add3A_703 = arith.constant 1 : i32
      %add3A_704 = arith.addi %get3A_702, %add3A_703 : i32
      %swap3A_705 = arith.index_cast %squeeze3A_700 : i32 to index
      %swap3A_706 = memref.load %arg15[%swap3A_705] : memref<64xi32, #tpu.memory_space<smem>>
      memref.store %add3A_704, %arg15[%swap3A_705] : memref<64xi32, #tpu.memory_space<smem>>
      %mul3A_707 = arith.constant 64 : i32
      %mul3A_708 = arith.muli %squeeze3A_700, %mul3A_707 : i32
      %min3A_709 = arith.constant 63 : i32
      %min3A_710 = arith.minsi %get3A_702, %min3A_709 : i32
      %add3A_711 = arith.addi %mul3A_708, %min3A_710 : i32
      %eq3A_712 = arith.constant 4 : i32
      %eq3A_713 = vector.broadcast %eq3A_712 : i32 to vector<16xi32>
      %eq3A_714 = arith.cmpi eq, %iota3A, %eq3A_713 : vector<16xi32>
      %swap3A_715 = arith.index_cast %add3A_711 : i32 to index
      %swap3A_716 = tpu.vector_load %arg13[%swap3A_715] masked %eq3A_714 {strides = array<i32>} : memref<4112xi32, #tpu.memory_space<vmem>>, vector<16xi32>, vector<16xi1>
      tpu.vector_store %arg13[%swap3A_715], %or3A masked %eq3A_714 {strides = array<i32>} : memref<4112xi32, #tpu.memory_space<vmem>>, vector<16xi32>, vector<16xi1>
      %slice3A_717 = vector.extract_strided_slice %select_n3A_627 {offsets = [5], sizes = [1], strides = [1]} : vector<16xi32> to vector<1xi32>
      %squeeze3A_718 = vector.extract %slice3A_717[0] : i32 from vector<1xi32>
      %get3A_719 = arith.index_cast %squeeze3A_718 : i32 to index
      %get3A_720 = memref.load %arg15[%get3A_719] : memref<64xi32, #tpu.memory_space<smem>>
      %add3A_721 = arith.constant 1 : i32
      %add3A_722 = arith.addi %get3A_720, %add3A_721 : i32
      %swap3A_723 = arith.index_cast %squeeze3A_718 : i32 to index
      %swap3A_724 = memref.load %arg15[%swap3A_723] : memref<64xi32, #tpu.memory_space<smem>>
      memref.store %add3A_722, %arg15[%swap3A_723] : memref<64xi32, #tpu.memory_space<smem>>
      %mul3A_725 = arith.constant 64 : i32
      %mul3A_726 = arith.muli %squeeze3A_718, %mul3A_725 : i32
      %min3A_727 = arith.constant 63 : i32
      %min3A_728 = arith.minsi %get3A_720, %min3A_727 : i32
      %add3A_729 = arith.addi %mul3A_726, %min3A_728 : i32
      %eq3A_730 = arith.constant 5 : i32
      %eq3A_731 = vector.broadcast %eq3A_730 : i32 to vector<16xi32>
      %eq3A_732 = arith.cmpi eq, %iota3A, %eq3A_731 : vector<16xi32>
      %swap3A_733 = arith.index_cast %add3A_729 : i32 to index
      %swap3A_734 = tpu.vector_load %arg13[%swap3A_733] masked %eq3A_732 {strides = array<i32>} : memref<4112xi32, #tpu.memory_space<vmem>>, vector<16xi32>, vector<16xi1>
      tpu.vector_store %arg13[%swap3A_733], %or3A masked %eq3A_732 {strides = array<i32>} : memref<4112xi32, #tpu.memory_space<vmem>>, vector<16xi32>, vector<16xi1>
      %slice3A_735 = vector.extract_strided_slice %select_n3A_627 {offsets = [6], sizes = [1], strides = [1]} : vector<16xi32> to vector<1xi32>
      %squeeze3A_736 = vector.extract %slice3A_735[0] : i32 from vector<1xi32>
      %get3A_737 = arith.index_cast %squeeze3A_736 : i32 to index
      %get3A_738 = memref.load %arg15[%get3A_737] : memref<64xi32, #tpu.memory_space<smem>>
      %add3A_739 = arith.constant 1 : i32
      %add3A_740 = arith.addi %get3A_738, %add3A_739 : i32
      %swap3A_741 = arith.index_cast %squeeze3A_736 : i32 to index
      %swap3A_742 = memref.load %arg15[%swap3A_741] : memref<64xi32, #tpu.memory_space<smem>>
      memref.store %add3A_740, %arg15[%swap3A_741] : memref<64xi32, #tpu.memory_space<smem>>
      %mul3A_743 = arith.constant 64 : i32
      %mul3A_744 = arith.muli %squeeze3A_736, %mul3A_743 : i32
      %min3A_745 = arith.constant 63 : i32
      %min3A_746 = arith.minsi %get3A_738, %min3A_745 : i32
      %add3A_747 = arith.addi %mul3A_744, %min3A_746 : i32
      %eq3A_748 = arith.constant 6 : i32
      %eq3A_749 = vector.broadcast %eq3A_748 : i32 to vector<16xi32>
      %eq3A_750 = arith.cmpi eq, %iota3A, %eq3A_749 : vector<16xi32>
      %swap3A_751 = arith.index_cast %add3A_747 : i32 to index
      %swap3A_752 = tpu.vector_load %arg13[%swap3A_751] masked %eq3A_750 {strides = array<i32>} : memref<4112xi32, #tpu.memory_space<vmem>>, vector<16xi32>, vector<16xi1>
      tpu.vector_store %arg13[%swap3A_751], %or3A masked %eq3A_750 {strides = array<i32>} : memref<4112xi32, #tpu.memory_space<vmem>>, vector<16xi32>, vector<16xi1>
      %slice3A_753 = vector.extract_strided_slice %select_n3A_627 {offsets = [7], sizes = [1], strides = [1]} : vector<16xi32> to vector<1xi32>
      %squeeze3A_754 = vector.extract %slice3A_753[0] : i32 from vector<1xi32>
      %get3A_755 = arith.index_cast %squeeze3A_754 : i32 to index
      %get3A_756 = memref.load %arg15[%get3A_755] : memref<64xi32, #tpu.memory_space<smem>>
      %add3A_757 = arith.constant 1 : i32
      %add3A_758 = arith.addi %get3A_756, %add3A_757 : i32
      %swap3A_759 = arith.index_cast %squeeze3A_754 : i32 to index
      %swap3A_760 = memref.load %arg15[%swap3A_759] : memref<64xi32, #tpu.memory_space<smem>>
      memref.store %add3A_758, %arg15[%swap3A_759] : memref<64xi32, #tpu.memory_space<smem>>
      %mul3A_761 = arith.constant 64 : i32
      %mul3A_762 = arith.muli %squeeze3A_754, %mul3A_761 : i32
      %min3A_763 = arith.constant 63 : i32
      %min3A_764 = arith.minsi %get3A_756, %min3A_763 : i32
      %add3A_765 = arith.addi %mul3A_762, %min3A_764 : i32
      %eq3A_766 = arith.constant 7 : i32
      %eq3A_767 = vector.broadcast %eq3A_766 : i32 to vector<16xi32>
      %eq3A_768 = arith.cmpi eq, %iota3A, %eq3A_767 : vector<16xi32>
      %swap3A_769 = arith.index_cast %add3A_765 : i32 to index
      %swap3A_770 = tpu.vector_load %arg13[%swap3A_769] masked %eq3A_768 {strides = array<i32>} : memref<4112xi32, #tpu.memory_space<vmem>>, vector<16xi32>, vector<16xi1>
      tpu.vector_store %arg13[%swap3A_769], %or3A masked %eq3A_768 {strides = array<i32>} : memref<4112xi32, #tpu.memory_space<vmem>>, vector<16xi32>, vector<16xi1>
      %slice3A_771 = vector.extract_strided_slice %select_n3A_627 {offsets = [8], sizes = [1], strides = [1]} : vector<16xi32> to vector<1xi32>
      %squeeze3A_772 = vector.extract %slice3A_771[0] : i32 from vector<1xi32>
      %get3A_773 = arith.index_cast %squeeze3A_772 : i32 to index
      %get3A_774 = memref.load %arg15[%get3A_773] : memref<64xi32, #tpu.memory_space<smem>>
      %add3A_775 = arith.constant 1 : i32
      %add3A_776 = arith.addi %get3A_774, %add3A_775 : i32
      %swap3A_777 = arith.index_cast %squeeze3A_772 : i32 to index
      %swap3A_778 = memref.load %arg15[%swap3A_777] : memref<64xi32, #tpu.memory_space<smem>>
      memref.store %add3A_776, %arg15[%swap3A_777] : memref<64xi32, #tpu.memory_space<smem>>
      %mul3A_779 = arith.constant 64 : i32
      %mul3A_780 = arith.muli %squeeze3A_772, %mul3A_779 : i32
      %min3A_781 = arith.constant 63 : i32
      %min3A_782 = arith.minsi %get3A_774, %min3A_781 : i32
      %add3A_783 = arith.addi %mul3A_780, %min3A_782 : i32
      %eq3A_784 = arith.constant 8 : i32
      %eq3A_785 = vector.broadcast %eq3A_784 : i32 to vector<16xi32>
      %eq3A_786 = arith.cmpi eq, %iota3A, %eq3A_785 : vector<16xi32>
      %swap3A_787 = arith.index_cast %add3A_783 : i32 to index
      %swap3A_788 = tpu.vector_load %arg13[%swap3A_787] masked %eq3A_786 {strides = array<i32>} : memref<4112xi32, #tpu.memory_space<vmem>>, vector<16xi32>, vector<16xi1>
      tpu.vector_store %arg13[%swap3A_787], %or3A masked %eq3A_786 {strides = array<i32>} : memref<4112xi32, #tpu.memory_space<vmem>>, vector<16xi32>, vector<16xi1>
      %slice3A_789 = vector.extract_strided_slice %select_n3A_627 {offsets = [9], sizes = [1], strides = [1]} : vector<16xi32> to vector<1xi32>
      %squeeze3A_790 = vector.extract %slice3A_789[0] : i32 from vector<1xi32>
      %get3A_791 = arith.index_cast %squeeze3A_790 : i32 to index
      %get3A_792 = memref.load %arg15[%get3A_791] : memref<64xi32, #tpu.memory_space<smem>>
      %add3A_793 = arith.constant 1 : i32
      %add3A_794 = arith.addi %get3A_792, %add3A_793 : i32
      %swap3A_795 = arith.index_cast %squeeze3A_790 : i32 to index
      %swap3A_796 = memref.load %arg15[%swap3A_795] : memref<64xi32, #tpu.memory_space<smem>>
      memref.store %add3A_794, %arg15[%swap3A_795] : memref<64xi32, #tpu.memory_space<smem>>
      %mul3A_797 = arith.constant 64 : i32
      %mul3A_798 = arith.muli %squeeze3A_790, %mul3A_797 : i32
      %min3A_799 = arith.constant 63 : i32
      %min3A_800 = arith.minsi %get3A_792, %min3A_799 : i32
      %add3A_801 = arith.addi %mul3A_798, %min3A_800 : i32
      %eq3A_802 = arith.constant 9 : i32
      %eq3A_803 = vector.broadcast %eq3A_802 : i32 to vector<16xi32>
      %eq3A_804 = arith.cmpi eq, %iota3A, %eq3A_803 : vector<16xi32>
      %swap3A_805 = arith.index_cast %add3A_801 : i32 to index
      %swap3A_806 = tpu.vector_load %arg13[%swap3A_805] masked %eq3A_804 {strides = array<i32>} : memref<4112xi32, #tpu.memory_space<vmem>>, vector<16xi32>, vector<16xi1>
      tpu.vector_store %arg13[%swap3A_805], %or3A masked %eq3A_804 {strides = array<i32>} : memref<4112xi32, #tpu.memory_space<vmem>>, vector<16xi32>, vector<16xi1>
      %slice3A_807 = vector.extract_strided_slice %select_n3A_627 {offsets = [10], sizes = [1], strides = [1]} : vector<16xi32> to vector<1xi32>
      %squeeze3A_808 = vector.extract %slice3A_807[0] : i32 from vector<1xi32>
      %get3A_809 = arith.index_cast %squeeze3A_808 : i32 to index
      %get3A_810 = memref.load %arg15[%get3A_809] : memref<64xi32, #tpu.memory_space<smem>>
      %add3A_811 = arith.constant 1 : i32
      %add3A_812 = arith.addi %get3A_810, %add3A_811 : i32
      %swap3A_813 = arith.index_cast %squeeze3A_808 : i32 to index
      %swap3A_814 = memref.load %arg15[%swap3A_813] : memref<64xi32, #tpu.memory_space<smem>>
      memref.store %add3A_812, %arg15[%swap3A_813] : memref<64xi32, #tpu.memory_space<smem>>
      %mul3A_815 = arith.constant 64 : i32
      %mul3A_816 = arith.muli %squeeze3A_808, %mul3A_815 : i32
      %min3A_817 = arith.constant 63 : i32
      %min3A_818 = arith.minsi %get3A_810, %min3A_817 : i32
      %add3A_819 = arith.addi %mul3A_816, %min3A_818 : i32
      %eq3A_820 = arith.constant 10 : i32
      %eq3A_821 = vector.broadcast %eq3A_820 : i32 to vector<16xi32>
      %eq3A_822 = arith.cmpi eq, %iota3A, %eq3A_821 : vector<16xi32>
      %swap3A_823 = arith.index_cast %add3A_819 : i32 to index
      %swap3A_824 = tpu.vector_load %arg13[%swap3A_823] masked %eq3A_822 {strides = array<i32>} : memref<4112xi32, #tpu.memory_space<vmem>>, vector<16xi32>, vector<16xi1>
      tpu.vector_store %arg13[%swap3A_823], %or3A masked %eq3A_822 {strides = array<i32>} : memref<4112xi32, #tpu.memory_space<vmem>>, vector<16xi32>, vector<16xi1>
      %slice3A_825 = vector.extract_strided_slice %select_n3A_627 {offsets = [11], sizes = [1], strides = [1]} : vector<16xi32> to vector<1xi32>
      %squeeze3A_826 = vector.extract %slice3A_825[0] : i32 from vector<1xi32>
      %get3A_827 = arith.index_cast %squeeze3A_826 : i32 to index
      %get3A_828 = memref.load %arg15[%get3A_827] : memref<64xi32, #tpu.memory_space<smem>>
      %add3A_829 = arith.constant 1 : i32
      %add3A_830 = arith.addi %get3A_828, %add3A_829 : i32
      %swap3A_831 = arith.index_cast %squeeze3A_826 : i32 to index
      %swap3A_832 = memref.load %arg15[%swap3A_831] : memref<64xi32, #tpu.memory_space<smem>>
      memref.store %add3A_830, %arg15[%swap3A_831] : memref<64xi32, #tpu.memory_space<smem>>
      %mul3A_833 = arith.constant 64 : i32
      %mul3A_834 = arith.muli %squeeze3A_826, %mul3A_833 : i32
      %min3A_835 = arith.constant 63 : i32
      %min3A_836 = arith.minsi %get3A_828, %min3A_835 : i32
      %add3A_837 = arith.addi %mul3A_834, %min3A_836 : i32
      %eq3A_838 = arith.constant 11 : i32
      %eq3A_839 = vector.broadcast %eq3A_838 : i32 to vector<16xi32>
      %eq3A_840 = arith.cmpi eq, %iota3A, %eq3A_839 : vector<16xi32>
      %swap3A_841 = arith.index_cast %add3A_837 : i32 to index
      %swap3A_842 = tpu.vector_load %arg13[%swap3A_841] masked %eq3A_840 {strides = array<i32>} : memref<4112xi32, #tpu.memory_space<vmem>>, vector<16xi32>, vector<16xi1>
      tpu.vector_store %arg13[%swap3A_841], %or3A masked %eq3A_840 {strides = array<i32>} : memref<4112xi32, #tpu.memory_space<vmem>>, vector<16xi32>, vector<16xi1>
      %slice3A_843 = vector.extract_strided_slice %select_n3A_627 {offsets = [12], sizes = [1], strides = [1]} : vector<16xi32> to vector<1xi32>
      %squeeze3A_844 = vector.extract %slice3A_843[0] : i32 from vector<1xi32>
      %get3A_845 = arith.index_cast %squeeze3A_844 : i32 to index
      %get3A_846 = memref.load %arg15[%get3A_845] : memref<64xi32, #tpu.memory_space<smem>>
      %add3A_847 = arith.constant 1 : i32
      %add3A_848 = arith.addi %get3A_846, %add3A_847 : i32
      %swap3A_849 = arith.index_cast %squeeze3A_844 : i32 to index
      %swap3A_850 = memref.load %arg15[%swap3A_849] : memref<64xi32, #tpu.memory_space<smem>>
      memref.store %add3A_848, %arg15[%swap3A_849] : memref<64xi32, #tpu.memory_space<smem>>
      %mul3A_851 = arith.constant 64 : i32
      %mul3A_852 = arith.muli %squeeze3A_844, %mul3A_851 : i32
      %min3A_853 = arith.constant 63 : i32
      %min3A_854 = arith.minsi %get3A_846, %min3A_853 : i32
      %add3A_855 = arith.addi %mul3A_852, %min3A_854 : i32
      %eq3A_856 = arith.constant 12 : i32
      %eq3A_857 = vector.broadcast %eq3A_856 : i32 to vector<16xi32>
      %eq3A_858 = arith.cmpi eq, %iota3A, %eq3A_857 : vector<16xi32>
      %swap3A_859 = arith.index_cast %add3A_855 : i32 to index
      %swap3A_860 = tpu.vector_load %arg13[%swap3A_859] masked %eq3A_858 {strides = array<i32>} : memref<4112xi32, #tpu.memory_space<vmem>>, vector<16xi32>, vector<16xi1>
      tpu.vector_store %arg13[%swap3A_859], %or3A masked %eq3A_858 {strides = array<i32>} : memref<4112xi32, #tpu.memory_space<vmem>>, vector<16xi32>, vector<16xi1>
      %slice3A_861 = vector.extract_strided_slice %select_n3A_627 {offsets = [13], sizes = [1], strides = [1]} : vector<16xi32> to vector<1xi32>
      %squeeze3A_862 = vector.extract %slice3A_861[0] : i32 from vector<1xi32>
      %get3A_863 = arith.index_cast %squeeze3A_862 : i32 to index
      %get3A_864 = memref.load %arg15[%get3A_863] : memref<64xi32, #tpu.memory_space<smem>>
      %add3A_865 = arith.constant 1 : i32
      %add3A_866 = arith.addi %get3A_864, %add3A_865 : i32
      %swap3A_867 = arith.index_cast %squeeze3A_862 : i32 to index
      %swap3A_868 = memref.load %arg15[%swap3A_867] : memref<64xi32, #tpu.memory_space<smem>>
      memref.store %add3A_866, %arg15[%swap3A_867] : memref<64xi32, #tpu.memory_space<smem>>
      %mul3A_869 = arith.constant 64 : i32
      %mul3A_870 = arith.muli %squeeze3A_862, %mul3A_869 : i32
      %min3A_871 = arith.constant 63 : i32
      %min3A_872 = arith.minsi %get3A_864, %min3A_871 : i32
      %add3A_873 = arith.addi %mul3A_870, %min3A_872 : i32
      %eq3A_874 = arith.constant 13 : i32
      %eq3A_875 = vector.broadcast %eq3A_874 : i32 to vector<16xi32>
      %eq3A_876 = arith.cmpi eq, %iota3A, %eq3A_875 : vector<16xi32>
      %swap3A_877 = arith.index_cast %add3A_873 : i32 to index
      %swap3A_878 = tpu.vector_load %arg13[%swap3A_877] masked %eq3A_876 {strides = array<i32>} : memref<4112xi32, #tpu.memory_space<vmem>>, vector<16xi32>, vector<16xi1>
      tpu.vector_store %arg13[%swap3A_877], %or3A masked %eq3A_876 {strides = array<i32>} : memref<4112xi32, #tpu.memory_space<vmem>>, vector<16xi32>, vector<16xi1>
      %slice3A_879 = vector.extract_strided_slice %select_n3A_627 {offsets = [14], sizes = [1], strides = [1]} : vector<16xi32> to vector<1xi32>
      %squeeze3A_880 = vector.extract %slice3A_879[0] : i32 from vector<1xi32>
      %get3A_881 = arith.index_cast %squeeze3A_880 : i32 to index
      %get3A_882 = memref.load %arg15[%get3A_881] : memref<64xi32, #tpu.memory_space<smem>>
      %add3A_883 = arith.constant 1 : i32
      %add3A_884 = arith.addi %get3A_882, %add3A_883 : i32
      %swap3A_885 = arith.index_cast %squeeze3A_880 : i32 to index
      %swap3A_886 = memref.load %arg15[%swap3A_885] : memref<64xi32, #tpu.memory_space<smem>>
      memref.store %add3A_884, %arg15[%swap3A_885] : memref<64xi32, #tpu.memory_space<smem>>
      %mul3A_887 = arith.constant 64 : i32
      %mul3A_888 = arith.muli %squeeze3A_880, %mul3A_887 : i32
      %min3A_889 = arith.constant 63 : i32
      %min3A_890 = arith.minsi %get3A_882, %min3A_889 : i32
      %add3A_891 = arith.addi %mul3A_888, %min3A_890 : i32
      %eq3A_892 = arith.constant 14 : i32
      %eq3A_893 = vector.broadcast %eq3A_892 : i32 to vector<16xi32>
      %eq3A_894 = arith.cmpi eq, %iota3A, %eq3A_893 : vector<16xi32>
      %swap3A_895 = arith.index_cast %add3A_891 : i32 to index
      %swap3A_896 = tpu.vector_load %arg13[%swap3A_895] masked %eq3A_894 {strides = array<i32>} : memref<4112xi32, #tpu.memory_space<vmem>>, vector<16xi32>, vector<16xi1>
      tpu.vector_store %arg13[%swap3A_895], %or3A masked %eq3A_894 {strides = array<i32>} : memref<4112xi32, #tpu.memory_space<vmem>>, vector<16xi32>, vector<16xi1>
      %slice3A_897 = vector.extract_strided_slice %select_n3A_627 {offsets = [15], sizes = [1], strides = [1]} : vector<16xi32> to vector<1xi32>
      %squeeze3A_898 = vector.extract %slice3A_897[0] : i32 from vector<1xi32>
      %get3A_899 = arith.index_cast %squeeze3A_898 : i32 to index
      %get3A_900 = memref.load %arg15[%get3A_899] : memref<64xi32, #tpu.memory_space<smem>>
      %add3A_901 = arith.constant 1 : i32
      %add3A_902 = arith.addi %get3A_900, %add3A_901 : i32
      %swap3A_903 = arith.index_cast %squeeze3A_898 : i32 to index
      %swap3A_904 = memref.load %arg15[%swap3A_903] : memref<64xi32, #tpu.memory_space<smem>>
      memref.store %add3A_902, %arg15[%swap3A_903] : memref<64xi32, #tpu.memory_space<smem>>
      %mul3A_905 = arith.constant 64 : i32
      %mul3A_906 = arith.muli %squeeze3A_898, %mul3A_905 : i32
      %min3A_907 = arith.constant 63 : i32
      %min3A_908 = arith.minsi %get3A_900, %min3A_907 : i32
      %add3A_909 = arith.addi %mul3A_906, %min3A_908 : i32
      %eq3A_910 = arith.constant 15 : i32
      %eq3A_911 = vector.broadcast %eq3A_910 : i32 to vector<16xi32>
      %eq3A_912 = arith.cmpi eq, %iota3A, %eq3A_911 : vector<16xi32>
      %swap3A_913 = arith.index_cast %add3A_909 : i32 to index
      %swap3A_914 = tpu.vector_load %arg13[%swap3A_913] masked %eq3A_912 {strides = array<i32>} : memref<4112xi32, #tpu.memory_space<vmem>>, vector<16xi32>, vector<16xi1>
      tpu.vector_store %arg13[%swap3A_913], %or3A masked %eq3A_912 {strides = array<i32>} : memref<4112xi32, #tpu.memory_space<vmem>>, vector<16xi32>, vector<16xi1>
    }
    %add3A_559 = arith.constant 16 : i32
    %add3A_560 = arith.addi %scan3A_526#1, %add3A_559 : i32
    %sub3A_561 = arith.constant 1 : i32
    %sub3A_562 = arith.subi %add3A_560, %sub3A_561 : i32
    %jit3A_563 = arith.constant 16 : i32
    %div3A_564 = arith.divsi %sub3A_562, %jit3A_563 : i32
    %sign3A_565 = arith.constant 0 : i32
    %sign3A_566 = arith.cmpi sgt, %sub3A_562, %sign3A_565 : i32
    %sign3A_567 = arith.extui %sign3A_566 : i1 to i32
    %sign3A_568 = arith.constant 0 : i32
    %sign3A_569 = arith.cmpi slt, %sub3A_562, %sign3A_568 : i32
    %sign3A_570 = arith.extui %sign3A_569 : i1 to i32
    %sign3A_571 = arith.subi %sign3A_567, %sign3A_570 : i32
    %sign3A_572 = arith.constant 0 : i32
    %sign3A_573 = arith.cmpi sgt, %jit3A_563, %sign3A_572 : i32
    %sign3A_574 = arith.extui %sign3A_573 : i1 to i32
    %sign3A_575 = arith.constant 0 : i32
    %sign3A_576 = arith.cmpi slt, %jit3A_563, %sign3A_575 : i32
    %sign3A_577 = arith.extui %sign3A_576 : i1 to i32
    %sign3A_578 = arith.subi %sign3A_574, %sign3A_577 : i32
    %ne3A_579 = arith.cmpi ne, %sign3A_571, %sign3A_578 : i32
    %rem3A_580 = arith.remsi %sub3A_562, %jit3A_563 : i32
    %ne3A_581 = arith.constant 0 : i32
    %ne3A_582 = arith.cmpi ne, %rem3A_580, %ne3A_581 : i32
    %and3A_583 = arith.andi %ne3A_579, %ne3A_582 : i1
    %sub3A_584 = arith.constant 1 : i32
    %sub3A_585 = arith.subi %div3A_564, %sub3A_584 : i32
    %select_n3A_586 = arith.select %and3A_583, %sub3A_585, %div3A_564 : i32
    %while3A_587 = arith.constant 0 : i32
    %while3A_588 = arith.constant 0 : i32
    %while3A_589 = arith.subi %select_n3A_586, %while3A_588 : i32
    %while3A_590 = arith.addi %while3A_588, %while3A_589 : i32
    %while3A_591 = arith.constant 1 : i32
    %while3A_592 = arith.divsi %while3A_589, %while3A_591 : i32
    %while3A_593 = arith.muli %while3A_592, %while3A_591 : i32
    %while3A_594 = arith.addi %while3A_588, %while3A_593 : i32
    %while3A_595 = arith.constant 1 : i32
    scf.for %while3A_609 = %while3A_588 to %while3A_594 step %while3A_595  : i32 {
      %mul3A_610 = arith.constant 16 : i32
      %mul3A_611 = arith.muli %while3A_609, %mul3A_610 : i32
      %get3A = arith.index_cast %mul3A_611 : i32 to index
      %get3A_612 = tpu.vector_load %arg11[%get3A] {strides = array<i32>} : memref<4096xi32, #tpu.memory_space<vmem>>, vector<16xi32>,
      %mul3A_613 = arith.constant 16 : i32
      %mul3A_614 = arith.muli %while3A_609, %mul3A_613 : i32
      %get3A_615 = arith.index_cast %mul3A_614 : i32 to index
      %get3A_616 = tpu.vector_load %arg12[%get3A_615] {strides = array<i32>} : memref<4096xi32, #tpu.memory_space<vmem>>, vector<16xi32>,
      %mul3A_617 = arith.constant 16 : i32
      %mul3A_618 = arith.muli %while3A_609, %mul3A_617 : i32
      %add3A_619 = vector.broadcast %mul3A_618 : i32 to vector<16xi32>
      %add3A_620 = arith.addi %iota3A, %add3A_619 : vector<16xi32>
      %lt3A = vector.broadcast %scan3A_526#1 : i32 to vector<16xi32>
      %lt3A_621 = arith.cmpi slt, %add3A_620, %lt3A : vector<16xi32>
      %sub3A_622 = vector.broadcast %mul3A_4 : i32 to vector<16xi32>
      %sub3A_623 = arith.subi %get3A_612, %sub3A_622 : vector<16xi32>
      %shift_right_logical3A = arith.constant 9 : i32
      %shift_right_logical3A_624 = vector.broadcast %shift_right_logical3A : i32 to vector<16xi32>
      %shift_right_logical3A_625 = arith.shrui %sub3A_623, %shift_right_logical3A_624 : vector<16xi32>
      %jit3A_626 = arith.constant 63 : i32
      %broadcast_in_dim3A = vector.broadcast %jit3A_626 : i32 to vector<16xi32>
      %select_n3A_627 = arith.select %lt3A_621, %shift_right_logical3A_625, %broadcast_in_dim3A : vector<16xi1>, vector<16xi32>
      %shift_left3A = arith.constant 14 : i32
      %shift_left3A_628 = vector.broadcast %shift_left3A : i32 to vector<16xi32>
      %shift_left3A_629 = arith.shli %sub3A_623, %shift_left3A_628 : vector<16xi32>
      %or3A = arith.ori %shift_left3A_629, %get3A_616 : vector<16xi32>
      %slice3A = vector.extract_strided_slice %select_n3A_627 {offsets = [0], sizes = [1], strides = [1]} : vector<16xi32> to vector<1xi32>
      %squeeze3A = vector.extract %slice3A[0] : i32 from vector<1xi32>
      %get3A_630 = arith.index_cast %squeeze3A : i32 to index
      %get3A_631 = memref.load %arg16[%get3A_630] : memref<64xi32, #tpu.memory_space<smem>>
      %add3A_632 = arith.constant 1 : i32
      %add3A_633 = arith.addi %get3A_631, %add3A_632 : i32
      %swap3A_634 = arith.index_cast %squeeze3A : i32 to index
      %swap3A_635 = memref.load %arg16[%swap3A_634] : memref<64xi32, #tpu.memory_space<smem>>
      memref.store %add3A_633, %arg16[%swap3A_634] : memref<64xi32, #tpu.memory_space<smem>>
      %mul3A_636 = arith.constant 64 : i32
      %mul3A_637 = arith.muli %squeeze3A, %mul3A_636 : i32
      %min3A = arith.constant 63 : i32
      %min3A_638 = arith.minsi %get3A_631, %min3A : i32
      %add3A_639 = arith.addi %mul3A_637, %min3A_638 : i32
      %eq3A_640 = arith.constant 0 : i32
      %eq3A_641 = vector.broadcast %eq3A_640 : i32 to vector<16xi32>
      %eq3A_642 = arith.cmpi eq, %iota3A, %eq3A_641 : vector<16xi32>
      %swap3A_643 = arith.index_cast %add3A_639 : i32 to index
      %swap3A_644 = tpu.vector_load %arg14[%swap3A_643] masked %eq3A_642 {strides = array<i32>} : memref<4112xi32, #tpu.memory_space<vmem>>, vector<16xi32>, vector<16xi1>
      tpu.vector_store %arg14[%swap3A_643], %or3A masked %eq3A_642 {strides = array<i32>} : memref<4112xi32, #tpu.memory_space<vmem>>, vector<16xi32>, vector<16xi1>
      %slice3A_645 = vector.extract_strided_slice %select_n3A_627 {offsets = [1], sizes = [1], strides = [1]} : vector<16xi32> to vector<1xi32>
      %squeeze3A_646 = vector.extract %slice3A_645[0] : i32 from vector<1xi32>
      %get3A_647 = arith.index_cast %squeeze3A_646 : i32 to index
      %get3A_648 = memref.load %arg16[%get3A_647] : memref<64xi32, #tpu.memory_space<smem>>
      %add3A_649 = arith.constant 1 : i32
      %add3A_650 = arith.addi %get3A_648, %add3A_649 : i32
      %swap3A_651 = arith.index_cast %squeeze3A_646 : i32 to index
      %swap3A_652 = memref.load %arg16[%swap3A_651] : memref<64xi32, #tpu.memory_space<smem>>
      memref.store %add3A_650, %arg16[%swap3A_651] : memref<64xi32, #tpu.memory_space<smem>>
      %mul3A_653 = arith.constant 64 : i32
      %mul3A_654 = arith.muli %squeeze3A_646, %mul3A_653 : i32
      %min3A_655 = arith.constant 63 : i32
      %min3A_656 = arith.minsi %get3A_648, %min3A_655 : i32
      %add3A_657 = arith.addi %mul3A_654, %min3A_656 : i32
      %eq3A_658 = arith.constant 1 : i32
      %eq3A_659 = vector.broadcast %eq3A_658 : i32 to vector<16xi32>
      %eq3A_660 = arith.cmpi eq, %iota3A, %eq3A_659 : vector<16xi32>
      %swap3A_661 = arith.index_cast %add3A_657 : i32 to index
      %swap3A_662 = tpu.vector_load %arg14[%swap3A_661] masked %eq3A_660 {strides = array<i32>} : memref<4112xi32, #tpu.memory_space<vmem>>, vector<16xi32>, vector<16xi1>
      tpu.vector_store %arg14[%swap3A_661], %or3A masked %eq3A_660 {strides = array<i32>} : memref<4112xi32, #tpu.memory_space<vmem>>, vector<16xi32>, vector<16xi1>
      %slice3A_663 = vector.extract_strided_slice %select_n3A_627 {offsets = [2], sizes = [1], strides = [1]} : vector<16xi32> to vector<1xi32>
      %squeeze3A_664 = vector.extract %slice3A_663[0] : i32 from vector<1xi32>
      %get3A_665 = arith.index_cast %squeeze3A_664 : i32 to index
      %get3A_666 = memref.load %arg16[%get3A_665] : memref<64xi32, #tpu.memory_space<smem>>
      %add3A_667 = arith.constant 1 : i32
      %add3A_668 = arith.addi %get3A_666, %add3A_667 : i32
      %swap3A_669 = arith.index_cast %squeeze3A_664 : i32 to index
      %swap3A_670 = memref.load %arg16[%swap3A_669] : memref<64xi32, #tpu.memory_space<smem>>
      memref.store %add3A_668, %arg16[%swap3A_669] : memref<64xi32, #tpu.memory_space<smem>>
      %mul3A_671 = arith.constant 64 : i32
      %mul3A_672 = arith.muli %squeeze3A_664, %mul3A_671 : i32
      %min3A_673 = arith.constant 63 : i32
      %min3A_674 = arith.minsi %get3A_666, %min3A_673 : i32
      %add3A_675 = arith.addi %mul3A_672, %min3A_674 : i32
      %eq3A_676 = arith.constant 2 : i32
      %eq3A_677 = vector.broadcast %eq3A_676 : i32 to vector<16xi32>
      %eq3A_678 = arith.cmpi eq, %iota3A, %eq3A_677 : vector<16xi32>
      %swap3A_679 = arith.index_cast %add3A_675 : i32 to index
      %swap3A_680 = tpu.vector_load %arg14[%swap3A_679] masked %eq3A_678 {strides = array<i32>} : memref<4112xi32, #tpu.memory_space<vmem>>, vector<16xi32>, vector<16xi1>
      tpu.vector_store %arg14[%swap3A_679], %or3A masked %eq3A_678 {strides = array<i32>} : memref<4112xi32, #tpu.memory_space<vmem>>, vector<16xi32>, vector<16xi1>
      %slice3A_681 = vector.extract_strided_slice %select_n3A_627 {offsets = [3], sizes = [1], strides = [1]} : vector<16xi32> to vector<1xi32>
      %squeeze3A_682 = vector.extract %slice3A_681[0] : i32 from vector<1xi32>
      %get3A_683 = arith.index_cast %squeeze3A_682 : i32 to index
      %get3A_684 = memref.load %arg16[%get3A_683] : memref<64xi32, #tpu.memory_space<smem>>
      %add3A_685 = arith.constant 1 : i32
      %add3A_686 = arith.addi %get3A_684, %add3A_685 : i32
      %swap3A_687 = arith.index_cast %squeeze3A_682 : i32 to index
      %swap3A_688 = memref.load %arg16[%swap3A_687] : memref<64xi32, #tpu.memory_space<smem>>
      memref.store %add3A_686, %arg16[%swap3A_687] : memref<64xi32, #tpu.memory_space<smem>>
      %mul3A_689 = arith.constant 64 : i32
      %mul3A_690 = arith.muli %squeeze3A_682, %mul3A_689 : i32
      %min3A_691 = arith.constant 63 : i32
      %min3A_692 = arith.minsi %get3A_684, %min3A_691 : i32
      %add3A_693 = arith.addi %mul3A_690, %min3A_692 : i32
      %eq3A_694 = arith.constant 3 : i32
      %eq3A_695 = vector.broadcast %eq3A_694 : i32 to vector<16xi32>
      %eq3A_696 = arith.cmpi eq, %iota3A, %eq3A_695 : vector<16xi32>
      %swap3A_697 = arith.index_cast %add3A_693 : i32 to index
      %swap3A_698 = tpu.vector_load %arg14[%swap3A_697] masked %eq3A_696 {strides = array<i32>} : memref<4112xi32, #tpu.memory_space<vmem>>, vector<16xi32>, vector<16xi1>
      tpu.vector_store %arg14[%swap3A_697], %or3A masked %eq3A_696 {strides = array<i32>} : memref<4112xi32, #tpu.memory_space<vmem>>, vector<16xi32>, vector<16xi1>
      %slice3A_699 = vector.extract_strided_slice %select_n3A_627 {offsets = [4], sizes = [1], strides = [1]} : vector<16xi32> to vector<1xi32>
      %squeeze3A_700 = vector.extract %slice3A_699[0] : i32 from vector<1xi32>
      %get3A_701 = arith.index_cast %squeeze3A_700 : i32 to index
      %get3A_702 = memref.load %arg16[%get3A_701] : memref<64xi32, #tpu.memory_space<smem>>
      %add3A_703 = arith.constant 1 : i32
      %add3A_704 = arith.addi %get3A_702, %add3A_703 : i32
      %swap3A_705 = arith.index_cast %squeeze3A_700 : i32 to index
      %swap3A_706 = memref.load %arg16[%swap3A_705] : memref<64xi32, #tpu.memory_space<smem>>
      memref.store %add3A_704, %arg16[%swap3A_705] : memref<64xi32, #tpu.memory_space<smem>>
      %mul3A_707 = arith.constant 64 : i32
      %mul3A_708 = arith.muli %squeeze3A_700, %mul3A_707 : i32
      %min3A_709 = arith.constant 63 : i32
      %min3A_710 = arith.minsi %get3A_702, %min3A_709 : i32
      %add3A_711 = arith.addi %mul3A_708, %min3A_710 : i32
      %eq3A_712 = arith.constant 4 : i32
      %eq3A_713 = vector.broadcast %eq3A_712 : i32 to vector<16xi32>
      %eq3A_714 = arith.cmpi eq, %iota3A, %eq3A_713 : vector<16xi32>
      %swap3A_715 = arith.index_cast %add3A_711 : i32 to index
      %swap3A_716 = tpu.vector_load %arg14[%swap3A_715] masked %eq3A_714 {strides = array<i32>} : memref<4112xi32, #tpu.memory_space<vmem>>, vector<16xi32>, vector<16xi1>
      tpu.vector_store %arg14[%swap3A_715], %or3A masked %eq3A_714 {strides = array<i32>} : memref<4112xi32, #tpu.memory_space<vmem>>, vector<16xi32>, vector<16xi1>
      %slice3A_717 = vector.extract_strided_slice %select_n3A_627 {offsets = [5], sizes = [1], strides = [1]} : vector<16xi32> to vector<1xi32>
      %squeeze3A_718 = vector.extract %slice3A_717[0] : i32 from vector<1xi32>
      %get3A_719 = arith.index_cast %squeeze3A_718 : i32 to index
      %get3A_720 = memref.load %arg16[%get3A_719] : memref<64xi32, #tpu.memory_space<smem>>
      %add3A_721 = arith.constant 1 : i32
      %add3A_722 = arith.addi %get3A_720, %add3A_721 : i32
      %swap3A_723 = arith.index_cast %squeeze3A_718 : i32 to index
      %swap3A_724 = memref.load %arg16[%swap3A_723] : memref<64xi32, #tpu.memory_space<smem>>
      memref.store %add3A_722, %arg16[%swap3A_723] : memref<64xi32, #tpu.memory_space<smem>>
      %mul3A_725 = arith.constant 64 : i32
      %mul3A_726 = arith.muli %squeeze3A_718, %mul3A_725 : i32
      %min3A_727 = arith.constant 63 : i32
      %min3A_728 = arith.minsi %get3A_720, %min3A_727 : i32
      %add3A_729 = arith.addi %mul3A_726, %min3A_728 : i32
      %eq3A_730 = arith.constant 5 : i32
      %eq3A_731 = vector.broadcast %eq3A_730 : i32 to vector<16xi32>
      %eq3A_732 = arith.cmpi eq, %iota3A, %eq3A_731 : vector<16xi32>
      %swap3A_733 = arith.index_cast %add3A_729 : i32 to index
      %swap3A_734 = tpu.vector_load %arg14[%swap3A_733] masked %eq3A_732 {strides = array<i32>} : memref<4112xi32, #tpu.memory_space<vmem>>, vector<16xi32>, vector<16xi1>
      tpu.vector_store %arg14[%swap3A_733], %or3A masked %eq3A_732 {strides = array<i32>} : memref<4112xi32, #tpu.memory_space<vmem>>, vector<16xi32>, vector<16xi1>
      %slice3A_735 = vector.extract_strided_slice %select_n3A_627 {offsets = [6], sizes = [1], strides = [1]} : vector<16xi32> to vector<1xi32>
      %squeeze3A_736 = vector.extract %slice3A_735[0] : i32 from vector<1xi32>
      %get3A_737 = arith.index_cast %squeeze3A_736 : i32 to index
      %get3A_738 = memref.load %arg16[%get3A_737] : memref<64xi32, #tpu.memory_space<smem>>
      %add3A_739 = arith.constant 1 : i32
      %add3A_740 = arith.addi %get3A_738, %add3A_739 : i32
      %swap3A_741 = arith.index_cast %squeeze3A_736 : i32 to index
      %swap3A_742 = memref.load %arg16[%swap3A_741] : memref<64xi32, #tpu.memory_space<smem>>
      memref.store %add3A_740, %arg16[%swap3A_741] : memref<64xi32, #tpu.memory_space<smem>>
      %mul3A_743 = arith.constant 64 : i32
      %mul3A_744 = arith.muli %squeeze3A_736, %mul3A_743 : i32
      %min3A_745 = arith.constant 63 : i32
      %min3A_746 = arith.minsi %get3A_738, %min3A_745 : i32
      %add3A_747 = arith.addi %mul3A_744, %min3A_746 : i32
      %eq3A_748 = arith.constant 6 : i32
      %eq3A_749 = vector.broadcast %eq3A_748 : i32 to vector<16xi32>
      %eq3A_750 = arith.cmpi eq, %iota3A, %eq3A_749 : vector<16xi32>
      %swap3A_751 = arith.index_cast %add3A_747 : i32 to index
      %swap3A_752 = tpu.vector_load %arg14[%swap3A_751] masked %eq3A_750 {strides = array<i32>} : memref<4112xi32, #tpu.memory_space<vmem>>, vector<16xi32>, vector<16xi1>
      tpu.vector_store %arg14[%swap3A_751], %or3A masked %eq3A_750 {strides = array<i32>} : memref<4112xi32, #tpu.memory_space<vmem>>, vector<16xi32>, vector<16xi1>
      %slice3A_753 = vector.extract_strided_slice %select_n3A_627 {offsets = [7], sizes = [1], strides = [1]} : vector<16xi32> to vector<1xi32>
      %squeeze3A_754 = vector.extract %slice3A_753[0] : i32 from vector<1xi32>
      %get3A_755 = arith.index_cast %squeeze3A_754 : i32 to index
      %get3A_756 = memref.load %arg16[%get3A_755] : memref<64xi32, #tpu.memory_space<smem>>
      %add3A_757 = arith.constant 1 : i32
      %add3A_758 = arith.addi %get3A_756, %add3A_757 : i32
      %swap3A_759 = arith.index_cast %squeeze3A_754 : i32 to index
      %swap3A_760 = memref.load %arg16[%swap3A_759] : memref<64xi32, #tpu.memory_space<smem>>
      memref.store %add3A_758, %arg16[%swap3A_759] : memref<64xi32, #tpu.memory_space<smem>>
      %mul3A_761 = arith.constant 64 : i32
      %mul3A_762 = arith.muli %squeeze3A_754, %mul3A_761 : i32
      %min3A_763 = arith.constant 63 : i32
      %min3A_764 = arith.minsi %get3A_756, %min3A_763 : i32
      %add3A_765 = arith.addi %mul3A_762, %min3A_764 : i32
      %eq3A_766 = arith.constant 7 : i32
      %eq3A_767 = vector.broadcast %eq3A_766 : i32 to vector<16xi32>
      %eq3A_768 = arith.cmpi eq, %iota3A, %eq3A_767 : vector<16xi32>
      %swap3A_769 = arith.index_cast %add3A_765 : i32 to index
      %swap3A_770 = tpu.vector_load %arg14[%swap3A_769] masked %eq3A_768 {strides = array<i32>} : memref<4112xi32, #tpu.memory_space<vmem>>, vector<16xi32>, vector<16xi1>
      tpu.vector_store %arg14[%swap3A_769], %or3A masked %eq3A_768 {strides = array<i32>} : memref<4112xi32, #tpu.memory_space<vmem>>, vector<16xi32>, vector<16xi1>
      %slice3A_771 = vector.extract_strided_slice %select_n3A_627 {offsets = [8], sizes = [1], strides = [1]} : vector<16xi32> to vector<1xi32>
      %squeeze3A_772 = vector.extract %slice3A_771[0] : i32 from vector<1xi32>
      %get3A_773 = arith.index_cast %squeeze3A_772 : i32 to index
      %get3A_774 = memref.load %arg16[%get3A_773] : memref<64xi32, #tpu.memory_space<smem>>
      %add3A_775 = arith.constant 1 : i32
      %add3A_776 = arith.addi %get3A_774, %add3A_775 : i32
      %swap3A_777 = arith.index_cast %squeeze3A_772 : i32 to index
      %swap3A_778 = memref.load %arg16[%swap3A_777] : memref<64xi32, #tpu.memory_space<smem>>
      memref.store %add3A_776, %arg16[%swap3A_777] : memref<64xi32, #tpu.memory_space<smem>>
      %mul3A_779 = arith.constant 64 : i32
      %mul3A_780 = arith.muli %squeeze3A_772, %mul3A_779 : i32
      %min3A_781 = arith.constant 63 : i32
      %min3A_782 = arith.minsi %get3A_774, %min3A_781 : i32
      %add3A_783 = arith.addi %mul3A_780, %min3A_782 : i32
      %eq3A_784 = arith.constant 8 : i32
      %eq3A_785 = vector.broadcast %eq3A_784 : i32 to vector<16xi32>
      %eq3A_786 = arith.cmpi eq, %iota3A, %eq3A_785 : vector<16xi32>
      %swap3A_787 = arith.index_cast %add3A_783 : i32 to index
      %swap3A_788 = tpu.vector_load %arg14[%swap3A_787] masked %eq3A_786 {strides = array<i32>} : memref<4112xi32, #tpu.memory_space<vmem>>, vector<16xi32>, vector<16xi1>
      tpu.vector_store %arg14[%swap3A_787], %or3A masked %eq3A_786 {strides = array<i32>} : memref<4112xi32, #tpu.memory_space<vmem>>, vector<16xi32>, vector<16xi1>
      %slice3A_789 = vector.extract_strided_slice %select_n3A_627 {offsets = [9], sizes = [1], strides = [1]} : vector<16xi32> to vector<1xi32>
      %squeeze3A_790 = vector.extract %slice3A_789[0] : i32 from vector<1xi32>
      %get3A_791 = arith.index_cast %squeeze3A_790 : i32 to index
      %get3A_792 = memref.load %arg16[%get3A_791] : memref<64xi32, #tpu.memory_space<smem>>
      %add3A_793 = arith.constant 1 : i32
      %add3A_794 = arith.addi %get3A_792, %add3A_793 : i32
      %swap3A_795 = arith.index_cast %squeeze3A_790 : i32 to index
      %swap3A_796 = memref.load %arg16[%swap3A_795] : memref<64xi32, #tpu.memory_space<smem>>
      memref.store %add3A_794, %arg16[%swap3A_795] : memref<64xi32, #tpu.memory_space<smem>>
      %mul3A_797 = arith.constant 64 : i32
      %mul3A_798 = arith.muli %squeeze3A_790, %mul3A_797 : i32
      %min3A_799 = arith.constant 63 : i32
      %min3A_800 = arith.minsi %get3A_792, %min3A_799 : i32
      %add3A_801 = arith.addi %mul3A_798, %min3A_800 : i32
      %eq3A_802 = arith.constant 9 : i32
      %eq3A_803 = vector.broadcast %eq3A_802 : i32 to vector<16xi32>
      %eq3A_804 = arith.cmpi eq, %iota3A, %eq3A_803 : vector<16xi32>
      %swap3A_805 = arith.index_cast %add3A_801 : i32 to index
      %swap3A_806 = tpu.vector_load %arg14[%swap3A_805] masked %eq3A_804 {strides = array<i32>} : memref<4112xi32, #tpu.memory_space<vmem>>, vector<16xi32>, vector<16xi1>
      tpu.vector_store %arg14[%swap3A_805], %or3A masked %eq3A_804 {strides = array<i32>} : memref<4112xi32, #tpu.memory_space<vmem>>, vector<16xi32>, vector<16xi1>
      %slice3A_807 = vector.extract_strided_slice %select_n3A_627 {offsets = [10], sizes = [1], strides = [1]} : vector<16xi32> to vector<1xi32>
      %squeeze3A_808 = vector.extract %slice3A_807[0] : i32 from vector<1xi32>
      %get3A_809 = arith.index_cast %squeeze3A_808 : i32 to index
      %get3A_810 = memref.load %arg16[%get3A_809] : memref<64xi32, #tpu.memory_space<smem>>
      %add3A_811 = arith.constant 1 : i32
      %add3A_812 = arith.addi %get3A_810, %add3A_811 : i32
      %swap3A_813 = arith.index_cast %squeeze3A_808 : i32 to index
      %swap3A_814 = memref.load %arg16[%swap3A_813] : memref<64xi32, #tpu.memory_space<smem>>
      memref.store %add3A_812, %arg16[%swap3A_813] : memref<64xi32, #tpu.memory_space<smem>>
      %mul3A_815 = arith.constant 64 : i32
      %mul3A_816 = arith.muli %squeeze3A_808, %mul3A_815 : i32
      %min3A_817 = arith.constant 63 : i32
      %min3A_818 = arith.minsi %get3A_810, %min3A_817 : i32
      %add3A_819 = arith.addi %mul3A_816, %min3A_818 : i32
      %eq3A_820 = arith.constant 10 : i32
      %eq3A_821 = vector.broadcast %eq3A_820 : i32 to vector<16xi32>
      %eq3A_822 = arith.cmpi eq, %iota3A, %eq3A_821 : vector<16xi32>
      %swap3A_823 = arith.index_cast %add3A_819 : i32 to index
      %swap3A_824 = tpu.vector_load %arg14[%swap3A_823] masked %eq3A_822 {strides = array<i32>} : memref<4112xi32, #tpu.memory_space<vmem>>, vector<16xi32>, vector<16xi1>
      tpu.vector_store %arg14[%swap3A_823], %or3A masked %eq3A_822 {strides = array<i32>} : memref<4112xi32, #tpu.memory_space<vmem>>, vector<16xi32>, vector<16xi1>
      %slice3A_825 = vector.extract_strided_slice %select_n3A_627 {offsets = [11], sizes = [1], strides = [1]} : vector<16xi32> to vector<1xi32>
      %squeeze3A_826 = vector.extract %slice3A_825[0] : i32 from vector<1xi32>
      %get3A_827 = arith.index_cast %squeeze3A_826 : i32 to index
      %get3A_828 = memref.load %arg16[%get3A_827] : memref<64xi32, #tpu.memory_space<smem>>
      %add3A_829 = arith.constant 1 : i32
      %add3A_830 = arith.addi %get3A_828, %add3A_829 : i32
      %swap3A_831 = arith.index_cast %squeeze3A_826 : i32 to index
      %swap3A_832 = memref.load %arg16[%swap3A_831] : memref<64xi32, #tpu.memory_space<smem>>
      memref.store %add3A_830, %arg16[%swap3A_831] : memref<64xi32, #tpu.memory_space<smem>>
      %mul3A_833 = arith.constant 64 : i32
      %mul3A_834 = arith.muli %squeeze3A_826, %mul3A_833 : i32
      %min3A_835 = arith.constant 63 : i32
      %min3A_836 = arith.minsi %get3A_828, %min3A_835 : i32
      %add3A_837 = arith.addi %mul3A_834, %min3A_836 : i32
      %eq3A_838 = arith.constant 11 : i32
      %eq3A_839 = vector.broadcast %eq3A_838 : i32 to vector<16xi32>
      %eq3A_840 = arith.cmpi eq, %iota3A, %eq3A_839 : vector<16xi32>
      %swap3A_841 = arith.index_cast %add3A_837 : i32 to index
      %swap3A_842 = tpu.vector_load %arg14[%swap3A_841] masked %eq3A_840 {strides = array<i32>} : memref<4112xi32, #tpu.memory_space<vmem>>, vector<16xi32>, vector<16xi1>
      tpu.vector_store %arg14[%swap3A_841], %or3A masked %eq3A_840 {strides = array<i32>} : memref<4112xi32, #tpu.memory_space<vmem>>, vector<16xi32>, vector<16xi1>
      %slice3A_843 = vector.extract_strided_slice %select_n3A_627 {offsets = [12], sizes = [1], strides = [1]} : vector<16xi32> to vector<1xi32>
      %squeeze3A_844 = vector.extract %slice3A_843[0] : i32 from vector<1xi32>
      %get3A_845 = arith.index_cast %squeeze3A_844 : i32 to index
      %get3A_846 = memref.load %arg16[%get3A_845] : memref<64xi32, #tpu.memory_space<smem>>
      %add3A_847 = arith.constant 1 : i32
      %add3A_848 = arith.addi %get3A_846, %add3A_847 : i32
      %swap3A_849 = arith.index_cast %squeeze3A_844 : i32 to index
      %swap3A_850 = memref.load %arg16[%swap3A_849] : memref<64xi32, #tpu.memory_space<smem>>
      memref.store %add3A_848, %arg16[%swap3A_849] : memref<64xi32, #tpu.memory_space<smem>>
      %mul3A_851 = arith.constant 64 : i32
      %mul3A_852 = arith.muli %squeeze3A_844, %mul3A_851 : i32
      %min3A_853 = arith.constant 63 : i32
      %min3A_854 = arith.minsi %get3A_846, %min3A_853 : i32
      %add3A_855 = arith.addi %mul3A_852, %min3A_854 : i32
      %eq3A_856 = arith.constant 12 : i32
      %eq3A_857 = vector.broadcast %eq3A_856 : i32 to vector<16xi32>
      %eq3A_858 = arith.cmpi eq, %iota3A, %eq3A_857 : vector<16xi32>
      %swap3A_859 = arith.index_cast %add3A_855 : i32 to index
      %swap3A_860 = tpu.vector_load %arg14[%swap3A_859] masked %eq3A_858 {strides = array<i32>} : memref<4112xi32, #tpu.memory_space<vmem>>, vector<16xi32>, vector<16xi1>
      tpu.vector_store %arg14[%swap3A_859], %or3A masked %eq3A_858 {strides = array<i32>} : memref<4112xi32, #tpu.memory_space<vmem>>, vector<16xi32>, vector<16xi1>
      %slice3A_861 = vector.extract_strided_slice %select_n3A_627 {offsets = [13], sizes = [1], strides = [1]} : vector<16xi32> to vector<1xi32>
      %squeeze3A_862 = vector.extract %slice3A_861[0] : i32 from vector<1xi32>
      %get3A_863 = arith.index_cast %squeeze3A_862 : i32 to index
      %get3A_864 = memref.load %arg16[%get3A_863] : memref<64xi32, #tpu.memory_space<smem>>
      %add3A_865 = arith.constant 1 : i32
      %add3A_866 = arith.addi %get3A_864, %add3A_865 : i32
      %swap3A_867 = arith.index_cast %squeeze3A_862 : i32 to index
      %swap3A_868 = memref.load %arg16[%swap3A_867] : memref<64xi32, #tpu.memory_space<smem>>
      memref.store %add3A_866, %arg16[%swap3A_867] : memref<64xi32, #tpu.memory_space<smem>>
      %mul3A_869 = arith.constant 64 : i32
      %mul3A_870 = arith.muli %squeeze3A_862, %mul3A_869 : i32
      %min3A_871 = arith.constant 63 : i32
      %min3A_872 = arith.minsi %get3A_864, %min3A_871 : i32
      %add3A_873 = arith.addi %mul3A_870, %min3A_872 : i32
      %eq3A_874 = arith.constant 13 : i32
      %eq3A_875 = vector.broadcast %eq3A_874 : i32 to vector<16xi32>
      %eq3A_876 = arith.cmpi eq, %iota3A, %eq3A_875 : vector<16xi32>
      %swap3A_877 = arith.index_cast %add3A_873 : i32 to index
      %swap3A_878 = tpu.vector_load %arg14[%swap3A_877] masked %eq3A_876 {strides = array<i32>} : memref<4112xi32, #tpu.memory_space<vmem>>, vector<16xi32>, vector<16xi1>
      tpu.vector_store %arg14[%swap3A_877], %or3A masked %eq3A_876 {strides = array<i32>} : memref<4112xi32, #tpu.memory_space<vmem>>, vector<16xi32>, vector<16xi1>
      %slice3A_879 = vector.extract_strided_slice %select_n3A_627 {offsets = [14], sizes = [1], strides = [1]} : vector<16xi32> to vector<1xi32>
      %squeeze3A_880 = vector.extract %slice3A_879[0] : i32 from vector<1xi32>
      %get3A_881 = arith.index_cast %squeeze3A_880 : i32 to index
      %get3A_882 = memref.load %arg16[%get3A_881] : memref<64xi32, #tpu.memory_space<smem>>
      %add3A_883 = arith.constant 1 : i32
      %add3A_884 = arith.addi %get3A_882, %add3A_883 : i32
      %swap3A_885 = arith.index_cast %squeeze3A_880 : i32 to index
      %swap3A_886 = memref.load %arg16[%swap3A_885] : memref<64xi32, #tpu.memory_space<smem>>
      memref.store %add3A_884, %arg16[%swap3A_885] : memref<64xi32, #tpu.memory_space<smem>>
      %mul3A_887 = arith.constant 64 : i32
      %mul3A_888 = arith.muli %squeeze3A_880, %mul3A_887 : i32
      %min3A_889 = arith.constant 63 : i32
      %min3A_890 = arith.minsi %get3A_882, %min3A_889 : i32
      %add3A_891 = arith.addi %mul3A_888, %min3A_890 : i32
      %eq3A_892 = arith.constant 14 : i32
      %eq3A_893 = vector.broadcast %eq3A_892 : i32 to vector<16xi32>
      %eq3A_894 = arith.cmpi eq, %iota3A, %eq3A_893 : vector<16xi32>
      %swap3A_895 = arith.index_cast %add3A_891 : i32 to index
      %swap3A_896 = tpu.vector_load %arg14[%swap3A_895] masked %eq3A_894 {strides = array<i32>} : memref<4112xi32, #tpu.memory_space<vmem>>, vector<16xi32>, vector<16xi1>
      tpu.vector_store %arg14[%swap3A_895], %or3A masked %eq3A_894 {strides = array<i32>} : memref<4112xi32, #tpu.memory_space<vmem>>, vector<16xi32>, vector<16xi1>
      %slice3A_897 = vector.extract_strided_slice %select_n3A_627 {offsets = [15], sizes = [1], strides = [1]} : vector<16xi32> to vector<1xi32>
      %squeeze3A_898 = vector.extract %slice3A_897[0] : i32 from vector<1xi32>
      %get3A_899 = arith.index_cast %squeeze3A_898 : i32 to index
      %get3A_900 = memref.load %arg16[%get3A_899] : memref<64xi32, #tpu.memory_space<smem>>
      %add3A_901 = arith.constant 1 : i32
      %add3A_902 = arith.addi %get3A_900, %add3A_901 : i32
      %swap3A_903 = arith.index_cast %squeeze3A_898 : i32 to index
      %swap3A_904 = memref.load %arg16[%swap3A_903] : memref<64xi32, #tpu.memory_space<smem>>
      memref.store %add3A_902, %arg16[%swap3A_903] : memref<64xi32, #tpu.memory_space<smem>>
      %mul3A_905 = arith.constant 64 : i32
      %mul3A_906 = arith.muli %squeeze3A_898, %mul3A_905 : i32
      %min3A_907 = arith.constant 63 : i32
      %min3A_908 = arith.minsi %get3A_900, %min3A_907 : i32
      %add3A_909 = arith.addi %mul3A_906, %min3A_908 : i32
      %eq3A_910 = arith.constant 15 : i32
      %eq3A_911 = vector.broadcast %eq3A_910 : i32 to vector<16xi32>
      %eq3A_912 = arith.cmpi eq, %iota3A, %eq3A_911 : vector<16xi32>
      %swap3A_913 = arith.index_cast %add3A_909 : i32 to index
      %swap3A_914 = tpu.vector_load %arg14[%swap3A_913] masked %eq3A_912 {strides = array<i32>} : memref<4112xi32, #tpu.memory_space<vmem>>, vector<16xi32>, vector<16xi1>
      tpu.vector_store %arg14[%swap3A_913], %or3A masked %eq3A_912 {strides = array<i32>} : memref<4112xi32, #tpu.memory_space<vmem>>, vector<16xi32>, vector<16xi1>
    }
    %while3A_596 = arith.constant 1 : i32
    scf.for %while3A_609 = %while3A_594 to %while3A_590 step %while3A_596  : i32 {
      %mul3A_610 = arith.constant 16 : i32
      %mul3A_611 = arith.muli %while3A_609, %mul3A_610 : i32
      %get3A = arith.index_cast %mul3A_611 : i32 to index
      %get3A_612 = tpu.vector_load %arg11[%get3A] {strides = array<i32>} : memref<4096xi32, #tpu.memory_space<vmem>>, vector<16xi32>,
      %mul3A_613 = arith.constant 16 : i32
      %mul3A_614 = arith.muli %while3A_609, %mul3A_613 : i32
      %get3A_615 = arith.index_cast %mul3A_614 : i32 to index
      %get3A_616 = tpu.vector_load %arg12[%get3A_615] {strides = array<i32>} : memref<4096xi32, #tpu.memory_space<vmem>>, vector<16xi32>,
      %mul3A_617 = arith.constant 16 : i32
      %mul3A_618 = arith.muli %while3A_609, %mul3A_617 : i32
      %add3A_619 = vector.broadcast %mul3A_618 : i32 to vector<16xi32>
      %add3A_620 = arith.addi %iota3A, %add3A_619 : vector<16xi32>
      %lt3A = vector.broadcast %scan3A_526#1 : i32 to vector<16xi32>
      %lt3A_621 = arith.cmpi slt, %add3A_620, %lt3A : vector<16xi32>
      %sub3A_622 = vector.broadcast %mul3A_4 : i32 to vector<16xi32>
      %sub3A_623 = arith.subi %get3A_612, %sub3A_622 : vector<16xi32>
      %shift_right_logical3A = arith.constant 9 : i32
      %shift_right_logical3A_624 = vector.broadcast %shift_right_logical3A : i32 to vector<16xi32>
      %shift_right_logical3A_625 = arith.shrui %sub3A_623, %shift_right_logical3A_624 : vector<16xi32>
      %jit3A_626 = arith.constant 63 : i32
      %broadcast_in_dim3A = vector.broadcast %jit3A_626 : i32 to vector<16xi32>
      %select_n3A_627 = arith.select %lt3A_621, %shift_right_logical3A_625, %broadcast_in_dim3A : vector<16xi1>, vector<16xi32>
      %shift_left3A = arith.constant 14 : i32
      %shift_left3A_628 = vector.broadcast %shift_left3A : i32 to vector<16xi32>
      %shift_left3A_629 = arith.shli %sub3A_623, %shift_left3A_628 : vector<16xi32>
      %or3A = arith.ori %shift_left3A_629, %get3A_616 : vector<16xi32>
      %slice3A = vector.extract_strided_slice %select_n3A_627 {offsets = [0], sizes = [1], strides = [1]} : vector<16xi32> to vector<1xi32>
      %squeeze3A = vector.extract %slice3A[0] : i32 from vector<1xi32>
      %get3A_630 = arith.index_cast %squeeze3A : i32 to index
      %get3A_631 = memref.load %arg16[%get3A_630] : memref<64xi32, #tpu.memory_space<smem>>
      %add3A_632 = arith.constant 1 : i32
      %add3A_633 = arith.addi %get3A_631, %add3A_632 : i32
      %swap3A_634 = arith.index_cast %squeeze3A : i32 to index
      %swap3A_635 = memref.load %arg16[%swap3A_634] : memref<64xi32, #tpu.memory_space<smem>>
      memref.store %add3A_633, %arg16[%swap3A_634] : memref<64xi32, #tpu.memory_space<smem>>
      %mul3A_636 = arith.constant 64 : i32
      %mul3A_637 = arith.muli %squeeze3A, %mul3A_636 : i32
      %min3A = arith.constant 63 : i32
      %min3A_638 = arith.minsi %get3A_631, %min3A : i32
      %add3A_639 = arith.addi %mul3A_637, %min3A_638 : i32
      %eq3A_640 = arith.constant 0 : i32
      %eq3A_641 = vector.broadcast %eq3A_640 : i32 to vector<16xi32>
      %eq3A_642 = arith.cmpi eq, %iota3A, %eq3A_641 : vector<16xi32>
      %swap3A_643 = arith.index_cast %add3A_639 : i32 to index
      %swap3A_644 = tpu.vector_load %arg14[%swap3A_643] masked %eq3A_642 {strides = array<i32>} : memref<4112xi32, #tpu.memory_space<vmem>>, vector<16xi32>, vector<16xi1>
      tpu.vector_store %arg14[%swap3A_643], %or3A masked %eq3A_642 {strides = array<i32>} : memref<4112xi32, #tpu.memory_space<vmem>>, vector<16xi32>, vector<16xi1>
      %slice3A_645 = vector.extract_strided_slice %select_n3A_627 {offsets = [1], sizes = [1], strides = [1]} : vector<16xi32> to vector<1xi32>
      %squeeze3A_646 = vector.extract %slice3A_645[0] : i32 from vector<1xi32>
      %get3A_647 = arith.index_cast %squeeze3A_646 : i32 to index
      %get3A_648 = memref.load %arg16[%get3A_647] : memref<64xi32, #tpu.memory_space<smem>>
      %add3A_649 = arith.constant 1 : i32
      %add3A_650 = arith.addi %get3A_648, %add3A_649 : i32
      %swap3A_651 = arith.index_cast %squeeze3A_646 : i32 to index
      %swap3A_652 = memref.load %arg16[%swap3A_651] : memref<64xi32, #tpu.memory_space<smem>>
      memref.store %add3A_650, %arg16[%swap3A_651] : memref<64xi32, #tpu.memory_space<smem>>
      %mul3A_653 = arith.constant 64 : i32
      %mul3A_654 = arith.muli %squeeze3A_646, %mul3A_653 : i32
      %min3A_655 = arith.constant 63 : i32
      %min3A_656 = arith.minsi %get3A_648, %min3A_655 : i32
      %add3A_657 = arith.addi %mul3A_654, %min3A_656 : i32
      %eq3A_658 = arith.constant 1 : i32
      %eq3A_659 = vector.broadcast %eq3A_658 : i32 to vector<16xi32>
      %eq3A_660 = arith.cmpi eq, %iota3A, %eq3A_659 : vector<16xi32>
      %swap3A_661 = arith.index_cast %add3A_657 : i32 to index
      %swap3A_662 = tpu.vector_load %arg14[%swap3A_661] masked %eq3A_660 {strides = array<i32>} : memref<4112xi32, #tpu.memory_space<vmem>>, vector<16xi32>, vector<16xi1>
      tpu.vector_store %arg14[%swap3A_661], %or3A masked %eq3A_660 {strides = array<i32>} : memref<4112xi32, #tpu.memory_space<vmem>>, vector<16xi32>, vector<16xi1>
      %slice3A_663 = vector.extract_strided_slice %select_n3A_627 {offsets = [2], sizes = [1], strides = [1]} : vector<16xi32> to vector<1xi32>
      %squeeze3A_664 = vector.extract %slice3A_663[0] : i32 from vector<1xi32>
      %get3A_665 = arith.index_cast %squeeze3A_664 : i32 to index
      %get3A_666 = memref.load %arg16[%get3A_665] : memref<64xi32, #tpu.memory_space<smem>>
      %add3A_667 = arith.constant 1 : i32
      %add3A_668 = arith.addi %get3A_666, %add3A_667 : i32
      %swap3A_669 = arith.index_cast %squeeze3A_664 : i32 to index
      %swap3A_670 = memref.load %arg16[%swap3A_669] : memref<64xi32, #tpu.memory_space<smem>>
      memref.store %add3A_668, %arg16[%swap3A_669] : memref<64xi32, #tpu.memory_space<smem>>
      %mul3A_671 = arith.constant 64 : i32
      %mul3A_672 = arith.muli %squeeze3A_664, %mul3A_671 : i32
      %min3A_673 = arith.constant 63 : i32
      %min3A_674 = arith.minsi %get3A_666, %min3A_673 : i32
      %add3A_675 = arith.addi %mul3A_672, %min3A_674 : i32
      %eq3A_676 = arith.constant 2 : i32
      %eq3A_677 = vector.broadcast %eq3A_676 : i32 to vector<16xi32>
      %eq3A_678 = arith.cmpi eq, %iota3A, %eq3A_677 : vector<16xi32>
      %swap3A_679 = arith.index_cast %add3A_675 : i32 to index
      %swap3A_680 = tpu.vector_load %arg14[%swap3A_679] masked %eq3A_678 {strides = array<i32>} : memref<4112xi32, #tpu.memory_space<vmem>>, vector<16xi32>, vector<16xi1>
      tpu.vector_store %arg14[%swap3A_679], %or3A masked %eq3A_678 {strides = array<i32>} : memref<4112xi32, #tpu.memory_space<vmem>>, vector<16xi32>, vector<16xi1>
      %slice3A_681 = vector.extract_strided_slice %select_n3A_627 {offsets = [3], sizes = [1], strides = [1]} : vector<16xi32> to vector<1xi32>
      %squeeze3A_682 = vector.extract %slice3A_681[0] : i32 from vector<1xi32>
      %get3A_683 = arith.index_cast %squeeze3A_682 : i32 to index
      %get3A_684 = memref.load %arg16[%get3A_683] : memref<64xi32, #tpu.memory_space<smem>>
      %add3A_685 = arith.constant 1 : i32
      %add3A_686 = arith.addi %get3A_684, %add3A_685 : i32
      %swap3A_687 = arith.index_cast %squeeze3A_682 : i32 to index
      %swap3A_688 = memref.load %arg16[%swap3A_687] : memref<64xi32, #tpu.memory_space<smem>>
      memref.store %add3A_686, %arg16[%swap3A_687] : memref<64xi32, #tpu.memory_space<smem>>
      %mul3A_689 = arith.constant 64 : i32
      %mul3A_690 = arith.muli %squeeze3A_682, %mul3A_689 : i32
      %min3A_691 = arith.constant 63 : i32
      %min3A_692 = arith.minsi %get3A_684, %min3A_691 : i32
      %add3A_693 = arith.addi %mul3A_690, %min3A_692 : i32
      %eq3A_694 = arith.constant 3 : i32
      %eq3A_695 = vector.broadcast %eq3A_694 : i32 to vector<16xi32>
      %eq3A_696 = arith.cmpi eq, %iota3A, %eq3A_695 : vector<16xi32>
      %swap3A_697 = arith.index_cast %add3A_693 : i32 to index
      %swap3A_698 = tpu.vector_load %arg14[%swap3A_697] masked %eq3A_696 {strides = array<i32>} : memref<4112xi32, #tpu.memory_space<vmem>>, vector<16xi32>, vector<16xi1>
      tpu.vector_store %arg14[%swap3A_697], %or3A masked %eq3A_696 {strides = array<i32>} : memref<4112xi32, #tpu.memory_space<vmem>>, vector<16xi32>, vector<16xi1>
      %slice3A_699 = vector.extract_strided_slice %select_n3A_627 {offsets = [4], sizes = [1], strides = [1]} : vector<16xi32> to vector<1xi32>
      %squeeze3A_700 = vector.extract %slice3A_699[0] : i32 from vector<1xi32>
      %get3A_701 = arith.index_cast %squeeze3A_700 : i32 to index
      %get3A_702 = memref.load %arg16[%get3A_701] : memref<64xi32, #tpu.memory_space<smem>>
      %add3A_703 = arith.constant 1 : i32
      %add3A_704 = arith.addi %get3A_702, %add3A_703 : i32
      %swap3A_705 = arith.index_cast %squeeze3A_700 : i32 to index
      %swap3A_706 = memref.load %arg16[%swap3A_705] : memref<64xi32, #tpu.memory_space<smem>>
      memref.store %add3A_704, %arg16[%swap3A_705] : memref<64xi32, #tpu.memory_space<smem>>
      %mul3A_707 = arith.constant 64 : i32
      %mul3A_708 = arith.muli %squeeze3A_700, %mul3A_707 : i32
      %min3A_709 = arith.constant 63 : i32
      %min3A_710 = arith.minsi %get3A_702, %min3A_709 : i32
      %add3A_711 = arith.addi %mul3A_708, %min3A_710 : i32
      %eq3A_712 = arith.constant 4 : i32
      %eq3A_713 = vector.broadcast %eq3A_712 : i32 to vector<16xi32>
      %eq3A_714 = arith.cmpi eq, %iota3A, %eq3A_713 : vector<16xi32>
      %swap3A_715 = arith.index_cast %add3A_711 : i32 to index
      %swap3A_716 = tpu.vector_load %arg14[%swap3A_715] masked %eq3A_714 {strides = array<i32>} : memref<4112xi32, #tpu.memory_space<vmem>>, vector<16xi32>, vector<16xi1>
      tpu.vector_store %arg14[%swap3A_715], %or3A masked %eq3A_714 {strides = array<i32>} : memref<4112xi32, #tpu.memory_space<vmem>>, vector<16xi32>, vector<16xi1>
      %slice3A_717 = vector.extract_strided_slice %select_n3A_627 {offsets = [5], sizes = [1], strides = [1]} : vector<16xi32> to vector<1xi32>
      %squeeze3A_718 = vector.extract %slice3A_717[0] : i32 from vector<1xi32>
      %get3A_719 = arith.index_cast %squeeze3A_718 : i32 to index
      %get3A_720 = memref.load %arg16[%get3A_719] : memref<64xi32, #tpu.memory_space<smem>>
      %add3A_721 = arith.constant 1 : i32
      %add3A_722 = arith.addi %get3A_720, %add3A_721 : i32
      %swap3A_723 = arith.index_cast %squeeze3A_718 : i32 to index
      %swap3A_724 = memref.load %arg16[%swap3A_723] : memref<64xi32, #tpu.memory_space<smem>>
      memref.store %add3A_722, %arg16[%swap3A_723] : memref<64xi32, #tpu.memory_space<smem>>
      %mul3A_725 = arith.constant 64 : i32
      %mul3A_726 = arith.muli %squeeze3A_718, %mul3A_725 : i32
      %min3A_727 = arith.constant 63 : i32
      %min3A_728 = arith.minsi %get3A_720, %min3A_727 : i32
      %add3A_729 = arith.addi %mul3A_726, %min3A_728 : i32
      %eq3A_730 = arith.constant 5 : i32
      %eq3A_731 = vector.broadcast %eq3A_730 : i32 to vector<16xi32>
      %eq3A_732 = arith.cmpi eq, %iota3A, %eq3A_731 : vector<16xi32>
      %swap3A_733 = arith.index_cast %add3A_729 : i32 to index
      %swap3A_734 = tpu.vector_load %arg14[%swap3A_733] masked %eq3A_732 {strides = array<i32>} : memref<4112xi32, #tpu.memory_space<vmem>>, vector<16xi32>, vector<16xi1>
      tpu.vector_store %arg14[%swap3A_733], %or3A masked %eq3A_732 {strides = array<i32>} : memref<4112xi32, #tpu.memory_space<vmem>>, vector<16xi32>, vector<16xi1>
      %slice3A_735 = vector.extract_strided_slice %select_n3A_627 {offsets = [6], sizes = [1], strides = [1]} : vector<16xi32> to vector<1xi32>
      %squeeze3A_736 = vector.extract %slice3A_735[0] : i32 from vector<1xi32>
      %get3A_737 = arith.index_cast %squeeze3A_736 : i32 to index
      %get3A_738 = memref.load %arg16[%get3A_737] : memref<64xi32, #tpu.memory_space<smem>>
      %add3A_739 = arith.constant 1 : i32
      %add3A_740 = arith.addi %get3A_738, %add3A_739 : i32
      %swap3A_741 = arith.index_cast %squeeze3A_736 : i32 to index
      %swap3A_742 = memref.load %arg16[%swap3A_741] : memref<64xi32, #tpu.memory_space<smem>>
      memref.store %add3A_740, %arg16[%swap3A_741] : memref<64xi32, #tpu.memory_space<smem>>
      %mul3A_743 = arith.constant 64 : i32
      %mul3A_744 = arith.muli %squeeze3A_736, %mul3A_743 : i32
      %min3A_745 = arith.constant 63 : i32
      %min3A_746 = arith.minsi %get3A_738, %min3A_745 : i32
      %add3A_747 = arith.addi %mul3A_744, %min3A_746 : i32
      %eq3A_748 = arith.constant 6 : i32
      %eq3A_749 = vector.broadcast %eq3A_748 : i32 to vector<16xi32>
      %eq3A_750 = arith.cmpi eq, %iota3A, %eq3A_749 : vector<16xi32>
      %swap3A_751 = arith.index_cast %add3A_747 : i32 to index
      %swap3A_752 = tpu.vector_load %arg14[%swap3A_751] masked %eq3A_750 {strides = array<i32>} : memref<4112xi32, #tpu.memory_space<vmem>>, vector<16xi32>, vector<16xi1>
      tpu.vector_store %arg14[%swap3A_751], %or3A masked %eq3A_750 {strides = array<i32>} : memref<4112xi32, #tpu.memory_space<vmem>>, vector<16xi32>, vector<16xi1>
      %slice3A_753 = vector.extract_strided_slice %select_n3A_627 {offsets = [7], sizes = [1], strides = [1]} : vector<16xi32> to vector<1xi32>
      %squeeze3A_754 = vector.extract %slice3A_753[0] : i32 from vector<1xi32>
      %get3A_755 = arith.index_cast %squeeze3A_754 : i32 to index
      %get3A_756 = memref.load %arg16[%get3A_755] : memref<64xi32, #tpu.memory_space<smem>>
      %add3A_757 = arith.constant 1 : i32
      %add3A_758 = arith.addi %get3A_756, %add3A_757 : i32
      %swap3A_759 = arith.index_cast %squeeze3A_754 : i32 to index
      %swap3A_760 = memref.load %arg16[%swap3A_759] : memref<64xi32, #tpu.memory_space<smem>>
      memref.store %add3A_758, %arg16[%swap3A_759] : memref<64xi32, #tpu.memory_space<smem>>
      %mul3A_761 = arith.constant 64 : i32
      %mul3A_762 = arith.muli %squeeze3A_754, %mul3A_761 : i32
      %min3A_763 = arith.constant 63 : i32
      %min3A_764 = arith.minsi %get3A_756, %min3A_763 : i32
      %add3A_765 = arith.addi %mul3A_762, %min3A_764 : i32
      %eq3A_766 = arith.constant 7 : i32
      %eq3A_767 = vector.broadcast %eq3A_766 : i32 to vector<16xi32>
      %eq3A_768 = arith.cmpi eq, %iota3A, %eq3A_767 : vector<16xi32>
      %swap3A_769 = arith.index_cast %add3A_765 : i32 to index
      %swap3A_770 = tpu.vector_load %arg14[%swap3A_769] masked %eq3A_768 {strides = array<i32>} : memref<4112xi32, #tpu.memory_space<vmem>>, vector<16xi32>, vector<16xi1>
      tpu.vector_store %arg14[%swap3A_769], %or3A masked %eq3A_768 {strides = array<i32>} : memref<4112xi32, #tpu.memory_space<vmem>>, vector<16xi32>, vector<16xi1>
      %slice3A_771 = vector.extract_strided_slice %select_n3A_627 {offsets = [8], sizes = [1], strides = [1]} : vector<16xi32> to vector<1xi32>
      %squeeze3A_772 = vector.extract %slice3A_771[0] : i32 from vector<1xi32>
      %get3A_773 = arith.index_cast %squeeze3A_772 : i32 to index
      %get3A_774 = memref.load %arg16[%get3A_773] : memref<64xi32, #tpu.memory_space<smem>>
      %add3A_775 = arith.constant 1 : i32
      %add3A_776 = arith.addi %get3A_774, %add3A_775 : i32
      %swap3A_777 = arith.index_cast %squeeze3A_772 : i32 to index
      %swap3A_778 = memref.load %arg16[%swap3A_777] : memref<64xi32, #tpu.memory_space<smem>>
      memref.store %add3A_776, %arg16[%swap3A_777] : memref<64xi32, #tpu.memory_space<smem>>
      %mul3A_779 = arith.constant 64 : i32
      %mul3A_780 = arith.muli %squeeze3A_772, %mul3A_779 : i32
      %min3A_781 = arith.constant 63 : i32
      %min3A_782 = arith.minsi %get3A_774, %min3A_781 : i32
      %add3A_783 = arith.addi %mul3A_780, %min3A_782 : i32
      %eq3A_784 = arith.constant 8 : i32
      %eq3A_785 = vector.broadcast %eq3A_784 : i32 to vector<16xi32>
      %eq3A_786 = arith.cmpi eq, %iota3A, %eq3A_785 : vector<16xi32>
      %swap3A_787 = arith.index_cast %add3A_783 : i32 to index
      %swap3A_788 = tpu.vector_load %arg14[%swap3A_787] masked %eq3A_786 {strides = array<i32>} : memref<4112xi32, #tpu.memory_space<vmem>>, vector<16xi32>, vector<16xi1>
      tpu.vector_store %arg14[%swap3A_787], %or3A masked %eq3A_786 {strides = array<i32>} : memref<4112xi32, #tpu.memory_space<vmem>>, vector<16xi32>, vector<16xi1>
      %slice3A_789 = vector.extract_strided_slice %select_n3A_627 {offsets = [9], sizes = [1], strides = [1]} : vector<16xi32> to vector<1xi32>
      %squeeze3A_790 = vector.extract %slice3A_789[0] : i32 from vector<1xi32>
      %get3A_791 = arith.index_cast %squeeze3A_790 : i32 to index
      %get3A_792 = memref.load %arg16[%get3A_791] : memref<64xi32, #tpu.memory_space<smem>>
      %add3A_793 = arith.constant 1 : i32
      %add3A_794 = arith.addi %get3A_792, %add3A_793 : i32
      %swap3A_795 = arith.index_cast %squeeze3A_790 : i32 to index
      %swap3A_796 = memref.load %arg16[%swap3A_795] : memref<64xi32, #tpu.memory_space<smem>>
      memref.store %add3A_794, %arg16[%swap3A_795] : memref<64xi32, #tpu.memory_space<smem>>
      %mul3A_797 = arith.constant 64 : i32
      %mul3A_798 = arith.muli %squeeze3A_790, %mul3A_797 : i32
      %min3A_799 = arith.constant 63 : i32
      %min3A_800 = arith.minsi %get3A_792, %min3A_799 : i32
      %add3A_801 = arith.addi %mul3A_798, %min3A_800 : i32
      %eq3A_802 = arith.constant 9 : i32
      %eq3A_803 = vector.broadcast %eq3A_802 : i32 to vector<16xi32>
      %eq3A_804 = arith.cmpi eq, %iota3A, %eq3A_803 : vector<16xi32>
      %swap3A_805 = arith.index_cast %add3A_801 : i32 to index
      %swap3A_806 = tpu.vector_load %arg14[%swap3A_805] masked %eq3A_804 {strides = array<i32>} : memref<4112xi32, #tpu.memory_space<vmem>>, vector<16xi32>, vector<16xi1>
      tpu.vector_store %arg14[%swap3A_805], %or3A masked %eq3A_804 {strides = array<i32>} : memref<4112xi32, #tpu.memory_space<vmem>>, vector<16xi32>, vector<16xi1>
      %slice3A_807 = vector.extract_strided_slice %select_n3A_627 {offsets = [10], sizes = [1], strides = [1]} : vector<16xi32> to vector<1xi32>
      %squeeze3A_808 = vector.extract %slice3A_807[0] : i32 from vector<1xi32>
      %get3A_809 = arith.index_cast %squeeze3A_808 : i32 to index
      %get3A_810 = memref.load %arg16[%get3A_809] : memref<64xi32, #tpu.memory_space<smem>>
      %add3A_811 = arith.constant 1 : i32
      %add3A_812 = arith.addi %get3A_810, %add3A_811 : i32
      %swap3A_813 = arith.index_cast %squeeze3A_808 : i32 to index
      %swap3A_814 = memref.load %arg16[%swap3A_813] : memref<64xi32, #tpu.memory_space<smem>>
      memref.store %add3A_812, %arg16[%swap3A_813] : memref<64xi32, #tpu.memory_space<smem>>
      %mul3A_815 = arith.constant 64 : i32
      %mul3A_816 = arith.muli %squeeze3A_808, %mul3A_815 : i32
      %min3A_817 = arith.constant 63 : i32
      %min3A_818 = arith.minsi %get3A_810, %min3A_817 : i32
      %add3A_819 = arith.addi %mul3A_816, %min3A_818 : i32
      %eq3A_820 = arith.constant 10 : i32
      %eq3A_821 = vector.broadcast %eq3A_820 : i32 to vector<16xi32>
      %eq3A_822 = arith.cmpi eq, %iota3A, %eq3A_821 : vector<16xi32>
      %swap3A_823 = arith.index_cast %add3A_819 : i32 to index
      %swap3A_824 = tpu.vector_load %arg14[%swap3A_823] masked %eq3A_822 {strides = array<i32>} : memref<4112xi32, #tpu.memory_space<vmem>>, vector<16xi32>, vector<16xi1>
      tpu.vector_store %arg14[%swap3A_823], %or3A masked %eq3A_822 {strides = array<i32>} : memref<4112xi32, #tpu.memory_space<vmem>>, vector<16xi32>, vector<16xi1>
      %slice3A_825 = vector.extract_strided_slice %select_n3A_627 {offsets = [11], sizes = [1], strides = [1]} : vector<16xi32> to vector<1xi32>
      %squeeze3A_826 = vector.extract %slice3A_825[0] : i32 from vector<1xi32>
      %get3A_827 = arith.index_cast %squeeze3A_826 : i32 to index
      %get3A_828 = memref.load %arg16[%get3A_827] : memref<64xi32, #tpu.memory_space<smem>>
      %add3A_829 = arith.constant 1 : i32
      %add3A_830 = arith.addi %get3A_828, %add3A_829 : i32
      %swap3A_831 = arith.index_cast %squeeze3A_826 : i32 to index
      %swap3A_832 = memref.load %arg16[%swap3A_831] : memref<64xi32, #tpu.memory_space<smem>>
      memref.store %add3A_830, %arg16[%swap3A_831] : memref<64xi32, #tpu.memory_space<smem>>
      %mul3A_833 = arith.constant 64 : i32
      %mul3A_834 = arith.muli %squeeze3A_826, %mul3A_833 : i32
      %min3A_835 = arith.constant 63 : i32
      %min3A_836 = arith.minsi %get3A_828, %min3A_835 : i32
      %add3A_837 = arith.addi %mul3A_834, %min3A_836 : i32
      %eq3A_838 = arith.constant 11 : i32
      %eq3A_839 = vector.broadcast %eq3A_838 : i32 to vector<16xi32>
      %eq3A_840 = arith.cmpi eq, %iota3A, %eq3A_839 : vector<16xi32>
      %swap3A_841 = arith.index_cast %add3A_837 : i32 to index
      %swap3A_842 = tpu.vector_load %arg14[%swap3A_841] masked %eq3A_840 {strides = array<i32>} : memref<4112xi32, #tpu.memory_space<vmem>>, vector<16xi32>, vector<16xi1>
      tpu.vector_store %arg14[%swap3A_841], %or3A masked %eq3A_840 {strides = array<i32>} : memref<4112xi32, #tpu.memory_space<vmem>>, vector<16xi32>, vector<16xi1>
      %slice3A_843 = vector.extract_strided_slice %select_n3A_627 {offsets = [12], sizes = [1], strides = [1]} : vector<16xi32> to vector<1xi32>
      %squeeze3A_844 = vector.extract %slice3A_843[0] : i32 from vector<1xi32>
      %get3A_845 = arith.index_cast %squeeze3A_844 : i32 to index
      %get3A_846 = memref.load %arg16[%get3A_845] : memref<64xi32, #tpu.memory_space<smem>>
      %add3A_847 = arith.constant 1 : i32
      %add3A_848 = arith.addi %get3A_846, %add3A_847 : i32
      %swap3A_849 = arith.index_cast %squeeze3A_844 : i32 to index
      %swap3A_850 = memref.load %arg16[%swap3A_849] : memref<64xi32, #tpu.memory_space<smem>>
      memref.store %add3A_848, %arg16[%swap3A_849] : memref<64xi32, #tpu.memory_space<smem>>
      %mul3A_851 = arith.constant 64 : i32
      %mul3A_852 = arith.muli %squeeze3A_844, %mul3A_851 : i32
      %min3A_853 = arith.constant 63 : i32
      %min3A_854 = arith.minsi %get3A_846, %min3A_853 : i32
      %add3A_855 = arith.addi %mul3A_852, %min3A_854 : i32
      %eq3A_856 = arith.constant 12 : i32
      %eq3A_857 = vector.broadcast %eq3A_856 : i32 to vector<16xi32>
      %eq3A_858 = arith.cmpi eq, %iota3A, %eq3A_857 : vector<16xi32>
      %swap3A_859 = arith.index_cast %add3A_855 : i32 to index
      %swap3A_860 = tpu.vector_load %arg14[%swap3A_859] masked %eq3A_858 {strides = array<i32>} : memref<4112xi32, #tpu.memory_space<vmem>>, vector<16xi32>, vector<16xi1>
      tpu.vector_store %arg14[%swap3A_859], %or3A masked %eq3A_858 {strides = array<i32>} : memref<4112xi32, #tpu.memory_space<vmem>>, vector<16xi32>, vector<16xi1>
      %slice3A_861 = vector.extract_strided_slice %select_n3A_627 {offsets = [13], sizes = [1], strides = [1]} : vector<16xi32> to vector<1xi32>
      %squeeze3A_862 = vector.extract %slice3A_861[0] : i32 from vector<1xi32>
      %get3A_863 = arith.index_cast %squeeze3A_862 : i32 to index
      %get3A_864 = memref.load %arg16[%get3A_863] : memref<64xi32, #tpu.memory_space<smem>>
      %add3A_865 = arith.constant 1 : i32
      %add3A_866 = arith.addi %get3A_864, %add3A_865 : i32
      %swap3A_867 = arith.index_cast %squeeze3A_862 : i32 to index
      %swap3A_868 = memref.load %arg16[%swap3A_867] : memref<64xi32, #tpu.memory_space<smem>>
      memref.store %add3A_866, %arg16[%swap3A_867] : memref<64xi32, #tpu.memory_space<smem>>
      %mul3A_869 = arith.constant 64 : i32
      %mul3A_870 = arith.muli %squeeze3A_862, %mul3A_869 : i32
      %min3A_871 = arith.constant 63 : i32
      %min3A_872 = arith.minsi %get3A_864, %min3A_871 : i32
      %add3A_873 = arith.addi %mul3A_870, %min3A_872 : i32
      %eq3A_874 = arith.constant 13 : i32
      %eq3A_875 = vector.broadcast %eq3A_874 : i32 to vector<16xi32>
      %eq3A_876 = arith.cmpi eq, %iota3A, %eq3A_875 : vector<16xi32>
      %swap3A_877 = arith.index_cast %add3A_873 : i32 to index
      %swap3A_878 = tpu.vector_load %arg14[%swap3A_877] masked %eq3A_876 {strides = array<i32>} : memref<4112xi32, #tpu.memory_space<vmem>>, vector<16xi32>, vector<16xi1>
      tpu.vector_store %arg14[%swap3A_877], %or3A masked %eq3A_876 {strides = array<i32>} : memref<4112xi32, #tpu.memory_space<vmem>>, vector<16xi32>, vector<16xi1>
      %slice3A_879 = vector.extract_strided_slice %select_n3A_627 {offsets = [14], sizes = [1], strides = [1]} : vector<16xi32> to vector<1xi32>
      %squeeze3A_880 = vector.extract %slice3A_879[0] : i32 from vector<1xi32>
      %get3A_881 = arith.index_cast %squeeze3A_880 : i32 to index
      %get3A_882 = memref.load %arg16[%get3A_881] : memref<64xi32, #tpu.memory_space<smem>>
      %add3A_883 = arith.constant 1 : i32
      %add3A_884 = arith.addi %get3A_882, %add3A_883 : i32
      %swap3A_885 = arith.index_cast %squeeze3A_880 : i32 to index
      %swap3A_886 = memref.load %arg16[%swap3A_885] : memref<64xi32, #tpu.memory_space<smem>>
      memref.store %add3A_884, %arg16[%swap3A_885] : memref<64xi32, #tpu.memory_space<smem>>
      %mul3A_887 = arith.constant 64 : i32
      %mul3A_888 = arith.muli %squeeze3A_880, %mul3A_887 : i32
      %min3A_889 = arith.constant 63 : i32
      %min3A_890 = arith.minsi %get3A_882, %min3A_889 : i32
      %add3A_891 = arith.addi %mul3A_888, %min3A_890 : i32
      %eq3A_892 = arith.constant 14 : i32
      %eq3A_893 = vector.broadcast %eq3A_892 : i32 to vector<16xi32>
      %eq3A_894 = arith.cmpi eq, %iota3A, %eq3A_893 : vector<16xi32>
      %swap3A_895 = arith.index_cast %add3A_891 : i32 to index
      %swap3A_896 = tpu.vector_load %arg14[%swap3A_895] masked %eq3A_894 {strides = array<i32>} : memref<4112xi32, #tpu.memory_space<vmem>>, vector<16xi32>, vector<16xi1>
      tpu.vector_store %arg14[%swap3A_895], %or3A masked %eq3A_894 {strides = array<i32>} : memref<4112xi32, #tpu.memory_space<vmem>>, vector<16xi32>, vector<16xi1>
      %slice3A_897 = vector.extract_strided_slice %select_n3A_627 {offsets = [15], sizes = [1], strides = [1]} : vector<16xi32> to vector<1xi32>
      %squeeze3A_898 = vector.extract %slice3A_897[0] : i32 from vector<1xi32>
      %get3A_899 = arith.index_cast %squeeze3A_898 : i32 to index
      %get3A_900 = memref.load %arg16[%get3A_899] : memref<64xi32, #tpu.memory_space<smem>>
      %add3A_901 = arith.constant 1 : i32
      %add3A_902 = arith.addi %get3A_900, %add3A_901 : i32
      %swap3A_903 = arith.index_cast %squeeze3A_898 : i32 to index
      %swap3A_904 = memref.load %arg16[%swap3A_903] : memref<64xi32, #tpu.memory_space<smem>>
      memref.store %add3A_902, %arg16[%swap3A_903] : memref<64xi32, #tpu.memory_space<smem>>
      %mul3A_905 = arith.constant 64 : i32
      %mul3A_906 = arith.muli %squeeze3A_898, %mul3A_905 : i32
      %min3A_907 = arith.constant 63 : i32
      %min3A_908 = arith.minsi %get3A_900, %min3A_907 : i32
      %add3A_909 = arith.addi %mul3A_906, %min3A_908 : i32
      %eq3A_910 = arith.constant 15 : i32
      %eq3A_911 = vector.broadcast %eq3A_910 : i32 to vector<16xi32>
      %eq3A_912 = arith.cmpi eq, %iota3A, %eq3A_911 : vector<16xi32>
      %swap3A_913 = arith.index_cast %add3A_909 : i32 to index
      %swap3A_914 = tpu.vector_load %arg14[%swap3A_913] masked %eq3A_912 {strides = array<i32>} : memref<4112xi32, #tpu.memory_space<vmem>>, vector<16xi32>, vector<16xi1>
      tpu.vector_store %arg14[%swap3A_913], %or3A masked %eq3A_912 {strides = array<i32>} : memref<4112xi32, #tpu.memory_space<vmem>>, vector<16xi32>, vector<16xi1>
    }
    "tpu.trace_stop"() : () -> ()
    "tpu.trace_start"() <{level = 10 : i32, message = "ph_windows"}> : () -> ()
    %scan3A_597 = arith.constant 0 : i32
    %scan3A_598 = arith.constant 0 : i32
    %scan3A_599 = arith.constant 61 : i32
    %scan3A_600 = arith.addi %scan3A_598, %scan3A_599 : i32
    %scan3A_601 = arith.constant 1 : i32
    %scan3A_602 = scf.for %scan3A_609 = %scan3A_598 to %scan3A_600 step %scan3A_601 iter_args(%scan3A_610 = %scan3A_597) -> (i32)  : i32 {
      %mul3A_611 = arith.constant 512 : i32
      %mul3A_612 = arith.muli %scan3A_609, %mul3A_611 : i32
      %add3A_613 = arith.addi %mul3A_4, %mul3A_612 : i32
      %multiple_of3A = tpu.assume_multiple %add3A_613, 128 : i32
      "tpu.region"() ({
        %run_scoped3A = tpu.sem_alloc : memref<!tpu.dma_semaphore, #tpu.memory_space<semaphore_mem>>
        %dma_start3A = arith.constant 0 : i32
        %dma_start3A_702 = arith.constant 0 : i32
        %dma_start3A_703 = tpu.memref_slice %arg17[%dma_start3A, %dma_start3A_702] : memref<64x576xf32, #tpu.memory_space<vmem>> -> memref<64x512xf32, #tpu.memory_space<vmem>>
        %dma_start3A_704 = arith.constant 0 : i32
        %dma_start3A_705 = tpu.memref_slice %arg2[%dma_start3A_704, %multiple_of3A] : memref<64x1000000xf32, #tpu.memory_space<hbm>> -> memref<64x512xf32, #tpu.memory_space<hbm>>
        %dma_start3A_706 = arith.constant 0 : i32
        %dma_start3A_707 = arith.constant 0 : i32
        %dma_start3A_708 = tpu.memref_slice %arg17[%dma_start3A_706, %dma_start3A_707] : memref<64x576xf32, #tpu.memory_space<vmem>> -> memref<64x512xf32, #tpu.memory_space<vmem>>
        %dma_start3A_709 = arith.constant 0 : i32
        %dma_start3A_710 = tpu.memref_slice %arg2[%dma_start3A_709, %multiple_of3A] : memref<64x1000000xf32, #tpu.memory_space<hbm>> -> memref<64x512xf32, #tpu.memory_space<hbm>>
        tpu.enqueue_dma source(%dma_start3A_710 : memref<64x512xf32, #tpu.memory_space<hbm>>) target(%dma_start3A_708 : memref<64x512xf32, #tpu.memory_space<vmem>>) target_semaphore(%run_scoped3A : memref<!tpu.dma_semaphore, #tpu.memory_space<semaphore_mem>>)
        %dma_wait3A = arith.constant 0 : i32
        %dma_wait3A_711 = arith.constant 0 : i32
        %dma_wait3A_712 = tpu.memref_slice %arg17[%dma_wait3A, %dma_wait3A_711] : memref<64x576xf32, #tpu.memory_space<vmem>> -> memref<64x512xf32, #tpu.memory_space<vmem>>
        %dma_wait3A_713 = arith.constant 0 : i32
        %dma_wait3A_714 = tpu.memref_slice %arg2[%dma_wait3A_713, %multiple_of3A] : memref<64x1000000xf32, #tpu.memory_space<hbm>> -> memref<64x512xf32, #tpu.memory_space<hbm>>
        %dma_wait3A_715 = arith.constant 0 : i32
        %dma_wait3A_716 = arith.constant 0 : i32
        %dma_wait3A_717 = tpu.memref_slice %arg17[%dma_wait3A_715, %dma_wait3A_716] : memref<64x576xf32, #tpu.memory_space<vmem>> -> memref<64x512xf32, #tpu.memory_space<vmem>>
        %dma_wait3A_718 = arith.constant 0 : i32
        %dma_wait3A_719 = tpu.memref_slice %arg2[%dma_wait3A_718, %multiple_of3A] : memref<64x1000000xf32, #tpu.memory_space<hbm>> -> memref<64x512xf32, #tpu.memory_space<hbm>>
        tpu.wait_dma2 semaphore(%run_scoped3A : memref<!tpu.dma_semaphore, #tpu.memory_space<semaphore_mem>>) src(%dma_wait3A_719 : memref<64x512xf32, #tpu.memory_space<hbm>>) dst(%dma_wait3A_717 : memref<64x512xf32, #tpu.memory_space<vmem>>)
        tpu.yield
      }) : () -> ()
      %get3A = arith.index_cast %scan3A_609 : i32 to index
      %get3A_614 = memref.load %arg15[%get3A] : memref<64xi32, #tpu.memory_space<smem>>
      %min3A = arith.constant 64 : i32
      %min3A_615 = arith.minsi %get3A_614, %min3A : i32
      %mul3A_616 = arith.constant 512 : i32
      %mul3A_617 = arith.muli %scan3A_609, %mul3A_616 : i32
      %add3A_618 = arith.constant 16 : i32
      %add3A_619 = arith.addi %min3A_615, %add3A_618 : i32
      %sub3A_620 = arith.constant 1 : i32
      %sub3A_621 = arith.subi %add3A_619, %sub3A_620 : i32
      %jit3A_622 = arith.constant 16 : i32
      %div3A_623 = arith.divsi %sub3A_621, %jit3A_622 : i32
      %sign3A_624 = arith.constant 0 : i32
      %sign3A_625 = arith.cmpi sgt, %sub3A_621, %sign3A_624 : i32
      %sign3A_626 = arith.extui %sign3A_625 : i1 to i32
      %sign3A_627 = arith.constant 0 : i32
      %sign3A_628 = arith.cmpi slt, %sub3A_621, %sign3A_627 : i32
      %sign3A_629 = arith.extui %sign3A_628 : i1 to i32
      %sign3A_630 = arith.subi %sign3A_626, %sign3A_629 : i32
      %sign3A_631 = arith.constant 0 : i32
      %sign3A_632 = arith.cmpi sgt, %jit3A_622, %sign3A_631 : i32
      %sign3A_633 = arith.extui %sign3A_632 : i1 to i32
      %sign3A_634 = arith.constant 0 : i32
      %sign3A_635 = arith.cmpi slt, %jit3A_622, %sign3A_634 : i32
      %sign3A_636 = arith.extui %sign3A_635 : i1 to i32
      %sign3A_637 = arith.subi %sign3A_633, %sign3A_636 : i32
      %ne3A_638 = arith.cmpi ne, %sign3A_630, %sign3A_637 : i32
      %rem3A_639 = arith.remsi %sub3A_621, %jit3A_622 : i32
      %ne3A_640 = arith.constant 0 : i32
      %ne3A_641 = arith.cmpi ne, %rem3A_639, %ne3A_640 : i32
      %and3A_642 = arith.andi %ne3A_638, %ne3A_641 : i1
      %sub3A_643 = arith.constant 1 : i32
      %sub3A_644 = arith.subi %div3A_623, %sub3A_643 : i32
      %select_n3A_645 = arith.select %and3A_642, %sub3A_644, %div3A_623 : i32
      %while3A_646 = arith.constant 0 : i32
      %while3A_647 = arith.subi %select_n3A_645, %while3A_646 : i32
      %while3A_648 = arith.addi %while3A_646, %while3A_647 : i32
      %while3A_649 = arith.constant 1 : i32
      %while3A_650 = arith.divsi %while3A_647, %while3A_649 : i32
      %while3A_651 = arith.muli %while3A_650, %while3A_649 : i32
      %while3A_652 = arith.addi %while3A_646, %while3A_651 : i32
      %while3A_653 = arith.constant 1 : i32
      %while3A_654 = scf.for %while3A_702 = %while3A_646 to %while3A_652 step %while3A_653 iter_args(%while3A_703 = %scan3A_610) -> (i32)  : i32 {
        %mul3A_704 = arith.constant 64 : i32
        %mul3A_705 = arith.muli %scan3A_609, %mul3A_704 : i32
        %mul3A_706 = arith.constant 16 : i32
        %mul3A_707 = arith.muli %while3A_702, %mul3A_706 : i32
        %add3A_708 = arith.addi %mul3A_705, %mul3A_707 : i32
        %get3A_709 = arith.index_cast %add3A_708 : i32 to index
        %get3A_710 = tpu.vector_load %arg13[%get3A_709] {strides = array<i32>} : memref<4112xi32, #tpu.memory_space<vmem>>, vector<16xi32>,
        %shift_right_logical3A = arith.constant 14 : i32
        %shift_right_logical3A_711 = vector.broadcast %shift_right_logical3A : i32 to vector<16xi32>
        %shift_right_logical3A_712 = arith.shrui %get3A_710, %shift_right_logical3A_711 : vector<16xi32>
        %and3A_713 = arith.constant 16383 : i32
        %and3A_714 = vector.broadcast %and3A_713 : i32 to vector<16xi32>
        %and3A_715 = arith.andi %get3A_710, %and3A_714 : vector<16xi32>
        %mul3A_716 = arith.constant 16 : i32
        %mul3A_717 = arith.muli %while3A_702, %mul3A_716 : i32
        %add3A_718 = vector.broadcast %mul3A_717 : i32 to vector<16xi32>
        %add3A_719 = arith.addi %iota3A, %add3A_718 : vector<16xi32>
        %lt3A = vector.broadcast %min3A_615 : i32 to vector<16xi32>
        %lt3A_720 = arith.cmpi slt, %add3A_719, %lt3A : vector<16xi32>
        %sub3A_721 = vector.broadcast %mul3A_617 : i32 to vector<16xi32>
        %sub3A_722 = arith.subi %shift_right_logical3A_712, %sub3A_721 : vector<16xi32>
        %jit3A_723 = arith.constant 0 : i32
        %jit3A_724 = arith.constant 511 : i32
        %max3A = vector.broadcast %jit3A_723 : i32 to vector<16xi32>
        %max3A_725 = arith.maxsi %max3A, %sub3A_722 : vector<16xi32>
        %min3A_726 = vector.broadcast %jit3A_724 : i32 to vector<16xi32>
        %min3A_727 = arith.minsi %min3A_726, %max3A_725 : vector<16xi32>
        %jit3A_728 = arith.constant 16384 : i32
        %broadcast_in_dim3A = vector.broadcast %jit3A_728 : i32 to vector<16xi32>
        %select_n3A_729 = arith.select %lt3A_720, %and3A_715, %broadcast_in_dim3A : vector<16xi1>, vector<16xi32>
        %ge3A = arith.constant 8 : i32
        %ge3A_730 = arith.cmpi sge, %while3A_703, %ge3A : i32
        %jit3A_731 = arith.constant 1 : i32
        %jit3A_732 = arith.constant 0 : i32
        %select_n3A_733 = arith.select %ge3A_730, %jit3A_731, %jit3A_732 : i32
        %while3A_734 = arith.constant 0 : i32
        %while3A_735 = arith.constant 0 : i32
        %while3A_736 = arith.subi %select_n3A_733, %while3A_735 : i32
        %while3A_737 = arith.addi %while3A_735, %while3A_736 : i32
        %while3A_738 = arith.constant 1 : i32
        %while3A_739 = arith.divsi %while3A_736, %while3A_738 : i32
        %while3A_740 = arith.muli %while3A_739, %while3A_738 : i32
        %while3A_741 = arith.addi %while3A_735, %while3A_740 : i32
        %while3A_742 = arith.constant 1 : i32
        scf.for %while3A_768 = %while3A_735 to %while3A_741 step %while3A_742  : i32 {
          %dma_wait3A = arith.constant 0 : i32
          %dma_wait3A_769 = arith.constant 0 : i32
          %dma_wait3A_770 = tpu.memref_slice %arg18[%dma_wait3A, %dma_wait3A_769] : memref<128x128xf32, #tpu.memory_space<vmem>> -> memref<16x128xf32, #tpu.memory_space<vmem>>
          %dma_wait3A_771 = arith.constant 0 : i32
          %dma_wait3A_772 = arith.constant 0 : i32
          %dma_wait3A_773 = tpu.memref_slice %arg5[%dma_wait3A_771, %dma_wait3A_772] : memref<16392x128xf32, #tpu.memory_space<hbm>> -> memref<16x128xf32, #tpu.memory_space<hbm>>
          %dma_wait3A_774 = arith.constant 0 : i32
          %dma_wait3A_775 = arith.constant 0 : i32
          %dma_wait3A_776 = tpu.memref_slice %arg18[%dma_wait3A_774, %dma_wait3A_775] : memref<128x128xf32, #tpu.memory_space<vmem>> -> memref<16x128xf32, #tpu.memory_space<vmem>>
          %dma_wait3A_777 = arith.constant 0 : i32
          %dma_wait3A_778 = arith.constant 0 : i32
          %dma_wait3A_779 = tpu.memref_slice %arg5[%dma_wait3A_777, %dma_wait3A_778] : memref<16392x128xf32, #tpu.memory_space<hbm>> -> memref<16x128xf32, #tpu.memory_space<hbm>>
          tpu.wait_dma2 semaphore(%arg21 : memref<!tpu.dma_semaphore, #tpu.memory_space<semaphore_mem>>) src(%dma_wait3A_779 : memref<16x128xf32, #tpu.memory_space<hbm>>) dst(%dma_wait3A_776 : memref<16x128xf32, #tpu.memory_space<vmem>>)
        }
        %while3A_743 = arith.constant 1 : i32
        scf.for %while3A_768 = %while3A_741 to %while3A_737 step %while3A_743  : i32 {
          %dma_wait3A = arith.constant 0 : i32
          %dma_wait3A_769 = arith.constant 0 : i32
          %dma_wait3A_770 = tpu.memref_slice %arg18[%dma_wait3A, %dma_wait3A_769] : memref<128x128xf32, #tpu.memory_space<vmem>> -> memref<16x128xf32, #tpu.memory_space<vmem>>
          %dma_wait3A_771 = arith.constant 0 : i32
          %dma_wait3A_772 = arith.constant 0 : i32
          %dma_wait3A_773 = tpu.memref_slice %arg5[%dma_wait3A_771, %dma_wait3A_772] : memref<16392x128xf32, #tpu.memory_space<hbm>> -> memref<16x128xf32, #tpu.memory_space<hbm>>
          %dma_wait3A_774 = arith.constant 0 : i32
          %dma_wait3A_775 = arith.constant 0 : i32
          %dma_wait3A_776 = tpu.memref_slice %arg18[%dma_wait3A_774, %dma_wait3A_775] : memref<128x128xf32, #tpu.memory_space<vmem>> -> memref<16x128xf32, #tpu.memory_space<vmem>>
          %dma_wait3A_777 = arith.constant 0 : i32
          %dma_wait3A_778 = arith.constant 0 : i32
          %dma_wait3A_779 = tpu.memref_slice %arg5[%dma_wait3A_777, %dma_wait3A_778] : memref<16392x128xf32, #tpu.memory_space<hbm>> -> memref<16x128xf32, #tpu.memory_space<hbm>>
          tpu.wait_dma2 semaphore(%arg21 : memref<!tpu.dma_semaphore, #tpu.memory_space<semaphore_mem>>) src(%dma_wait3A_779 : memref<16x128xf32, #tpu.memory_space<hbm>>) dst(%dma_wait3A_776 : memref<16x128xf32, #tpu.memory_space<vmem>>)
        }
        %and3A_744 = arith.constant 7 : i32
        %and3A_745 = arith.andi %while3A_703, %and3A_744 : i32
        %mul3A_746 = arith.constant 16 : i32
        %mul3A_747 = arith.muli %and3A_745, %mul3A_746 : i32
        %swap3A_748 = arith.constant 0 : index
        %swap3A_749 = tpu.vector_load %arg20[%swap3A_748] {strides = array<i32>} : memref<16xi32, #tpu.memory_space<vmem>>, vector<16xi32>,
        tpu.vector_store %arg20[%swap3A_748], %min3A_727 {strides = array<i32>} : memref<16xi32, #tpu.memory_space<vmem>>, vector<16xi32>,
        %swap3A_750 = arith.index_cast %and3A_745 : i32 to index
        %swap3A_751 = arith.constant 0 : index
        %swap3A_752 = tpu.vector_load %arg19[%swap3A_750, %swap3A_751] {strides = array<i32>} : memref<8x16xi32, #tpu.memory_space<vmem>>, vector<16xi32>,
        tpu.vector_store %arg19[%swap3A_750, %swap3A_751], %select_n3A_729 {strides = array<i32>} : memref<8x16xi32, #tpu.memory_space<vmem>>, vector<16xi32>,
        %scan3A_753 = arith.constant 0 : i32
        %scan3A_754 = arith.constant 0 : i32
        %scan3A_755 = arith.constant 16 : i32
        %scan3A_756 = arith.addi %scan3A_754, %scan3A_755 : i32
        %scan3A_757 = arith.constant 1 : i32
        scf.for %scan3A_768 = %scan3A_754 to %scan3A_756 step %scan3A_757  : i32 {
          %broadcast_in_dim3A_769 = vector.broadcast %scan3A_768 : i32 to vector<16xi32>
          %gather3A = tpu.vector_load_idx %arg20[%broadcast_in_dim3A_769] : memref<16xi32, #tpu.memory_space<vmem>>[vector<16xi32>], vector<16xi32>,
          %add3A_770 = arith.constant 0 : i32
          %add3A_771 = vector.broadcast %add3A_770 : i32 to vector<16xi32>
          %add3A_772 = arith.addi %iota3A, %add3A_771 : vector<16xi32>
          %gather3A_773 = tpu.vector_load_idx %arg17[%add3A_772, %gather3A] : memref<64x576xf32, #tpu.memory_space<vmem>>[vector<16xi32>, vector<16xi32>], vector<16xf32>,
          %add3A_774 = arith.addi %mul3A_747, %scan3A_768 : i32
          %swap3A_775 = arith.index_cast %add3A_774 : i32 to index
          %swap3A_776 = arith.constant 0 : index
          %swap3A_777 = tpu.vector_load %arg18[%swap3A_775, %swap3A_776] {strides = array<i32>} : memref<128x128xf32, #tpu.memory_space<vmem>>, vector<16xf32>,
          tpu.vector_store %arg18[%swap3A_775, %swap3A_776], %gather3A_773 {strides = array<i32>} : memref<128x128xf32, #tpu.memory_space<vmem>>, vector<16xf32>,
          %add3A_778 = arith.constant 16 : i32
          %add3A_779 = vector.broadcast %add3A_778 : i32 to vector<16xi32>
          %add3A_780 = arith.addi %iota3A, %add3A_779 : vector<16xi32>
          %gather3A_781 = tpu.vector_load_idx %arg17[%add3A_780, %gather3A] : memref<64x576xf32, #tpu.memory_space<vmem>>[vector<16xi32>, vector<16xi32>], vector<16xf32>,
          %add3A_782 = arith.addi %mul3A_747, %scan3A_768 : i32
          %swap3A_783 = arith.index_cast %add3A_782 : i32 to index
          %swap3A_784 = arith.constant 16 : index
          %swap3A_785 = tpu.vector_load %arg18[%swap3A_783, %swap3A_784] {strides = array<i32>} : memref<128x128xf32, #tpu.memory_space<vmem>>, vector<16xf32>,
          tpu.vector_store %arg18[%swap3A_783, %swap3A_784], %gather3A_781 {strides = array<i32>} : memref<128x128xf32, #tpu.memory_space<vmem>>, vector<16xf32>,
          %add3A_786 = arith.constant 32 : i32
          %add3A_787 = vector.broadcast %add3A_786 : i32 to vector<16xi32>
          %add3A_788 = arith.addi %iota3A, %add3A_787 : vector<16xi32>
          %gather3A_789 = tpu.vector_load_idx %arg17[%add3A_788, %gather3A] : memref<64x576xf32, #tpu.memory_space<vmem>>[vector<16xi32>, vector<16xi32>], vector<16xf32>,
          %add3A_790 = arith.addi %mul3A_747, %scan3A_768 : i32
          %swap3A_791 = arith.index_cast %add3A_790 : i32 to index
          %swap3A_792 = arith.constant 32 : index
          %swap3A_793 = tpu.vector_load %arg18[%swap3A_791, %swap3A_792] {strides = array<i32>} : memref<128x128xf32, #tpu.memory_space<vmem>>, vector<16xf32>,
          tpu.vector_store %arg18[%swap3A_791, %swap3A_792], %gather3A_789 {strides = array<i32>} : memref<128x128xf32, #tpu.memory_space<vmem>>, vector<16xf32>,
          %add3A_794 = arith.constant 48 : i32
          %add3A_795 = vector.broadcast %add3A_794 : i32 to vector<16xi32>
          %add3A_796 = arith.addi %iota3A, %add3A_795 : vector<16xi32>
          %gather3A_797 = tpu.vector_load_idx %arg17[%add3A_796, %gather3A] : memref<64x576xf32, #tpu.memory_space<vmem>>[vector<16xi32>, vector<16xi32>], vector<16xf32>,
          %add3A_798 = arith.addi %mul3A_747, %scan3A_768 : i32
          %swap3A_799 = arith.index_cast %add3A_798 : i32 to index
          %swap3A_800 = arith.constant 48 : index
          %swap3A_801 = tpu.vector_load %arg18[%swap3A_799, %swap3A_800] {strides = array<i32>} : memref<128x128xf32, #tpu.memory_space<vmem>>, vector<16xf32>,
          tpu.vector_store %arg18[%swap3A_799, %swap3A_800], %gather3A_797 {strides = array<i32>} : memref<128x128xf32, #tpu.memory_space<vmem>>, vector<16xf32>,
        }
        %scan3A_758 = arith.constant 16 : i32
        %dma_start3A = arith.constant 0 : i32
        %dma_start3A_759 = tpu.memref_slice %arg18[%mul3A_747, %dma_start3A] : memref<128x128xf32, #tpu.memory_space<vmem>> -> memref<16x128xf32, #tpu.memory_space<vmem>>
        %dma_start3A_760 = arith.constant 0 : i32
        %dma_start3A_761 = tpu.memref_slice %arg19[%and3A_745, %dma_start3A_760] : memref<8x16xi32, #tpu.memory_space<vmem>> -> memref<1x16xi32, #tpu.memory_space<vmem>>
        %dma_start3A_762 = tpu.memref_squeeze %dma_start3A_761 : memref<1x16xi32, #tpu.memory_space<vmem>> -> memref<16xi32, #tpu.memory_space<vmem>>
        %dma_start3A_763 = arith.constant 0 : i32
        %dma_start3A_764 = arith.constant 0 : i32
        %dma_start3A_765 = tpu.memref_slice %arg5[%dma_start3A_763, %dma_start3A_764] : memref<16392x128xf32, #tpu.memory_space<hbm>> -> memref<16392x128xf32, #tpu.memory_space<hbm>>
        tpu.enqueue_indirect_dma source(%dma_start3A_759 : memref<16x128xf32, #tpu.memory_space<vmem>>) target(%dma_start3A_765 : memref<16392x128xf32, #tpu.memory_space<hbm>>) offsets(%dma_start3A_762 : memref<16xi32, #tpu.memory_space<vmem>>) semaphore(%arg21 : memref<!tpu.dma_semaphore, #tpu.memory_space<semaphore_mem>>)
        %add3A_766 = arith.constant 1 : i32
        %add3A_767 = arith.addi %while3A_703, %add3A_766 : i32
        scf.yield %add3A_767 : i32
      }
      %while3A_655 = arith.constant 1 : i32
      %while3A_656 = scf.for %while3A_702 = %while3A_652 to %while3A_648 step %while3A_655 iter_args(%while3A_703 = %while3A_654) -> (i32)  : i32 {
        %mul3A_704 = arith.constant 64 : i32
        %mul3A_705 = arith.muli %scan3A_609, %mul3A_704 : i32
        %mul3A_706 = arith.constant 16 : i32
        %mul3A_707 = arith.muli %while3A_702, %mul3A_706 : i32
        %add3A_708 = arith.addi %mul3A_705, %mul3A_707 : i32
        %get3A_709 = arith.index_cast %add3A_708 : i32 to index
        %get3A_710 = tpu.vector_load %arg13[%get3A_709] {strides = array<i32>} : memref<4112xi32, #tpu.memory_space<vmem>>, vector<16xi32>,
        %shift_right_logical3A = arith.constant 14 : i32
        %shift_right_logical3A_711 = vector.broadcast %shift_right_logical3A : i32 to vector<16xi32>
        %shift_right_logical3A_712 = arith.shrui %get3A_710, %shift_right_logical3A_711 : vector<16xi32>
        %and3A_713 = arith.constant 16383 : i32
        %and3A_714 = vector.broadcast %and3A_713 : i32 to vector<16xi32>
        %and3A_715 = arith.andi %get3A_710, %and3A_714 : vector<16xi32>
        %mul3A_716 = arith.constant 16 : i32
        %mul3A_717 = arith.muli %while3A_702, %mul3A_716 : i32
        %add3A_718 = vector.broadcast %mul3A_717 : i32 to vector<16xi32>
        %add3A_719 = arith.addi %iota3A, %add3A_718 : vector<16xi32>
        %lt3A = vector.broadcast %min3A_615 : i32 to vector<16xi32>
        %lt3A_720 = arith.cmpi slt, %add3A_719, %lt3A : vector<16xi32>
        %sub3A_721 = vector.broadcast %mul3A_617 : i32 to vector<16xi32>
        %sub3A_722 = arith.subi %shift_right_logical3A_712, %sub3A_721 : vector<16xi32>
        %jit3A_723 = arith.constant 0 : i32
        %jit3A_724 = arith.constant 511 : i32
        %max3A = vector.broadcast %jit3A_723 : i32 to vector<16xi32>
        %max3A_725 = arith.maxsi %max3A, %sub3A_722 : vector<16xi32>
        %min3A_726 = vector.broadcast %jit3A_724 : i32 to vector<16xi32>
        %min3A_727 = arith.minsi %min3A_726, %max3A_725 : vector<16xi32>
        %jit3A_728 = arith.constant 16384 : i32
        %broadcast_in_dim3A = vector.broadcast %jit3A_728 : i32 to vector<16xi32>
        %select_n3A_729 = arith.select %lt3A_720, %and3A_715, %broadcast_in_dim3A : vector<16xi1>, vector<16xi32>
        %ge3A = arith.constant 8 : i32
        %ge3A_730 = arith.cmpi sge, %while3A_703, %ge3A : i32
        %jit3A_731 = arith.constant 1 : i32
        %jit3A_732 = arith.constant 0 : i32
        %select_n3A_733 = arith.select %ge3A_730, %jit3A_731, %jit3A_732 : i32
        %while3A_734 = arith.constant 0 : i32
        %while3A_735 = arith.constant 0 : i32
        %while3A_736 = arith.subi %select_n3A_733, %while3A_735 : i32
        %while3A_737 = arith.addi %while3A_735, %while3A_736 : i32
        %while3A_738 = arith.constant 1 : i32
        %while3A_739 = arith.divsi %while3A_736, %while3A_738 : i32
        %while3A_740 = arith.muli %while3A_739, %while3A_738 : i32
        %while3A_741 = arith.addi %while3A_735, %while3A_740 : i32
        %while3A_742 = arith.constant 1 : i32
        scf.for %while3A_768 = %while3A_735 to %while3A_741 step %while3A_742  : i32 {
          %dma_wait3A = arith.constant 0 : i32
          %dma_wait3A_769 = arith.constant 0 : i32
          %dma_wait3A_770 = tpu.memref_slice %arg18[%dma_wait3A, %dma_wait3A_769] : memref<128x128xf32, #tpu.memory_space<vmem>> -> memref<16x128xf32, #tpu.memory_space<vmem>>
          %dma_wait3A_771 = arith.constant 0 : i32
          %dma_wait3A_772 = arith.constant 0 : i32
          %dma_wait3A_773 = tpu.memref_slice %arg5[%dma_wait3A_771, %dma_wait3A_772] : memref<16392x128xf32, #tpu.memory_space<hbm>> -> memref<16x128xf32, #tpu.memory_space<hbm>>
          %dma_wait3A_774 = arith.constant 0 : i32
          %dma_wait3A_775 = arith.constant 0 : i32
          %dma_wait3A_776 = tpu.memref_slice %arg18[%dma_wait3A_774, %dma_wait3A_775] : memref<128x128xf32, #tpu.memory_space<vmem>> -> memref<16x128xf32, #tpu.memory_space<vmem>>
          %dma_wait3A_777 = arith.constant 0 : i32
          %dma_wait3A_778 = arith.constant 0 : i32
          %dma_wait3A_779 = tpu.memref_slice %arg5[%dma_wait3A_777, %dma_wait3A_778] : memref<16392x128xf32, #tpu.memory_space<hbm>> -> memref<16x128xf32, #tpu.memory_space<hbm>>
          tpu.wait_dma2 semaphore(%arg21 : memref<!tpu.dma_semaphore, #tpu.memory_space<semaphore_mem>>) src(%dma_wait3A_779 : memref<16x128xf32, #tpu.memory_space<hbm>>) dst(%dma_wait3A_776 : memref<16x128xf32, #tpu.memory_space<vmem>>)
        }
        %while3A_743 = arith.constant 1 : i32
        scf.for %while3A_768 = %while3A_741 to %while3A_737 step %while3A_743  : i32 {
          %dma_wait3A = arith.constant 0 : i32
          %dma_wait3A_769 = arith.constant 0 : i32
          %dma_wait3A_770 = tpu.memref_slice %arg18[%dma_wait3A, %dma_wait3A_769] : memref<128x128xf32, #tpu.memory_space<vmem>> -> memref<16x128xf32, #tpu.memory_space<vmem>>
          %dma_wait3A_771 = arith.constant 0 : i32
          %dma_wait3A_772 = arith.constant 0 : i32
          %dma_wait3A_773 = tpu.memref_slice %arg5[%dma_wait3A_771, %dma_wait3A_772] : memref<16392x128xf32, #tpu.memory_space<hbm>> -> memref<16x128xf32, #tpu.memory_space<hbm>>
          %dma_wait3A_774 = arith.constant 0 : i32
          %dma_wait3A_775 = arith.constant 0 : i32
          %dma_wait3A_776 = tpu.memref_slice %arg18[%dma_wait3A_774, %dma_wait3A_775] : memref<128x128xf32, #tpu.memory_space<vmem>> -> memref<16x128xf32, #tpu.memory_space<vmem>>
          %dma_wait3A_777 = arith.constant 0 : i32
          %dma_wait3A_778 = arith.constant 0 : i32
          %dma_wait3A_779 = tpu.memref_slice %arg5[%dma_wait3A_777, %dma_wait3A_778] : memref<16392x128xf32, #tpu.memory_space<hbm>> -> memref<16x128xf32, #tpu.memory_space<hbm>>
          tpu.wait_dma2 semaphore(%arg21 : memref<!tpu.dma_semaphore, #tpu.memory_space<semaphore_mem>>) src(%dma_wait3A_779 : memref<16x128xf32, #tpu.memory_space<hbm>>) dst(%dma_wait3A_776 : memref<16x128xf32, #tpu.memory_space<vmem>>)
        }
        %and3A_744 = arith.constant 7 : i32
        %and3A_745 = arith.andi %while3A_703, %and3A_744 : i32
        %mul3A_746 = arith.constant 16 : i32
        %mul3A_747 = arith.muli %and3A_745, %mul3A_746 : i32
        %swap3A_748 = arith.constant 0 : index
        %swap3A_749 = tpu.vector_load %arg20[%swap3A_748] {strides = array<i32>} : memref<16xi32, #tpu.memory_space<vmem>>, vector<16xi32>,
        tpu.vector_store %arg20[%swap3A_748], %min3A_727 {strides = array<i32>} : memref<16xi32, #tpu.memory_space<vmem>>, vector<16xi32>,
        %swap3A_750 = arith.index_cast %and3A_745 : i32 to index
        %swap3A_751 = arith.constant 0 : index
        %swap3A_752 = tpu.vector_load %arg19[%swap3A_750, %swap3A_751] {strides = array<i32>} : memref<8x16xi32, #tpu.memory_space<vmem>>, vector<16xi32>,
        tpu.vector_store %arg19[%swap3A_750, %swap3A_751], %select_n3A_729 {strides = array<i32>} : memref<8x16xi32, #tpu.memory_space<vmem>>, vector<16xi32>,
        %scan3A_753 = arith.constant 0 : i32
        %scan3A_754 = arith.constant 0 : i32
        %scan3A_755 = arith.constant 16 : i32
        %scan3A_756 = arith.addi %scan3A_754, %scan3A_755 : i32
        %scan3A_757 = arith.constant 1 : i32
        scf.for %scan3A_768 = %scan3A_754 to %scan3A_756 step %scan3A_757  : i32 {
          %broadcast_in_dim3A_769 = vector.broadcast %scan3A_768 : i32 to vector<16xi32>
          %gather3A = tpu.vector_load_idx %arg20[%broadcast_in_dim3A_769] : memref<16xi32, #tpu.memory_space<vmem>>[vector<16xi32>], vector<16xi32>,
          %add3A_770 = arith.constant 0 : i32
          %add3A_771 = vector.broadcast %add3A_770 : i32 to vector<16xi32>
          %add3A_772 = arith.addi %iota3A, %add3A_771 : vector<16xi32>
          %gather3A_773 = tpu.vector_load_idx %arg17[%add3A_772, %gather3A] : memref<64x576xf32, #tpu.memory_space<vmem>>[vector<16xi32>, vector<16xi32>], vector<16xf32>,
          %add3A_774 = arith.addi %mul3A_747, %scan3A_768 : i32
          %swap3A_775 = arith.index_cast %add3A_774 : i32 to index
          %swap3A_776 = arith.constant 0 : index
          %swap3A_777 = tpu.vector_load %arg18[%swap3A_775, %swap3A_776] {strides = array<i32>} : memref<128x128xf32, #tpu.memory_space<vmem>>, vector<16xf32>,
          tpu.vector_store %arg18[%swap3A_775, %swap3A_776], %gather3A_773 {strides = array<i32>} : memref<128x128xf32, #tpu.memory_space<vmem>>, vector<16xf32>,
          %add3A_778 = arith.constant 16 : i32
          %add3A_779 = vector.broadcast %add3A_778 : i32 to vector<16xi32>
          %add3A_780 = arith.addi %iota3A, %add3A_779 : vector<16xi32>
          %gather3A_781 = tpu.vector_load_idx %arg17[%add3A_780, %gather3A] : memref<64x576xf32, #tpu.memory_space<vmem>>[vector<16xi32>, vector<16xi32>], vector<16xf32>,
          %add3A_782 = arith.addi %mul3A_747, %scan3A_768 : i32
          %swap3A_783 = arith.index_cast %add3A_782 : i32 to index
          %swap3A_784 = arith.constant 16 : index
          %swap3A_785 = tpu.vector_load %arg18[%swap3A_783, %swap3A_784] {strides = array<i32>} : memref<128x128xf32, #tpu.memory_space<vmem>>, vector<16xf32>,
          tpu.vector_store %arg18[%swap3A_783, %swap3A_784], %gather3A_781 {strides = array<i32>} : memref<128x128xf32, #tpu.memory_space<vmem>>, vector<16xf32>,
          %add3A_786 = arith.constant 32 : i32
          %add3A_787 = vector.broadcast %add3A_786 : i32 to vector<16xi32>
          %add3A_788 = arith.addi %iota3A, %add3A_787 : vector<16xi32>
          %gather3A_789 = tpu.vector_load_idx %arg17[%add3A_788, %gather3A] : memref<64x576xf32, #tpu.memory_space<vmem>>[vector<16xi32>, vector<16xi32>], vector<16xf32>,
          %add3A_790 = arith.addi %mul3A_747, %scan3A_768 : i32
          %swap3A_791 = arith.index_cast %add3A_790 : i32 to index
          %swap3A_792 = arith.constant 32 : index
          %swap3A_793 = tpu.vector_load %arg18[%swap3A_791, %swap3A_792] {strides = array<i32>} : memref<128x128xf32, #tpu.memory_space<vmem>>, vector<16xf32>,
          tpu.vector_store %arg18[%swap3A_791, %swap3A_792], %gather3A_789 {strides = array<i32>} : memref<128x128xf32, #tpu.memory_space<vmem>>, vector<16xf32>,
          %add3A_794 = arith.constant 48 : i32
          %add3A_795 = vector.broadcast %add3A_794 : i32 to vector<16xi32>
          %add3A_796 = arith.addi %iota3A, %add3A_795 : vector<16xi32>
          %gather3A_797 = tpu.vector_load_idx %arg17[%add3A_796, %gather3A] : memref<64x576xf32, #tpu.memory_space<vmem>>[vector<16xi32>, vector<16xi32>], vector<16xf32>,
          %add3A_798 = arith.addi %mul3A_747, %scan3A_768 : i32
          %swap3A_799 = arith.index_cast %add3A_798 : i32 to index
          %swap3A_800 = arith.constant 48 : index
          %swap3A_801 = tpu.vector_load %arg18[%swap3A_799, %swap3A_800] {strides = array<i32>} : memref<128x128xf32, #tpu.memory_space<vmem>>, vector<16xf32>,
          tpu.vector_store %arg18[%swap3A_799, %swap3A_800], %gather3A_797 {strides = array<i32>} : memref<128x128xf32, #tpu.memory_space<vmem>>, vector<16xf32>,
        }
        %scan3A_758 = arith.constant 16 : i32
        %dma_start3A = arith.constant 0 : i32
        %dma_start3A_759 = tpu.memref_slice %arg18[%mul3A_747, %dma_start3A] : memref<128x128xf32, #tpu.memory_space<vmem>> -> memref<16x128xf32, #tpu.memory_space<vmem>>
        %dma_start3A_760 = arith.constant 0 : i32
        %dma_start3A_761 = tpu.memref_slice %arg19[%and3A_745, %dma_start3A_760] : memref<8x16xi32, #tpu.memory_space<vmem>> -> memref<1x16xi32, #tpu.memory_space<vmem>>
        %dma_start3A_762 = tpu.memref_squeeze %dma_start3A_761 : memref<1x16xi32, #tpu.memory_space<vmem>> -> memref<16xi32, #tpu.memory_space<vmem>>
        %dma_start3A_763 = arith.constant 0 : i32
        %dma_start3A_764 = arith.constant 0 : i32
        %dma_start3A_765 = tpu.memref_slice %arg5[%dma_start3A_763, %dma_start3A_764] : memref<16392x128xf32, #tpu.memory_space<hbm>> -> memref<16392x128xf32, #tpu.memory_space<hbm>>
        tpu.enqueue_indirect_dma source(%dma_start3A_759 : memref<16x128xf32, #tpu.memory_space<vmem>>) target(%dma_start3A_765 : memref<16392x128xf32, #tpu.memory_space<hbm>>) offsets(%dma_start3A_762 : memref<16xi32, #tpu.memory_space<vmem>>) semaphore(%arg21 : memref<!tpu.dma_semaphore, #tpu.memory_space<semaphore_mem>>)
        %add3A_766 = arith.constant 1 : i32
        %add3A_767 = arith.addi %while3A_703, %add3A_766 : i32
        scf.yield %add3A_767 : i32
      }
      %get3A_657 = arith.index_cast %scan3A_609 : i32 to index
      %get3A_658 = memref.load %arg16[%get3A_657] : memref<64xi32, #tpu.memory_space<smem>>
      %min3A_659 = arith.constant 64 : i32
      %min3A_660 = arith.minsi %get3A_658, %min3A_659 : i32
      %mul3A_661 = arith.constant 512 : i32
      %mul3A_662 = arith.muli %scan3A_609, %mul3A_661 : i32
      %add3A_663 = arith.constant 16 : i32
      %add3A_664 = arith.addi %min3A_660, %add3A_663 : i32
      %sub3A_665 = arith.constant 1 : i32
      %sub3A_666 = arith.subi %add3A_664, %sub3A_665 : i32
      %jit3A_667 = arith.constant 16 : i32
      %div3A_668 = arith.divsi %sub3A_666, %jit3A_667 : i32
      %sign3A_669 = arith.constant 0 : i32
      %sign3A_670 = arith.cmpi sgt, %sub3A_666, %sign3A_669 : i32
      %sign3A_671 = arith.extui %sign3A_670 : i1 to i32
      %sign3A_672 = arith.constant 0 : i32
      %sign3A_673 = arith.cmpi slt, %sub3A_666, %sign3A_672 : i32
      %sign3A_674 = arith.extui %sign3A_673 : i1 to i32
      %sign3A_675 = arith.subi %sign3A_671, %sign3A_674 : i32
      %sign3A_676 = arith.constant 0 : i32
      %sign3A_677 = arith.cmpi sgt, %jit3A_667, %sign3A_676 : i32
      %sign3A_678 = arith.extui %sign3A_677 : i1 to i32
      %sign3A_679 = arith.constant 0 : i32
      %sign3A_680 = arith.cmpi slt, %jit3A_667, %sign3A_679 : i32
      %sign3A_681 = arith.extui %sign3A_680 : i1 to i32
      %sign3A_682 = arith.subi %sign3A_678, %sign3A_681 : i32
      %ne3A_683 = arith.cmpi ne, %sign3A_675, %sign3A_682 : i32
      %rem3A_684 = arith.remsi %sub3A_666, %jit3A_667 : i32
      %ne3A_685 = arith.constant 0 : i32
      %ne3A_686 = arith.cmpi ne, %rem3A_684, %ne3A_685 : i32
      %and3A_687 = arith.andi %ne3A_683, %ne3A_686 : i1
      %sub3A_688 = arith.constant 1 : i32
      %sub3A_689 = arith.subi %div3A_668, %sub3A_688 : i32
      %select_n3A_690 = arith.select %and3A_687, %sub3A_689, %div3A_668 : i32
      %while3A_691 = arith.constant 0 : i32
      %while3A_692 = arith.subi %select_n3A_690, %while3A_691 : i32
      %while3A_693 = arith.addi %while3A_691, %while3A_692 : i32
      %while3A_694 = arith.constant 1 : i32
      %while3A_695 = arith.divsi %while3A_692, %while3A_694 : i32
      %while3A_696 = arith.muli %while3A_695, %while3A_694 : i32
      %while3A_697 = arith.addi %while3A_691, %while3A_696 : i32
      %while3A_698 = arith.constant 1 : i32
      %while3A_699 = scf.for %while3A_702 = %while3A_691 to %while3A_697 step %while3A_698 iter_args(%while3A_703 = %while3A_656) -> (i32)  : i32 {
        %mul3A_704 = arith.constant 64 : i32
        %mul3A_705 = arith.muli %scan3A_609, %mul3A_704 : i32
        %mul3A_706 = arith.constant 16 : i32
        %mul3A_707 = arith.muli %while3A_702, %mul3A_706 : i32
        %add3A_708 = arith.addi %mul3A_705, %mul3A_707 : i32
        %get3A_709 = arith.index_cast %add3A_708 : i32 to index
        %get3A_710 = tpu.vector_load %arg14[%get3A_709] {strides = array<i32>} : memref<4112xi32, #tpu.memory_space<vmem>>, vector<16xi32>,
        %shift_right_logical3A = arith.constant 14 : i32
        %shift_right_logical3A_711 = vector.broadcast %shift_right_logical3A : i32 to vector<16xi32>
        %shift_right_logical3A_712 = arith.shrui %get3A_710, %shift_right_logical3A_711 : vector<16xi32>
        %and3A_713 = arith.constant 16383 : i32
        %and3A_714 = vector.broadcast %and3A_713 : i32 to vector<16xi32>
        %and3A_715 = arith.andi %get3A_710, %and3A_714 : vector<16xi32>
        %mul3A_716 = arith.constant 16 : i32
        %mul3A_717 = arith.muli %while3A_702, %mul3A_716 : i32
        %add3A_718 = vector.broadcast %mul3A_717 : i32 to vector<16xi32>
        %add3A_719 = arith.addi %iota3A, %add3A_718 : vector<16xi32>
        %lt3A = vector.broadcast %min3A_660 : i32 to vector<16xi32>
        %lt3A_720 = arith.cmpi slt, %add3A_719, %lt3A : vector<16xi32>
        %sub3A_721 = vector.broadcast %mul3A_662 : i32 to vector<16xi32>
        %sub3A_722 = arith.subi %shift_right_logical3A_712, %sub3A_721 : vector<16xi32>
        %jit3A_723 = arith.constant 0 : i32
        %jit3A_724 = arith.constant 511 : i32
        %max3A = vector.broadcast %jit3A_723 : i32 to vector<16xi32>
        %max3A_725 = arith.maxsi %max3A, %sub3A_722 : vector<16xi32>
        %min3A_726 = vector.broadcast %jit3A_724 : i32 to vector<16xi32>
        %min3A_727 = arith.minsi %min3A_726, %max3A_725 : vector<16xi32>
        %jit3A_728 = arith.constant 16384 : i32
        %broadcast_in_dim3A = vector.broadcast %jit3A_728 : i32 to vector<16xi32>
        %select_n3A_729 = arith.select %lt3A_720, %and3A_715, %broadcast_in_dim3A : vector<16xi1>, vector<16xi32>
        %ge3A = arith.constant 8 : i32
        %ge3A_730 = arith.cmpi sge, %while3A_703, %ge3A : i32
        %jit3A_731 = arith.constant 1 : i32
        %jit3A_732 = arith.constant 0 : i32
        %select_n3A_733 = arith.select %ge3A_730, %jit3A_731, %jit3A_732 : i32
        %while3A_734 = arith.constant 0 : i32
        %while3A_735 = arith.constant 0 : i32
        %while3A_736 = arith.subi %select_n3A_733, %while3A_735 : i32
        %while3A_737 = arith.addi %while3A_735, %while3A_736 : i32
        %while3A_738 = arith.constant 1 : i32
        %while3A_739 = arith.divsi %while3A_736, %while3A_738 : i32
        %while3A_740 = arith.muli %while3A_739, %while3A_738 : i32
        %while3A_741 = arith.addi %while3A_735, %while3A_740 : i32
        %while3A_742 = arith.constant 1 : i32
        scf.for %while3A_768 = %while3A_735 to %while3A_741 step %while3A_742  : i32 {
          %dma_wait3A = arith.constant 0 : i32
          %dma_wait3A_769 = arith.constant 0 : i32
          %dma_wait3A_770 = tpu.memref_slice %arg18[%dma_wait3A, %dma_wait3A_769] : memref<128x128xf32, #tpu.memory_space<vmem>> -> memref<16x128xf32, #tpu.memory_space<vmem>>
          %dma_wait3A_771 = arith.constant 0 : i32
          %dma_wait3A_772 = arith.constant 0 : i32
          %dma_wait3A_773 = tpu.memref_slice %arg5[%dma_wait3A_771, %dma_wait3A_772] : memref<16392x128xf32, #tpu.memory_space<hbm>> -> memref<16x128xf32, #tpu.memory_space<hbm>>
          %dma_wait3A_774 = arith.constant 0 : i32
          %dma_wait3A_775 = arith.constant 0 : i32
          %dma_wait3A_776 = tpu.memref_slice %arg18[%dma_wait3A_774, %dma_wait3A_775] : memref<128x128xf32, #tpu.memory_space<vmem>> -> memref<16x128xf32, #tpu.memory_space<vmem>>
          %dma_wait3A_777 = arith.constant 0 : i32
          %dma_wait3A_778 = arith.constant 0 : i32
          %dma_wait3A_779 = tpu.memref_slice %arg5[%dma_wait3A_777, %dma_wait3A_778] : memref<16392x128xf32, #tpu.memory_space<hbm>> -> memref<16x128xf32, #tpu.memory_space<hbm>>
          tpu.wait_dma2 semaphore(%arg21 : memref<!tpu.dma_semaphore, #tpu.memory_space<semaphore_mem>>) src(%dma_wait3A_779 : memref<16x128xf32, #tpu.memory_space<hbm>>) dst(%dma_wait3A_776 : memref<16x128xf32, #tpu.memory_space<vmem>>)
        }
        %while3A_743 = arith.constant 1 : i32
        scf.for %while3A_768 = %while3A_741 to %while3A_737 step %while3A_743  : i32 {
          %dma_wait3A = arith.constant 0 : i32
          %dma_wait3A_769 = arith.constant 0 : i32
          %dma_wait3A_770 = tpu.memref_slice %arg18[%dma_wait3A, %dma_wait3A_769] : memref<128x128xf32, #tpu.memory_space<vmem>> -> memref<16x128xf32, #tpu.memory_space<vmem>>
          %dma_wait3A_771 = arith.constant 0 : i32
          %dma_wait3A_772 = arith.constant 0 : i32
          %dma_wait3A_773 = tpu.memref_slice %arg5[%dma_wait3A_771, %dma_wait3A_772] : memref<16392x128xf32, #tpu.memory_space<hbm>> -> memref<16x128xf32, #tpu.memory_space<hbm>>
          %dma_wait3A_774 = arith.constant 0 : i32
          %dma_wait3A_775 = arith.constant 0 : i32
          %dma_wait3A_776 = tpu.memref_slice %arg18[%dma_wait3A_774, %dma_wait3A_775] : memref<128x128xf32, #tpu.memory_space<vmem>> -> memref<16x128xf32, #tpu.memory_space<vmem>>
          %dma_wait3A_777 = arith.constant 0 : i32
          %dma_wait3A_778 = arith.constant 0 : i32
          %dma_wait3A_779 = tpu.memref_slice %arg5[%dma_wait3A_777, %dma_wait3A_778] : memref<16392x128xf32, #tpu.memory_space<hbm>> -> memref<16x128xf32, #tpu.memory_space<hbm>>
          tpu.wait_dma2 semaphore(%arg21 : memref<!tpu.dma_semaphore, #tpu.memory_space<semaphore_mem>>) src(%dma_wait3A_779 : memref<16x128xf32, #tpu.memory_space<hbm>>) dst(%dma_wait3A_776 : memref<16x128xf32, #tpu.memory_space<vmem>>)
        }
        %and3A_744 = arith.constant 7 : i32
        %and3A_745 = arith.andi %while3A_703, %and3A_744 : i32
        %mul3A_746 = arith.constant 16 : i32
        %mul3A_747 = arith.muli %and3A_745, %mul3A_746 : i32
        %swap3A_748 = arith.constant 0 : index
        %swap3A_749 = tpu.vector_load %arg20[%swap3A_748] {strides = array<i32>} : memref<16xi32, #tpu.memory_space<vmem>>, vector<16xi32>,
        tpu.vector_store %arg20[%swap3A_748], %min3A_727 {strides = array<i32>} : memref<16xi32, #tpu.memory_space<vmem>>, vector<16xi32>,
        %swap3A_750 = arith.index_cast %and3A_745 : i32 to index
        %swap3A_751 = arith.constant 0 : index
        %swap3A_752 = tpu.vector_load %arg19[%swap3A_750, %swap3A_751] {strides = array<i32>} : memref<8x16xi32, #tpu.memory_space<vmem>>, vector<16xi32>,
        tpu.vector_store %arg19[%swap3A_750, %swap3A_751], %select_n3A_729 {strides = array<i32>} : memref<8x16xi32, #tpu.memory_space<vmem>>, vector<16xi32>,
        %scan3A_753 = arith.constant 0 : i32
        %scan3A_754 = arith.constant 0 : i32
        %scan3A_755 = arith.constant 16 : i32
        %scan3A_756 = arith.addi %scan3A_754, %scan3A_755 : i32
        %scan3A_757 = arith.constant 1 : i32
        scf.for %scan3A_768 = %scan3A_754 to %scan3A_756 step %scan3A_757  : i32 {
          %broadcast_in_dim3A_769 = vector.broadcast %scan3A_768 : i32 to vector<16xi32>
          %gather3A = tpu.vector_load_idx %arg20[%broadcast_in_dim3A_769] : memref<16xi32, #tpu.memory_space<vmem>>[vector<16xi32>], vector<16xi32>,
          %add3A_770 = arith.constant 0 : i32
          %add3A_771 = vector.broadcast %add3A_770 : i32 to vector<16xi32>
          %add3A_772 = arith.addi %iota3A, %add3A_771 : vector<16xi32>
          %gather3A_773 = tpu.vector_load_idx %arg17[%add3A_772, %gather3A] : memref<64x576xf32, #tpu.memory_space<vmem>>[vector<16xi32>, vector<16xi32>], vector<16xf32>,
          %add3A_774 = arith.addi %mul3A_747, %scan3A_768 : i32
          %swap3A_775 = arith.index_cast %add3A_774 : i32 to index
          %swap3A_776 = arith.constant 0 : index
          %swap3A_777 = tpu.vector_load %arg18[%swap3A_775, %swap3A_776] {strides = array<i32>} : memref<128x128xf32, #tpu.memory_space<vmem>>, vector<16xf32>,
          tpu.vector_store %arg18[%swap3A_775, %swap3A_776], %gather3A_773 {strides = array<i32>} : memref<128x128xf32, #tpu.memory_space<vmem>>, vector<16xf32>,
          %add3A_778 = arith.constant 16 : i32
          %add3A_779 = vector.broadcast %add3A_778 : i32 to vector<16xi32>
          %add3A_780 = arith.addi %iota3A, %add3A_779 : vector<16xi32>
          %gather3A_781 = tpu.vector_load_idx %arg17[%add3A_780, %gather3A] : memref<64x576xf32, #tpu.memory_space<vmem>>[vector<16xi32>, vector<16xi32>], vector<16xf32>,
          %add3A_782 = arith.addi %mul3A_747, %scan3A_768 : i32
          %swap3A_783 = arith.index_cast %add3A_782 : i32 to index
          %swap3A_784 = arith.constant 16 : index
          %swap3A_785 = tpu.vector_load %arg18[%swap3A_783, %swap3A_784] {strides = array<i32>} : memref<128x128xf32, #tpu.memory_space<vmem>>, vector<16xf32>,
          tpu.vector_store %arg18[%swap3A_783, %swap3A_784], %gather3A_781 {strides = array<i32>} : memref<128x128xf32, #tpu.memory_space<vmem>>, vector<16xf32>,
          %add3A_786 = arith.constant 32 : i32
          %add3A_787 = vector.broadcast %add3A_786 : i32 to vector<16xi32>
          %add3A_788 = arith.addi %iota3A, %add3A_787 : vector<16xi32>
          %gather3A_789 = tpu.vector_load_idx %arg17[%add3A_788, %gather3A] : memref<64x576xf32, #tpu.memory_space<vmem>>[vector<16xi32>, vector<16xi32>], vector<16xf32>,
          %add3A_790 = arith.addi %mul3A_747, %scan3A_768 : i32
          %swap3A_791 = arith.index_cast %add3A_790 : i32 to index
          %swap3A_792 = arith.constant 32 : index
          %swap3A_793 = tpu.vector_load %arg18[%swap3A_791, %swap3A_792] {strides = array<i32>} : memref<128x128xf32, #tpu.memory_space<vmem>>, vector<16xf32>,
          tpu.vector_store %arg18[%swap3A_791, %swap3A_792], %gather3A_789 {strides = array<i32>} : memref<128x128xf32, #tpu.memory_space<vmem>>, vector<16xf32>,
          %add3A_794 = arith.constant 48 : i32
          %add3A_795 = vector.broadcast %add3A_794 : i32 to vector<16xi32>
          %add3A_796 = arith.addi %iota3A, %add3A_795 : vector<16xi32>
          %gather3A_797 = tpu.vector_load_idx %arg17[%add3A_796, %gather3A] : memref<64x576xf32, #tpu.memory_space<vmem>>[vector<16xi32>, vector<16xi32>], vector<16xf32>,
          %add3A_798 = arith.addi %mul3A_747, %scan3A_768 : i32
          %swap3A_799 = arith.index_cast %add3A_798 : i32 to index
          %swap3A_800 = arith.constant 48 : index
          %swap3A_801 = tpu.vector_load %arg18[%swap3A_799, %swap3A_800] {strides = array<i32>} : memref<128x128xf32, #tpu.memory_space<vmem>>, vector<16xf32>,
          tpu.vector_store %arg18[%swap3A_799, %swap3A_800], %gather3A_797 {strides = array<i32>} : memref<128x128xf32, #tpu.memory_space<vmem>>, vector<16xf32>,
        }
        %scan3A_758 = arith.constant 16 : i32
        %dma_start3A = arith.constant 0 : i32
        %dma_start3A_759 = tpu.memref_slice %arg18[%mul3A_747, %dma_start3A] : memref<128x128xf32, #tpu.memory_space<vmem>> -> memref<16x128xf32, #tpu.memory_space<vmem>>
        %dma_start3A_760 = arith.constant 0 : i32
        %dma_start3A_761 = tpu.memref_slice %arg19[%and3A_745, %dma_start3A_760] : memref<8x16xi32, #tpu.memory_space<vmem>> -> memref<1x16xi32, #tpu.memory_space<vmem>>
        %dma_start3A_762 = tpu.memref_squeeze %dma_start3A_761 : memref<1x16xi32, #tpu.memory_space<vmem>> -> memref<16xi32, #tpu.memory_space<vmem>>
        %dma_start3A_763 = arith.constant 0 : i32
        %dma_start3A_764 = arith.constant 0 : i32
        %dma_start3A_765 = tpu.memref_slice %arg6[%dma_start3A_763, %dma_start3A_764] : memref<16392x128xf32, #tpu.memory_space<hbm>> -> memref<16392x128xf32, #tpu.memory_space<hbm>>
        tpu.enqueue_indirect_dma source(%dma_start3A_759 : memref<16x128xf32, #tpu.memory_space<vmem>>) target(%dma_start3A_765 : memref<16392x128xf32, #tpu.memory_space<hbm>>) offsets(%dma_start3A_762 : memref<16xi32, #tpu.memory_space<vmem>>) semaphore(%arg21 : memref<!tpu.dma_semaphore, #tpu.memory_space<semaphore_mem>>)
        %add3A_766 = arith.constant 1 : i32
        %add3A_767 = arith.addi %while3A_703, %add3A_766 : i32
        scf.yield %add3A_767 : i32
      }
      %while3A_700 = arith.constant 1 : i32
      %while3A_701 = scf.for %while3A_702 = %while3A_697 to %while3A_693 step %while3A_700 iter_args(%while3A_703 = %while3A_699) -> (i32)  : i32 {
        %mul3A_704 = arith.constant 64 : i32
        %mul3A_705 = arith.muli %scan3A_609, %mul3A_704 : i32
        %mul3A_706 = arith.constant 16 : i32
        %mul3A_707 = arith.muli %while3A_702, %mul3A_706 : i32
        %add3A_708 = arith.addi %mul3A_705, %mul3A_707 : i32
        %get3A_709 = arith.index_cast %add3A_708 : i32 to index
        %get3A_710 = tpu.vector_load %arg14[%get3A_709] {strides = array<i32>} : memref<4112xi32, #tpu.memory_space<vmem>>, vector<16xi32>,
        %shift_right_logical3A = arith.constant 14 : i32
        %shift_right_logical3A_711 = vector.broadcast %shift_right_logical3A : i32 to vector<16xi32>
        %shift_right_logical3A_712 = arith.shrui %get3A_710, %shift_right_logical3A_711 : vector<16xi32>
        %and3A_713 = arith.constant 16383 : i32
        %and3A_714 = vector.broadcast %and3A_713 : i32 to vector<16xi32>
        %and3A_715 = arith.andi %get3A_710, %and3A_714 : vector<16xi32>
        %mul3A_716 = arith.constant 16 : i32
        %mul3A_717 = arith.muli %while3A_702, %mul3A_716 : i32
        %add3A_718 = vector.broadcast %mul3A_717 : i32 to vector<16xi32>
        %add3A_719 = arith.addi %iota3A, %add3A_718 : vector<16xi32>
        %lt3A = vector.broadcast %min3A_660 : i32 to vector<16xi32>
        %lt3A_720 = arith.cmpi slt, %add3A_719, %lt3A : vector<16xi32>
        %sub3A_721 = vector.broadcast %mul3A_662 : i32 to vector<16xi32>
        %sub3A_722 = arith.subi %shift_right_logical3A_712, %sub3A_721 : vector<16xi32>
        %jit3A_723 = arith.constant 0 : i32
        %jit3A_724 = arith.constant 511 : i32
        %max3A = vector.broadcast %jit3A_723 : i32 to vector<16xi32>
        %max3A_725 = arith.maxsi %max3A, %sub3A_722 : vector<16xi32>
        %min3A_726 = vector.broadcast %jit3A_724 : i32 to vector<16xi32>
        %min3A_727 = arith.minsi %min3A_726, %max3A_725 : vector<16xi32>
        %jit3A_728 = arith.constant 16384 : i32
        %broadcast_in_dim3A = vector.broadcast %jit3A_728 : i32 to vector<16xi32>
        %select_n3A_729 = arith.select %lt3A_720, %and3A_715, %broadcast_in_dim3A : vector<16xi1>, vector<16xi32>
        %ge3A = arith.constant 8 : i32
        %ge3A_730 = arith.cmpi sge, %while3A_703, %ge3A : i32
        %jit3A_731 = arith.constant 1 : i32
        %jit3A_732 = arith.constant 0 : i32
        %select_n3A_733 = arith.select %ge3A_730, %jit3A_731, %jit3A_732 : i32
        %while3A_734 = arith.constant 0 : i32
        %while3A_735 = arith.constant 0 : i32
        %while3A_736 = arith.subi %select_n3A_733, %while3A_735 : i32
        %while3A_737 = arith.addi %while3A_735, %while3A_736 : i32
        %while3A_738 = arith.constant 1 : i32
        %while3A_739 = arith.divsi %while3A_736, %while3A_738 : i32
        %while3A_740 = arith.muli %while3A_739, %while3A_738 : i32
        %while3A_741 = arith.addi %while3A_735, %while3A_740 : i32
        %while3A_742 = arith.constant 1 : i32
        scf.for %while3A_768 = %while3A_735 to %while3A_741 step %while3A_742  : i32 {
          %dma_wait3A = arith.constant 0 : i32
          %dma_wait3A_769 = arith.constant 0 : i32
          %dma_wait3A_770 = tpu.memref_slice %arg18[%dma_wait3A, %dma_wait3A_769] : memref<128x128xf32, #tpu.memory_space<vmem>> -> memref<16x128xf32, #tpu.memory_space<vmem>>
          %dma_wait3A_771 = arith.constant 0 : i32
          %dma_wait3A_772 = arith.constant 0 : i32
          %dma_wait3A_773 = tpu.memref_slice %arg5[%dma_wait3A_771, %dma_wait3A_772] : memref<16392x128xf32, #tpu.memory_space<hbm>> -> memref<16x128xf32, #tpu.memory_space<hbm>>
          %dma_wait3A_774 = arith.constant 0 : i32
          %dma_wait3A_775 = arith.constant 0 : i32
          %dma_wait3A_776 = tpu.memref_slice %arg18[%dma_wait3A_774, %dma_wait3A_775] : memref<128x128xf32, #tpu.memory_space<vmem>> -> memref<16x128xf32, #tpu.memory_space<vmem>>
          %dma_wait3A_777 = arith.constant 0 : i32
          %dma_wait3A_778 = arith.constant 0 : i32
          %dma_wait3A_779 = tpu.memref_slice %arg5[%dma_wait3A_777, %dma_wait3A_778] : memref<16392x128xf32, #tpu.memory_space<hbm>> -> memref<16x128xf32, #tpu.memory_space<hbm>>
          tpu.wait_dma2 semaphore(%arg21 : memref<!tpu.dma_semaphore, #tpu.memory_space<semaphore_mem>>) src(%dma_wait3A_779 : memref<16x128xf32, #tpu.memory_space<hbm>>) dst(%dma_wait3A_776 : memref<16x128xf32, #tpu.memory_space<vmem>>)
        }
        %while3A_743 = arith.constant 1 : i32
        scf.for %while3A_768 = %while3A_741 to %while3A_737 step %while3A_743  : i32 {
          %dma_wait3A = arith.constant 0 : i32
          %dma_wait3A_769 = arith.constant 0 : i32
          %dma_wait3A_770 = tpu.memref_slice %arg18[%dma_wait3A, %dma_wait3A_769] : memref<128x128xf32, #tpu.memory_space<vmem>> -> memref<16x128xf32, #tpu.memory_space<vmem>>
          %dma_wait3A_771 = arith.constant 0 : i32
          %dma_wait3A_772 = arith.constant 0 : i32
          %dma_wait3A_773 = tpu.memref_slice %arg5[%dma_wait3A_771, %dma_wait3A_772] : memref<16392x128xf32, #tpu.memory_space<hbm>> -> memref<16x128xf32, #tpu.memory_space<hbm>>
          %dma_wait3A_774 = arith.constant 0 : i32
          %dma_wait3A_775 = arith.constant 0 : i32
          %dma_wait3A_776 = tpu.memref_slice %arg18[%dma_wait3A_774, %dma_wait3A_775] : memref<128x128xf32, #tpu.memory_space<vmem>> -> memref<16x128xf32, #tpu.memory_space<vmem>>
          %dma_wait3A_777 = arith.constant 0 : i32
          %dma_wait3A_778 = arith.constant 0 : i32
          %dma_wait3A_779 = tpu.memref_slice %arg5[%dma_wait3A_777, %dma_wait3A_778] : memref<16392x128xf32, #tpu.memory_space<hbm>> -> memref<16x128xf32, #tpu.memory_space<hbm>>
          tpu.wait_dma2 semaphore(%arg21 : memref<!tpu.dma_semaphore, #tpu.memory_space<semaphore_mem>>) src(%dma_wait3A_779 : memref<16x128xf32, #tpu.memory_space<hbm>>) dst(%dma_wait3A_776 : memref<16x128xf32, #tpu.memory_space<vmem>>)
        }
        %and3A_744 = arith.constant 7 : i32
        %and3A_745 = arith.andi %while3A_703, %and3A_744 : i32
        %mul3A_746 = arith.constant 16 : i32
        %mul3A_747 = arith.muli %and3A_745, %mul3A_746 : i32
        %swap3A_748 = arith.constant 0 : index
        %swap3A_749 = tpu.vector_load %arg20[%swap3A_748] {strides = array<i32>} : memref<16xi32, #tpu.memory_space<vmem>>, vector<16xi32>,
        tpu.vector_store %arg20[%swap3A_748], %min3A_727 {strides = array<i32>} : memref<16xi32, #tpu.memory_space<vmem>>, vector<16xi32>,
        %swap3A_750 = arith.index_cast %and3A_745 : i32 to index
        %swap3A_751 = arith.constant 0 : index
        %swap3A_752 = tpu.vector_load %arg19[%swap3A_750, %swap3A_751] {strides = array<i32>} : memref<8x16xi32, #tpu.memory_space<vmem>>, vector<16xi32>,
        tpu.vector_store %arg19[%swap3A_750, %swap3A_751], %select_n3A_729 {strides = array<i32>} : memref<8x16xi32, #tpu.memory_space<vmem>>, vector<16xi32>,
        %scan3A_753 = arith.constant 0 : i32
        %scan3A_754 = arith.constant 0 : i32
        %scan3A_755 = arith.constant 16 : i32
        %scan3A_756 = arith.addi %scan3A_754, %scan3A_755 : i32
        %scan3A_757 = arith.constant 1 : i32
        scf.for %scan3A_768 = %scan3A_754 to %scan3A_756 step %scan3A_757  : i32 {
          %broadcast_in_dim3A_769 = vector.broadcast %scan3A_768 : i32 to vector<16xi32>
          %gather3A = tpu.vector_load_idx %arg20[%broadcast_in_dim3A_769] : memref<16xi32, #tpu.memory_space<vmem>>[vector<16xi32>], vector<16xi32>,
          %add3A_770 = arith.constant 0 : i32
          %add3A_771 = vector.broadcast %add3A_770 : i32 to vector<16xi32>
          %add3A_772 = arith.addi %iota3A, %add3A_771 : vector<16xi32>
          %gather3A_773 = tpu.vector_load_idx %arg17[%add3A_772, %gather3A] : memref<64x576xf32, #tpu.memory_space<vmem>>[vector<16xi32>, vector<16xi32>], vector<16xf32>,
          %add3A_774 = arith.addi %mul3A_747, %scan3A_768 : i32
          %swap3A_775 = arith.index_cast %add3A_774 : i32 to index
          %swap3A_776 = arith.constant 0 : index
          %swap3A_777 = tpu.vector_load %arg18[%swap3A_775, %swap3A_776] {strides = array<i32>} : memref<128x128xf32, #tpu.memory_space<vmem>>, vector<16xf32>,
          tpu.vector_store %arg18[%swap3A_775, %swap3A_776], %gather3A_773 {strides = array<i32>} : memref<128x128xf32, #tpu.memory_space<vmem>>, vector<16xf32>,
          %add3A_778 = arith.constant 16 : i32
          %add3A_779 = vector.broadcast %add3A_778 : i32 to vector<16xi32>
          %add3A_780 = arith.addi %iota3A, %add3A_779 : vector<16xi32>
          %gather3A_781 = tpu.vector_load_idx %arg17[%add3A_780, %gather3A] : memref<64x576xf32, #tpu.memory_space<vmem>>[vector<16xi32>, vector<16xi32>], vector<16xf32>,
          %add3A_782 = arith.addi %mul3A_747, %scan3A_768 : i32
          %swap3A_783 = arith.index_cast %add3A_782 : i32 to index
          %swap3A_784 = arith.constant 16 : index
          %swap3A_785 = tpu.vector_load %arg18[%swap3A_783, %swap3A_784] {strides = array<i32>} : memref<128x128xf32, #tpu.memory_space<vmem>>, vector<16xf32>,
          tpu.vector_store %arg18[%swap3A_783, %swap3A_784], %gather3A_781 {strides = array<i32>} : memref<128x128xf32, #tpu.memory_space<vmem>>, vector<16xf32>,
          %add3A_786 = arith.constant 32 : i32
          %add3A_787 = vector.broadcast %add3A_786 : i32 to vector<16xi32>
          %add3A_788 = arith.addi %iota3A, %add3A_787 : vector<16xi32>
          %gather3A_789 = tpu.vector_load_idx %arg17[%add3A_788, %gather3A] : memref<64x576xf32, #tpu.memory_space<vmem>>[vector<16xi32>, vector<16xi32>], vector<16xf32>,
          %add3A_790 = arith.addi %mul3A_747, %scan3A_768 : i32
          %swap3A_791 = arith.index_cast %add3A_790 : i32 to index
          %swap3A_792 = arith.constant 32 : index
          %swap3A_793 = tpu.vector_load %arg18[%swap3A_791, %swap3A_792] {strides = array<i32>} : memref<128x128xf32, #tpu.memory_space<vmem>>, vector<16xf32>,
          tpu.vector_store %arg18[%swap3A_791, %swap3A_792], %gather3A_789 {strides = array<i32>} : memref<128x128xf32, #tpu.memory_space<vmem>>, vector<16xf32>,
          %add3A_794 = arith.constant 48 : i32
          %add3A_795 = vector.broadcast %add3A_794 : i32 to vector<16xi32>
          %add3A_796 = arith.addi %iota3A, %add3A_795 : vector<16xi32>
          %gather3A_797 = tpu.vector_load_idx %arg17[%add3A_796, %gather3A] : memref<64x576xf32, #tpu.memory_space<vmem>>[vector<16xi32>, vector<16xi32>], vector<16xf32>,
          %add3A_798 = arith.addi %mul3A_747, %scan3A_768 : i32
          %swap3A_799 = arith.index_cast %add3A_798 : i32 to index
          %swap3A_800 = arith.constant 48 : index
          %swap3A_801 = tpu.vector_load %arg18[%swap3A_799, %swap3A_800] {strides = array<i32>} : memref<128x128xf32, #tpu.memory_space<vmem>>, vector<16xf32>,
          tpu.vector_store %arg18[%swap3A_799, %swap3A_800], %gather3A_797 {strides = array<i32>} : memref<128x128xf32, #tpu.memory_space<vmem>>, vector<16xf32>,
        }
        %scan3A_758 = arith.constant 16 : i32
        %dma_start3A = arith.constant 0 : i32
        %dma_start3A_759 = tpu.memref_slice %arg18[%mul3A_747, %dma_start3A] : memref<128x128xf32, #tpu.memory_space<vmem>> -> memref<16x128xf32, #tpu.memory_space<vmem>>
        %dma_start3A_760 = arith.constant 0 : i32
        %dma_start3A_761 = tpu.memref_slice %arg19[%and3A_745, %dma_start3A_760] : memref<8x16xi32, #tpu.memory_space<vmem>> -> memref<1x16xi32, #tpu.memory_space<vmem>>
        %dma_start3A_762 = tpu.memref_squeeze %dma_start3A_761 : memref<1x16xi32, #tpu.memory_space<vmem>> -> memref<16xi32, #tpu.memory_space<vmem>>
        %dma_start3A_763 = arith.constant 0 : i32
        %dma_start3A_764 = arith.constant 0 : i32
        %dma_start3A_765 = tpu.memref_slice %arg6[%dma_start3A_763, %dma_start3A_764] : memref<16392x128xf32, #tpu.memory_space<hbm>> -> memref<16392x128xf32, #tpu.memory_space<hbm>>
        tpu.enqueue_indirect_dma source(%dma_start3A_759 : memref<16x128xf32, #tpu.memory_space<vmem>>) target(%dma_start3A_765 : memref<16392x128xf32, #tpu.memory_space<hbm>>) offsets(%dma_start3A_762 : memref<16xi32, #tpu.memory_space<vmem>>) semaphore(%arg21 : memref<!tpu.dma_semaphore, #tpu.memory_space<semaphore_mem>>)
        %add3A_766 = arith.constant 1 : i32
        %add3A_767 = arith.addi %while3A_703, %add3A_766 : i32
        scf.yield %add3A_767 : i32
      }
      scf.yield %while3A_701 : i32
    }
    %scan3A_603 = arith.constant 61 : i32
    "tpu.trace_stop"() : () -> ()
    %convert_element_type3A = arith.extui %eq3A_5 : i1 to i32
    %cond3A = arith.constant 0 : i32
    %cond3A_604 = arith.cmpi ne, %convert_element_type3A, %cond3A : i32
    scf.if %cond3A_604 {
      "tpu.region"() ({
        %run_scoped3A = tpu.sem_alloc : memref<!tpu.dma_semaphore, #tpu.memory_space<semaphore_mem>>
        %dma_start3A = arith.constant 0 : i32
        %dma_start3A_795 = arith.constant 0 : i32
        %dma_start3A_796 = tpu.memref_slice %arg17[%dma_start3A, %dma_start3A_795] : memref<64x576xf32, #tpu.memory_space<vmem>> -> memref<64x512xf32, #tpu.memory_space<vmem>>
        %dma_start3A_797 = arith.constant 0 : i32
        %dma_start3A_798 = arith.constant 999424 : i32
        %dma_start3A_799 = tpu.memref_slice %arg2[%dma_start3A_797, %dma_start3A_798] : memref<64x1000000xf32, #tpu.memory_space<hbm>> -> memref<64x512xf32, #tpu.memory_space<hbm>>
        %dma_start3A_800 = arith.constant 0 : i32
        %dma_start3A_801 = arith.constant 0 : i32
        %dma_start3A_802 = tpu.memref_slice %arg17[%dma_start3A_800, %dma_start3A_801] : memref<64x576xf32, #tpu.memory_space<vmem>> -> memref<64x512xf32, #tpu.memory_space<vmem>>
        %dma_start3A_803 = arith.constant 0 : i32
        %dma_start3A_804 = arith.constant 999424 : i32
        %dma_start3A_805 = tpu.memref_slice %arg2[%dma_start3A_803, %dma_start3A_804] : memref<64x1000000xf32, #tpu.memory_space<hbm>> -> memref<64x512xf32, #tpu.memory_space<hbm>>
        tpu.enqueue_dma source(%dma_start3A_805 : memref<64x512xf32, #tpu.memory_space<hbm>>) target(%dma_start3A_802 : memref<64x512xf32, #tpu.memory_space<vmem>>) target_semaphore(%run_scoped3A : memref<!tpu.dma_semaphore, #tpu.memory_space<semaphore_mem>>)
        %dma_wait3A = arith.constant 0 : i32
        %dma_wait3A_806 = arith.constant 0 : i32
        %dma_wait3A_807 = tpu.memref_slice %arg17[%dma_wait3A, %dma_wait3A_806] : memref<64x576xf32, #tpu.memory_space<vmem>> -> memref<64x512xf32, #tpu.memory_space<vmem>>
        %dma_wait3A_808 = arith.constant 0 : i32
        %dma_wait3A_809 = arith.constant 999424 : i32
        %dma_wait3A_810 = tpu.memref_slice %arg2[%dma_wait3A_808, %dma_wait3A_809] : memref<64x1000000xf32, #tpu.memory_space<hbm>> -> memref<64x512xf32, #tpu.memory_space<hbm>>
        %dma_wait3A_811 = arith.constant 0 : i32
        %dma_wait3A_812 = arith.constant 0 : i32
        %dma_wait3A_813 = tpu.memref_slice %arg17[%dma_wait3A_811, %dma_wait3A_812] : memref<64x576xf32, #tpu.memory_space<vmem>> -> memref<64x512xf32, #tpu.memory_space<vmem>>
        %dma_wait3A_814 = arith.constant 0 : i32
        %dma_wait3A_815 = arith.constant 999424 : i32
        %dma_wait3A_816 = tpu.memref_slice %arg2[%dma_wait3A_814, %dma_wait3A_815] : memref<64x1000000xf32, #tpu.memory_space<hbm>> -> memref<64x512xf32, #tpu.memory_space<hbm>>
        tpu.wait_dma2 semaphore(%run_scoped3A : memref<!tpu.dma_semaphore, #tpu.memory_space<semaphore_mem>>) src(%dma_wait3A_816 : memref<64x512xf32, #tpu.memory_space<hbm>>) dst(%dma_wait3A_813 : memref<64x512xf32, #tpu.memory_space<vmem>>)
        tpu.yield
      }) : () -> ()
      "tpu.region"() ({
        %run_scoped3A = tpu.sem_alloc : memref<!tpu.dma_semaphore, #tpu.memory_space<semaphore_mem>>
        %dma_start3A = arith.constant 0 : i32
        %dma_start3A_795 = arith.constant 512 : i32
        %dma_start3A_796 = tpu.memref_slice %arg17[%dma_start3A, %dma_start3A_795] : memref<64x576xf32, #tpu.memory_space<vmem>> -> memref<64x64xf32, #tpu.memory_space<vmem>>
        %dma_start3A_797 = arith.constant 0 : i32
        %dma_start3A_798 = arith.constant 999936 : i32
        %dma_start3A_799 = tpu.memref_slice %arg2[%dma_start3A_797, %dma_start3A_798] : memref<64x1000000xf32, #tpu.memory_space<hbm>> -> memref<64x64xf32, #tpu.memory_space<hbm>>
        %dma_start3A_800 = arith.constant 0 : i32
        %dma_start3A_801 = arith.constant 512 : i32
        %dma_start3A_802 = tpu.memref_slice %arg17[%dma_start3A_800, %dma_start3A_801] : memref<64x576xf32, #tpu.memory_space<vmem>> -> memref<64x64xf32, #tpu.memory_space<vmem>>
        %dma_start3A_803 = arith.constant 0 : i32
        %dma_start3A_804 = arith.constant 999936 : i32
        %dma_start3A_805 = tpu.memref_slice %arg2[%dma_start3A_803, %dma_start3A_804] : memref<64x1000000xf32, #tpu.memory_space<hbm>> -> memref<64x64xf32, #tpu.memory_space<hbm>>
        tpu.enqueue_dma source(%dma_start3A_805 : memref<64x64xf32, #tpu.memory_space<hbm>>) target(%dma_start3A_802 : memref<64x64xf32, #tpu.memory_space<vmem>>) target_semaphore(%run_scoped3A : memref<!tpu.dma_semaphore, #tpu.memory_space<semaphore_mem>>)
        %dma_wait3A = arith.constant 0 : i32
        %dma_wait3A_806 = arith.constant 512 : i32
        %dma_wait3A_807 = tpu.memref_slice %arg17[%dma_wait3A, %dma_wait3A_806] : memref<64x576xf32, #tpu.memory_space<vmem>> -> memref<64x64xf32, #tpu.memory_space<vmem>>
        %dma_wait3A_808 = arith.constant 0 : i32
        %dma_wait3A_809 = arith.constant 999936 : i32
        %dma_wait3A_810 = tpu.memref_slice %arg2[%dma_wait3A_808, %dma_wait3A_809] : memref<64x1000000xf32, #tpu.memory_space<hbm>> -> memref<64x64xf32, #tpu.memory_space<hbm>>
        %dma_wait3A_811 = arith.constant 0 : i32
        %dma_wait3A_812 = arith.constant 512 : i32
        %dma_wait3A_813 = tpu.memref_slice %arg17[%dma_wait3A_811, %dma_wait3A_812] : memref<64x576xf32, #tpu.memory_space<vmem>> -> memref<64x64xf32, #tpu.memory_space<vmem>>
        %dma_wait3A_814 = arith.constant 0 : i32
        %dma_wait3A_815 = arith.constant 999936 : i32
        %dma_wait3A_816 = tpu.memref_slice %arg2[%dma_wait3A_814, %dma_wait3A_815] : memref<64x1000000xf32, #tpu.memory_space<hbm>> -> memref<64x64xf32, #tpu.memory_space<hbm>>
        tpu.wait_dma2 semaphore(%run_scoped3A : memref<!tpu.dma_semaphore, #tpu.memory_space<semaphore_mem>>) src(%dma_wait3A_816 : memref<64x64xf32, #tpu.memory_space<hbm>>) dst(%dma_wait3A_813 : memref<64x64xf32, #tpu.memory_space<vmem>>)
        tpu.yield
      }) : () -> ()
      %get3A = arith.constant 61 : i32
      %get3A_609 = arith.index_cast %get3A : i32 to index
      %get3A_610 = memref.load %arg15[%get3A_609] : memref<64xi32, #tpu.memory_space<smem>>
      %min3A = arith.constant 64 : i32
      %min3A_611 = arith.minsi %get3A_610, %min3A : i32
      %add3A_612 = arith.constant 16 : i32
      %add3A_613 = arith.addi %min3A_611, %add3A_612 : i32
      %sub3A_614 = arith.constant 1 : i32
      %sub3A_615 = arith.subi %add3A_613, %sub3A_614 : i32
      %jit3A_616 = arith.constant 16 : i32
      %div3A_617 = arith.divsi %sub3A_615, %jit3A_616 : i32
      %sign3A_618 = arith.constant 0 : i32
      %sign3A_619 = arith.cmpi sgt, %sub3A_615, %sign3A_618 : i32
      %sign3A_620 = arith.extui %sign3A_619 : i1 to i32
      %sign3A_621 = arith.constant 0 : i32
      %sign3A_622 = arith.cmpi slt, %sub3A_615, %sign3A_621 : i32
      %sign3A_623 = arith.extui %sign3A_622 : i1 to i32
      %sign3A_624 = arith.subi %sign3A_620, %sign3A_623 : i32
      %sign3A_625 = arith.constant 0 : i32
      %sign3A_626 = arith.cmpi sgt, %jit3A_616, %sign3A_625 : i32
      %sign3A_627 = arith.extui %sign3A_626 : i1 to i32
      %sign3A_628 = arith.constant 0 : i32
      %sign3A_629 = arith.cmpi slt, %jit3A_616, %sign3A_628 : i32
      %sign3A_630 = arith.extui %sign3A_629 : i1 to i32
      %sign3A_631 = arith.subi %sign3A_627, %sign3A_630 : i32
      %ne3A_632 = arith.cmpi ne, %sign3A_624, %sign3A_631 : i32
      %rem3A_633 = arith.remsi %sub3A_615, %jit3A_616 : i32
      %ne3A_634 = arith.constant 0 : i32
      %ne3A_635 = arith.cmpi ne, %rem3A_633, %ne3A_634 : i32
      %and3A_636 = arith.andi %ne3A_632, %ne3A_635 : i1
      %sub3A_637 = arith.constant 1 : i32
      %sub3A_638 = arith.subi %div3A_617, %sub3A_637 : i32
      %select_n3A_639 = arith.select %and3A_636, %sub3A_638, %div3A_617 : i32
      %while3A_640 = arith.constant 0 : i32
      %while3A_641 = arith.subi %select_n3A_639, %while3A_640 : i32
      %while3A_642 = arith.addi %while3A_640, %while3A_641 : i32
      %while3A_643 = arith.constant 1 : i32
      %while3A_644 = arith.divsi %while3A_641, %while3A_643 : i32
      %while3A_645 = arith.muli %while3A_644, %while3A_643 : i32
      %while3A_646 = arith.addi %while3A_640, %while3A_645 : i32
      %while3A_647 = arith.constant 1 : i32
      %while3A_648 = scf.for %while3A_795 = %while3A_640 to %while3A_646 step %while3A_647 iter_args(%while3A_796 = %scan3A_602) -> (i32)  : i32 {
        %mul3A_797 = arith.constant 16 : i32
        %mul3A_798 = arith.muli %while3A_795, %mul3A_797 : i32
        %add3A_799 = arith.constant 3904 : i32
        %add3A_800 = arith.addi %add3A_799, %mul3A_798 : i32
        %get3A_801 = arith.index_cast %add3A_800 : i32 to index
        %get3A_802 = tpu.vector_load %arg13[%get3A_801] {strides = array<i32>} : memref<4112xi32, #tpu.memory_space<vmem>>, vector<16xi32>,
        %shift_right_logical3A = arith.constant 14 : i32
        %shift_right_logical3A_803 = vector.broadcast %shift_right_logical3A : i32 to vector<16xi32>
        %shift_right_logical3A_804 = arith.shrui %get3A_802, %shift_right_logical3A_803 : vector<16xi32>
        %and3A_805 = arith.constant 16383 : i32
        %and3A_806 = vector.broadcast %and3A_805 : i32 to vector<16xi32>
        %and3A_807 = arith.andi %get3A_802, %and3A_806 : vector<16xi32>
        %mul3A_808 = arith.constant 16 : i32
        %mul3A_809 = arith.muli %while3A_795, %mul3A_808 : i32
        %add3A_810 = vector.broadcast %mul3A_809 : i32 to vector<16xi32>
        %add3A_811 = arith.addi %iota3A, %add3A_810 : vector<16xi32>
        %lt3A = vector.broadcast %min3A_611 : i32 to vector<16xi32>
        %lt3A_812 = arith.cmpi slt, %add3A_811, %lt3A : vector<16xi32>
        %sub3A_813 = arith.constant 31232 : i32
        %sub3A_814 = vector.broadcast %sub3A_813 : i32 to vector<16xi32>
        %sub3A_815 = arith.subi %shift_right_logical3A_804, %sub3A_814 : vector<16xi32>
        %jit3A_816 = arith.constant 0 : i32
        %jit3A_817 = arith.constant 575 : i32
        %max3A = vector.broadcast %jit3A_816 : i32 to vector<16xi32>
        %max3A_818 = arith.maxsi %max3A, %sub3A_815 : vector<16xi32>
        %min3A_819 = vector.broadcast %jit3A_817 : i32 to vector<16xi32>
        %min3A_820 = arith.minsi %min3A_819, %max3A_818 : vector<16xi32>
        %jit3A_821 = arith.constant 16384 : i32
        %broadcast_in_dim3A = vector.broadcast %jit3A_821 : i32 to vector<16xi32>
        %select_n3A_822 = arith.select %lt3A_812, %and3A_807, %broadcast_in_dim3A : vector<16xi1>, vector<16xi32>
        %ge3A = arith.constant 8 : i32
        %ge3A_823 = arith.cmpi sge, %while3A_796, %ge3A : i32
        %jit3A_824 = arith.constant 1 : i32
        %jit3A_825 = arith.constant 0 : i32
        %select_n3A_826 = arith.select %ge3A_823, %jit3A_824, %jit3A_825 : i32
        %while3A_827 = arith.constant 0 : i32
        %while3A_828 = arith.constant 0 : i32
        %while3A_829 = arith.subi %select_n3A_826, %while3A_828 : i32
        %while3A_830 = arith.addi %while3A_828, %while3A_829 : i32
        %while3A_831 = arith.constant 1 : i32
        %while3A_832 = arith.divsi %while3A_829, %while3A_831 : i32
        %while3A_833 = arith.muli %while3A_832, %while3A_831 : i32
        %while3A_834 = arith.addi %while3A_828, %while3A_833 : i32
        %while3A_835 = arith.constant 1 : i32
        scf.for %while3A_861 = %while3A_828 to %while3A_834 step %while3A_835  : i32 {
          %dma_wait3A = arith.constant 0 : i32
          %dma_wait3A_862 = arith.constant 0 : i32
          %dma_wait3A_863 = tpu.memref_slice %arg18[%dma_wait3A, %dma_wait3A_862] : memref<128x128xf32, #tpu.memory_space<vmem>> -> memref<16x128xf32, #tpu.memory_space<vmem>>
          %dma_wait3A_864 = arith.constant 0 : i32
          %dma_wait3A_865 = arith.constant 0 : i32
          %dma_wait3A_866 = tpu.memref_slice %arg5[%dma_wait3A_864, %dma_wait3A_865] : memref<16392x128xf32, #tpu.memory_space<hbm>> -> memref<16x128xf32, #tpu.memory_space<hbm>>
          %dma_wait3A_867 = arith.constant 0 : i32
          %dma_wait3A_868 = arith.constant 0 : i32
          %dma_wait3A_869 = tpu.memref_slice %arg18[%dma_wait3A_867, %dma_wait3A_868] : memref<128x128xf32, #tpu.memory_space<vmem>> -> memref<16x128xf32, #tpu.memory_space<vmem>>
          %dma_wait3A_870 = arith.constant 0 : i32
          %dma_wait3A_871 = arith.constant 0 : i32
          %dma_wait3A_872 = tpu.memref_slice %arg5[%dma_wait3A_870, %dma_wait3A_871] : memref<16392x128xf32, #tpu.memory_space<hbm>> -> memref<16x128xf32, #tpu.memory_space<hbm>>
          tpu.wait_dma2 semaphore(%arg21 : memref<!tpu.dma_semaphore, #tpu.memory_space<semaphore_mem>>) src(%dma_wait3A_872 : memref<16x128xf32, #tpu.memory_space<hbm>>) dst(%dma_wait3A_869 : memref<16x128xf32, #tpu.memory_space<vmem>>)
        }
        %while3A_836 = arith.constant 1 : i32
        scf.for %while3A_861 = %while3A_834 to %while3A_830 step %while3A_836  : i32 {
          %dma_wait3A = arith.constant 0 : i32
          %dma_wait3A_862 = arith.constant 0 : i32
          %dma_wait3A_863 = tpu.memref_slice %arg18[%dma_wait3A, %dma_wait3A_862] : memref<128x128xf32, #tpu.memory_space<vmem>> -> memref<16x128xf32, #tpu.memory_space<vmem>>
          %dma_wait3A_864 = arith.constant 0 : i32
          %dma_wait3A_865 = arith.constant 0 : i32
          %dma_wait3A_866 = tpu.memref_slice %arg5[%dma_wait3A_864, %dma_wait3A_865] : memref<16392x128xf32, #tpu.memory_space<hbm>> -> memref<16x128xf32, #tpu.memory_space<hbm>>
          %dma_wait3A_867 = arith.constant 0 : i32
          %dma_wait3A_868 = arith.constant 0 : i32
          %dma_wait3A_869 = tpu.memref_slice %arg18[%dma_wait3A_867, %dma_wait3A_868] : memref<128x128xf32, #tpu.memory_space<vmem>> -> memref<16x128xf32, #tpu.memory_space<vmem>>
          %dma_wait3A_870 = arith.constant 0 : i32
          %dma_wait3A_871 = arith.constant 0 : i32
          %dma_wait3A_872 = tpu.memref_slice %arg5[%dma_wait3A_870, %dma_wait3A_871] : memref<16392x128xf32, #tpu.memory_space<hbm>> -> memref<16x128xf32, #tpu.memory_space<hbm>>
          tpu.wait_dma2 semaphore(%arg21 : memref<!tpu.dma_semaphore, #tpu.memory_space<semaphore_mem>>) src(%dma_wait3A_872 : memref<16x128xf32, #tpu.memory_space<hbm>>) dst(%dma_wait3A_869 : memref<16x128xf32, #tpu.memory_space<vmem>>)
        }
        %and3A_837 = arith.constant 7 : i32
        %and3A_838 = arith.andi %while3A_796, %and3A_837 : i32
        %mul3A_839 = arith.constant 16 : i32
        %mul3A_840 = arith.muli %and3A_838, %mul3A_839 : i32
        %swap3A_841 = arith.constant 0 : index
        %swap3A_842 = tpu.vector_load %arg20[%swap3A_841] {strides = array<i32>} : memref<16xi32, #tpu.memory_space<vmem>>, vector<16xi32>,
        tpu.vector_store %arg20[%swap3A_841], %min3A_820 {strides = array<i32>} : memref<16xi32, #tpu.memory_space<vmem>>, vector<16xi32>,
        %swap3A_843 = arith.index_cast %and3A_838 : i32 to index
        %swap3A_844 = arith.constant 0 : index
        %swap3A_845 = tpu.vector_load %arg19[%swap3A_843, %swap3A_844] {strides = array<i32>} : memref<8x16xi32, #tpu.memory_space<vmem>>, vector<16xi32>,
        tpu.vector_store %arg19[%swap3A_843, %swap3A_844], %select_n3A_822 {strides = array<i32>} : memref<8x16xi32, #tpu.memory_space<vmem>>, vector<16xi32>,
        %scan3A_846 = arith.constant 0 : i32
        %scan3A_847 = arith.constant 0 : i32
        %scan3A_848 = arith.constant 16 : i32
        %scan3A_849 = arith.addi %scan3A_847, %scan3A_848 : i32
        %scan3A_850 = arith.constant 1 : i32
        scf.for %scan3A_861 = %scan3A_847 to %scan3A_849 step %scan3A_850  : i32 {
          %broadcast_in_dim3A_862 = vector.broadcast %scan3A_861 : i32 to vector<16xi32>
          %gather3A = tpu.vector_load_idx %arg20[%broadcast_in_dim3A_862] : memref<16xi32, #tpu.memory_space<vmem>>[vector<16xi32>], vector<16xi32>,
          %add3A_863 = arith.constant 0 : i32
          %add3A_864 = vector.broadcast %add3A_863 : i32 to vector<16xi32>
          %add3A_865 = arith.addi %iota3A, %add3A_864 : vector<16xi32>
          %gather3A_866 = tpu.vector_load_idx %arg17[%add3A_865, %gather3A] : memref<64x576xf32, #tpu.memory_space<vmem>>[vector<16xi32>, vector<16xi32>], vector<16xf32>,
          %add3A_867 = arith.addi %mul3A_840, %scan3A_861 : i32
          %swap3A_868 = arith.index_cast %add3A_867 : i32 to index
          %swap3A_869 = arith.constant 0 : index
          %swap3A_870 = tpu.vector_load %arg18[%swap3A_868, %swap3A_869] {strides = array<i32>} : memref<128x128xf32, #tpu.memory_space<vmem>>, vector<16xf32>,
          tpu.vector_store %arg18[%swap3A_868, %swap3A_869], %gather3A_866 {strides = array<i32>} : memref<128x128xf32, #tpu.memory_space<vmem>>, vector<16xf32>,
          %add3A_871 = arith.constant 16 : i32
          %add3A_872 = vector.broadcast %add3A_871 : i32 to vector<16xi32>
          %add3A_873 = arith.addi %iota3A, %add3A_872 : vector<16xi32>
          %gather3A_874 = tpu.vector_load_idx %arg17[%add3A_873, %gather3A] : memref<64x576xf32, #tpu.memory_space<vmem>>[vector<16xi32>, vector<16xi32>], vector<16xf32>,
          %add3A_875 = arith.addi %mul3A_840, %scan3A_861 : i32
          %swap3A_876 = arith.index_cast %add3A_875 : i32 to index
          %swap3A_877 = arith.constant 16 : index
          %swap3A_878 = tpu.vector_load %arg18[%swap3A_876, %swap3A_877] {strides = array<i32>} : memref<128x128xf32, #tpu.memory_space<vmem>>, vector<16xf32>,
          tpu.vector_store %arg18[%swap3A_876, %swap3A_877], %gather3A_874 {strides = array<i32>} : memref<128x128xf32, #tpu.memory_space<vmem>>, vector<16xf32>,
          %add3A_879 = arith.constant 32 : i32
          %add3A_880 = vector.broadcast %add3A_879 : i32 to vector<16xi32>
          %add3A_881 = arith.addi %iota3A, %add3A_880 : vector<16xi32>
          %gather3A_882 = tpu.vector_load_idx %arg17[%add3A_881, %gather3A] : memref<64x576xf32, #tpu.memory_space<vmem>>[vector<16xi32>, vector<16xi32>], vector<16xf32>,
          %add3A_883 = arith.addi %mul3A_840, %scan3A_861 : i32
          %swap3A_884 = arith.index_cast %add3A_883 : i32 to index
          %swap3A_885 = arith.constant 32 : index
          %swap3A_886 = tpu.vector_load %arg18[%swap3A_884, %swap3A_885] {strides = array<i32>} : memref<128x128xf32, #tpu.memory_space<vmem>>, vector<16xf32>,
          tpu.vector_store %arg18[%swap3A_884, %swap3A_885], %gather3A_882 {strides = array<i32>} : memref<128x128xf32, #tpu.memory_space<vmem>>, vector<16xf32>,
          %add3A_887 = arith.constant 48 : i32
          %add3A_888 = vector.broadcast %add3A_887 : i32 to vector<16xi32>
          %add3A_889 = arith.addi %iota3A, %add3A_888 : vector<16xi32>
          %gather3A_890 = tpu.vector_load_idx %arg17[%add3A_889, %gather3A] : memref<64x576xf32, #tpu.memory_space<vmem>>[vector<16xi32>, vector<16xi32>], vector<16xf32>,
          %add3A_891 = arith.addi %mul3A_840, %scan3A_861 : i32
          %swap3A_892 = arith.index_cast %add3A_891 : i32 to index
          %swap3A_893 = arith.constant 48 : index
          %swap3A_894 = tpu.vector_load %arg18[%swap3A_892, %swap3A_893] {strides = array<i32>} : memref<128x128xf32, #tpu.memory_space<vmem>>, vector<16xf32>,
          tpu.vector_store %arg18[%swap3A_892, %swap3A_893], %gather3A_890 {strides = array<i32>} : memref<128x128xf32, #tpu.memory_space<vmem>>, vector<16xf32>,
        }
        %scan3A_851 = arith.constant 16 : i32
        %dma_start3A = arith.constant 0 : i32
        %dma_start3A_852 = tpu.memref_slice %arg18[%mul3A_840, %dma_start3A] : memref<128x128xf32, #tpu.memory_space<vmem>> -> memref<16x128xf32, #tpu.memory_space<vmem>>
        %dma_start3A_853 = arith.constant 0 : i32
        %dma_start3A_854 = tpu.memref_slice %arg19[%and3A_838, %dma_start3A_853] : memref<8x16xi32, #tpu.memory_space<vmem>> -> memref<1x16xi32, #tpu.memory_space<vmem>>
        %dma_start3A_855 = tpu.memref_squeeze %dma_start3A_854 : memref<1x16xi32, #tpu.memory_space<vmem>> -> memref<16xi32, #tpu.memory_space<vmem>>
        %dma_start3A_856 = arith.constant 0 : i32
        %dma_start3A_857 = arith.constant 0 : i32
        %dma_start3A_858 = tpu.memref_slice %arg5[%dma_start3A_856, %dma_start3A_857] : memref<16392x128xf32, #tpu.memory_space<hbm>> -> memref<16392x128xf32, #tpu.memory_space<hbm>>
        tpu.enqueue_indirect_dma source(%dma_start3A_852 : memref<16x128xf32, #tpu.memory_space<vmem>>) target(%dma_start3A_858 : memref<16392x128xf32, #tpu.memory_space<hbm>>) offsets(%dma_start3A_855 : memref<16xi32, #tpu.memory_space<vmem>>) semaphore(%arg21 : memref<!tpu.dma_semaphore, #tpu.memory_space<semaphore_mem>>)
        %add3A_859 = arith.constant 1 : i32
        %add3A_860 = arith.addi %while3A_796, %add3A_859 : i32
        scf.yield %add3A_860 : i32
      }
      %while3A_649 = arith.constant 1 : i32
      %while3A_650 = scf.for %while3A_795 = %while3A_646 to %while3A_642 step %while3A_649 iter_args(%while3A_796 = %while3A_648) -> (i32)  : i32 {
        %mul3A_797 = arith.constant 16 : i32
        %mul3A_798 = arith.muli %while3A_795, %mul3A_797 : i32
        %add3A_799 = arith.constant 3904 : i32
        %add3A_800 = arith.addi %add3A_799, %mul3A_798 : i32
        %get3A_801 = arith.index_cast %add3A_800 : i32 to index
        %get3A_802 = tpu.vector_load %arg13[%get3A_801] {strides = array<i32>} : memref<4112xi32, #tpu.memory_space<vmem>>, vector<16xi32>,
        %shift_right_logical3A = arith.constant 14 : i32
        %shift_right_logical3A_803 = vector.broadcast %shift_right_logical3A : i32 to vector<16xi32>
        %shift_right_logical3A_804 = arith.shrui %get3A_802, %shift_right_logical3A_803 : vector<16xi32>
        %and3A_805 = arith.constant 16383 : i32
        %and3A_806 = vector.broadcast %and3A_805 : i32 to vector<16xi32>
        %and3A_807 = arith.andi %get3A_802, %and3A_806 : vector<16xi32>
        %mul3A_808 = arith.constant 16 : i32
        %mul3A_809 = arith.muli %while3A_795, %mul3A_808 : i32
        %add3A_810 = vector.broadcast %mul3A_809 : i32 to vector<16xi32>
        %add3A_811 = arith.addi %iota3A, %add3A_810 : vector<16xi32>
        %lt3A = vector.broadcast %min3A_611 : i32 to vector<16xi32>
        %lt3A_812 = arith.cmpi slt, %add3A_811, %lt3A : vector<16xi32>
        %sub3A_813 = arith.constant 31232 : i32
        %sub3A_814 = vector.broadcast %sub3A_813 : i32 to vector<16xi32>
        %sub3A_815 = arith.subi %shift_right_logical3A_804, %sub3A_814 : vector<16xi32>
        %jit3A_816 = arith.constant 0 : i32
        %jit3A_817 = arith.constant 575 : i32
        %max3A = vector.broadcast %jit3A_816 : i32 to vector<16xi32>
        %max3A_818 = arith.maxsi %max3A, %sub3A_815 : vector<16xi32>
        %min3A_819 = vector.broadcast %jit3A_817 : i32 to vector<16xi32>
        %min3A_820 = arith.minsi %min3A_819, %max3A_818 : vector<16xi32>
        %jit3A_821 = arith.constant 16384 : i32
        %broadcast_in_dim3A = vector.broadcast %jit3A_821 : i32 to vector<16xi32>
        %select_n3A_822 = arith.select %lt3A_812, %and3A_807, %broadcast_in_dim3A : vector<16xi1>, vector<16xi32>
        %ge3A = arith.constant 8 : i32
        %ge3A_823 = arith.cmpi sge, %while3A_796, %ge3A : i32
        %jit3A_824 = arith.constant 1 : i32
        %jit3A_825 = arith.constant 0 : i32
        %select_n3A_826 = arith.select %ge3A_823, %jit3A_824, %jit3A_825 : i32
        %while3A_827 = arith.constant 0 : i32
        %while3A_828 = arith.constant 0 : i32
        %while3A_829 = arith.subi %select_n3A_826, %while3A_828 : i32
        %while3A_830 = arith.addi %while3A_828, %while3A_829 : i32
        %while3A_831 = arith.constant 1 : i32
        %while3A_832 = arith.divsi %while3A_829, %while3A_831 : i32
        %while3A_833 = arith.muli %while3A_832, %while3A_831 : i32
        %while3A_834 = arith.addi %while3A_828, %while3A_833 : i32
        %while3A_835 = arith.constant 1 : i32
        scf.for %while3A_861 = %while3A_828 to %while3A_834 step %while3A_835  : i32 {
          %dma_wait3A = arith.constant 0 : i32
          %dma_wait3A_862 = arith.constant 0 : i32
          %dma_wait3A_863 = tpu.memref_slice %arg18[%dma_wait3A, %dma_wait3A_862] : memref<128x128xf32, #tpu.memory_space<vmem>> -> memref<16x128xf32, #tpu.memory_space<vmem>>
          %dma_wait3A_864 = arith.constant 0 : i32
          %dma_wait3A_865 = arith.constant 0 : i32
          %dma_wait3A_866 = tpu.memref_slice %arg5[%dma_wait3A_864, %dma_wait3A_865] : memref<16392x128xf32, #tpu.memory_space<hbm>> -> memref<16x128xf32, #tpu.memory_space<hbm>>
          %dma_wait3A_867 = arith.constant 0 : i32
          %dma_wait3A_868 = arith.constant 0 : i32
          %dma_wait3A_869 = tpu.memref_slice %arg18[%dma_wait3A_867, %dma_wait3A_868] : memref<128x128xf32, #tpu.memory_space<vmem>> -> memref<16x128xf32, #tpu.memory_space<vmem>>
          %dma_wait3A_870 = arith.constant 0 : i32
          %dma_wait3A_871 = arith.constant 0 : i32
          %dma_wait3A_872 = tpu.memref_slice %arg5[%dma_wait3A_870, %dma_wait3A_871] : memref<16392x128xf32, #tpu.memory_space<hbm>> -> memref<16x128xf32, #tpu.memory_space<hbm>>
          tpu.wait_dma2 semaphore(%arg21 : memref<!tpu.dma_semaphore, #tpu.memory_space<semaphore_mem>>) src(%dma_wait3A_872 : memref<16x128xf32, #tpu.memory_space<hbm>>) dst(%dma_wait3A_869 : memref<16x128xf32, #tpu.memory_space<vmem>>)
        }
        %while3A_836 = arith.constant 1 : i32
        scf.for %while3A_861 = %while3A_834 to %while3A_830 step %while3A_836  : i32 {
          %dma_wait3A = arith.constant 0 : i32
          %dma_wait3A_862 = arith.constant 0 : i32
          %dma_wait3A_863 = tpu.memref_slice %arg18[%dma_wait3A, %dma_wait3A_862] : memref<128x128xf32, #tpu.memory_space<vmem>> -> memref<16x128xf32, #tpu.memory_space<vmem>>
          %dma_wait3A_864 = arith.constant 0 : i32
          %dma_wait3A_865 = arith.constant 0 : i32
          %dma_wait3A_866 = tpu.memref_slice %arg5[%dma_wait3A_864, %dma_wait3A_865] : memref<16392x128xf32, #tpu.memory_space<hbm>> -> memref<16x128xf32, #tpu.memory_space<hbm>>
          %dma_wait3A_867 = arith.constant 0 : i32
          %dma_wait3A_868 = arith.constant 0 : i32
          %dma_wait3A_869 = tpu.memref_slice %arg18[%dma_wait3A_867, %dma_wait3A_868] : memref<128x128xf32, #tpu.memory_space<vmem>> -> memref<16x128xf32, #tpu.memory_space<vmem>>
          %dma_wait3A_870 = arith.constant 0 : i32
          %dma_wait3A_871 = arith.constant 0 : i32
          %dma_wait3A_872 = tpu.memref_slice %arg5[%dma_wait3A_870, %dma_wait3A_871] : memref<16392x128xf32, #tpu.memory_space<hbm>> -> memref<16x128xf32, #tpu.memory_space<hbm>>
          tpu.wait_dma2 semaphore(%arg21 : memref<!tpu.dma_semaphore, #tpu.memory_space<semaphore_mem>>) src(%dma_wait3A_872 : memref<16x128xf32, #tpu.memory_space<hbm>>) dst(%dma_wait3A_869 : memref<16x128xf32, #tpu.memory_space<vmem>>)
        }
        %and3A_837 = arith.constant 7 : i32
        %and3A_838 = arith.andi %while3A_796, %and3A_837 : i32
        %mul3A_839 = arith.constant 16 : i32
        %mul3A_840 = arith.muli %and3A_838, %mul3A_839 : i32
        %swap3A_841 = arith.constant 0 : index
        %swap3A_842 = tpu.vector_load %arg20[%swap3A_841] {strides = array<i32>} : memref<16xi32, #tpu.memory_space<vmem>>, vector<16xi32>,
        tpu.vector_store %arg20[%swap3A_841], %min3A_820 {strides = array<i32>} : memref<16xi32, #tpu.memory_space<vmem>>, vector<16xi32>,
        %swap3A_843 = arith.index_cast %and3A_838 : i32 to index
        %swap3A_844 = arith.constant 0 : index
        %swap3A_845 = tpu.vector_load %arg19[%swap3A_843, %swap3A_844] {strides = array<i32>} : memref<8x16xi32, #tpu.memory_space<vmem>>, vector<16xi32>,
        tpu.vector_store %arg19[%swap3A_843, %swap3A_844], %select_n3A_822 {strides = array<i32>} : memref<8x16xi32, #tpu.memory_space<vmem>>, vector<16xi32>,
        %scan3A_846 = arith.constant 0 : i32
        %scan3A_847 = arith.constant 0 : i32
        %scan3A_848 = arith.constant 16 : i32
        %scan3A_849 = arith.addi %scan3A_847, %scan3A_848 : i32
        %scan3A_850 = arith.constant 1 : i32
        scf.for %scan3A_861 = %scan3A_847 to %scan3A_849 step %scan3A_850  : i32 {
          %broadcast_in_dim3A_862 = vector.broadcast %scan3A_861 : i32 to vector<16xi32>
          %gather3A = tpu.vector_load_idx %arg20[%broadcast_in_dim3A_862] : memref<16xi32, #tpu.memory_space<vmem>>[vector<16xi32>], vector<16xi32>,
          %add3A_863 = arith.constant 0 : i32
          %add3A_864 = vector.broadcast %add3A_863 : i32 to vector<16xi32>
          %add3A_865 = arith.addi %iota3A, %add3A_864 : vector<16xi32>
          %gather3A_866 = tpu.vector_load_idx %arg17[%add3A_865, %gather3A] : memref<64x576xf32, #tpu.memory_space<vmem>>[vector<16xi32>, vector<16xi32>], vector<16xf32>,
          %add3A_867 = arith.addi %mul3A_840, %scan3A_861 : i32
          %swap3A_868 = arith.index_cast %add3A_867 : i32 to index
          %swap3A_869 = arith.constant 0 : index
          %swap3A_870 = tpu.vector_load %arg18[%swap3A_868, %swap3A_869] {strides = array<i32>} : memref<128x128xf32, #tpu.memory_space<vmem>>, vector<16xf32>,
          tpu.vector_store %arg18[%swap3A_868, %swap3A_869], %gather3A_866 {strides = array<i32>} : memref<128x128xf32, #tpu.memory_space<vmem>>, vector<16xf32>,
          %add3A_871 = arith.constant 16 : i32
          %add3A_872 = vector.broadcast %add3A_871 : i32 to vector<16xi32>
          %add3A_873 = arith.addi %iota3A, %add3A_872 : vector<16xi32>
          %gather3A_874 = tpu.vector_load_idx %arg17[%add3A_873, %gather3A] : memref<64x576xf32, #tpu.memory_space<vmem>>[vector<16xi32>, vector<16xi32>], vector<16xf32>,
          %add3A_875 = arith.addi %mul3A_840, %scan3A_861 : i32
          %swap3A_876 = arith.index_cast %add3A_875 : i32 to index
          %swap3A_877 = arith.constant 16 : index
          %swap3A_878 = tpu.vector_load %arg18[%swap3A_876, %swap3A_877] {strides = array<i32>} : memref<128x128xf32, #tpu.memory_space<vmem>>, vector<16xf32>,
          tpu.vector_store %arg18[%swap3A_876, %swap3A_877], %gather3A_874 {strides = array<i32>} : memref<128x128xf32, #tpu.memory_space<vmem>>, vector<16xf32>,
          %add3A_879 = arith.constant 32 : i32
          %add3A_880 = vector.broadcast %add3A_879 : i32 to vector<16xi32>
          %add3A_881 = arith.addi %iota3A, %add3A_880 : vector<16xi32>
          %gather3A_882 = tpu.vector_load_idx %arg17[%add3A_881, %gather3A] : memref<64x576xf32, #tpu.memory_space<vmem>>[vector<16xi32>, vector<16xi32>], vector<16xf32>,
          %add3A_883 = arith.addi %mul3A_840, %scan3A_861 : i32
          %swap3A_884 = arith.index_cast %add3A_883 : i32 to index
          %swap3A_885 = arith.constant 32 : index
          %swap3A_886 = tpu.vector_load %arg18[%swap3A_884, %swap3A_885] {strides = array<i32>} : memref<128x128xf32, #tpu.memory_space<vmem>>, vector<16xf32>,
          tpu.vector_store %arg18[%swap3A_884, %swap3A_885], %gather3A_882 {strides = array<i32>} : memref<128x128xf32, #tpu.memory_space<vmem>>, vector<16xf32>,
          %add3A_887 = arith.constant 48 : i32
          %add3A_888 = vector.broadcast %add3A_887 : i32 to vector<16xi32>
          %add3A_889 = arith.addi %iota3A, %add3A_888 : vector<16xi32>
          %gather3A_890 = tpu.vector_load_idx %arg17[%add3A_889, %gather3A] : memref<64x576xf32, #tpu.memory_space<vmem>>[vector<16xi32>, vector<16xi32>], vector<16xf32>,
          %add3A_891 = arith.addi %mul3A_840, %scan3A_861 : i32
          %swap3A_892 = arith.index_cast %add3A_891 : i32 to index
          %swap3A_893 = arith.constant 48 : index
          %swap3A_894 = tpu.vector_load %arg18[%swap3A_892, %swap3A_893] {strides = array<i32>} : memref<128x128xf32, #tpu.memory_space<vmem>>, vector<16xf32>,
          tpu.vector_store %arg18[%swap3A_892, %swap3A_893], %gather3A_890 {strides = array<i32>} : memref<128x128xf32, #tpu.memory_space<vmem>>, vector<16xf32>,
        }
        %scan3A_851 = arith.constant 16 : i32
        %dma_start3A = arith.constant 0 : i32
        %dma_start3A_852 = tpu.memref_slice %arg18[%mul3A_840, %dma_start3A] : memref<128x128xf32, #tpu.memory_space<vmem>> -> memref<16x128xf32, #tpu.memory_space<vmem>>
        %dma_start3A_853 = arith.constant 0 : i32
        %dma_start3A_854 = tpu.memref_slice %arg19[%and3A_838, %dma_start3A_853] : memref<8x16xi32, #tpu.memory_space<vmem>> -> memref<1x16xi32, #tpu.memory_space<vmem>>
        %dma_start3A_855 = tpu.memref_squeeze %dma_start3A_854 : memref<1x16xi32, #tpu.memory_space<vmem>> -> memref<16xi32, #tpu.memory_space<vmem>>
        %dma_start3A_856 = arith.constant 0 : i32
        %dma_start3A_857 = arith.constant 0 : i32
        %dma_start3A_858 = tpu.memref_slice %arg5[%dma_start3A_856, %dma_start3A_857] : memref<16392x128xf32, #tpu.memory_space<hbm>> -> memref<16392x128xf32, #tpu.memory_space<hbm>>
        tpu.enqueue_indirect_dma source(%dma_start3A_852 : memref<16x128xf32, #tpu.memory_space<vmem>>) target(%dma_start3A_858 : memref<16392x128xf32, #tpu.memory_space<hbm>>) offsets(%dma_start3A_855 : memref<16xi32, #tpu.memory_space<vmem>>) semaphore(%arg21 : memref<!tpu.dma_semaphore, #tpu.memory_space<semaphore_mem>>)
        %add3A_859 = arith.constant 1 : i32
        %add3A_860 = arith.addi %while3A_796, %add3A_859 : i32
        scf.yield %add3A_860 : i32
      }
      %get3A_651 = arith.constant 61 : i32
      %get3A_652 = arith.index_cast %get3A_651 : i32 to index
      %get3A_653 = memref.load %arg16[%get3A_652] : memref<64xi32, #tpu.memory_space<smem>>
      %min3A_654 = arith.constant 64 : i32
      %min3A_655 = arith.minsi %get3A_653, %min3A_654 : i32
      %add3A_656 = arith.constant 16 : i32
      %add3A_657 = arith.addi %min3A_655, %add3A_656 : i32
      %sub3A_658 = arith.constant 1 : i32
      %sub3A_659 = arith.subi %add3A_657, %sub3A_658 : i32
      %jit3A_660 = arith.constant 16 : i32
      %div3A_661 = arith.divsi %sub3A_659, %jit3A_660 : i32
      %sign3A_662 = arith.constant 0 : i32
      %sign3A_663 = arith.cmpi sgt, %sub3A_659, %sign3A_662 : i32
      %sign3A_664 = arith.extui %sign3A_663 : i1 to i32
      %sign3A_665 = arith.constant 0 : i32
      %sign3A_666 = arith.cmpi slt, %sub3A_659, %sign3A_665 : i32
      %sign3A_667 = arith.extui %sign3A_666 : i1 to i32
      %sign3A_668 = arith.subi %sign3A_664, %sign3A_667 : i32
      %sign3A_669 = arith.constant 0 : i32
      %sign3A_670 = arith.cmpi sgt, %jit3A_660, %sign3A_669 : i32
      %sign3A_671 = arith.extui %sign3A_670 : i1 to i32
      %sign3A_672 = arith.constant 0 : i32
      %sign3A_673 = arith.cmpi slt, %jit3A_660, %sign3A_672 : i32
      %sign3A_674 = arith.extui %sign3A_673 : i1 to i32
      %sign3A_675 = arith.subi %sign3A_671, %sign3A_674 : i32
      %ne3A_676 = arith.cmpi ne, %sign3A_668, %sign3A_675 : i32
      %rem3A_677 = arith.remsi %sub3A_659, %jit3A_660 : i32
      %ne3A_678 = arith.constant 0 : i32
      %ne3A_679 = arith.cmpi ne, %rem3A_677, %ne3A_678 : i32
      %and3A_680 = arith.andi %ne3A_676, %ne3A_679 : i1
      %sub3A_681 = arith.constant 1 : i32
      %sub3A_682 = arith.subi %div3A_661, %sub3A_681 : i32
      %select_n3A_683 = arith.select %and3A_680, %sub3A_682, %div3A_661 : i32
      %while3A_684 = arith.constant 0 : i32
      %while3A_685 = arith.subi %select_n3A_683, %while3A_684 : i32
      %while3A_686 = arith.addi %while3A_684, %while3A_685 : i32
      %while3A_687 = arith.constant 1 : i32
      %while3A_688 = arith.divsi %while3A_685, %while3A_687 : i32
      %while3A_689 = arith.muli %while3A_688, %while3A_687 : i32
      %while3A_690 = arith.addi %while3A_684, %while3A_689 : i32
      %while3A_691 = arith.constant 1 : i32
      %while3A_692 = scf.for %while3A_795 = %while3A_684 to %while3A_690 step %while3A_691 iter_args(%while3A_796 = %while3A_650) -> (i32)  : i32 {
        %mul3A_797 = arith.constant 16 : i32
        %mul3A_798 = arith.muli %while3A_795, %mul3A_797 : i32
        %add3A_799 = arith.constant 3904 : i32
        %add3A_800 = arith.addi %add3A_799, %mul3A_798 : i32
        %get3A_801 = arith.index_cast %add3A_800 : i32 to index
        %get3A_802 = tpu.vector_load %arg14[%get3A_801] {strides = array<i32>} : memref<4112xi32, #tpu.memory_space<vmem>>, vector<16xi32>,
        %shift_right_logical3A = arith.constant 14 : i32
        %shift_right_logical3A_803 = vector.broadcast %shift_right_logical3A : i32 to vector<16xi32>
        %shift_right_logical3A_804 = arith.shrui %get3A_802, %shift_right_logical3A_803 : vector<16xi32>
        %and3A_805 = arith.constant 16383 : i32
        %and3A_806 = vector.broadcast %and3A_805 : i32 to vector<16xi32>
        %and3A_807 = arith.andi %get3A_802, %and3A_806 : vector<16xi32>
        %mul3A_808 = arith.constant 16 : i32
        %mul3A_809 = arith.muli %while3A_795, %mul3A_808 : i32
        %add3A_810 = vector.broadcast %mul3A_809 : i32 to vector<16xi32>
        %add3A_811 = arith.addi %iota3A, %add3A_810 : vector<16xi32>
        %lt3A = vector.broadcast %min3A_655 : i32 to vector<16xi32>
        %lt3A_812 = arith.cmpi slt, %add3A_811, %lt3A : vector<16xi32>
        %sub3A_813 = arith.constant 31232 : i32
        %sub3A_814 = vector.broadcast %sub3A_813 : i32 to vector<16xi32>
        %sub3A_815 = arith.subi %shift_right_logical3A_804, %sub3A_814 : vector<16xi32>
        %jit3A_816 = arith.constant 0 : i32
        %jit3A_817 = arith.constant 575 : i32
        %max3A = vector.broadcast %jit3A_816 : i32 to vector<16xi32>
        %max3A_818 = arith.maxsi %max3A, %sub3A_815 : vector<16xi32>
        %min3A_819 = vector.broadcast %jit3A_817 : i32 to vector<16xi32>
        %min3A_820 = arith.minsi %min3A_819, %max3A_818 : vector<16xi32>
        %jit3A_821 = arith.constant 16384 : i32
        %broadcast_in_dim3A = vector.broadcast %jit3A_821 : i32 to vector<16xi32>
        %select_n3A_822 = arith.select %lt3A_812, %and3A_807, %broadcast_in_dim3A : vector<16xi1>, vector<16xi32>
        %ge3A = arith.constant 8 : i32
        %ge3A_823 = arith.cmpi sge, %while3A_796, %ge3A : i32
        %jit3A_824 = arith.constant 1 : i32
        %jit3A_825 = arith.constant 0 : i32
        %select_n3A_826 = arith.select %ge3A_823, %jit3A_824, %jit3A_825 : i32
        %while3A_827 = arith.constant 0 : i32
        %while3A_828 = arith.constant 0 : i32
        %while3A_829 = arith.subi %select_n3A_826, %while3A_828 : i32
        %while3A_830 = arith.addi %while3A_828, %while3A_829 : i32
        %while3A_831 = arith.constant 1 : i32
        %while3A_832 = arith.divsi %while3A_829, %while3A_831 : i32
        %while3A_833 = arith.muli %while3A_832, %while3A_831 : i32
        %while3A_834 = arith.addi %while3A_828, %while3A_833 : i32
        %while3A_835 = arith.constant 1 : i32
        scf.for %while3A_861 = %while3A_828 to %while3A_834 step %while3A_835  : i32 {
          %dma_wait3A = arith.constant 0 : i32
          %dma_wait3A_862 = arith.constant 0 : i32
          %dma_wait3A_863 = tpu.memref_slice %arg18[%dma_wait3A, %dma_wait3A_862] : memref<128x128xf32, #tpu.memory_space<vmem>> -> memref<16x128xf32, #tpu.memory_space<vmem>>
          %dma_wait3A_864 = arith.constant 0 : i32
          %dma_wait3A_865 = arith.constant 0 : i32
          %dma_wait3A_866 = tpu.memref_slice %arg5[%dma_wait3A_864, %dma_wait3A_865] : memref<16392x128xf32, #tpu.memory_space<hbm>> -> memref<16x128xf32, #tpu.memory_space<hbm>>
          %dma_wait3A_867 = arith.constant 0 : i32
          %dma_wait3A_868 = arith.constant 0 : i32
          %dma_wait3A_869 = tpu.memref_slice %arg18[%dma_wait3A_867, %dma_wait3A_868] : memref<128x128xf32, #tpu.memory_space<vmem>> -> memref<16x128xf32, #tpu.memory_space<vmem>>
          %dma_wait3A_870 = arith.constant 0 : i32
          %dma_wait3A_871 = arith.constant 0 : i32
          %dma_wait3A_872 = tpu.memref_slice %arg5[%dma_wait3A_870, %dma_wait3A_871] : memref<16392x128xf32, #tpu.memory_space<hbm>> -> memref<16x128xf32, #tpu.memory_space<hbm>>
          tpu.wait_dma2 semaphore(%arg21 : memref<!tpu.dma_semaphore, #tpu.memory_space<semaphore_mem>>) src(%dma_wait3A_872 : memref<16x128xf32, #tpu.memory_space<hbm>>) dst(%dma_wait3A_869 : memref<16x128xf32, #tpu.memory_space<vmem>>)
        }
        %while3A_836 = arith.constant 1 : i32
        scf.for %while3A_861 = %while3A_834 to %while3A_830 step %while3A_836  : i32 {
          %dma_wait3A = arith.constant 0 : i32
          %dma_wait3A_862 = arith.constant 0 : i32
          %dma_wait3A_863 = tpu.memref_slice %arg18[%dma_wait3A, %dma_wait3A_862] : memref<128x128xf32, #tpu.memory_space<vmem>> -> memref<16x128xf32, #tpu.memory_space<vmem>>
          %dma_wait3A_864 = arith.constant 0 : i32
          %dma_wait3A_865 = arith.constant 0 : i32
          %dma_wait3A_866 = tpu.memref_slice %arg5[%dma_wait3A_864, %dma_wait3A_865] : memref<16392x128xf32, #tpu.memory_space<hbm>> -> memref<16x128xf32, #tpu.memory_space<hbm>>
          %dma_wait3A_867 = arith.constant 0 : i32
          %dma_wait3A_868 = arith.constant 0 : i32
          %dma_wait3A_869 = tpu.memref_slice %arg18[%dma_wait3A_867, %dma_wait3A_868] : memref<128x128xf32, #tpu.memory_space<vmem>> -> memref<16x128xf32, #tpu.memory_space<vmem>>
          %dma_wait3A_870 = arith.constant 0 : i32
          %dma_wait3A_871 = arith.constant 0 : i32
          %dma_wait3A_872 = tpu.memref_slice %arg5[%dma_wait3A_870, %dma_wait3A_871] : memref<16392x128xf32, #tpu.memory_space<hbm>> -> memref<16x128xf32, #tpu.memory_space<hbm>>
          tpu.wait_dma2 semaphore(%arg21 : memref<!tpu.dma_semaphore, #tpu.memory_space<semaphore_mem>>) src(%dma_wait3A_872 : memref<16x128xf32, #tpu.memory_space<hbm>>) dst(%dma_wait3A_869 : memref<16x128xf32, #tpu.memory_space<vmem>>)
        }
        %and3A_837 = arith.constant 7 : i32
        %and3A_838 = arith.andi %while3A_796, %and3A_837 : i32
        %mul3A_839 = arith.constant 16 : i32
        %mul3A_840 = arith.muli %and3A_838, %mul3A_839 : i32
        %swap3A_841 = arith.constant 0 : index
        %swap3A_842 = tpu.vector_load %arg20[%swap3A_841] {strides = array<i32>} : memref<16xi32, #tpu.memory_space<vmem>>, vector<16xi32>,
        tpu.vector_store %arg20[%swap3A_841], %min3A_820 {strides = array<i32>} : memref<16xi32, #tpu.memory_space<vmem>>, vector<16xi32>,
        %swap3A_843 = arith.index_cast %and3A_838 : i32 to index
        %swap3A_844 = arith.constant 0 : index
        %swap3A_845 = tpu.vector_load %arg19[%swap3A_843, %swap3A_844] {strides = array<i32>} : memref<8x16xi32, #tpu.memory_space<vmem>>, vector<16xi32>,
        tpu.vector_store %arg19[%swap3A_843, %swap3A_844], %select_n3A_822 {strides = array<i32>} : memref<8x16xi32, #tpu.memory_space<vmem>>, vector<16xi32>,
        %scan3A_846 = arith.constant 0 : i32
        %scan3A_847 = arith.constant 0 : i32
        %scan3A_848 = arith.constant 16 : i32
        %scan3A_849 = arith.addi %scan3A_847, %scan3A_848 : i32
        %scan3A_850 = arith.constant 1 : i32
        scf.for %scan3A_861 = %scan3A_847 to %scan3A_849 step %scan3A_850  : i32 {
          %broadcast_in_dim3A_862 = vector.broadcast %scan3A_861 : i32 to vector<16xi32>
          %gather3A = tpu.vector_load_idx %arg20[%broadcast_in_dim3A_862] : memref<16xi32, #tpu.memory_space<vmem>>[vector<16xi32>], vector<16xi32>,
          %add3A_863 = arith.constant 0 : i32
          %add3A_864 = vector.broadcast %add3A_863 : i32 to vector<16xi32>
          %add3A_865 = arith.addi %iota3A, %add3A_864 : vector<16xi32>
          %gather3A_866 = tpu.vector_load_idx %arg17[%add3A_865, %gather3A] : memref<64x576xf32, #tpu.memory_space<vmem>>[vector<16xi32>, vector<16xi32>], vector<16xf32>,
          %add3A_867 = arith.addi %mul3A_840, %scan3A_861 : i32
          %swap3A_868 = arith.index_cast %add3A_867 : i32 to index
          %swap3A_869 = arith.constant 0 : index
          %swap3A_870 = tpu.vector_load %arg18[%swap3A_868, %swap3A_869] {strides = array<i32>} : memref<128x128xf32, #tpu.memory_space<vmem>>, vector<16xf32>,
          tpu.vector_store %arg18[%swap3A_868, %swap3A_869], %gather3A_866 {strides = array<i32>} : memref<128x128xf32, #tpu.memory_space<vmem>>, vector<16xf32>,
          %add3A_871 = arith.constant 16 : i32
          %add3A_872 = vector.broadcast %add3A_871 : i32 to vector<16xi32>
          %add3A_873 = arith.addi %iota3A, %add3A_872 : vector<16xi32>
          %gather3A_874 = tpu.vector_load_idx %arg17[%add3A_873, %gather3A] : memref<64x576xf32, #tpu.memory_space<vmem>>[vector<16xi32>, vector<16xi32>], vector<16xf32>,
          %add3A_875 = arith.addi %mul3A_840, %scan3A_861 : i32
          %swap3A_876 = arith.index_cast %add3A_875 : i32 to index
          %swap3A_877 = arith.constant 16 : index
          %swap3A_878 = tpu.vector_load %arg18[%swap3A_876, %swap3A_877] {strides = array<i32>} : memref<128x128xf32, #tpu.memory_space<vmem>>, vector<16xf32>,
          tpu.vector_store %arg18[%swap3A_876, %swap3A_877], %gather3A_874 {strides = array<i32>} : memref<128x128xf32, #tpu.memory_space<vmem>>, vector<16xf32>,
          %add3A_879 = arith.constant 32 : i32
          %add3A_880 = vector.broadcast %add3A_879 : i32 to vector<16xi32>
          %add3A_881 = arith.addi %iota3A, %add3A_880 : vector<16xi32>
          %gather3A_882 = tpu.vector_load_idx %arg17[%add3A_881, %gather3A] : memref<64x576xf32, #tpu.memory_space<vmem>>[vector<16xi32>, vector<16xi32>], vector<16xf32>,
          %add3A_883 = arith.addi %mul3A_840, %scan3A_861 : i32
          %swap3A_884 = arith.index_cast %add3A_883 : i32 to index
          %swap3A_885 = arith.constant 32 : index
          %swap3A_886 = tpu.vector_load %arg18[%swap3A_884, %swap3A_885] {strides = array<i32>} : memref<128x128xf32, #tpu.memory_space<vmem>>, vector<16xf32>,
          tpu.vector_store %arg18[%swap3A_884, %swap3A_885], %gather3A_882 {strides = array<i32>} : memref<128x128xf32, #tpu.memory_space<vmem>>, vector<16xf32>,
          %add3A_887 = arith.constant 48 : i32
          %add3A_888 = vector.broadcast %add3A_887 : i32 to vector<16xi32>
          %add3A_889 = arith.addi %iota3A, %add3A_888 : vector<16xi32>
          %gather3A_890 = tpu.vector_load_idx %arg17[%add3A_889, %gather3A] : memref<64x576xf32, #tpu.memory_space<vmem>>[vector<16xi32>, vector<16xi32>], vector<16xf32>,
          %add3A_891 = arith.addi %mul3A_840, %scan3A_861 : i32
          %swap3A_892 = arith.index_cast %add3A_891 : i32 to index
          %swap3A_893 = arith.constant 48 : index
          %swap3A_894 = tpu.vector_load %arg18[%swap3A_892, %swap3A_893] {strides = array<i32>} : memref<128x128xf32, #tpu.memory_space<vmem>>, vector<16xf32>,
          tpu.vector_store %arg18[%swap3A_892, %swap3A_893], %gather3A_890 {strides = array<i32>} : memref<128x128xf32, #tpu.memory_space<vmem>>, vector<16xf32>,
        }
        %scan3A_851 = arith.constant 16 : i32
        %dma_start3A = arith.constant 0 : i32
        %dma_start3A_852 = tpu.memref_slice %arg18[%mul3A_840, %dma_start3A] : memref<128x128xf32, #tpu.memory_space<vmem>> -> memref<16x128xf32, #tpu.memory_space<vmem>>
        %dma_start3A_853 = arith.constant 0 : i32
        %dma_start3A_854 = tpu.memref_slice %arg19[%and3A_838, %dma_start3A_853] : memref<8x16xi32, #tpu.memory_space<vmem>> -> memref<1x16xi32, #tpu.memory_space<vmem>>
        %dma_start3A_855 = tpu.memref_squeeze %dma_start3A_854 : memref<1x16xi32, #tpu.memory_space<vmem>> -> memref<16xi32, #tpu.memory_space<vmem>>
        %dma_start3A_856 = arith.constant 0 : i32
        %dma_start3A_857 = arith.constant 0 : i32
        %dma_start3A_858 = tpu.memref_slice %arg6[%dma_start3A_856, %dma_start3A_857] : memref<16392x128xf32, #tpu.memory_space<hbm>> -> memref<16392x128xf32, #tpu.memory_space<hbm>>
        tpu.enqueue_indirect_dma source(%dma_start3A_852 : memref<16x128xf32, #tpu.memory_space<vmem>>) target(%dma_start3A_858 : memref<16392x128xf32, #tpu.memory_space<hbm>>) offsets(%dma_start3A_855 : memref<16xi32, #tpu.memory_space<vmem>>) semaphore(%arg21 : memref<!tpu.dma_semaphore, #tpu.memory_space<semaphore_mem>>)
        %add3A_859 = arith.constant 1 : i32
        %add3A_860 = arith.addi %while3A_796, %add3A_859 : i32
        scf.yield %add3A_860 : i32
      }
      %while3A_693 = arith.constant 1 : i32
      %while3A_694 = scf.for %while3A_795 = %while3A_690 to %while3A_686 step %while3A_693 iter_args(%while3A_796 = %while3A_692) -> (i32)  : i32 {
        %mul3A_797 = arith.constant 16 : i32
        %mul3A_798 = arith.muli %while3A_795, %mul3A_797 : i32
        %add3A_799 = arith.constant 3904 : i32
        %add3A_800 = arith.addi %add3A_799, %mul3A_798 : i32
        %get3A_801 = arith.index_cast %add3A_800 : i32 to index
        %get3A_802 = tpu.vector_load %arg14[%get3A_801] {strides = array<i32>} : memref<4112xi32, #tpu.memory_space<vmem>>, vector<16xi32>,
        %shift_right_logical3A = arith.constant 14 : i32
        %shift_right_logical3A_803 = vector.broadcast %shift_right_logical3A : i32 to vector<16xi32>
        %shift_right_logical3A_804 = arith.shrui %get3A_802, %shift_right_logical3A_803 : vector<16xi32>
        %and3A_805 = arith.constant 16383 : i32
        %and3A_806 = vector.broadcast %and3A_805 : i32 to vector<16xi32>
        %and3A_807 = arith.andi %get3A_802, %and3A_806 : vector<16xi32>
        %mul3A_808 = arith.constant 16 : i32
        %mul3A_809 = arith.muli %while3A_795, %mul3A_808 : i32
        %add3A_810 = vector.broadcast %mul3A_809 : i32 to vector<16xi32>
        %add3A_811 = arith.addi %iota3A, %add3A_810 : vector<16xi32>
        %lt3A = vector.broadcast %min3A_655 : i32 to vector<16xi32>
        %lt3A_812 = arith.cmpi slt, %add3A_811, %lt3A : vector<16xi32>
        %sub3A_813 = arith.constant 31232 : i32
        %sub3A_814 = vector.broadcast %sub3A_813 : i32 to vector<16xi32>
        %sub3A_815 = arith.subi %shift_right_logical3A_804, %sub3A_814 : vector<16xi32>
        %jit3A_816 = arith.constant 0 : i32
        %jit3A_817 = arith.constant 575 : i32
        %max3A = vector.broadcast %jit3A_816 : i32 to vector<16xi32>
        %max3A_818 = arith.maxsi %max3A, %sub3A_815 : vector<16xi32>
        %min3A_819 = vector.broadcast %jit3A_817 : i32 to vector<16xi32>
        %min3A_820 = arith.minsi %min3A_819, %max3A_818 : vector<16xi32>
        %jit3A_821 = arith.constant 16384 : i32
        %broadcast_in_dim3A = vector.broadcast %jit3A_821 : i32 to vector<16xi32>
        %select_n3A_822 = arith.select %lt3A_812, %and3A_807, %broadcast_in_dim3A : vector<16xi1>, vector<16xi32>
        %ge3A = arith.constant 8 : i32
        %ge3A_823 = arith.cmpi sge, %while3A_796, %ge3A : i32
        %jit3A_824 = arith.constant 1 : i32
        %jit3A_825 = arith.constant 0 : i32
        %select_n3A_826 = arith.select %ge3A_823, %jit3A_824, %jit3A_825 : i32
        %while3A_827 = arith.constant 0 : i32
        %while3A_828 = arith.constant 0 : i32
        %while3A_829 = arith.subi %select_n3A_826, %while3A_828 : i32
        %while3A_830 = arith.addi %while3A_828, %while3A_829 : i32
        %while3A_831 = arith.constant 1 : i32
        %while3A_832 = arith.divsi %while3A_829, %while3A_831 : i32
        %while3A_833 = arith.muli %while3A_832, %while3A_831 : i32
        %while3A_834 = arith.addi %while3A_828, %while3A_833 : i32
        %while3A_835 = arith.constant 1 : i32
        scf.for %while3A_861 = %while3A_828 to %while3A_834 step %while3A_835  : i32 {
          %dma_wait3A = arith.constant 0 : i32
          %dma_wait3A_862 = arith.constant 0 : i32
          %dma_wait3A_863 = tpu.memref_slice %arg18[%dma_wait3A, %dma_wait3A_862] : memref<128x128xf32, #tpu.memory_space<vmem>> -> memref<16x128xf32, #tpu.memory_space<vmem>>
          %dma_wait3A_864 = arith.constant 0 : i32
          %dma_wait3A_865 = arith.constant 0 : i32
          %dma_wait3A_866 = tpu.memref_slice %arg5[%dma_wait3A_864, %dma_wait3A_865] : memref<16392x128xf32, #tpu.memory_space<hbm>> -> memref<16x128xf32, #tpu.memory_space<hbm>>
          %dma_wait3A_867 = arith.constant 0 : i32
          %dma_wait3A_868 = arith.constant 0 : i32
          %dma_wait3A_869 = tpu.memref_slice %arg18[%dma_wait3A_867, %dma_wait3A_868] : memref<128x128xf32, #tpu.memory_space<vmem>> -> memref<16x128xf32, #tpu.memory_space<vmem>>
          %dma_wait3A_870 = arith.constant 0 : i32
          %dma_wait3A_871 = arith.constant 0 : i32
          %dma_wait3A_872 = tpu.memref_slice %arg5[%dma_wait3A_870, %dma_wait3A_871] : memref<16392x128xf32, #tpu.memory_space<hbm>> -> memref<16x128xf32, #tpu.memory_space<hbm>>
          tpu.wait_dma2 semaphore(%arg21 : memref<!tpu.dma_semaphore, #tpu.memory_space<semaphore_mem>>) src(%dma_wait3A_872 : memref<16x128xf32, #tpu.memory_space<hbm>>) dst(%dma_wait3A_869 : memref<16x128xf32, #tpu.memory_space<vmem>>)
        }
        %while3A_836 = arith.constant 1 : i32
        scf.for %while3A_861 = %while3A_834 to %while3A_830 step %while3A_836  : i32 {
          %dma_wait3A = arith.constant 0 : i32
          %dma_wait3A_862 = arith.constant 0 : i32
          %dma_wait3A_863 = tpu.memref_slice %arg18[%dma_wait3A, %dma_wait3A_862] : memref<128x128xf32, #tpu.memory_space<vmem>> -> memref<16x128xf32, #tpu.memory_space<vmem>>
          %dma_wait3A_864 = arith.constant 0 : i32
          %dma_wait3A_865 = arith.constant 0 : i32
          %dma_wait3A_866 = tpu.memref_slice %arg5[%dma_wait3A_864, %dma_wait3A_865] : memref<16392x128xf32, #tpu.memory_space<hbm>> -> memref<16x128xf32, #tpu.memory_space<hbm>>
          %dma_wait3A_867 = arith.constant 0 : i32
          %dma_wait3A_868 = arith.constant 0 : i32
          %dma_wait3A_869 = tpu.memref_slice %arg18[%dma_wait3A_867, %dma_wait3A_868] : memref<128x128xf32, #tpu.memory_space<vmem>> -> memref<16x128xf32, #tpu.memory_space<vmem>>
          %dma_wait3A_870 = arith.constant 0 : i32
          %dma_wait3A_871 = arith.constant 0 : i32
          %dma_wait3A_872 = tpu.memref_slice %arg5[%dma_wait3A_870, %dma_wait3A_871] : memref<16392x128xf32, #tpu.memory_space<hbm>> -> memref<16x128xf32, #tpu.memory_space<hbm>>
          tpu.wait_dma2 semaphore(%arg21 : memref<!tpu.dma_semaphore, #tpu.memory_space<semaphore_mem>>) src(%dma_wait3A_872 : memref<16x128xf32, #tpu.memory_space<hbm>>) dst(%dma_wait3A_869 : memref<16x128xf32, #tpu.memory_space<vmem>>)
        }
        %and3A_837 = arith.constant 7 : i32
        %and3A_838 = arith.andi %while3A_796, %and3A_837 : i32
        %mul3A_839 = arith.constant 16 : i32
        %mul3A_840 = arith.muli %and3A_838, %mul3A_839 : i32
        %swap3A_841 = arith.constant 0 : index
        %swap3A_842 = tpu.vector_load %arg20[%swap3A_841] {strides = array<i32>} : memref<16xi32, #tpu.memory_space<vmem>>, vector<16xi32>,
        tpu.vector_store %arg20[%swap3A_841], %min3A_820 {strides = array<i32>} : memref<16xi32, #tpu.memory_space<vmem>>, vector<16xi32>,
        %swap3A_843 = arith.index_cast %and3A_838 : i32 to index
        %swap3A_844 = arith.constant 0 : index
        %swap3A_845 = tpu.vector_load %arg19[%swap3A_843, %swap3A_844] {strides = array<i32>} : memref<8x16xi32, #tpu.memory_space<vmem>>, vector<16xi32>,
        tpu.vector_store %arg19[%swap3A_843, %swap3A_844], %select_n3A_822 {strides = array<i32>} : memref<8x16xi32, #tpu.memory_space<vmem>>, vector<16xi32>,
        %scan3A_846 = arith.constant 0 : i32
        %scan3A_847 = arith.constant 0 : i32
        %scan3A_848 = arith.constant 16 : i32
        %scan3A_849 = arith.addi %scan3A_847, %scan3A_848 : i32
        %scan3A_850 = arith.constant 1 : i32
        scf.for %scan3A_861 = %scan3A_847 to %scan3A_849 step %scan3A_850  : i32 {
          %broadcast_in_dim3A_862 = vector.broadcast %scan3A_861 : i32 to vector<16xi32>
          %gather3A = tpu.vector_load_idx %arg20[%broadcast_in_dim3A_862] : memref<16xi32, #tpu.memory_space<vmem>>[vector<16xi32>], vector<16xi32>,
          %add3A_863 = arith.constant 0 : i32
          %add3A_864 = vector.broadcast %add3A_863 : i32 to vector<16xi32>
          %add3A_865 = arith.addi %iota3A, %add3A_864 : vector<16xi32>
          %gather3A_866 = tpu.vector_load_idx %arg17[%add3A_865, %gather3A] : memref<64x576xf32, #tpu.memory_space<vmem>>[vector<16xi32>, vector<16xi32>], vector<16xf32>,
          %add3A_867 = arith.addi %mul3A_840, %scan3A_861 : i32
          %swap3A_868 = arith.index_cast %add3A_867 : i32 to index
          %swap3A_869 = arith.constant 0 : index
          %swap3A_870 = tpu.vector_load %arg18[%swap3A_868, %swap3A_869] {strides = array<i32>} : memref<128x128xf32, #tpu.memory_space<vmem>>, vector<16xf32>,
          tpu.vector_store %arg18[%swap3A_868, %swap3A_869], %gather3A_866 {strides = array<i32>} : memref<128x128xf32, #tpu.memory_space<vmem>>, vector<16xf32>,
          %add3A_871 = arith.constant 16 : i32
          %add3A_872 = vector.broadcast %add3A_871 : i32 to vector<16xi32>
          %add3A_873 = arith.addi %iota3A, %add3A_872 : vector<16xi32>
          %gather3A_874 = tpu.vector_load_idx %arg17[%add3A_873, %gather3A] : memref<64x576xf32, #tpu.memory_space<vmem>>[vector<16xi32>, vector<16xi32>], vector<16xf32>,
          %add3A_875 = arith.addi %mul3A_840, %scan3A_861 : i32
          %swap3A_876 = arith.index_cast %add3A_875 : i32 to index
          %swap3A_877 = arith.constant 16 : index
          %swap3A_878 = tpu.vector_load %arg18[%swap3A_876, %swap3A_877] {strides = array<i32>} : memref<128x128xf32, #tpu.memory_space<vmem>>, vector<16xf32>,
          tpu.vector_store %arg18[%swap3A_876, %swap3A_877], %gather3A_874 {strides = array<i32>} : memref<128x128xf32, #tpu.memory_space<vmem>>, vector<16xf32>,
          %add3A_879 = arith.constant 32 : i32
          %add3A_880 = vector.broadcast %add3A_879 : i32 to vector<16xi32>
          %add3A_881 = arith.addi %iota3A, %add3A_880 : vector<16xi32>
          %gather3A_882 = tpu.vector_load_idx %arg17[%add3A_881, %gather3A] : memref<64x576xf32, #tpu.memory_space<vmem>>[vector<16xi32>, vector<16xi32>], vector<16xf32>,
          %add3A_883 = arith.addi %mul3A_840, %scan3A_861 : i32
          %swap3A_884 = arith.index_cast %add3A_883 : i32 to index
          %swap3A_885 = arith.constant 32 : index
          %swap3A_886 = tpu.vector_load %arg18[%swap3A_884, %swap3A_885] {strides = array<i32>} : memref<128x128xf32, #tpu.memory_space<vmem>>, vector<16xf32>,
          tpu.vector_store %arg18[%swap3A_884, %swap3A_885], %gather3A_882 {strides = array<i32>} : memref<128x128xf32, #tpu.memory_space<vmem>>, vector<16xf32>,
          %add3A_887 = arith.constant 48 : i32
          %add3A_888 = vector.broadcast %add3A_887 : i32 to vector<16xi32>
          %add3A_889 = arith.addi %iota3A, %add3A_888 : vector<16xi32>
          %gather3A_890 = tpu.vector_load_idx %arg17[%add3A_889, %gather3A] : memref<64x576xf32, #tpu.memory_space<vmem>>[vector<16xi32>, vector<16xi32>], vector<16xf32>,
          %add3A_891 = arith.addi %mul3A_840, %scan3A_861 : i32
          %swap3A_892 = arith.index_cast %add3A_891 : i32 to index
          %swap3A_893 = arith.constant 48 : index
          %swap3A_894 = tpu.vector_load %arg18[%swap3A_892, %swap3A_893] {strides = array<i32>} : memref<128x128xf32, #tpu.memory_space<vmem>>, vector<16xf32>,
          tpu.vector_store %arg18[%swap3A_892, %swap3A_893], %gather3A_890 {strides = array<i32>} : memref<128x128xf32, #tpu.memory_space<vmem>>, vector<16xf32>,
        }
        %scan3A_851 = arith.constant 16 : i32
        %dma_start3A = arith.constant 0 : i32
        %dma_start3A_852 = tpu.memref_slice %arg18[%mul3A_840, %dma_start3A] : memref<128x128xf32, #tpu.memory_space<vmem>> -> memref<16x128xf32, #tpu.memory_space<vmem>>
        %dma_start3A_853 = arith.constant 0 : i32
        %dma_start3A_854 = tpu.memref_slice %arg19[%and3A_838, %dma_start3A_853] : memref<8x16xi32, #tpu.memory_space<vmem>> -> memref<1x16xi32, #tpu.memory_space<vmem>>
        %dma_start3A_855 = tpu.memref_squeeze %dma_start3A_854 : memref<1x16xi32, #tpu.memory_space<vmem>> -> memref<16xi32, #tpu.memory_space<vmem>>
        %dma_start3A_856 = arith.constant 0 : i32
        %dma_start3A_857 = arith.constant 0 : i32
        %dma_start3A_858 = tpu.memref_slice %arg6[%dma_start3A_856, %dma_start3A_857] : memref<16392x128xf32, #tpu.memory_space<hbm>> -> memref<16392x128xf32, #tpu.memory_space<hbm>>
        tpu.enqueue_indirect_dma source(%dma_start3A_852 : memref<16x128xf32, #tpu.memory_space<vmem>>) target(%dma_start3A_858 : memref<16392x128xf32, #tpu.memory_space<hbm>>) offsets(%dma_start3A_855 : memref<16xi32, #tpu.memory_space<vmem>>) semaphore(%arg21 : memref<!tpu.dma_semaphore, #tpu.memory_space<semaphore_mem>>)
        %add3A_859 = arith.constant 1 : i32
        %add3A_860 = arith.addi %while3A_796, %add3A_859 : i32
        scf.yield %add3A_860 : i32
      }
      %get3A_695 = arith.constant 62 : i32
      %get3A_696 = arith.index_cast %get3A_695 : i32 to index
      %get3A_697 = memref.load %arg15[%get3A_696] : memref<64xi32, #tpu.memory_space<smem>>
      %min3A_698 = arith.constant 64 : i32
      %min3A_699 = arith.minsi %get3A_697, %min3A_698 : i32
      %add3A_700 = arith.constant 16 : i32
      %add3A_701 = arith.addi %min3A_699, %add3A_700 : i32
      %sub3A_702 = arith.constant 1 : i32
      %sub3A_703 = arith.subi %add3A_701, %sub3A_702 : i32
      %jit3A_704 = arith.constant 16 : i32
      %div3A_705 = arith.divsi %sub3A_703, %jit3A_704 : i32
      %sign3A_706 = arith.constant 0 : i32
      %sign3A_707 = arith.cmpi sgt, %sub3A_703, %sign3A_706 : i32
      %sign3A_708 = arith.extui %sign3A_707 : i1 to i32
      %sign3A_709 = arith.constant 0 : i32
      %sign3A_710 = arith.cmpi slt, %sub3A_703, %sign3A_709 : i32
      %sign3A_711 = arith.extui %sign3A_710 : i1 to i32
      %sign3A_712 = arith.subi %sign3A_708, %sign3A_711 : i32
      %sign3A_713 = arith.constant 0 : i32
      %sign3A_714 = arith.cmpi sgt, %jit3A_704, %sign3A_713 : i32
      %sign3A_715 = arith.extui %sign3A_714 : i1 to i32
      %sign3A_716 = arith.constant 0 : i32
      %sign3A_717 = arith.cmpi slt, %jit3A_704, %sign3A_716 : i32
      %sign3A_718 = arith.extui %sign3A_717 : i1 to i32
      %sign3A_719 = arith.subi %sign3A_715, %sign3A_718 : i32
      %ne3A_720 = arith.cmpi ne, %sign3A_712, %sign3A_719 : i32
      %rem3A_721 = arith.remsi %sub3A_703, %jit3A_704 : i32
      %ne3A_722 = arith.constant 0 : i32
      %ne3A_723 = arith.cmpi ne, %rem3A_721, %ne3A_722 : i32
      %and3A_724 = arith.andi %ne3A_720, %ne3A_723 : i1
      %sub3A_725 = arith.constant 1 : i32
      %sub3A_726 = arith.subi %div3A_705, %sub3A_725 : i32
      %select_n3A_727 = arith.select %and3A_724, %sub3A_726, %div3A_705 : i32
      %while3A_728 = arith.constant 0 : i32
      %while3A_729 = arith.subi %select_n3A_727, %while3A_728 : i32
      %while3A_730 = arith.addi %while3A_728, %while3A_729 : i32
      %while3A_731 = arith.constant 1 : i32
      %while3A_732 = arith.divsi %while3A_729, %while3A_731 : i32
      %while3A_733 = arith.muli %while3A_732, %while3A_731 : i32
      %while3A_734 = arith.addi %while3A_728, %while3A_733 : i32
      %while3A_735 = arith.constant 1 : i32
      %while3A_736 = scf.for %while3A_795 = %while3A_728 to %while3A_734 step %while3A_735 iter_args(%while3A_796 = %while3A_694) -> (i32)  : i32 {
        %mul3A_797 = arith.constant 16 : i32
        %mul3A_798 = arith.muli %while3A_795, %mul3A_797 : i32
        %add3A_799 = arith.constant 3968 : i32
        %add3A_800 = arith.addi %add3A_799, %mul3A_798 : i32
        %get3A_801 = arith.index_cast %add3A_800 : i32 to index
        %get3A_802 = tpu.vector_load %arg13[%get3A_801] {strides = array<i32>} : memref<4112xi32, #tpu.memory_space<vmem>>, vector<16xi32>,
        %shift_right_logical3A = arith.constant 14 : i32
        %shift_right_logical3A_803 = vector.broadcast %shift_right_logical3A : i32 to vector<16xi32>
        %shift_right_logical3A_804 = arith.shrui %get3A_802, %shift_right_logical3A_803 : vector<16xi32>
        %and3A_805 = arith.constant 16383 : i32
        %and3A_806 = vector.broadcast %and3A_805 : i32 to vector<16xi32>
        %and3A_807 = arith.andi %get3A_802, %and3A_806 : vector<16xi32>
        %mul3A_808 = arith.constant 16 : i32
        %mul3A_809 = arith.muli %while3A_795, %mul3A_808 : i32
        %add3A_810 = vector.broadcast %mul3A_809 : i32 to vector<16xi32>
        %add3A_811 = arith.addi %iota3A, %add3A_810 : vector<16xi32>
        %lt3A = vector.broadcast %min3A_699 : i32 to vector<16xi32>
        %lt3A_812 = arith.cmpi slt, %add3A_811, %lt3A : vector<16xi32>
        %sub3A_813 = arith.constant 31232 : i32
        %sub3A_814 = vector.broadcast %sub3A_813 : i32 to vector<16xi32>
        %sub3A_815 = arith.subi %shift_right_logical3A_804, %sub3A_814 : vector<16xi32>
        %jit3A_816 = arith.constant 0 : i32
        %jit3A_817 = arith.constant 575 : i32
        %max3A = vector.broadcast %jit3A_816 : i32 to vector<16xi32>
        %max3A_818 = arith.maxsi %max3A, %sub3A_815 : vector<16xi32>
        %min3A_819 = vector.broadcast %jit3A_817 : i32 to vector<16xi32>
        %min3A_820 = arith.minsi %min3A_819, %max3A_818 : vector<16xi32>
        %jit3A_821 = arith.constant 16384 : i32
        %broadcast_in_dim3A = vector.broadcast %jit3A_821 : i32 to vector<16xi32>
        %select_n3A_822 = arith.select %lt3A_812, %and3A_807, %broadcast_in_dim3A : vector<16xi1>, vector<16xi32>
        %ge3A = arith.constant 8 : i32
        %ge3A_823 = arith.cmpi sge, %while3A_796, %ge3A : i32
        %jit3A_824 = arith.constant 1 : i32
        %jit3A_825 = arith.constant 0 : i32
        %select_n3A_826 = arith.select %ge3A_823, %jit3A_824, %jit3A_825 : i32
        %while3A_827 = arith.constant 0 : i32
        %while3A_828 = arith.constant 0 : i32
        %while3A_829 = arith.subi %select_n3A_826, %while3A_828 : i32
        %while3A_830 = arith.addi %while3A_828, %while3A_829 : i32
        %while3A_831 = arith.constant 1 : i32
        %while3A_832 = arith.divsi %while3A_829, %while3A_831 : i32
        %while3A_833 = arith.muli %while3A_832, %while3A_831 : i32
        %while3A_834 = arith.addi %while3A_828, %while3A_833 : i32
        %while3A_835 = arith.constant 1 : i32
        scf.for %while3A_861 = %while3A_828 to %while3A_834 step %while3A_835  : i32 {
          %dma_wait3A = arith.constant 0 : i32
          %dma_wait3A_862 = arith.constant 0 : i32
          %dma_wait3A_863 = tpu.memref_slice %arg18[%dma_wait3A, %dma_wait3A_862] : memref<128x128xf32, #tpu.memory_space<vmem>> -> memref<16x128xf32, #tpu.memory_space<vmem>>
          %dma_wait3A_864 = arith.constant 0 : i32
          %dma_wait3A_865 = arith.constant 0 : i32
          %dma_wait3A_866 = tpu.memref_slice %arg5[%dma_wait3A_864, %dma_wait3A_865] : memref<16392x128xf32, #tpu.memory_space<hbm>> -> memref<16x128xf32, #tpu.memory_space<hbm>>
          %dma_wait3A_867 = arith.constant 0 : i32
          %dma_wait3A_868 = arith.constant 0 : i32
          %dma_wait3A_869 = tpu.memref_slice %arg18[%dma_wait3A_867, %dma_wait3A_868] : memref<128x128xf32, #tpu.memory_space<vmem>> -> memref<16x128xf32, #tpu.memory_space<vmem>>
          %dma_wait3A_870 = arith.constant 0 : i32
          %dma_wait3A_871 = arith.constant 0 : i32
          %dma_wait3A_872 = tpu.memref_slice %arg5[%dma_wait3A_870, %dma_wait3A_871] : memref<16392x128xf32, #tpu.memory_space<hbm>> -> memref<16x128xf32, #tpu.memory_space<hbm>>
          tpu.wait_dma2 semaphore(%arg21 : memref<!tpu.dma_semaphore, #tpu.memory_space<semaphore_mem>>) src(%dma_wait3A_872 : memref<16x128xf32, #tpu.memory_space<hbm>>) dst(%dma_wait3A_869 : memref<16x128xf32, #tpu.memory_space<vmem>>)
        }
        %while3A_836 = arith.constant 1 : i32
        scf.for %while3A_861 = %while3A_834 to %while3A_830 step %while3A_836  : i32 {
          %dma_wait3A = arith.constant 0 : i32
          %dma_wait3A_862 = arith.constant 0 : i32
          %dma_wait3A_863 = tpu.memref_slice %arg18[%dma_wait3A, %dma_wait3A_862] : memref<128x128xf32, #tpu.memory_space<vmem>> -> memref<16x128xf32, #tpu.memory_space<vmem>>
          %dma_wait3A_864 = arith.constant 0 : i32
          %dma_wait3A_865 = arith.constant 0 : i32
          %dma_wait3A_866 = tpu.memref_slice %arg5[%dma_wait3A_864, %dma_wait3A_865] : memref<16392x128xf32, #tpu.memory_space<hbm>> -> memref<16x128xf32, #tpu.memory_space<hbm>>
          %dma_wait3A_867 = arith.constant 0 : i32
          %dma_wait3A_868 = arith.constant 0 : i32
          %dma_wait3A_869 = tpu.memref_slice %arg18[%dma_wait3A_867, %dma_wait3A_868] : memref<128x128xf32, #tpu.memory_space<vmem>> -> memref<16x128xf32, #tpu.memory_space<vmem>>
          %dma_wait3A_870 = arith.constant 0 : i32
          %dma_wait3A_871 = arith.constant 0 : i32
          %dma_wait3A_872 = tpu.memref_slice %arg5[%dma_wait3A_870, %dma_wait3A_871] : memref<16392x128xf32, #tpu.memory_space<hbm>> -> memref<16x128xf32, #tpu.memory_space<hbm>>
          tpu.wait_dma2 semaphore(%arg21 : memref<!tpu.dma_semaphore, #tpu.memory_space<semaphore_mem>>) src(%dma_wait3A_872 : memref<16x128xf32, #tpu.memory_space<hbm>>) dst(%dma_wait3A_869 : memref<16x128xf32, #tpu.memory_space<vmem>>)
        }
        %and3A_837 = arith.constant 7 : i32
        %and3A_838 = arith.andi %while3A_796, %and3A_837 : i32
        %mul3A_839 = arith.constant 16 : i32
        %mul3A_840 = arith.muli %and3A_838, %mul3A_839 : i32
        %swap3A_841 = arith.constant 0 : index
        %swap3A_842 = tpu.vector_load %arg20[%swap3A_841] {strides = array<i32>} : memref<16xi32, #tpu.memory_space<vmem>>, vector<16xi32>,
        tpu.vector_store %arg20[%swap3A_841], %min3A_820 {strides = array<i32>} : memref<16xi32, #tpu.memory_space<vmem>>, vector<16xi32>,
        %swap3A_843 = arith.index_cast %and3A_838 : i32 to index
        %swap3A_844 = arith.constant 0 : index
        %swap3A_845 = tpu.vector_load %arg19[%swap3A_843, %swap3A_844] {strides = array<i32>} : memref<8x16xi32, #tpu.memory_space<vmem>>, vector<16xi32>,
        tpu.vector_store %arg19[%swap3A_843, %swap3A_844], %select_n3A_822 {strides = array<i32>} : memref<8x16xi32, #tpu.memory_space<vmem>>, vector<16xi32>,
        %scan3A_846 = arith.constant 0 : i32
        %scan3A_847 = arith.constant 0 : i32
        %scan3A_848 = arith.constant 16 : i32
        %scan3A_849 = arith.addi %scan3A_847, %scan3A_848 : i32
        %scan3A_850 = arith.constant 1 : i32
        scf.for %scan3A_861 = %scan3A_847 to %scan3A_849 step %scan3A_850  : i32 {
          %broadcast_in_dim3A_862 = vector.broadcast %scan3A_861 : i32 to vector<16xi32>
          %gather3A = tpu.vector_load_idx %arg20[%broadcast_in_dim3A_862] : memref<16xi32, #tpu.memory_space<vmem>>[vector<16xi32>], vector<16xi32>,
          %add3A_863 = arith.constant 0 : i32
          %add3A_864 = vector.broadcast %add3A_863 : i32 to vector<16xi32>
          %add3A_865 = arith.addi %iota3A, %add3A_864 : vector<16xi32>
          %gather3A_866 = tpu.vector_load_idx %arg17[%add3A_865, %gather3A] : memref<64x576xf32, #tpu.memory_space<vmem>>[vector<16xi32>, vector<16xi32>], vector<16xf32>,
          %add3A_867 = arith.addi %mul3A_840, %scan3A_861 : i32
          %swap3A_868 = arith.index_cast %add3A_867 : i32 to index
          %swap3A_869 = arith.constant 0 : index
          %swap3A_870 = tpu.vector_load %arg18[%swap3A_868, %swap3A_869] {strides = array<i32>} : memref<128x128xf32, #tpu.memory_space<vmem>>, vector<16xf32>,
          tpu.vector_store %arg18[%swap3A_868, %swap3A_869], %gather3A_866 {strides = array<i32>} : memref<128x128xf32, #tpu.memory_space<vmem>>, vector<16xf32>,
          %add3A_871 = arith.constant 16 : i32
          %add3A_872 = vector.broadcast %add3A_871 : i32 to vector<16xi32>
          %add3A_873 = arith.addi %iota3A, %add3A_872 : vector<16xi32>
          %gather3A_874 = tpu.vector_load_idx %arg17[%add3A_873, %gather3A] : memref<64x576xf32, #tpu.memory_space<vmem>>[vector<16xi32>, vector<16xi32>], vector<16xf32>,
          %add3A_875 = arith.addi %mul3A_840, %scan3A_861 : i32
          %swap3A_876 = arith.index_cast %add3A_875 : i32 to index
          %swap3A_877 = arith.constant 16 : index
          %swap3A_878 = tpu.vector_load %arg18[%swap3A_876, %swap3A_877] {strides = array<i32>} : memref<128x128xf32, #tpu.memory_space<vmem>>, vector<16xf32>,
          tpu.vector_store %arg18[%swap3A_876, %swap3A_877], %gather3A_874 {strides = array<i32>} : memref<128x128xf32, #tpu.memory_space<vmem>>, vector<16xf32>,
          %add3A_879 = arith.constant 32 : i32
          %add3A_880 = vector.broadcast %add3A_879 : i32 to vector<16xi32>
          %add3A_881 = arith.addi %iota3A, %add3A_880 : vector<16xi32>
          %gather3A_882 = tpu.vector_load_idx %arg17[%add3A_881, %gather3A] : memref<64x576xf32, #tpu.memory_space<vmem>>[vector<16xi32>, vector<16xi32>], vector<16xf32>,
          %add3A_883 = arith.addi %mul3A_840, %scan3A_861 : i32
          %swap3A_884 = arith.index_cast %add3A_883 : i32 to index
          %swap3A_885 = arith.constant 32 : index
          %swap3A_886 = tpu.vector_load %arg18[%swap3A_884, %swap3A_885] {strides = array<i32>} : memref<128x128xf32, #tpu.memory_space<vmem>>, vector<16xf32>,
          tpu.vector_store %arg18[%swap3A_884, %swap3A_885], %gather3A_882 {strides = array<i32>} : memref<128x128xf32, #tpu.memory_space<vmem>>, vector<16xf32>,
          %add3A_887 = arith.constant 48 : i32
          %add3A_888 = vector.broadcast %add3A_887 : i32 to vector<16xi32>
          %add3A_889 = arith.addi %iota3A, %add3A_888 : vector<16xi32>
          %gather3A_890 = tpu.vector_load_idx %arg17[%add3A_889, %gather3A] : memref<64x576xf32, #tpu.memory_space<vmem>>[vector<16xi32>, vector<16xi32>], vector<16xf32>,
          %add3A_891 = arith.addi %mul3A_840, %scan3A_861 : i32
          %swap3A_892 = arith.index_cast %add3A_891 : i32 to index
          %swap3A_893 = arith.constant 48 : index
          %swap3A_894 = tpu.vector_load %arg18[%swap3A_892, %swap3A_893] {strides = array<i32>} : memref<128x128xf32, #tpu.memory_space<vmem>>, vector<16xf32>,
          tpu.vector_store %arg18[%swap3A_892, %swap3A_893], %gather3A_890 {strides = array<i32>} : memref<128x128xf32, #tpu.memory_space<vmem>>, vector<16xf32>,
        }
        %scan3A_851 = arith.constant 16 : i32
        %dma_start3A = arith.constant 0 : i32
        %dma_start3A_852 = tpu.memref_slice %arg18[%mul3A_840, %dma_start3A] : memref<128x128xf32, #tpu.memory_space<vmem>> -> memref<16x128xf32, #tpu.memory_space<vmem>>
        %dma_start3A_853 = arith.constant 0 : i32
        %dma_start3A_854 = tpu.memref_slice %arg19[%and3A_838, %dma_start3A_853] : memref<8x16xi32, #tpu.memory_space<vmem>> -> memref<1x16xi32, #tpu.memory_space<vmem>>
        %dma_start3A_855 = tpu.memref_squeeze %dma_start3A_854 : memref<1x16xi32, #tpu.memory_space<vmem>> -> memref<16xi32, #tpu.memory_space<vmem>>
        %dma_start3A_856 = arith.constant 0 : i32
        %dma_start3A_857 = arith.constant 0 : i32
        %dma_start3A_858 = tpu.memref_slice %arg5[%dma_start3A_856, %dma_start3A_857] : memref<16392x128xf32, #tpu.memory_space<hbm>> -> memref<16392x128xf32, #tpu.memory_space<hbm>>
        tpu.enqueue_indirect_dma source(%dma_start3A_852 : memref<16x128xf32, #tpu.memory_space<vmem>>) target(%dma_start3A_858 : memref<16392x128xf32, #tpu.memory_space<hbm>>) offsets(%dma_start3A_855 : memref<16xi32, #tpu.memory_space<vmem>>) semaphore(%arg21 : memref<!tpu.dma_semaphore, #tpu.memory_space<semaphore_mem>>)
        %add3A_859 = arith.constant 1 : i32
        %add3A_860 = arith.addi %while3A_796, %add3A_859 : i32
        scf.yield %add3A_860 : i32
      }
      %while3A_737 = arith.constant 1 : i32
      %while3A_738 = scf.for %while3A_795 = %while3A_734 to %while3A_730 step %while3A_737 iter_args(%while3A_796 = %while3A_736) -> (i32)  : i32 {
        %mul3A_797 = arith.constant 16 : i32
        %mul3A_798 = arith.muli %while3A_795, %mul3A_797 : i32
        %add3A_799 = arith.constant 3968 : i32
        %add3A_800 = arith.addi %add3A_799, %mul3A_798 : i32
        %get3A_801 = arith.index_cast %add3A_800 : i32 to index
        %get3A_802 = tpu.vector_load %arg13[%get3A_801] {strides = array<i32>} : memref<4112xi32, #tpu.memory_space<vmem>>, vector<16xi32>,
        %shift_right_logical3A = arith.constant 14 : i32
        %shift_right_logical3A_803 = vector.broadcast %shift_right_logical3A : i32 to vector<16xi32>
        %shift_right_logical3A_804 = arith.shrui %get3A_802, %shift_right_logical3A_803 : vector<16xi32>
        %and3A_805 = arith.constant 16383 : i32
        %and3A_806 = vector.broadcast %and3A_805 : i32 to vector<16xi32>
        %and3A_807 = arith.andi %get3A_802, %and3A_806 : vector<16xi32>
        %mul3A_808 = arith.constant 16 : i32
        %mul3A_809 = arith.muli %while3A_795, %mul3A_808 : i32
        %add3A_810 = vector.broadcast %mul3A_809 : i32 to vector<16xi32>
        %add3A_811 = arith.addi %iota3A, %add3A_810 : vector<16xi32>
        %lt3A = vector.broadcast %min3A_699 : i32 to vector<16xi32>
        %lt3A_812 = arith.cmpi slt, %add3A_811, %lt3A : vector<16xi32>
        %sub3A_813 = arith.constant 31232 : i32
        %sub3A_814 = vector.broadcast %sub3A_813 : i32 to vector<16xi32>
        %sub3A_815 = arith.subi %shift_right_logical3A_804, %sub3A_814 : vector<16xi32>
        %jit3A_816 = arith.constant 0 : i32
        %jit3A_817 = arith.constant 575 : i32
        %max3A = vector.broadcast %jit3A_816 : i32 to vector<16xi32>
        %max3A_818 = arith.maxsi %max3A, %sub3A_815 : vector<16xi32>
        %min3A_819 = vector.broadcast %jit3A_817 : i32 to vector<16xi32>
        %min3A_820 = arith.minsi %min3A_819, %max3A_818 : vector<16xi32>
        %jit3A_821 = arith.constant 16384 : i32
        %broadcast_in_dim3A = vector.broadcast %jit3A_821 : i32 to vector<16xi32>
        %select_n3A_822 = arith.select %lt3A_812, %and3A_807, %broadcast_in_dim3A : vector<16xi1>, vector<16xi32>
        %ge3A = arith.constant 8 : i32
        %ge3A_823 = arith.cmpi sge, %while3A_796, %ge3A : i32
        %jit3A_824 = arith.constant 1 : i32
        %jit3A_825 = arith.constant 0 : i32
        %select_n3A_826 = arith.select %ge3A_823, %jit3A_824, %jit3A_825 : i32
        %while3A_827 = arith.constant 0 : i32
        %while3A_828 = arith.constant 0 : i32
        %while3A_829 = arith.subi %select_n3A_826, %while3A_828 : i32
        %while3A_830 = arith.addi %while3A_828, %while3A_829 : i32
        %while3A_831 = arith.constant 1 : i32
        %while3A_832 = arith.divsi %while3A_829, %while3A_831 : i32
        %while3A_833 = arith.muli %while3A_832, %while3A_831 : i32
        %while3A_834 = arith.addi %while3A_828, %while3A_833 : i32
        %while3A_835 = arith.constant 1 : i32
        scf.for %while3A_861 = %while3A_828 to %while3A_834 step %while3A_835  : i32 {
          %dma_wait3A = arith.constant 0 : i32
          %dma_wait3A_862 = arith.constant 0 : i32
          %dma_wait3A_863 = tpu.memref_slice %arg18[%dma_wait3A, %dma_wait3A_862] : memref<128x128xf32, #tpu.memory_space<vmem>> -> memref<16x128xf32, #tpu.memory_space<vmem>>
          %dma_wait3A_864 = arith.constant 0 : i32
          %dma_wait3A_865 = arith.constant 0 : i32
          %dma_wait3A_866 = tpu.memref_slice %arg5[%dma_wait3A_864, %dma_wait3A_865] : memref<16392x128xf32, #tpu.memory_space<hbm>> -> memref<16x128xf32, #tpu.memory_space<hbm>>
          %dma_wait3A_867 = arith.constant 0 : i32
          %dma_wait3A_868 = arith.constant 0 : i32
          %dma_wait3A_869 = tpu.memref_slice %arg18[%dma_wait3A_867, %dma_wait3A_868] : memref<128x128xf32, #tpu.memory_space<vmem>> -> memref<16x128xf32, #tpu.memory_space<vmem>>
          %dma_wait3A_870 = arith.constant 0 : i32
          %dma_wait3A_871 = arith.constant 0 : i32
          %dma_wait3A_872 = tpu.memref_slice %arg5[%dma_wait3A_870, %dma_wait3A_871] : memref<16392x128xf32, #tpu.memory_space<hbm>> -> memref<16x128xf32, #tpu.memory_space<hbm>>
          tpu.wait_dma2 semaphore(%arg21 : memref<!tpu.dma_semaphore, #tpu.memory_space<semaphore_mem>>) src(%dma_wait3A_872 : memref<16x128xf32, #tpu.memory_space<hbm>>) dst(%dma_wait3A_869 : memref<16x128xf32, #tpu.memory_space<vmem>>)
        }
        %while3A_836 = arith.constant 1 : i32
        scf.for %while3A_861 = %while3A_834 to %while3A_830 step %while3A_836  : i32 {
          %dma_wait3A = arith.constant 0 : i32
          %dma_wait3A_862 = arith.constant 0 : i32
          %dma_wait3A_863 = tpu.memref_slice %arg18[%dma_wait3A, %dma_wait3A_862] : memref<128x128xf32, #tpu.memory_space<vmem>> -> memref<16x128xf32, #tpu.memory_space<vmem>>
          %dma_wait3A_864 = arith.constant 0 : i32
          %dma_wait3A_865 = arith.constant 0 : i32
          %dma_wait3A_866 = tpu.memref_slice %arg5[%dma_wait3A_864, %dma_wait3A_865] : memref<16392x128xf32, #tpu.memory_space<hbm>> -> memref<16x128xf32, #tpu.memory_space<hbm>>
          %dma_wait3A_867 = arith.constant 0 : i32
          %dma_wait3A_868 = arith.constant 0 : i32
          %dma_wait3A_869 = tpu.memref_slice %arg18[%dma_wait3A_867, %dma_wait3A_868] : memref<128x128xf32, #tpu.memory_space<vmem>> -> memref<16x128xf32, #tpu.memory_space<vmem>>
          %dma_wait3A_870 = arith.constant 0 : i32
          %dma_wait3A_871 = arith.constant 0 : i32
          %dma_wait3A_872 = tpu.memref_slice %arg5[%dma_wait3A_870, %dma_wait3A_871] : memref<16392x128xf32, #tpu.memory_space<hbm>> -> memref<16x128xf32, #tpu.memory_space<hbm>>
          tpu.wait_dma2 semaphore(%arg21 : memref<!tpu.dma_semaphore, #tpu.memory_space<semaphore_mem>>) src(%dma_wait3A_872 : memref<16x128xf32, #tpu.memory_space<hbm>>) dst(%dma_wait3A_869 : memref<16x128xf32, #tpu.memory_space<vmem>>)
        }
        %and3A_837 = arith.constant 7 : i32
        %and3A_838 = arith.andi %while3A_796, %and3A_837 : i32
        %mul3A_839 = arith.constant 16 : i32
        %mul3A_840 = arith.muli %and3A_838, %mul3A_839 : i32
        %swap3A_841 = arith.constant 0 : index
        %swap3A_842 = tpu.vector_load %arg20[%swap3A_841] {strides = array<i32>} : memref<16xi32, #tpu.memory_space<vmem>>, vector<16xi32>,
        tpu.vector_store %arg20[%swap3A_841], %min3A_820 {strides = array<i32>} : memref<16xi32, #tpu.memory_space<vmem>>, vector<16xi32>,
        %swap3A_843 = arith.index_cast %and3A_838 : i32 to index
        %swap3A_844 = arith.constant 0 : index
        %swap3A_845 = tpu.vector_load %arg19[%swap3A_843, %swap3A_844] {strides = array<i32>} : memref<8x16xi32, #tpu.memory_space<vmem>>, vector<16xi32>,
        tpu.vector_store %arg19[%swap3A_843, %swap3A_844], %select_n3A_822 {strides = array<i32>} : memref<8x16xi32, #tpu.memory_space<vmem>>, vector<16xi32>,
        %scan3A_846 = arith.constant 0 : i32
        %scan3A_847 = arith.constant 0 : i32
        %scan3A_848 = arith.constant 16 : i32
        %scan3A_849 = arith.addi %scan3A_847, %scan3A_848 : i32
        %scan3A_850 = arith.constant 1 : i32
        scf.for %scan3A_861 = %scan3A_847 to %scan3A_849 step %scan3A_850  : i32 {
          %broadcast_in_dim3A_862 = vector.broadcast %scan3A_861 : i32 to vector<16xi32>
          %gather3A = tpu.vector_load_idx %arg20[%broadcast_in_dim3A_862] : memref<16xi32, #tpu.memory_space<vmem>>[vector<16xi32>], vector<16xi32>,
          %add3A_863 = arith.constant 0 : i32
          %add3A_864 = vector.broadcast %add3A_863 : i32 to vector<16xi32>
          %add3A_865 = arith.addi %iota3A, %add3A_864 : vector<16xi32>
          %gather3A_866 = tpu.vector_load_idx %arg17[%add3A_865, %gather3A] : memref<64x576xf32, #tpu.memory_space<vmem>>[vector<16xi32>, vector<16xi32>], vector<16xf32>,
          %add3A_867 = arith.addi %mul3A_840, %scan3A_861 : i32
          %swap3A_868 = arith.index_cast %add3A_867 : i32 to index
          %swap3A_869 = arith.constant 0 : index
          %swap3A_870 = tpu.vector_load %arg18[%swap3A_868, %swap3A_869] {strides = array<i32>} : memref<128x128xf32, #tpu.memory_space<vmem>>, vector<16xf32>,
          tpu.vector_store %arg18[%swap3A_868, %swap3A_869], %gather3A_866 {strides = array<i32>} : memref<128x128xf32, #tpu.memory_space<vmem>>, vector<16xf32>,
          %add3A_871 = arith.constant 16 : i32
          %add3A_872 = vector.broadcast %add3A_871 : i32 to vector<16xi32>
          %add3A_873 = arith.addi %iota3A, %add3A_872 : vector<16xi32>
          %gather3A_874 = tpu.vector_load_idx %arg17[%add3A_873, %gather3A] : memref<64x576xf32, #tpu.memory_space<vmem>>[vector<16xi32>, vector<16xi32>], vector<16xf32>,
          %add3A_875 = arith.addi %mul3A_840, %scan3A_861 : i32
          %swap3A_876 = arith.index_cast %add3A_875 : i32 to index
          %swap3A_877 = arith.constant 16 : index
          %swap3A_878 = tpu.vector_load %arg18[%swap3A_876, %swap3A_877] {strides = array<i32>} : memref<128x128xf32, #tpu.memory_space<vmem>>, vector<16xf32>,
          tpu.vector_store %arg18[%swap3A_876, %swap3A_877], %gather3A_874 {strides = array<i32>} : memref<128x128xf32, #tpu.memory_space<vmem>>, vector<16xf32>,
          %add3A_879 = arith.constant 32 : i32
          %add3A_880 = vector.broadcast %add3A_879 : i32 to vector<16xi32>
          %add3A_881 = arith.addi %iota3A, %add3A_880 : vector<16xi32>
          %gather3A_882 = tpu.vector_load_idx %arg17[%add3A_881, %gather3A] : memref<64x576xf32, #tpu.memory_space<vmem>>[vector<16xi32>, vector<16xi32>], vector<16xf32>,
          %add3A_883 = arith.addi %mul3A_840, %scan3A_861 : i32
          %swap3A_884 = arith.index_cast %add3A_883 : i32 to index
          %swap3A_885 = arith.constant 32 : index
          %swap3A_886 = tpu.vector_load %arg18[%swap3A_884, %swap3A_885] {strides = array<i32>} : memref<128x128xf32, #tpu.memory_space<vmem>>, vector<16xf32>,
          tpu.vector_store %arg18[%swap3A_884, %swap3A_885], %gather3A_882 {strides = array<i32>} : memref<128x128xf32, #tpu.memory_space<vmem>>, vector<16xf32>,
          %add3A_887 = arith.constant 48 : i32
          %add3A_888 = vector.broadcast %add3A_887 : i32 to vector<16xi32>
          %add3A_889 = arith.addi %iota3A, %add3A_888 : vector<16xi32>
          %gather3A_890 = tpu.vector_load_idx %arg17[%add3A_889, %gather3A] : memref<64x576xf32, #tpu.memory_space<vmem>>[vector<16xi32>, vector<16xi32>], vector<16xf32>,
          %add3A_891 = arith.addi %mul3A_840, %scan3A_861 : i32
          %swap3A_892 = arith.index_cast %add3A_891 : i32 to index
          %swap3A_893 = arith.constant 48 : index
          %swap3A_894 = tpu.vector_load %arg18[%swap3A_892, %swap3A_893] {strides = array<i32>} : memref<128x128xf32, #tpu.memory_space<vmem>>, vector<16xf32>,
          tpu.vector_store %arg18[%swap3A_892, %swap3A_893], %gather3A_890 {strides = array<i32>} : memref<128x128xf32, #tpu.memory_space<vmem>>, vector<16xf32>,
        }
        %scan3A_851 = arith.constant 16 : i32
        %dma_start3A = arith.constant 0 : i32
        %dma_start3A_852 = tpu.memref_slice %arg18[%mul3A_840, %dma_start3A] : memref<128x128xf32, #tpu.memory_space<vmem>> -> memref<16x128xf32, #tpu.memory_space<vmem>>
        %dma_start3A_853 = arith.constant 0 : i32
        %dma_start3A_854 = tpu.memref_slice %arg19[%and3A_838, %dma_start3A_853] : memref<8x16xi32, #tpu.memory_space<vmem>> -> memref<1x16xi32, #tpu.memory_space<vmem>>
        %dma_start3A_855 = tpu.memref_squeeze %dma_start3A_854 : memref<1x16xi32, #tpu.memory_space<vmem>> -> memref<16xi32, #tpu.memory_space<vmem>>
        %dma_start3A_856 = arith.constant 0 : i32
        %dma_start3A_857 = arith.constant 0 : i32
        %dma_start3A_858 = tpu.memref_slice %arg5[%dma_start3A_856, %dma_start3A_857] : memref<16392x128xf32, #tpu.memory_space<hbm>> -> memref<16392x128xf32, #tpu.memory_space<hbm>>
        tpu.enqueue_indirect_dma source(%dma_start3A_852 : memref<16x128xf32, #tpu.memory_space<vmem>>) target(%dma_start3A_858 : memref<16392x128xf32, #tpu.memory_space<hbm>>) offsets(%dma_start3A_855 : memref<16xi32, #tpu.memory_space<vmem>>) semaphore(%arg21 : memref<!tpu.dma_semaphore, #tpu.memory_space<semaphore_mem>>)
        %add3A_859 = arith.constant 1 : i32
        %add3A_860 = arith.addi %while3A_796, %add3A_859 : i32
        scf.yield %add3A_860 : i32
      }
      %get3A_739 = arith.constant 62 : i32
      %get3A_740 = arith.index_cast %get3A_739 : i32 to index
      %get3A_741 = memref.load %arg16[%get3A_740] : memref<64xi32, #tpu.memory_space<smem>>
      %min3A_742 = arith.constant 64 : i32
      %min3A_743 = arith.minsi %get3A_741, %min3A_742 : i32
      %add3A_744 = arith.constant 16 : i32
      %add3A_745 = arith.addi %min3A_743, %add3A_744 : i32
      %sub3A_746 = arith.constant 1 : i32
      %sub3A_747 = arith.subi %add3A_745, %sub3A_746 : i32
      %jit3A_748 = arith.constant 16 : i32
      %div3A_749 = arith.divsi %sub3A_747, %jit3A_748 : i32
      %sign3A_750 = arith.constant 0 : i32
      %sign3A_751 = arith.cmpi sgt, %sub3A_747, %sign3A_750 : i32
      %sign3A_752 = arith.extui %sign3A_751 : i1 to i32
      %sign3A_753 = arith.constant 0 : i32
      %sign3A_754 = arith.cmpi slt, %sub3A_747, %sign3A_753 : i32
      %sign3A_755 = arith.extui %sign3A_754 : i1 to i32
      %sign3A_756 = arith.subi %sign3A_752, %sign3A_755 : i32
      %sign3A_757 = arith.constant 0 : i32
      %sign3A_758 = arith.cmpi sgt, %jit3A_748, %sign3A_757 : i32
      %sign3A_759 = arith.extui %sign3A_758 : i1 to i32
      %sign3A_760 = arith.constant 0 : i32
      %sign3A_761 = arith.cmpi slt, %jit3A_748, %sign3A_760 : i32
      %sign3A_762 = arith.extui %sign3A_761 : i1 to i32
      %sign3A_763 = arith.subi %sign3A_759, %sign3A_762 : i32
      %ne3A_764 = arith.cmpi ne, %sign3A_756, %sign3A_763 : i32
      %rem3A_765 = arith.remsi %sub3A_747, %jit3A_748 : i32
      %ne3A_766 = arith.constant 0 : i32
      %ne3A_767 = arith.cmpi ne, %rem3A_765, %ne3A_766 : i32
      %and3A_768 = arith.andi %ne3A_764, %ne3A_767 : i1
      %sub3A_769 = arith.constant 1 : i32
      %sub3A_770 = arith.subi %div3A_749, %sub3A_769 : i32
      %select_n3A_771 = arith.select %and3A_768, %sub3A_770, %div3A_749 : i32
      %while3A_772 = arith.constant 0 : i32
      %while3A_773 = arith.subi %select_n3A_771, %while3A_772 : i32
      %while3A_774 = arith.addi %while3A_772, %while3A_773 : i32
      %while3A_775 = arith.constant 1 : i32
      %while3A_776 = arith.divsi %while3A_773, %while3A_775 : i32
      %while3A_777 = arith.muli %while3A_776, %while3A_775 : i32
      %while3A_778 = arith.addi %while3A_772, %while3A_777 : i32
      %while3A_779 = arith.constant 1 : i32
      %while3A_780 = scf.for %while3A_795 = %while3A_772 to %while3A_778 step %while3A_779 iter_args(%while3A_796 = %while3A_738) -> (i32)  : i32 {
        %mul3A_797 = arith.constant 16 : i32
        %mul3A_798 = arith.muli %while3A_795, %mul3A_797 : i32
        %add3A_799 = arith.constant 3968 : i32
        %add3A_800 = arith.addi %add3A_799, %mul3A_798 : i32
        %get3A_801 = arith.index_cast %add3A_800 : i32 to index
        %get3A_802 = tpu.vector_load %arg14[%get3A_801] {strides = array<i32>} : memref<4112xi32, #tpu.memory_space<vmem>>, vector<16xi32>,
        %shift_right_logical3A = arith.constant 14 : i32
        %shift_right_logical3A_803 = vector.broadcast %shift_right_logical3A : i32 to vector<16xi32>
        %shift_right_logical3A_804 = arith.shrui %get3A_802, %shift_right_logical3A_803 : vector<16xi32>
        %and3A_805 = arith.constant 16383 : i32
        %and3A_806 = vector.broadcast %and3A_805 : i32 to vector<16xi32>
        %and3A_807 = arith.andi %get3A_802, %and3A_806 : vector<16xi32>
        %mul3A_808 = arith.constant 16 : i32
        %mul3A_809 = arith.muli %while3A_795, %mul3A_808 : i32
        %add3A_810 = vector.broadcast %mul3A_809 : i32 to vector<16xi32>
        %add3A_811 = arith.addi %iota3A, %add3A_810 : vector<16xi32>
        %lt3A = vector.broadcast %min3A_743 : i32 to vector<16xi32>
        %lt3A_812 = arith.cmpi slt, %add3A_811, %lt3A : vector<16xi32>
        %sub3A_813 = arith.constant 31232 : i32
        %sub3A_814 = vector.broadcast %sub3A_813 : i32 to vector<16xi32>
        %sub3A_815 = arith.subi %shift_right_logical3A_804, %sub3A_814 : vector<16xi32>
        %jit3A_816 = arith.constant 0 : i32
        %jit3A_817 = arith.constant 575 : i32
        %max3A = vector.broadcast %jit3A_816 : i32 to vector<16xi32>
        %max3A_818 = arith.maxsi %max3A, %sub3A_815 : vector<16xi32>
        %min3A_819 = vector.broadcast %jit3A_817 : i32 to vector<16xi32>
        %min3A_820 = arith.minsi %min3A_819, %max3A_818 : vector<16xi32>
        %jit3A_821 = arith.constant 16384 : i32
        %broadcast_in_dim3A = vector.broadcast %jit3A_821 : i32 to vector<16xi32>
        %select_n3A_822 = arith.select %lt3A_812, %and3A_807, %broadcast_in_dim3A : vector<16xi1>, vector<16xi32>
        %ge3A = arith.constant 8 : i32
        %ge3A_823 = arith.cmpi sge, %while3A_796, %ge3A : i32
        %jit3A_824 = arith.constant 1 : i32
        %jit3A_825 = arith.constant 0 : i32
        %select_n3A_826 = arith.select %ge3A_823, %jit3A_824, %jit3A_825 : i32
        %while3A_827 = arith.constant 0 : i32
        %while3A_828 = arith.constant 0 : i32
        %while3A_829 = arith.subi %select_n3A_826, %while3A_828 : i32
        %while3A_830 = arith.addi %while3A_828, %while3A_829 : i32
        %while3A_831 = arith.constant 1 : i32
        %while3A_832 = arith.divsi %while3A_829, %while3A_831 : i32
        %while3A_833 = arith.muli %while3A_832, %while3A_831 : i32
        %while3A_834 = arith.addi %while3A_828, %while3A_833 : i32
        %while3A_835 = arith.constant 1 : i32
        scf.for %while3A_861 = %while3A_828 to %while3A_834 step %while3A_835  : i32 {
          %dma_wait3A = arith.constant 0 : i32
          %dma_wait3A_862 = arith.constant 0 : i32
          %dma_wait3A_863 = tpu.memref_slice %arg18[%dma_wait3A, %dma_wait3A_862] : memref<128x128xf32, #tpu.memory_space<vmem>> -> memref<16x128xf32, #tpu.memory_space<vmem>>
          %dma_wait3A_864 = arith.constant 0 : i32
          %dma_wait3A_865 = arith.constant 0 : i32
          %dma_wait3A_866 = tpu.memref_slice %arg5[%dma_wait3A_864, %dma_wait3A_865] : memref<16392x128xf32, #tpu.memory_space<hbm>> -> memref<16x128xf32, #tpu.memory_space<hbm>>
          %dma_wait3A_867 = arith.constant 0 : i32
          %dma_wait3A_868 = arith.constant 0 : i32
          %dma_wait3A_869 = tpu.memref_slice %arg18[%dma_wait3A_867, %dma_wait3A_868] : memref<128x128xf32, #tpu.memory_space<vmem>> -> memref<16x128xf32, #tpu.memory_space<vmem>>
          %dma_wait3A_870 = arith.constant 0 : i32
          %dma_wait3A_871 = arith.constant 0 : i32
          %dma_wait3A_872 = tpu.memref_slice %arg5[%dma_wait3A_870, %dma_wait3A_871] : memref<16392x128xf32, #tpu.memory_space<hbm>> -> memref<16x128xf32, #tpu.memory_space<hbm>>
          tpu.wait_dma2 semaphore(%arg21 : memref<!tpu.dma_semaphore, #tpu.memory_space<semaphore_mem>>) src(%dma_wait3A_872 : memref<16x128xf32, #tpu.memory_space<hbm>>) dst(%dma_wait3A_869 : memref<16x128xf32, #tpu.memory_space<vmem>>)
        }
        %while3A_836 = arith.constant 1 : i32
        scf.for %while3A_861 = %while3A_834 to %while3A_830 step %while3A_836  : i32 {
          %dma_wait3A = arith.constant 0 : i32
          %dma_wait3A_862 = arith.constant 0 : i32
          %dma_wait3A_863 = tpu.memref_slice %arg18[%dma_wait3A, %dma_wait3A_862] : memref<128x128xf32, #tpu.memory_space<vmem>> -> memref<16x128xf32, #tpu.memory_space<vmem>>
          %dma_wait3A_864 = arith.constant 0 : i32
          %dma_wait3A_865 = arith.constant 0 : i32
          %dma_wait3A_866 = tpu.memref_slice %arg5[%dma_wait3A_864, %dma_wait3A_865] : memref<16392x128xf32, #tpu.memory_space<hbm>> -> memref<16x128xf32, #tpu.memory_space<hbm>>
          %dma_wait3A_867 = arith.constant 0 : i32
          %dma_wait3A_868 = arith.constant 0 : i32
          %dma_wait3A_869 = tpu.memref_slice %arg18[%dma_wait3A_867, %dma_wait3A_868] : memref<128x128xf32, #tpu.memory_space<vmem>> -> memref<16x128xf32, #tpu.memory_space<vmem>>
          %dma_wait3A_870 = arith.constant 0 : i32
          %dma_wait3A_871 = arith.constant 0 : i32
          %dma_wait3A_872 = tpu.memref_slice %arg5[%dma_wait3A_870, %dma_wait3A_871] : memref<16392x128xf32, #tpu.memory_space<hbm>> -> memref<16x128xf32, #tpu.memory_space<hbm>>
          tpu.wait_dma2 semaphore(%arg21 : memref<!tpu.dma_semaphore, #tpu.memory_space<semaphore_mem>>) src(%dma_wait3A_872 : memref<16x128xf32, #tpu.memory_space<hbm>>) dst(%dma_wait3A_869 : memref<16x128xf32, #tpu.memory_space<vmem>>)
        }
        %and3A_837 = arith.constant 7 : i32
        %and3A_838 = arith.andi %while3A_796, %and3A_837 : i32
        %mul3A_839 = arith.constant 16 : i32
        %mul3A_840 = arith.muli %and3A_838, %mul3A_839 : i32
        %swap3A_841 = arith.constant 0 : index
        %swap3A_842 = tpu.vector_load %arg20[%swap3A_841] {strides = array<i32>} : memref<16xi32, #tpu.memory_space<vmem>>, vector<16xi32>,
        tpu.vector_store %arg20[%swap3A_841], %min3A_820 {strides = array<i32>} : memref<16xi32, #tpu.memory_space<vmem>>, vector<16xi32>,
        %swap3A_843 = arith.index_cast %and3A_838 : i32 to index
        %swap3A_844 = arith.constant 0 : index
        %swap3A_845 = tpu.vector_load %arg19[%swap3A_843, %swap3A_844] {strides = array<i32>} : memref<8x16xi32, #tpu.memory_space<vmem>>, vector<16xi32>,
        tpu.vector_store %arg19[%swap3A_843, %swap3A_844], %select_n3A_822 {strides = array<i32>} : memref<8x16xi32, #tpu.memory_space<vmem>>, vector<16xi32>,
        %scan3A_846 = arith.constant 0 : i32
        %scan3A_847 = arith.constant 0 : i32
        %scan3A_848 = arith.constant 16 : i32
        %scan3A_849 = arith.addi %scan3A_847, %scan3A_848 : i32
        %scan3A_850 = arith.constant 1 : i32
        scf.for %scan3A_861 = %scan3A_847 to %scan3A_849 step %scan3A_850  : i32 {
          %broadcast_in_dim3A_862 = vector.broadcast %scan3A_861 : i32 to vector<16xi32>
          %gather3A = tpu.vector_load_idx %arg20[%broadcast_in_dim3A_862] : memref<16xi32, #tpu.memory_space<vmem>>[vector<16xi32>], vector<16xi32>,
          %add3A_863 = arith.constant 0 : i32
          %add3A_864 = vector.broadcast %add3A_863 : i32 to vector<16xi32>
          %add3A_865 = arith.addi %iota3A, %add3A_864 : vector<16xi32>
          %gather3A_866 = tpu.vector_load_idx %arg17[%add3A_865, %gather3A] : memref<64x576xf32, #tpu.memory_space<vmem>>[vector<16xi32>, vector<16xi32>], vector<16xf32>,
          %add3A_867 = arith.addi %mul3A_840, %scan3A_861 : i32
          %swap3A_868 = arith.index_cast %add3A_867 : i32 to index
          %swap3A_869 = arith.constant 0 : index
          %swap3A_870 = tpu.vector_load %arg18[%swap3A_868, %swap3A_869] {strides = array<i32>} : memref<128x128xf32, #tpu.memory_space<vmem>>, vector<16xf32>,
          tpu.vector_store %arg18[%swap3A_868, %swap3A_869], %gather3A_866 {strides = array<i32>} : memref<128x128xf32, #tpu.memory_space<vmem>>, vector<16xf32>,
          %add3A_871 = arith.constant 16 : i32
          %add3A_872 = vector.broadcast %add3A_871 : i32 to vector<16xi32>
          %add3A_873 = arith.addi %iota3A, %add3A_872 : vector<16xi32>
          %gather3A_874 = tpu.vector_load_idx %arg17[%add3A_873, %gather3A] : memref<64x576xf32, #tpu.memory_space<vmem>>[vector<16xi32>, vector<16xi32>], vector<16xf32>,
          %add3A_875 = arith.addi %mul3A_840, %scan3A_861 : i32
          %swap3A_876 = arith.index_cast %add3A_875 : i32 to index
          %swap3A_877 = arith.constant 16 : index
          %swap3A_878 = tpu.vector_load %arg18[%swap3A_876, %swap3A_877] {strides = array<i32>} : memref<128x128xf32, #tpu.memory_space<vmem>>, vector<16xf32>,
          tpu.vector_store %arg18[%swap3A_876, %swap3A_877], %gather3A_874 {strides = array<i32>} : memref<128x128xf32, #tpu.memory_space<vmem>>, vector<16xf32>,
          %add3A_879 = arith.constant 32 : i32
          %add3A_880 = vector.broadcast %add3A_879 : i32 to vector<16xi32>
          %add3A_881 = arith.addi %iota3A, %add3A_880 : vector<16xi32>
          %gather3A_882 = tpu.vector_load_idx %arg17[%add3A_881, %gather3A] : memref<64x576xf32, #tpu.memory_space<vmem>>[vector<16xi32>, vector<16xi32>], vector<16xf32>,
          %add3A_883 = arith.addi %mul3A_840, %scan3A_861 : i32
          %swap3A_884 = arith.index_cast %add3A_883 : i32 to index
          %swap3A_885 = arith.constant 32 : index
          %swap3A_886 = tpu.vector_load %arg18[%swap3A_884, %swap3A_885] {strides = array<i32>} : memref<128x128xf32, #tpu.memory_space<vmem>>, vector<16xf32>,
          tpu.vector_store %arg18[%swap3A_884, %swap3A_885], %gather3A_882 {strides = array<i32>} : memref<128x128xf32, #tpu.memory_space<vmem>>, vector<16xf32>,
          %add3A_887 = arith.constant 48 : i32
          %add3A_888 = vector.broadcast %add3A_887 : i32 to vector<16xi32>
          %add3A_889 = arith.addi %iota3A, %add3A_888 : vector<16xi32>
          %gather3A_890 = tpu.vector_load_idx %arg17[%add3A_889, %gather3A] : memref<64x576xf32, #tpu.memory_space<vmem>>[vector<16xi32>, vector<16xi32>], vector<16xf32>,
          %add3A_891 = arith.addi %mul3A_840, %scan3A_861 : i32
          %swap3A_892 = arith.index_cast %add3A_891 : i32 to index
          %swap3A_893 = arith.constant 48 : index
          %swap3A_894 = tpu.vector_load %arg18[%swap3A_892, %swap3A_893] {strides = array<i32>} : memref<128x128xf32, #tpu.memory_space<vmem>>, vector<16xf32>,
          tpu.vector_store %arg18[%swap3A_892, %swap3A_893], %gather3A_890 {strides = array<i32>} : memref<128x128xf32, #tpu.memory_space<vmem>>, vector<16xf32>,
        }
        %scan3A_851 = arith.constant 16 : i32
        %dma_start3A = arith.constant 0 : i32
        %dma_start3A_852 = tpu.memref_slice %arg18[%mul3A_840, %dma_start3A] : memref<128x128xf32, #tpu.memory_space<vmem>> -> memref<16x128xf32, #tpu.memory_space<vmem>>
        %dma_start3A_853 = arith.constant 0 : i32
        %dma_start3A_854 = tpu.memref_slice %arg19[%and3A_838, %dma_start3A_853] : memref<8x16xi32, #tpu.memory_space<vmem>> -> memref<1x16xi32, #tpu.memory_space<vmem>>
        %dma_start3A_855 = tpu.memref_squeeze %dma_start3A_854 : memref<1x16xi32, #tpu.memory_space<vmem>> -> memref<16xi32, #tpu.memory_space<vmem>>
        %dma_start3A_856 = arith.constant 0 : i32
        %dma_start3A_857 = arith.constant 0 : i32
        %dma_start3A_858 = tpu.memref_slice %arg6[%dma_start3A_856, %dma_start3A_857] : memref<16392x128xf32, #tpu.memory_space<hbm>> -> memref<16392x128xf32, #tpu.memory_space<hbm>>
        tpu.enqueue_indirect_dma source(%dma_start3A_852 : memref<16x128xf32, #tpu.memory_space<vmem>>) target(%dma_start3A_858 : memref<16392x128xf32, #tpu.memory_space<hbm>>) offsets(%dma_start3A_855 : memref<16xi32, #tpu.memory_space<vmem>>) semaphore(%arg21 : memref<!tpu.dma_semaphore, #tpu.memory_space<semaphore_mem>>)
        %add3A_859 = arith.constant 1 : i32
        %add3A_860 = arith.addi %while3A_796, %add3A_859 : i32
        scf.yield %add3A_860 : i32
      }
      %while3A_781 = arith.constant 1 : i32
      %while3A_782 = scf.for %while3A_795 = %while3A_778 to %while3A_774 step %while3A_781 iter_args(%while3A_796 = %while3A_780) -> (i32)  : i32 {
        %mul3A_797 = arith.constant 16 : i32
        %mul3A_798 = arith.muli %while3A_795, %mul3A_797 : i32
        %add3A_799 = arith.constant 3968 : i32
        %add3A_800 = arith.addi %add3A_799, %mul3A_798 : i32
        %get3A_801 = arith.index_cast %add3A_800 : i32 to index
        %get3A_802 = tpu.vector_load %arg14[%get3A_801] {strides = array<i32>} : memref<4112xi32, #tpu.memory_space<vmem>>, vector<16xi32>,
        %shift_right_logical3A = arith.constant 14 : i32
        %shift_right_logical3A_803 = vector.broadcast %shift_right_logical3A : i32 to vector<16xi32>
        %shift_right_logical3A_804 = arith.shrui %get3A_802, %shift_right_logical3A_803 : vector<16xi32>
        %and3A_805 = arith.constant 16383 : i32
        %and3A_806 = vector.broadcast %and3A_805 : i32 to vector<16xi32>
        %and3A_807 = arith.andi %get3A_802, %and3A_806 : vector<16xi32>
        %mul3A_808 = arith.constant 16 : i32
        %mul3A_809 = arith.muli %while3A_795, %mul3A_808 : i32
        %add3A_810 = vector.broadcast %mul3A_809 : i32 to vector<16xi32>
        %add3A_811 = arith.addi %iota3A, %add3A_810 : vector<16xi32>
        %lt3A = vector.broadcast %min3A_743 : i32 to vector<16xi32>
        %lt3A_812 = arith.cmpi slt, %add3A_811, %lt3A : vector<16xi32>
        %sub3A_813 = arith.constant 31232 : i32
        %sub3A_814 = vector.broadcast %sub3A_813 : i32 to vector<16xi32>
        %sub3A_815 = arith.subi %shift_right_logical3A_804, %sub3A_814 : vector<16xi32>
        %jit3A_816 = arith.constant 0 : i32
        %jit3A_817 = arith.constant 575 : i32
        %max3A = vector.broadcast %jit3A_816 : i32 to vector<16xi32>
        %max3A_818 = arith.maxsi %max3A, %sub3A_815 : vector<16xi32>
        %min3A_819 = vector.broadcast %jit3A_817 : i32 to vector<16xi32>
        %min3A_820 = arith.minsi %min3A_819, %max3A_818 : vector<16xi32>
        %jit3A_821 = arith.constant 16384 : i32
        %broadcast_in_dim3A = vector.broadcast %jit3A_821 : i32 to vector<16xi32>
        %select_n3A_822 = arith.select %lt3A_812, %and3A_807, %broadcast_in_dim3A : vector<16xi1>, vector<16xi32>
        %ge3A = arith.constant 8 : i32
        %ge3A_823 = arith.cmpi sge, %while3A_796, %ge3A : i32
        %jit3A_824 = arith.constant 1 : i32
        %jit3A_825 = arith.constant 0 : i32
        %select_n3A_826 = arith.select %ge3A_823, %jit3A_824, %jit3A_825 : i32
        %while3A_827 = arith.constant 0 : i32
        %while3A_828 = arith.constant 0 : i32
        %while3A_829 = arith.subi %select_n3A_826, %while3A_828 : i32
        %while3A_830 = arith.addi %while3A_828, %while3A_829 : i32
        %while3A_831 = arith.constant 1 : i32
        %while3A_832 = arith.divsi %while3A_829, %while3A_831 : i32
        %while3A_833 = arith.muli %while3A_832, %while3A_831 : i32
        %while3A_834 = arith.addi %while3A_828, %while3A_833 : i32
        %while3A_835 = arith.constant 1 : i32
        scf.for %while3A_861 = %while3A_828 to %while3A_834 step %while3A_835  : i32 {
          %dma_wait3A = arith.constant 0 : i32
          %dma_wait3A_862 = arith.constant 0 : i32
          %dma_wait3A_863 = tpu.memref_slice %arg18[%dma_wait3A, %dma_wait3A_862] : memref<128x128xf32, #tpu.memory_space<vmem>> -> memref<16x128xf32, #tpu.memory_space<vmem>>
          %dma_wait3A_864 = arith.constant 0 : i32
          %dma_wait3A_865 = arith.constant 0 : i32
          %dma_wait3A_866 = tpu.memref_slice %arg5[%dma_wait3A_864, %dma_wait3A_865] : memref<16392x128xf32, #tpu.memory_space<hbm>> -> memref<16x128xf32, #tpu.memory_space<hbm>>
          %dma_wait3A_867 = arith.constant 0 : i32
          %dma_wait3A_868 = arith.constant 0 : i32
          %dma_wait3A_869 = tpu.memref_slice %arg18[%dma_wait3A_867, %dma_wait3A_868] : memref<128x128xf32, #tpu.memory_space<vmem>> -> memref<16x128xf32, #tpu.memory_space<vmem>>
          %dma_wait3A_870 = arith.constant 0 : i32
          %dma_wait3A_871 = arith.constant 0 : i32
          %dma_wait3A_872 = tpu.memref_slice %arg5[%dma_wait3A_870, %dma_wait3A_871] : memref<16392x128xf32, #tpu.memory_space<hbm>> -> memref<16x128xf32, #tpu.memory_space<hbm>>
          tpu.wait_dma2 semaphore(%arg21 : memref<!tpu.dma_semaphore, #tpu.memory_space<semaphore_mem>>) src(%dma_wait3A_872 : memref<16x128xf32, #tpu.memory_space<hbm>>) dst(%dma_wait3A_869 : memref<16x128xf32, #tpu.memory_space<vmem>>)
        }
        %while3A_836 = arith.constant 1 : i32
        scf.for %while3A_861 = %while3A_834 to %while3A_830 step %while3A_836  : i32 {
          %dma_wait3A = arith.constant 0 : i32
          %dma_wait3A_862 = arith.constant 0 : i32
          %dma_wait3A_863 = tpu.memref_slice %arg18[%dma_wait3A, %dma_wait3A_862] : memref<128x128xf32, #tpu.memory_space<vmem>> -> memref<16x128xf32, #tpu.memory_space<vmem>>
          %dma_wait3A_864 = arith.constant 0 : i32
          %dma_wait3A_865 = arith.constant 0 : i32
          %dma_wait3A_866 = tpu.memref_slice %arg5[%dma_wait3A_864, %dma_wait3A_865] : memref<16392x128xf32, #tpu.memory_space<hbm>> -> memref<16x128xf32, #tpu.memory_space<hbm>>
          %dma_wait3A_867 = arith.constant 0 : i32
          %dma_wait3A_868 = arith.constant 0 : i32
          %dma_wait3A_869 = tpu.memref_slice %arg18[%dma_wait3A_867, %dma_wait3A_868] : memref<128x128xf32, #tpu.memory_space<vmem>> -> memref<16x128xf32, #tpu.memory_space<vmem>>
          %dma_wait3A_870 = arith.constant 0 : i32
          %dma_wait3A_871 = arith.constant 0 : i32
          %dma_wait3A_872 = tpu.memref_slice %arg5[%dma_wait3A_870, %dma_wait3A_871] : memref<16392x128xf32, #tpu.memory_space<hbm>> -> memref<16x128xf32, #tpu.memory_space<hbm>>
          tpu.wait_dma2 semaphore(%arg21 : memref<!tpu.dma_semaphore, #tpu.memory_space<semaphore_mem>>) src(%dma_wait3A_872 : memref<16x128xf32, #tpu.memory_space<hbm>>) dst(%dma_wait3A_869 : memref<16x128xf32, #tpu.memory_space<vmem>>)
        }
        %and3A_837 = arith.constant 7 : i32
        %and3A_838 = arith.andi %while3A_796, %and3A_837 : i32
        %mul3A_839 = arith.constant 16 : i32
        %mul3A_840 = arith.muli %and3A_838, %mul3A_839 : i32
        %swap3A_841 = arith.constant 0 : index
        %swap3A_842 = tpu.vector_load %arg20[%swap3A_841] {strides = array<i32>} : memref<16xi32, #tpu.memory_space<vmem>>, vector<16xi32>,
        tpu.vector_store %arg20[%swap3A_841], %min3A_820 {strides = array<i32>} : memref<16xi32, #tpu.memory_space<vmem>>, vector<16xi32>,
        %swap3A_843 = arith.index_cast %and3A_838 : i32 to index
        %swap3A_844 = arith.constant 0 : index
        %swap3A_845 = tpu.vector_load %arg19[%swap3A_843, %swap3A_844] {strides = array<i32>} : memref<8x16xi32, #tpu.memory_space<vmem>>, vector<16xi32>,
        tpu.vector_store %arg19[%swap3A_843, %swap3A_844], %select_n3A_822 {strides = array<i32>} : memref<8x16xi32, #tpu.memory_space<vmem>>, vector<16xi32>,
        %scan3A_846 = arith.constant 0 : i32
        %scan3A_847 = arith.constant 0 : i32
        %scan3A_848 = arith.constant 16 : i32
        %scan3A_849 = arith.addi %scan3A_847, %scan3A_848 : i32
        %scan3A_850 = arith.constant 1 : i32
        scf.for %scan3A_861 = %scan3A_847 to %scan3A_849 step %scan3A_850  : i32 {
          %broadcast_in_dim3A_862 = vector.broadcast %scan3A_861 : i32 to vector<16xi32>
          %gather3A = tpu.vector_load_idx %arg20[%broadcast_in_dim3A_862] : memref<16xi32, #tpu.memory_space<vmem>>[vector<16xi32>], vector<16xi32>,
          %add3A_863 = arith.constant 0 : i32
          %add3A_864 = vector.broadcast %add3A_863 : i32 to vector<16xi32>
          %add3A_865 = arith.addi %iota3A, %add3A_864 : vector<16xi32>
          %gather3A_866 = tpu.vector_load_idx %arg17[%add3A_865, %gather3A] : memref<64x576xf32, #tpu.memory_space<vmem>>[vector<16xi32>, vector<16xi32>], vector<16xf32>,
          %add3A_867 = arith.addi %mul3A_840, %scan3A_861 : i32
          %swap3A_868 = arith.index_cast %add3A_867 : i32 to index
          %swap3A_869 = arith.constant 0 : index
          %swap3A_870 = tpu.vector_load %arg18[%swap3A_868, %swap3A_869] {strides = array<i32>} : memref<128x128xf32, #tpu.memory_space<vmem>>, vector<16xf32>,
          tpu.vector_store %arg18[%swap3A_868, %swap3A_869], %gather3A_866 {strides = array<i32>} : memref<128x128xf32, #tpu.memory_space<vmem>>, vector<16xf32>,
          %add3A_871 = arith.constant 16 : i32
          %add3A_872 = vector.broadcast %add3A_871 : i32 to vector<16xi32>
          %add3A_873 = arith.addi %iota3A, %add3A_872 : vector<16xi32>
          %gather3A_874 = tpu.vector_load_idx %arg17[%add3A_873, %gather3A] : memref<64x576xf32, #tpu.memory_space<vmem>>[vector<16xi32>, vector<16xi32>], vector<16xf32>,
          %add3A_875 = arith.addi %mul3A_840, %scan3A_861 : i32
          %swap3A_876 = arith.index_cast %add3A_875 : i32 to index
          %swap3A_877 = arith.constant 16 : index
          %swap3A_878 = tpu.vector_load %arg18[%swap3A_876, %swap3A_877] {strides = array<i32>} : memref<128x128xf32, #tpu.memory_space<vmem>>, vector<16xf32>,
          tpu.vector_store %arg18[%swap3A_876, %swap3A_877], %gather3A_874 {strides = array<i32>} : memref<128x128xf32, #tpu.memory_space<vmem>>, vector<16xf32>,
          %add3A_879 = arith.constant 32 : i32
          %add3A_880 = vector.broadcast %add3A_879 : i32 to vector<16xi32>
          %add3A_881 = arith.addi %iota3A, %add3A_880 : vector<16xi32>
          %gather3A_882 = tpu.vector_load_idx %arg17[%add3A_881, %gather3A] : memref<64x576xf32, #tpu.memory_space<vmem>>[vector<16xi32>, vector<16xi32>], vector<16xf32>,
          %add3A_883 = arith.addi %mul3A_840, %scan3A_861 : i32
          %swap3A_884 = arith.index_cast %add3A_883 : i32 to index
          %swap3A_885 = arith.constant 32 : index
          %swap3A_886 = tpu.vector_load %arg18[%swap3A_884, %swap3A_885] {strides = array<i32>} : memref<128x128xf32, #tpu.memory_space<vmem>>, vector<16xf32>,
          tpu.vector_store %arg18[%swap3A_884, %swap3A_885], %gather3A_882 {strides = array<i32>} : memref<128x128xf32, #tpu.memory_space<vmem>>, vector<16xf32>,
          %add3A_887 = arith.constant 48 : i32
          %add3A_888 = vector.broadcast %add3A_887 : i32 to vector<16xi32>
          %add3A_889 = arith.addi %iota3A, %add3A_888 : vector<16xi32>
          %gather3A_890 = tpu.vector_load_idx %arg17[%add3A_889, %gather3A] : memref<64x576xf32, #tpu.memory_space<vmem>>[vector<16xi32>, vector<16xi32>], vector<16xf32>,
          %add3A_891 = arith.addi %mul3A_840, %scan3A_861 : i32
          %swap3A_892 = arith.index_cast %add3A_891 : i32 to index
          %swap3A_893 = arith.constant 48 : index
          %swap3A_894 = tpu.vector_load %arg18[%swap3A_892, %swap3A_893] {strides = array<i32>} : memref<128x128xf32, #tpu.memory_space<vmem>>, vector<16xf32>,
          tpu.vector_store %arg18[%swap3A_892, %swap3A_893], %gather3A_890 {strides = array<i32>} : memref<128x128xf32, #tpu.memory_space<vmem>>, vector<16xf32>,
        }
        %scan3A_851 = arith.constant 16 : i32
        %dma_start3A = arith.constant 0 : i32
        %dma_start3A_852 = tpu.memref_slice %arg18[%mul3A_840, %dma_start3A] : memref<128x128xf32, #tpu.memory_space<vmem>> -> memref<16x128xf32, #tpu.memory_space<vmem>>
        %dma_start3A_853 = arith.constant 0 : i32
        %dma_start3A_854 = tpu.memref_slice %arg19[%and3A_838, %dma_start3A_853] : memref<8x16xi32, #tpu.memory_space<vmem>> -> memref<1x16xi32, #tpu.memory_space<vmem>>
        %dma_start3A_855 = tpu.memref_squeeze %dma_start3A_854 : memref<1x16xi32, #tpu.memory_space<vmem>> -> memref<16xi32, #tpu.memory_space<vmem>>
        %dma_start3A_856 = arith.constant 0 : i32
        %dma_start3A_857 = arith.constant 0 : i32
        %dma_start3A_858 = tpu.memref_slice %arg6[%dma_start3A_856, %dma_start3A_857] : memref<16392x128xf32, #tpu.memory_space<hbm>> -> memref<16392x128xf32, #tpu.memory_space<hbm>>
        tpu.enqueue_indirect_dma source(%dma_start3A_852 : memref<16x128xf32, #tpu.memory_space<vmem>>) target(%dma_start3A_858 : memref<16392x128xf32, #tpu.memory_space<hbm>>) offsets(%dma_start3A_855 : memref<16xi32, #tpu.memory_space<vmem>>) semaphore(%arg21 : memref<!tpu.dma_semaphore, #tpu.memory_space<semaphore_mem>>)
        %add3A_859 = arith.constant 1 : i32
        %add3A_860 = arith.addi %while3A_796, %add3A_859 : i32
        scf.yield %add3A_860 : i32
      }
      %min3A_783 = arith.constant 8 : i32
      %min3A_784 = arith.minsi %while3A_782, %min3A_783 : i32
      %while3A_785 = arith.constant 0 : i32
      %while3A_786 = arith.constant 0 : i32
      %while3A_787 = arith.subi %min3A_784, %while3A_786 : i32
      %while3A_788 = arith.addi %while3A_786, %while3A_787 : i32
      %while3A_789 = arith.constant 1 : i32
      %while3A_790 = arith.divsi %while3A_787, %while3A_789 : i32
      %while3A_791 = arith.muli %while3A_790, %while3A_789 : i32
      %while3A_792 = arith.addi %while3A_786, %while3A_791 : i32
      %while3A_793 = arith.constant 1 : i32
      scf.for %while3A_795 = %while3A_786 to %while3A_792 step %while3A_793  : i32 {
        %dma_wait3A = arith.constant 0 : i32
        %dma_wait3A_796 = arith.constant 0 : i32
        %dma_wait3A_797 = tpu.memref_slice %arg18[%dma_wait3A, %dma_wait3A_796] : memref<128x128xf32, #tpu.memory_space<vmem>> -> memref<16x128xf32, #tpu.memory_space<vmem>>
        %dma_wait3A_798 = arith.constant 0 : i32
        %dma_wait3A_799 = arith.constant 0 : i32
        %dma_wait3A_800 = tpu.memref_slice %arg5[%dma_wait3A_798, %dma_wait3A_799] : memref<16392x128xf32, #tpu.memory_space<hbm>> -> memref<16x128xf32, #tpu.memory_space<hbm>>
        %dma_wait3A_801 = arith.constant 0 : i32
        %dma_wait3A_802 = arith.constant 0 : i32
        %dma_wait3A_803 = tpu.memref_slice %arg18[%dma_wait3A_801, %dma_wait3A_802] : memref<128x128xf32, #tpu.memory_space<vmem>> -> memref<16x128xf32, #tpu.memory_space<vmem>>
        %dma_wait3A_804 = arith.constant 0 : i32
        %dma_wait3A_805 = arith.constant 0 : i32
        %dma_wait3A_806 = tpu.memref_slice %arg5[%dma_wait3A_804, %dma_wait3A_805] : memref<16392x128xf32, #tpu.memory_space<hbm>> -> memref<16x128xf32, #tpu.memory_space<hbm>>
        tpu.wait_dma2 semaphore(%arg21 : memref<!tpu.dma_semaphore, #tpu.memory_space<semaphore_mem>>) src(%dma_wait3A_806 : memref<16x128xf32, #tpu.memory_space<hbm>>) dst(%dma_wait3A_803 : memref<16x128xf32, #tpu.memory_space<vmem>>)
      }
      %while3A_794 = arith.constant 1 : i32
      scf.for %while3A_795 = %while3A_792 to %while3A_788 step %while3A_794  : i32 {
        %dma_wait3A = arith.constant 0 : i32
        %dma_wait3A_796 = arith.constant 0 : i32
        %dma_wait3A_797 = tpu.memref_slice %arg18[%dma_wait3A, %dma_wait3A_796] : memref<128x128xf32, #tpu.memory_space<vmem>> -> memref<16x128xf32, #tpu.memory_space<vmem>>
        %dma_wait3A_798 = arith.constant 0 : i32
        %dma_wait3A_799 = arith.constant 0 : i32
        %dma_wait3A_800 = tpu.memref_slice %arg5[%dma_wait3A_798, %dma_wait3A_799] : memref<16392x128xf32, #tpu.memory_space<hbm>> -> memref<16x128xf32, #tpu.memory_space<hbm>>
        %dma_wait3A_801 = arith.constant 0 : i32
        %dma_wait3A_802 = arith.constant 0 : i32
        %dma_wait3A_803 = tpu.memref_slice %arg18[%dma_wait3A_801, %dma_wait3A_802] : memref<128x128xf32, #tpu.memory_space<vmem>> -> memref<16x128xf32, #tpu.memory_space<vmem>>
        %dma_wait3A_804 = arith.constant 0 : i32
        %dma_wait3A_805 = arith.constant 0 : i32
        %dma_wait3A_806 = tpu.memref_slice %arg5[%dma_wait3A_804, %dma_wait3A_805] : memref<16392x128xf32, #tpu.memory_space<hbm>> -> memref<16x128xf32, #tpu.memory_space<hbm>>
        tpu.wait_dma2 semaphore(%arg21 : memref<!tpu.dma_semaphore, #tpu.memory_space<semaphore_mem>>) src(%dma_wait3A_806 : memref<16x128xf32, #tpu.memory_space<hbm>>) dst(%dma_wait3A_803 : memref<16x128xf32, #tpu.memory_space<vmem>>)
      }
    } else {
    }
    %not3A = arith.constant true
    %not3A_605 = arith.xori %eq3A_5, %not3A : i1
    %convert_element_type3A_606 = arith.extui %not3A_605 : i1 to i32
    %cond3A_607 = arith.constant 0 : i32
    %cond3A_608 = arith.cmpi ne, %convert_element_type3A_606, %cond3A_607 : i32
    scf.if %cond3A_608 {
      %min3A = arith.constant 8 : i32
      %min3A_609 = arith.minsi %scan3A_602, %min3A : i32
      %while3A_610 = arith.constant 0 : i32
      %while3A_611 = arith.constant 0 : i32
      %while3A_612 = arith.subi %min3A_609, %while3A_611 : i32
      %while3A_613 = arith.addi %while3A_611, %while3A_612 : i32
      %while3A_614 = arith.constant 1 : i32
      %while3A_615 = arith.divsi %while3A_612, %while3A_614 : i32
      %while3A_616 = arith.muli %while3A_615, %while3A_614 : i32
      %while3A_617 = arith.addi %while3A_611, %while3A_616 : i32
      %while3A_618 = arith.constant 1 : i32
      scf.for %while3A_620 = %while3A_611 to %while3A_617 step %while3A_618  : i32 {
        %dma_wait3A = arith.constant 0 : i32
        %dma_wait3A_621 = arith.constant 0 : i32
        %dma_wait3A_622 = tpu.memref_slice %arg18[%dma_wait3A, %dma_wait3A_621] : memref<128x128xf32, #tpu.memory_space<vmem>> -> memref<16x128xf32, #tpu.memory_space<vmem>>
        %dma_wait3A_623 = arith.constant 0 : i32
        %dma_wait3A_624 = arith.constant 0 : i32
        %dma_wait3A_625 = tpu.memref_slice %arg5[%dma_wait3A_623, %dma_wait3A_624] : memref<16392x128xf32, #tpu.memory_space<hbm>> -> memref<16x128xf32, #tpu.memory_space<hbm>>
        %dma_wait3A_626 = arith.constant 0 : i32
        %dma_wait3A_627 = arith.constant 0 : i32
        %dma_wait3A_628 = tpu.memref_slice %arg18[%dma_wait3A_626, %dma_wait3A_627] : memref<128x128xf32, #tpu.memory_space<vmem>> -> memref<16x128xf32, #tpu.memory_space<vmem>>
        %dma_wait3A_629 = arith.constant 0 : i32
        %dma_wait3A_630 = arith.constant 0 : i32
        %dma_wait3A_631 = tpu.memref_slice %arg5[%dma_wait3A_629, %dma_wait3A_630] : memref<16392x128xf32, #tpu.memory_space<hbm>> -> memref<16x128xf32, #tpu.memory_space<hbm>>
        tpu.wait_dma2 semaphore(%arg21 : memref<!tpu.dma_semaphore, #tpu.memory_space<semaphore_mem>>) src(%dma_wait3A_631 : memref<16x128xf32, #tpu.memory_space<hbm>>) dst(%dma_wait3A_628 : memref<16x128xf32, #tpu.memory_space<vmem>>)
      }
      %while3A_619 = arith.constant 1 : i32
      scf.for %while3A_620 = %while3A_617 to %while3A_613 step %while3A_619  : i32 {
        %dma_wait3A = arith.constant 0 : i32
        %dma_wait3A_621 = arith.constant 0 : i32
        %dma_wait3A_622 = tpu.memref_slice %arg18[%dma_wait3A, %dma_wait3A_621] : memref<128x128xf32, #tpu.memory_space<vmem>> -> memref<16x128xf32, #tpu.memory_space<vmem>>
        %dma_wait3A_623 = arith.constant 0 : i32
        %dma_wait3A_624 = arith.constant 0 : i32
        %dma_wait3A_625 = tpu.memref_slice %arg5[%dma_wait3A_623, %dma_wait3A_624] : memref<16392x128xf32, #tpu.memory_space<hbm>> -> memref<16x128xf32, #tpu.memory_space<hbm>>
        %dma_wait3A_626 = arith.constant 0 : i32
        %dma_wait3A_627 = arith.constant 0 : i32
        %dma_wait3A_628 = tpu.memref_slice %arg18[%dma_wait3A_626, %dma_wait3A_627] : memref<128x128xf32, #tpu.memory_space<vmem>> -> memref<16x128xf32, #tpu.memory_space<vmem>>
        %dma_wait3A_629 = arith.constant 0 : i32
        %dma_wait3A_630 = arith.constant 0 : i32
        %dma_wait3A_631 = tpu.memref_slice %arg5[%dma_wait3A_629, %dma_wait3A_630] : memref<16392x128xf32, #tpu.memory_space<hbm>> -> memref<16x128xf32, #tpu.memory_space<hbm>>
        tpu.wait_dma2 semaphore(%arg21 : memref<!tpu.dma_semaphore, #tpu.memory_space<semaphore_mem>>) src(%dma_wait3A_631 : memref<16x128xf32, #tpu.memory_space<hbm>>) dst(%dma_wait3A_628 : memref<16x128xf32, #tpu.memory_space<vmem>>)
      }
    } else {
    }
    return
  }
}

module attributes {stable_mosaic.version = 14 : i64} {
  func.func @_loss_body(%arg0: memref<16392x128xf32, #tpu.memory_space<vmem>>, %arg1: memref<16392x128xf32, #tpu.memory_space<vmem>>, %arg2: memref<16384xf32, #tpu.memory_space<vmem>>, %arg3: memref<16384xf32, #tpu.memory_space<vmem>>, %arg4: memref<1x1xf32, #tpu.memory_space<smem>>) attributes {dimension_semantics = [], scalar_prefetch = 0 : i64, scratch_operands = 0 : i64, tpu.core_type = #tpu.core_type<tc>} {
    %get3A = arith.constant 0 : index
    %get3A_0 = arith.constant 0 : index
    %get3A_1 = vector.load %arg0[%get3A, %get3A_0] : memref<16392x128xf32, #tpu.memory_space<vmem>>, vector<16384x64xf32>
    %get3A_2 = arith.constant 0 : index
    %get3A_3 = arith.constant 0 : index
    %get3A_4 = vector.load %arg1[%get3A_2, %get3A_3] : memref<16392x128xf32, #tpu.memory_space<vmem>>, vector<16384x64xf32>
    %sub3A = arith.subf %get3A_1, %get3A_4 : vector<16384x64xf32>
    %mul3A = arith.mulf %sub3A, %sub3A : vector<16384x64xf32>
    %reduce_sum3A = arith.constant dense<0.000000e+00> : vector<16384xf32>
    %reduce_sum3A_5 = vector.multi_reduction <add>, %mul3A, %reduce_sum3A [1] : vector<16384x64xf32> to vector<16384xf32>
    %sqrt3A = math.sqrt %reduce_sum3A_5 : vector<16384xf32>
    %mul3A_6 = arith.constant 1.250000e-01 : f32
    %mul3A_7 = vector.broadcast %mul3A_6 : f32 to vector<16384xf32>
    %mul3A_8 = arith.mulf %sqrt3A, %mul3A_7 : vector<16384xf32>
    %get3A_9 = arith.constant 0 : index
    %get3A_10 = vector.load %arg2[%get3A_9] : memref<16384xf32, #tpu.memory_space<vmem>>, vector<16384xf32>
    %sub3A_11 = arith.subf %mul3A_8, %get3A_10 : vector<16384xf32>
    %mul3A_12 = arith.mulf %sub3A_11, %sub3A_11 : vector<16384xf32>
    %get3A_13 = arith.constant 0 : index
    %get3A_14 = vector.load %arg3[%get3A_13] : memref<16384xf32, #tpu.memory_space<vmem>>, vector<16384xf32>
    %mul3A_15 = arith.mulf %mul3A_12, %get3A_14 : vector<16384xf32>
    %reduce_sum3A_16 = vector.shape_cast %mul3A_15 : vector<16384xf32> to vector<1x16384xf32>
    %reduce_sum3A_17 = arith.constant dense<0.000000e+00> : vector<1xf32>
    %reduce_sum3A_18 = vector.multi_reduction <add>, %reduce_sum3A_16, %reduce_sum3A_17 [1] : vector<1x16384xf32> to vector<1xf32>
    %reduce_sum3A_19 = vector.shape_cast %reduce_sum3A_18 : vector<1xf32> to vector<1x1xf32>
    %reduce_sum3A_20 = vector.extract %reduce_sum3A_19[0, 0] : f32 from vector<1x1xf32>
    %mul3A_21 = arith.constant 6.10351563E-5 : f32
    %mul3A_22 = arith.mulf %reduce_sum3A_20, %mul3A_21 : f32
    %swap3A = arith.constant 0 : index
    %swap3A_23 = arith.constant 0 : index
    %swap3A_24 = memref.load %arg4[%swap3A, %swap3A_23] : memref<1x1xf32, #tpu.memory_space<smem>>
    memref.store %mul3A_22, %arg4[%swap3A, %swap3A_23] : memref<1x1xf32, #tpu.memory_space<smem>>
    return
  }
}

</mosaic_0001>

<sc_bundles>
// kernel: kernel.4.cloned.1.call-start
scs
__scs_entry_jumppad:
0x0: {  	(pc) =	sbr.rel $0x88, $3  }
0x1: {  	(tag) =	ssettag $0x0;
	lr =	simm.s32 $0x1  }
0x2: {  	[smem:$0x3F9C] =	sst lr;
	_ =	strace $0xD0000000  }
0x3: {  	_ = 	snop  }
0x4: {  	_ = 	snop  }
0x5: {  	_ = 	snop  }
0x6: {  	_ = 	snop  }
0x7: {  	_ = 	snop  }
__scs_overlays_trampoline_lowered:
0x8: {  	[smem:$0x3FAB] =	sst s0  }
0x9: {  	[smem:$0x3FAC] =	sst s1  }
0xa: {  	[smem:$0x3FAD] =	sst s2  }
0xb: {  	[smem:$0x3FAE] =	sst s3  }
0xc: {  	[smem:$0x3FAF] =	sst s4  }
0xd: {  	[smem:$0x3FB0] =	sst s5  }
0xe: {  	[smem:$0x3FB1] =	sst s6  }
0xf: {  	[smem:$0x3FB2] =	sst s7  }
0x10: {  	[smem:$0x3FB3] =	sst s8  }
0x11: {  	[smem:$0x3FB4] =	sst s9;
	s0 =	simm.s32 @!p0 $0x0  }
0x12: {  	s1 =	sld [smem:$0x3F9A];
	s0 =	simm.s32 @p0 $0x1  }
0x13: {  	[smem:$0x3FB5] =	sst s0;
	s0 =	simm.s32 @!p1 $0x0  }
0x14: {  	s2 =	sld [smem:$0x3F99];
	s0 =	simm.s32 @p1 $0x1  }
0x15: {  	[smem:$0x3FB6] =	sst s0;
	s0 =	simm.s32 @!p2 $0x0  }
0x16: {  	s3 =	sld [smem:$0x3FDB];
	s0 =	simm.s32 @p2 $0x1  }
0x17: {  	s4 =	simm.s32 $0x1BF5;
	[smem:$0x3FB8] =	sst s0  }
0x18: {  	s0 =	sld [smem:$0x3F9B];
	_ =	swait.ge [sflag:s4], $0x0  }
0x19: {  	s7 =	sld [smem:$0x3F9C]  }
0x1a: {  	s8 =	sadd.s32 $0xFFFFE003, lr  }
0x1b: {  	s9 =	sadd.s32 $0xFFFFFEF7, lr;
	s5 =	simm.s32 $0xFFFFFFFF;
	p2 =	slt.u32 s8, $0xFFFFF086  }
0x1c: {  	p1 =	slt.u32 s9, $0xF7A;
	s5 =	simm.s32 @!p2 $0x0  }
0x1d: {  	s5 =	simm.s32 @p1 $0x1;
	p0 =	seq.s32 s7, s2  }
0x1e: {  	s7 =	smul.u32 @!p0 $0xF7A, s2;
	p2 =	seq.s32 @!p0 s5, $0x0  }
0x1f: {  	s9 =	smul.u32 $0xF7A, s1;
	s8 =	simm.s32 @!p0 $0x1BF5;
	p2 =	por !p2, p0  }
0x20: {  	[sflag:s8] =	ssyncset.s32 @!p0 $0xFFFFF086;
	s6 =	sadd.s32 @!p0 s3, s7;
	s7 =	simm.s32 @!p0 $0x108  }
0x21: {  	s3 =	sadd.s32 s3, s9;
	s6 =	sadd.s32 @!p0 $0x88, s6;
	s7 =	simm.s32 @p2 $0x1082  }
0x22: {  	[simem:s7], [sflag:s8] =	dma.local @!p0 [hbm:s6], $0xF7A  }
0x23: {  	s9 =	sor.u32 $0xD0000000, s2;
	s6 =	simm.s32 $0x108;
	_ =	swait.ge @!p0 [sflag:s8], $0x0  }
0x24: {  	s3 =	sadd.s32 $0x88, s3;
	s6 =	simm.s32 @!p1 $0x1082;
	[sflag:s4] =	ssyncset.s32 $0xFFFFF086  }
0x25: {  	[simem:s6], [sflag:s4] =	dma.local [hbm:s3], $0xF7A  }
0x26: {  	[smem:$0x3F9C] =	sst s1;
	(tag) =	ssettag s2;
	_ =	strace s9  }
0x27: {  	s1 =	sld [smem:$0x3FAC]  }
0x28: {  	s2 =	sld [smem:$0x3FAD]  }
0x29: {  	s4 =	sld [smem:$0x3FAF]  }
0x2a: {  	p0 =	seq.s32 s5, $0x0;
	s5 =	sld [smem:$0x3FB0]  }
0x2b: {  	s6 =	sld [smem:$0x3FB1]  }
0x2c: {  	s7 =	sld [smem:$0x3FB2]  }
0x2d: {  	s3 =	simm.s32 $0x108;
	s8 =	sld [smem:$0x3FB3]  }
0x2e: {  	s3 =	simm.s32 @!p0 $0x1082;
	s9 =	sld [smem:$0x3FB4]  }
0x2f: {  	lr =	sadd.s32 s0, s3;
	s0 =	sld [smem:$0x3FAB]  }
0x30: {  	s3 =	sld [smem:$0x3FAE]  }
0x31: {  	[smem:$0x3FB7] =	sst s10  }
0x32: {  	s10 =	sld [smem:$0x3FB5];
	_ =	sdelay $0x3  }
0x33: {  	p0 =	seq.s32 s10, $0x1;
	s10 =	sld [smem:$0x3FB7];
	_ =	sdelay $0x3  }
0x34: {  	[smem:$0x3FB7] =	sst s10  }
0x35: {  	s10 =	sld [smem:$0x3FB6];
	_ =	sdelay $0x3  }
0x36: {  	p1 =	seq.s32 s10, $0x1;
	s10 =	sld [smem:$0x3FB7];
	_ =	sdelay $0x3  }
0x37: {  	[smem:$0x3FB7] =	sst s10  }
0x38: {  	s10 =	sld [smem:$0x3FB8]  }
0x39: {  	_ = 	snop;
	(pc) =	sbr.ind lr, $3  }
0x3a: {  	_ = 	snop  }
0x3b: {  	_ = 	snop  }
0x3c: {  	p2 =	seq.s32 s10, $0x1;
	s10 =	sld [smem:$0x3FB7]  }
0x3d: {  	_ =	shalt  }
0x3e: {  	_ =	shalt  }
0x3f: {  	_ =	shalt  }
0x40: {  	_ =	shalt  }
0x41: {  	_ =	shalt  }
0x42: {  	_ =	shalt  }
0x43: {  	_ =	shalt  }
0x44: {  	_ =	shalt  }
0x45: {  	_ =	shalt  }
0x46: {  	_ =	shalt  }
0x47: {  	_ =	shalt  }
0x48: {  	_ =	shalt  }
0x49: {  	_ =	shalt  }
0x4a: {  	_ =	shalt  }
0x4b: {  	_ =	shalt  }
0x4c: {  	_ =	shalt  }
0x4d: {  	_ =	shalt  }
0x4e: {  	_ =	shalt  }
0x4f: {  	_ =	shalt  }
0x50: {  	_ =	shalt  }
0x51: {  	_ =	shalt  }
0x52: {  	_ =	shalt  }
0x53: {  	_ =	shalt  }
0x54: {  	_ =	shalt  }
0x55: {  	_ =	shalt  }
0x56: {  	_ =	shalt  }
0x57: {  	_ =	shalt  }
0x58: {  	_ =	shalt  }
0x59: {  	_ =	shalt  }
0x5a: {  	_ =	shalt  }
0x5b: {  	_ =	shalt  }
0x5c: {  	_ =	shalt  }
0x5d: {  	_ =	shalt  }
0x5e: {  	_ =	shalt  }
0x5f: {  	_ =	shalt  }
0x60: {  	_ =	shalt  }
0x61: {  	_ =	shalt  }
0x62: {  	_ =	shalt  }
0x63: {  	_ =	shalt  }
0x64: {  	_ =	shalt  }
0x65: {  	_ =	shalt  }
0x66: {  	_ =	shalt  }
0x67: {  	_ =	shalt  }
0x68: {  	_ =	shalt  }
0x69: {  	_ =	shalt  }
0x6a: {  	_ =	shalt  }
0x6b: {  	_ =	shalt  }
0x6c: {  	_ =	shalt  }
0x6d: {  	_ =	shalt  }
0x6e: {  	_ =	shalt  }
0x6f: {  	_ =	shalt  }
0x70: {  	_ =	shalt  }
0x71: {  	_ =	shalt  }
0x72: {  	_ =	shalt  }
0x73: {  	_ =	shalt  }
0x74: {  	_ =	shalt  }
0x75: {  	_ =	shalt  }
0x76: {  	_ =	shalt  }
0x77: {  	_ =	shalt  }
0x78: {  	_ =	shalt  }
0x79: {  	_ =	shalt  }
0x7a: {  	_ =	shalt  }
0x7b: {  	_ =	shalt  }
0x7c: {  	_ =	shalt  }
0x7d: {  	_ =	shalt  }
0x7e: {  	_ =	shalt  }
0x7f: {  	_ =	shalt  }
0x80: {  	_ =	shalt  }
0x81: {  	_ =	shalt  }
0x82: {  	_ =	shalt  }
0x83: {  	_ =	shalt  }
0x84: {  	_ =	shalt  }
0x85: {  	_ =	shalt  }
0x86: {  	_ =	shalt  }
0x87: {  	_ =	shalt  }
.Lfunc_end0:
.L_simem_size_0:
called_computation_lowered:
.L_overlay_start_0:
0x88: {  	s2 =	sld [smem:$0x3FD9]  }
0x89: {  	s3 =	sld [smem:$0x3FFE];
	_ =	sdelay $0x1  }
0x8a: {  	s1 =	srdreg.scid  }
0x8b: {  	s0 =	sand.u32 $0x1, s1  }
0x8c: {  	s17 =	sshll.u32 s0, $0xA;
	s2 =	sadd.s32 s3, s2  }
0x8d: {  	s2 =	sadd.s32 s2, s17  }
0x8e: {  	[smem:$0x3FC3] =	sst s2  }
0x8f: {  	_ = 	snop  }
0x90: {  	s2 =	sld [smem:$0x3FC9]  }
0x91: {  	s18 =	sld [smem:$0x3FC8]  }
0x92: {  	s4 =	sld [smem:$0x3FC7];
	(tm) =	ssettm $0x1  }
0x93: {  	s5 =	sld [smem:$0x3FFB];
	_ =	sdelay $0x3  }
0x94: {  	_ =	strace s5  }
0x95: {  	s5 =	sld [smem:$0x3FFC];
	_ =	sdelay $0x3  }
0x96: {  	_ =	strace s5  }
0x97: {  	s5 =	sld [smem:$0x3FFD];
	_ =	sdelay $0x3  }
0x98: {  	_ =	strace s5  }
0x99: {  	_ =	strace $0x8FFFFFFF  }
0x9a: {  	s19 =	sld [smem:$0x3FDB];
	_ =	sdelay $0x1  }
0x9b: {  	s6 =	simm.s32 $_scs_section_size  }
0x9c: {  	s7 =	simm.s32 $_size__tile_overlayer_lowered;
	s8 =	simm.s32 $_tile_overlayer_lowered  }
0x9d: {  	s22 =	simm.s32 $0x1BFF;
	s21 =	sshll.u32 s8, $0x1;
	s5 =	sadd.s32 s6, s19  }
0x9e: {  	s9 =	simm.s32 $0x0;
	s20 =	sshll.u32 s7, $0x1;
	s7 =	sadd.s32 s21, s5  }
0x9f: {  	[timem:s9], [sflag:s22] =	dma.local [hbm:s7], s20  }
0xa0: {  	_ =	swait.ge [sflag:s22], s20  }
0xa1: {  	s6 =	ssub.s32 $0x0, s20;
	[sflag:s22] =	ssyncset.done $0x0  }
0xa2: {  	[sflag:s22] =	ssyncadd.s32 s6;
	_ =	sdelay $0x1  }
0xa3: {  	s23 =	simm.s32 $0x1B8B  }
0xa4: {  	_ =	swait.ge [sflag:s23], $0x1  }
0xa5: {  	[sflag:s23] =	ssyncset.done $0x0  }
0xa6: {  	s25 =	simm.s32 $0x1B8E;
	s24 =	sld [smem:$0x3FFE];
	[sflag:s23] =	ssyncadd.s32 $0xFFFFFFFF  }
0xa7: {  	s26 =	simm.s32 $execute0_lowered;
	[smem:$0x3FD2] =	sst s25  }
0xa8: {  	s7 =	sshll.u32 s26, $0x1;
	_ =	strace $0x80000046;
	[dreg:$0x1] =	wrdreg $0xFFFFFFFF  }
0xa9: {  	s28 =	simm.s32 $_size_execute0_lowered;
	s5 =	sadd.s32 s5, s7;
	[dreg:$0x0] =	wrdreg $0x0  }
0xaa: {  	s7 =	sshll.u32 s28, $0x1;
	[dreg:$0x2] =	wrdreg s5  }
0xab: {  	[dreg:$0x3] =	wrdreg s7  }
0xac: {  	[dreg:$0x4] =	wrdreg $0xC0  }
0xad: {  	_ =	task [dreg:s9], $0x5FFFF  }
0xae: {  	[dreg:$0x1] =	wrdreg $0xFFFFFFFF  }
0xaf: {  	[dreg:$0x0] =	wrdreg $0x60  }
0xb0: {  	[dreg:$0x2] =	wrdreg s2  }
0xb1: {  	[dreg:$0x3] =	wrdreg s18  }
0xb2: {  	[dreg:$0x4] =	wrdreg s4  }
0xb3: {  	[dreg:$0x5] =	wrdreg s24  }
0xb4: {  	[dreg:$0x6] =	wrdreg $0x9  }
0xb5: {  	_ =	task.clear_ibuf [dreg:s9], $0x7FFFF;
	_ =	strace $0x90000046  }
0xb6: {  	s29 =	simm.s32 $0x9;
	_ =	strace $0x8000004B  }
0xb7: {  	_ =	swait.ge [sflag:s29], $0x1  }
0xb8: {  	[sflag:s29] =	ssyncadd.s32 $0xFFFFFFFF  }
0xb9: {  	_ =	strace $0x9000004B  }
0xba: {  	_ =	sfence  }
0xbb: {  	s30 =	sld [smem:$0x0];
	_ =	sdelay $0x2  }
0xbc: {  	s31 =	sshll.u32 s1, $0xD;
	s1 =	sshrl.u32 s1, $0x2  }
0xbd: {  	s3 =	sand.u32 $0x4000, s31;
	s1 =	sadd.s32 s1, s30  }
0xbe: {  	s0 =	sor.u32 s3, s0;
	s1 =	sshll.u32 s1, $0x11  }
0xbf: {  	s0 =	sor.u32 s1, s0  }
0xc0: {  	s0 =	sadd.s32 $0x8F2B, s0  }
0xc1: {  	[sflag:s0] =	ssyncadd.remote.s32 $0x1  }
0xc2: {  	_ =	sfence.sel $0xFFFF  }
0xc3: {  	[dreg:$0x0] =	wrdreg $0xFFFFFFFF;
	(pc) =	sbr.abs _section_cstart, $3  }
0xc4: {  	[dreg:$0x1] =	wrdreg $0xFFFFFFFF  }
0xc5: {  	_ =	task.clear_ibuf [dreg:s9], $0x2FFFF;
	_ =	strace $0x9FFFFFFF  }
0xc6: {  	(tm) =	ssettm $0x7FFFFFFF  }
0xc7: {  	_ =	shalt  }
tec
execute0_lowered:
.L_overlay_start_1:
0x0: {  	(tag) =	ssettag $0x1  }
0x1: {  	v0 =	vimm.s32 $0x1780;
	vm0 =	vcmask $0x300;
	vm1 =	vcmask $0x704  }
0x2: {  	vm2 =	vcmask $0xB08;
	vm15 =	vcmask $0xF0C;
	vm3 =	vcmask $0x1310  }
0x3: {  	vm4 =	vcmask $0x1714;
	vm5 =	vcmask $0x1B18;
	vm6 =	vcmask $0x1F1C  }
0x4: {  	vm7 =	vcmask $0x2320;
	vm8 =	vcmask $0x2724;
	vm9 =	vcmask $0x2B28  }
0x5: {  	vm10 =	vcmask $0x2F2C;
	vm11 =	vcmask $0x3330;
	vm12 =	vcmask $0x3734  }
0x6: {  	vm13 =	vcmask $0x3B38;
	vm14 =	vcmask $0x3F3C;
	v5 =	vimm.s32 $0x3F80  }
0x7: {  	v6 =	vimm.s32 $0x6780;
	v7 =	vimm.s32 $0x8F80;
	v0 =	vsel vm0, $0x0, v0  }
0x8: {  	v5 =	vsel vm0, $0x2800, v5;
	v6 =	vsel vm0, $0x5000, v6;
	v7 =	vsel vm0, $0x7800, v7  }
0x9: {  	v0 =	vsel vm1, $0x80, v0;
	v5 =	vsel vm1, $0x2880, v5;
	v6 =	vsel vm1, $0x5080, v6  }
0xa: {  	v7 =	vsel vm1, $0x7880, v7;
	v0 =	vsel vm2, $0x100, v0;
	v5 =	vsel vm2, $0x2900, v5  }
0xb: {  	v6 =	vsel vm2, $0x5100, v6;
	v7 =	vsel vm2, $0x7900, v7;
	v0 =	vsel vm15, $0x180, v0  }
0xc: {  	v5 =	vsel vm15, $0x2980, v5;
	v6 =	vsel vm15, $0x5180, v6;
	v7 =	vsel vm15, $0x7980, v7  }
0xd: {  	s0 =	srdreg.scid;
	v0 =	vsel vm3, $0x200, v0;
	v5 =	vsel vm3, $0x2A00, v5;
	v6 =	vsel vm3, $0x5200, v6  }
0xe: {  	s2 =	stileid.u32;
	s28 =	rddreg [dreg:$0x0];
	v7 =	vsel vm3, $0x7A00, v7;
	v0 =	vsel vm4, $0x280, v0;
	v5 =	vsel vm4, $0x2A80, v5  }
0xf: {  	s3 =	simm.s32 $0x5;
	s29 =	rddreg [dreg:$0x3];
	s4 =	simm.s32 $0x0;
	v6 =	vsel vm4, $0x5280, v6;
	v7 =	vsel vm4, $0x7A80, v7;
	v0 =	vsel vm5, $0x300, v0  }
0x10: {  	s10 =	simm.s32 $0x2;
	s12 =	simm.s32 $0x1;
	s13 =	simm.s32 $0xE100;
	v5 =	vsel vm5, $0x2B00, v5;
	v6 =	vsel vm5, $0x5300, v6;
	v7 =	vsel vm5, $0x7B00, v7  }
0x11: {  	s14 =	simm.s32 $0xF500;
	s1 =	sand.u32 $0x1, s0;
	s25 =	sshll.u32 s2, $0x1;
	v0 =	vsel vm6, $0x380, v0;
	v5 =	vsel vm6, $0x2B80, v5;
	v6 =	vsel vm6, $0x5380, v6  }
0x12: {  	s15 =	simm.s32 $0x10900;
	s16 =	simm.s32 $0x11D00;
	s0 =	sor.u32 s1, s25;
	v7 =	vsel vm6, $0x7B80, v7;
	v0 =	vsel vm7, $0x1400, v0;
	v5 =	vsel vm7, $0x3C00, v5  }
0x13: {  	s17 =	simm.s32 $0x13100;
	s26 =	smul.u32 $0xF4, s0;
	p0 =	seq.s32 s0, $0x1F;
	v6 =	vsel vm7, $0x6400, v6;
	v7 =	vsel vm7, $0x8C00, v7;
	v0 =	vsel vm8, $0x1480, v0  }
0x14: {  	s18 =	simm.s32 $0x14500;
	s19 =	simm.s32 $0x15900;
	s3 =	simm.s32 @!p0 $0x0;
	v5 =	vsel vm8, $0x3C80, v5;
	v6 =	vsel vm8, $0x6480, v6;
	v7 =	vsel vm8, $0x8C80, v7  }
0x15: {  	s20 =	simm.s32 $0x16D00;
	s21 =	simm.s32 $0x1C500;
	s3 =	sadd.s32 s3, s26;
	v1 =	vsel vm9, $0x1500, v0;
	v0 =	vmov s26;
	v5 =	vsel vm9, $0x3D00, v5  }
0x16: {  	s22 =	simm.s32 $0x10;
	s7 =	smul.u32 $0x7A00, s0;
	s3 =	sadd.s32 $0xF4, s3;
	v6 =	vsel vm9, $0x6500, v6;
	v7 =	vsel vm9, $0x8D00, v7;
	v2 =	vsel vm10, $0x1580, v1  }
0x17: {  	[smem:$0x7FF] =	sst s4;
	s31 =	sadd.s32 $0xF4000, s28;
	s1 =	ssub.s32 $0x2, s1;
	v1 =	vmov s3;
	v5 =	vsel vm10, $0x3D80, v5;
	v6 =	vsel vm10, $0x6580, v6  }
.Ltmp0:
0x18: {  	s2 =	sadd.s32 $0xF4200, s28;
	s30 =	sshrl.u32 s1, $0x1;
	v7 =	vsel vm10, $0x8D80, v7;
	v3 =	vsel vm11, $0x1600, v2;
	v2 =	vmov s7;
	(pc) =	sbr.rel .LBB2_1-.Ltmp0, $4  }
0x19: {  	_ =	strace $0x80000047;
	[dreg:$0x6] =	wrdreg s31;
	s1 =	ssub.s32 s1, s30;
	v5 =	vsel vm11, $0x3E00, v5;
	v6 =	vsel vm11, $0x6600, v6;
	v7 =	vsel vm11, $0x8E00, v7  }
0x1a: {  	s5 =	sadd.s32 $0x1000, s29;
	[dreg:$0x7] =	wrdreg s2;
	s1 =	smax.u32 s1, $0x1;
	v4 =	vsel vm12, $0x1680, v3;
	v3 =	vlaneseq.u32;
	v5 =	vsel vm12, $0x3E80, v5  }
0x1b: {  	s6 =	sadd.s32 $0x41200, s29;
	s11 =	sadd.s32 s28, s7;
	[dreg:$0x8] =	wrdreg s1;
	v6 =	vsel vm12, $0x6680, v6;
	v7 =	vsel vm12, $0x8E80, v7;
	v4 =	vsel vm13, $0x1700, v4  }
0x1c: {  	p0 =	sne.s32 s0, $0x1F;
	s1 =	simm.s32 $0x0;
	[dreg:$0x5] =	wrdreg s11;
	v5 =	vsel vm13, $0x3F00, v5;
	v6 =	vsel vm13, $0x6700, v6;
	v7 =	vsel vm13, $0x8F00, v7  }
.LBB2_51:
0x1d: {  	[sflag:s12] =	ssyncadd.s32 $0xFFFFF800  }
.LBB2_52:
0x1e: {  	s1 =	sadd.s32 $0x1, s1;
	s0 =	rddreg [dreg:$0x8]  }
0x1f: {  	p1 =	sne.s32 s1, s0  }
.Ltmp1:
0x20: {  	_ = 	snop;
	(pc) =	sbr.rel @!p1 .LBB2_53-.Ltmp1, $1  }
0x21: {  	_ =	sdelay $0x3  }
.LBB2_1:
0x22: {  	[dreg:$0x9] =	wrdreg s1  }
0x23: {  	s0 =	rddreg [dreg:$0x1]  }
0x24: {  	[tilespmem:s4], [sflag:$0x2] =	stream.linear.gather [hbm4b:s0+s4], $0x4000, $0x38;
	[tilespmem:$0x1C580] =	vst v63  }
0x25: {  	_ =	swait.ge [sflag:s10], $0x4000  }
0x26: {  	[sflag:s10] =	ssyncset.done $0x0  }
0x27: {  	[sflag:s10] =	ssyncadd.s32 $0xFFFFC000  }
0x28: {  	s28 =	simm.s32 $0x4000;
	s29 =	rddreg [dreg:$0x2]  }
0x29: {  	[tilespmem:s28], [sflag:$0x2] =	stream.linear.gather [hbm4b:s29+s4], $0x4000, $0x38;
	[tilespmem:$0x1C580] =	vst v63  }
0x2a: {  	_ =	swait.ge [sflag:s10], $0x4000  }
0x2b: {  	[sflag:s10] =	ssyncset.done $0x0  }
0x2c: {  	[sflag:s10] =	ssyncadd.s32 $0xFFFFC000  }
0x2d: {  	[smem:$0x0] =	sst s4  }
0x2e: {  	[smem:$0x80] =	sst s4  }
0x2f: {  	[smem:$0x1] =	sst s4  }
0x30: {  	[smem:$0x81] =	sst s4  }
0x31: {  	[smem:$0x2] =	sst s4  }
0x32: {  	[smem:$0x82] =	sst s4  }
0x33: {  	[smem:$0x3] =	sst s4  }
0x34: {  	[smem:$0x83] =	sst s4  }
0x35: {  	[smem:$0x4] =	sst s4  }
0x36: {  	[smem:$0x84] =	sst s4  }
0x37: {  	[smem:$0x5] =	sst s4  }
0x38: {  	[smem:$0x85] =	sst s4  }
0x39: {  	[smem:$0x6] =	sst s4  }
0x3a: {  	[smem:$0x86] =	sst s4  }
0x3b: {  	[smem:$0x7] =	sst s4  }
0x3c: {  	[smem:$0x87] =	sst s4  }
0x3d: {  	[smem:$0x8] =	sst s4  }
0x3e: {  	[smem:$0x88] =	sst s4  }
0x3f: {  	[smem:$0x9] =	sst s4  }
0x40: {  	[smem:$0x89] =	sst s4  }
0x41: {  	[smem:$0xA] =	sst s4  }
0x42: {  	[smem:$0x8A] =	sst s4  }
0x43: {  	[smem:$0xB] =	sst s4  }
0x44: {  	[smem:$0x8B] =	sst s4  }
0x45: {  	[smem:$0xC] =	sst s4  }
0x46: {  	[smem:$0x8C] =	sst s4  }
0x47: {  	[smem:$0xD] =	sst s4  }
0x48: {  	[smem:$0x8D] =	sst s4  }
0x49: {  	[smem:$0xE] =	sst s4  }
0x4a: {  	[smem:$0x8E] =	sst s4  }
0x4b: {  	[smem:$0xF] =	sst s4  }
0x4c: {  	[smem:$0x8F] =	sst s4  }
0x4d: {  	[smem:$0x10] =	sst s4  }
0x4e: {  	[smem:$0x90] =	sst s4  }
0x4f: {  	[smem:$0x11] =	sst s4  }
0x50: {  	[smem:$0x91] =	sst s4  }
0x51: {  	[smem:$0x12] =	sst s4  }
0x52: {  	[smem:$0x92] =	sst s4  }
0x53: {  	[smem:$0x13] =	sst s4  }
0x54: {  	[smem:$0x93] =	sst s4  }
0x55: {  	[smem:$0x14] =	sst s4  }
0x56: {  	[smem:$0x94] =	sst s4  }
0x57: {  	[smem:$0x15] =	sst s4  }
0x58: {  	[smem:$0x95] =	sst s4  }
0x59: {  	[smem:$0x16] =	sst s4  }
0x5a: {  	[smem:$0x96] =	sst s4  }
0x5b: {  	[smem:$0x17] =	sst s4  }
0x5c: {  	[smem:$0x97] =	sst s4  }
0x5d: {  	[smem:$0x18] =	sst s4  }
0x5e: {  	[smem:$0x98] =	sst s4  }
0x5f: {  	[smem:$0x19] =	sst s4  }
0x60: {  	[smem:$0x99] =	sst s4  }
0x61: {  	[smem:$0x1A] =	sst s4  }
0x62: {  	[smem:$0x9A] =	sst s4  }
0x63: {  	[smem:$0x1B] =	sst s4  }
0x64: {  	[smem:$0x9B] =	sst s4  }
0x65: {  	[smem:$0x1C] =	sst s4  }
0x66: {  	[smem:$0x9C] =	sst s4  }
0x67: {  	[smem:$0x1D] =	sst s4  }
0x68: {  	[smem:$0x9D] =	sst s4  }
0x69: {  	[smem:$0x1E] =	sst s4  }
0x6a: {  	[smem:$0x9E] =	sst s4  }
0x6b: {  	[smem:$0x1F] =	sst s4  }
0x6c: {  	[smem:$0x9F] =	sst s4  }
0x6d: {  	[smem:$0x20] =	sst s4  }
0x6e: {  	[smem:$0xA0] =	sst s4  }
0x6f: {  	[smem:$0x21] =	sst s4  }
0x70: {  	[smem:$0xA1] =	sst s4  }
0x71: {  	[smem:$0x22] =	sst s4  }
0x72: {  	[smem:$0xA2] =	sst s4  }
0x73: {  	[smem:$0x23] =	sst s4  }
0x74: {  	[smem:$0xA3] =	sst s4  }
0x75: {  	[smem:$0x24] =	sst s4  }
0x76: {  	[smem:$0xA4] =	sst s4  }
0x77: {  	[smem:$0x25] =	sst s4  }
0x78: {  	[smem:$0xA5] =	sst s4  }
0x79: {  	[smem:$0x26] =	sst s4  }
0x7a: {  	[smem:$0xA6] =	sst s4  }
0x7b: {  	[smem:$0x27] =	sst s4  }
0x7c: {  	[smem:$0xA7] =	sst s4  }
0x7d: {  	[smem:$0x28] =	sst s4  }
0x7e: {  	[smem:$0xA8] =	sst s4  }
0x7f: {  	[smem:$0x29] =	sst s4  }
0x80: {  	[smem:$0xA9] =	sst s4  }
0x81: {  	[smem:$0x2A] =	sst s4  }
0x82: {  	[smem:$0xAA] =	sst s4  }
0x83: {  	[smem:$0x2B] =	sst s4  }
0x84: {  	[smem:$0xAB] =	sst s4  }
0x85: {  	[smem:$0x2C] =	sst s4  }
0x86: {  	[smem:$0xAC] =	sst s4  }
0x87: {  	[smem:$0x2D] =	sst s4  }
0x88: {  	[smem:$0xAD] =	sst s4  }
0x89: {  	[smem:$0x2E] =	sst s4  }
0x8a: {  	[smem:$0xAE] =	sst s4  }
0x8b: {  	[smem:$0x2F] =	sst s4  }
0x8c: {  	[smem:$0xAF] =	sst s4  }
0x8d: {  	[smem:$0x30] =	sst s4  }
0x8e: {  	[smem:$0xB0] =	sst s4  }
0x8f: {  	[smem:$0x31] =	sst s4  }
0x90: {  	[smem:$0xB1] =	sst s4  }
0x91: {  	[smem:$0x32] =	sst s4  }
0x92: {  	[smem:$0xB2] =	sst s4  }
0x93: {  	[smem:$0x33] =	sst s4  }
0x94: {  	[smem:$0xB3] =	sst s4  }
0x95: {  	[smem:$0x34] =	sst s4  }
0x96: {  	[smem:$0xB4] =	sst s4  }
0x97: {  	[smem:$0x35] =	sst s4  }
0x98: {  	[smem:$0xB5] =	sst s4  }
0x99: {  	[smem:$0x36] =	sst s4  }
0x9a: {  	[smem:$0xB6] =	sst s4  }
0x9b: {  	[smem:$0x37] =	sst s4  }
0x9c: {  	[smem:$0xB7] =	sst s4  }
0x9d: {  	[smem:$0x38] =	sst s4  }
0x9e: {  	[smem:$0xB8] =	sst s4  }
0x9f: {  	[smem:$0x39] =	sst s4  }
0xa0: {  	[smem:$0xB9] =	sst s4  }
0xa1: {  	[smem:$0x3A] =	sst s4  }
0xa2: {  	[smem:$0xBA] =	sst s4  }
0xa3: {  	[smem:$0x3B] =	sst s4  }
0xa4: {  	[smem:$0xBB] =	sst s4  }
0xa5: {  	[smem:$0x3C] =	sst s4  }
0xa6: {  	[smem:$0xBC] =	sst s4  }
0xa7: {  	[smem:$0x3D] =	sst s4  }
0xa8: {  	[smem:$0xBD] =	sst s4  }
0xa9: {  	[smem:$0x3E] =	sst s4  }
0xaa: {  	[smem:$0xBE] =	sst s4  }
0xab: {  	[smem:$0x3F] =	sst s4  }
0xac: {  	[smem:$0xBF] =	sst s4  }
0xad: {  	_ =	strace $0x80000048  }
0xae: {  	v8 =	vld [tilespmem:s4+$0x0]  }
0xaf: {  	v9 =	vld [tilespmem:s28+$0x0];
	_ =	sdelay $0x3  }
0xb0: {  	v10 =	vshrl.u32 v8, $0x7  }
0xb1: {  	v11 =	vshrl.u32 v9, $0x7;
	vm1 =	vge.u32 v10, v0;
	vm15 =	vlt.u32 v10, v1  }
0xb2: {  	vm2 =	vge.u32 v11, v0;
	vm0 =	vlt.u32 v11, v1;
	vm15 =	vmand vm1, vm15  }
0xb3: {  	vm0 =	vmand vm2, vm0;
	v10 =	vmpcnt.ones.xlane vm15  }
0xb4: {  	v11 =	vmpcnt.ones.xlane vm0  }
0xb5: {  	(v2sf) =	vpush v10, $0x0  }
0xb6: {  	(v2sf) =	vpush v11, $0x0;
	_ =	sdelay $0x1  }
0xb7: {  	[tilespmem:s4+$0x8000] =	vst.msk vm15, v8;
	v10 =	vor.u32 s4, v3  }
0xb8: {  	[tilespmem:s4+$0x9000] =	vst.msk vm15, v10  }
0xb9: {  	[tilespmem:s4+$0xA000] =	vst.msk vm0, v9  }
0xba: {  	s0 =	simm.s32 $0x10;
	[tilespmem:s4+$0xB000] =	vst.msk vm0, v10  }
0xbb: {  	s3 =	simm.s32 $0x4010;
	v9 =	vld [tilespmem:s0+$0x0]  }
0xbc: {  	v8 =	vld [tilespmem:s3+$0x0];
	_ =	sdelay $0x3  }
0xbd: {  	v10 =	vshrl.u32 v9, $0x7  }
0xbe: {  	vm0 =	vge.u32 v10, v0;
	vm15 =	vlt.u32 v10, v1;
	v10 =	vshrl.u32 v8, $0x7  }
0xbf: {  	vm0 =	vmand vm0, vm15;
	vm1 =	vge.u32 v10, v0;
	vm15 =	vlt.u32 v10, v1  }
0xc0: {  	v11 =	vmpcnt.ones.xlane vm0;
	vm15 =	vmand vm1, vm15;
	s30 =	spop (v2sf)  }
0xc1: {  	s8 =	simm.s32 $0x20;
	v10 =	vmpcnt.ones.xlane vm15;
	s2 =	sadd.s32 $0x0, s30;
	s31 =	spop (v2sf)  }
0xc2: {  	s9 =	simm.s32 $0x10;
	(v2sf) =	vpush v11, $0x0;
	p2 =	slt.s32 s2, $0xFF0;
	s1 =	sadd.s32 $0x0, s31  }
.LBB2_2:
0xc3: {  	p1 =	sne.s32 s8, $0x3FF0;
	(v2sf) =	vpush v10, $0x0;
	s2 =	simm.s32 @!p2 $0xFF0;
	p2 =	slt.s32 s1, $0xFF0  }
0xc4: {  	v10 =	vor.u32 s0, v3;
	s0 =	smov.u32 s8;
	s8 =	sadd.s32 $0x10, s8;
	[tilespmem:s2+$0x8000] =	vst.msk vm0, v9;
	s1 =	simm.s32 @!p2 $0xFF0  }
0xc5: {  	[tilespmem:s2+$0x9000] =	vst.msk vm0, v10  }
0xc6: {  	[tilespmem:s1+$0xA000] =	vst.msk vm15, v8  }
0xc7: {  	s3 =	sadd.s32 $0x10, s3;
	[tilespmem:s1+$0xB000] =	vst.msk vm15, v10  }
0xc8: {  	s9 =	sadd.s32 $0x10, s9;
	v8 =	vld [tilespmem:s3+$0x0]  }
0xc9: {  	v9 =	vld [tilespmem:s9+$0x0];
	_ =	sdelay $0x3  }
0xca: {  	v10 =	vshrl.u32 v8, $0x7  }
0xcb: {  	v11 =	vshrl.u32 v9, $0x7;
	vm15 =	vge.u32 v10, v0;
	vm1 =	vlt.u32 v10, v1  }
.Ltmp2:
0xcc: {  	vm0 =	vge.u32 v11, v0;
	vm2 =	vlt.u32 v11, v1;
	(pc) =	sbr.rel @p1 .LBB2_2-.Ltmp2, $4  }
0xcd: {  	vm15 =	vmand vm15, vm1;
	vm0 =	vmand vm0, vm2  }
0xce: {  	v10 =	vmpcnt.ones.xlane vm15;
	v11 =	vmpcnt.ones.xlane vm0;
	s10 =	spop (v2sf)  }
0xcf: {  	s2 =	sadd.s32 s2, s10;
	s10 =	spop (v2sf)  }
0xd0: {  	(v2sf) =	vpush v11, $0x0;
	p2 =	slt.s32 s2, $0xFF0;
	s1 =	sadd.s32 s1, s10  }
0xd1: {  	_ =	sdelay $0xb  }
0xd2: {  	(v2sf) =	vpush v10, $0x0;
	_ =	sdelay $0x1  }
0xd3: {  	s2 =	simm.s32 @!p2 $0xFF0;
	s3 =	spop (v2sf)  }
0xd4: {  	s8 =	sadd.s32 s2, s3  }
0xd5: {  	p1 =	slt.s32 s8, $0xFF0;
	s3 =	smov.u32 s8  }
0xd6: {  	s3 =	simm.s32 @!p1 $0xFF0  }
0xd7: {  	s9 =	sadd.s32 $0xF, s3  }
0xd8: {  	s28 =	sand.u32 $0xF, s9  }
0xd9: {  	p6 =	slt.s32 s8, $0xFFFFFFF2;
	s29 =	sshra.s32 s9, $0x1F;
	p3 =	sne.s32 s28, $0x0  }
0xda: {  	v63 =	vor.u32 s0, v3;
	[tilespmem:s2+$0x8000] =	vst.msk vm0, v9;
	s30 =	sshrl.u32 s29, $0x1C;
	p1 =	por !p6, !p3  }
0xdb: {  	[tilespmem:s2+$0x9000] =	vst.msk vm0, v63;
	s2 =	simm.s32 $0x1;
	s0 =	sadd.s32 s30, s9;
	p1 =	por !p1, !p1  }
0xdc: {  	s0 =	sshra.s32 s0, $0x4;
	s2 =	simm.s32 @!p1 $0x0  }
0xdd: {  	p2 =	slt.s32 s1, $0xFF0;
	s0 =	ssub.s32 s0, s2  }
0xde: {  	s1 =	simm.s32 @!p2 $0xFF0;
	p2 =	slt.s32 s0, $0x1  }
.Ltmp3:
0xdf: {  	_ = 	snop;
	(pc) =	sbr.rel @p2 .LBB2_7-.Ltmp3, $4  }
0xe0: {  	[tilespmem:s1+$0xA000] =	vst.msk vm15, v8;
	s31 =	spop (v2sf)  }
0xe1: {  	[tilespmem:s1+$0xB000] =	vst.msk vm15, v63;
	s8 =	sadd.s32 s1, s31  }
0xe2: {  	_ =	strace $0x90000048;
	s7 =	smov.u32 s8;
	p1 =	slt.s32 s8, $0xFF0  }
0xe3: {  	vm1 =	vcmask $0x704;
	vm2 =	vcmask $0xB08;
	vm15 =	vcmask $0xF0C;
	_ =	strace $0x80000049;
	s7 =	simm.s32 @!p1 $0xFF0  }
0xe4: {  	s24 =	simm.s32 $0x8000  }
0xe5: {  	v9 =	vld [tilespmem:s24+$0x0];
	_ =	sdelay $0x3  }
0xe6: {  	s25 =	simm.s32 $0x0  }
0xe7: {  	v8 =	vmov s3;
	v10 =	vor.u32 s25, v3;
	v9 =	vsub.s32 v9, v2  }
0xe8: {  	vm0 =	vlt.s32 v10, v8;
	v10 =	vshrl.u32 v9, $0x9  }
0xe9: {  	v10 =	vnsel vm0, $0x3F, v10  }
0xea: {  	(v2sf) =	vpush v10, $0x0;
	_ =	sdelay $0x4  }
0xeb: {  	(v2sf) =	vpush v10, $0x1;
	_ =	sdelay $0x4  }
0xec: {  	(v2sf) =	vpush v10, $0x2;
	_ =	sdelay $0x4  }
0xed: {  	(v2sf) =	vpush v10, $0x3;
	s14 =	spop (v2sf)  }
0xee: {  	s29 =	sld [smem:s14+$0x0];
	_ =	sdelay $0x2  }
0xef: {  	s1 =	sadd.s32 $0x1, s29  }
0xf0: {  	s17 =	spop (v2sf);
	(v2sf) =	vpush v10, $0x4;
	[smem:s14] =	sst s1  }
0xf1: {  	s18 =	sld [smem:s17+$0x0];
	_ =	sdelay $0x2  }
0xf2: {  	s11 =	sadd.s32 $0x1, s18  }
0xf3: {  	s19 =	spop (v2sf);
	(v2sf) =	vpush v10, $0x5;
	[smem:s17] =	sst s11  }
0xf4: {  	s20 =	sld [smem:s19+$0x0];
	_ =	sdelay $0x2  }
0xf5: {  	s15 =	sadd.s32 $0x1, s20  }
0xf6: {  	s23 =	spop (v2sf);
	(v2sf) =	vpush v10, $0x6;
	[smem:s19] =	sst s15  }
0xf7: {  	s3 =	sld [smem:s23+$0x0];
	_ =	sdelay $0x2  }
0xf8: {  	[dreg:$0xa] =	wrdreg s7;
	s16 =	sadd.s32 $0x1, s3  }
0xf9: {  	(v2sf) =	vpush v10, $0x7;
	s7 =	spop (v2sf);
	[smem:s23] =	sst s16  }
0xfa: {  	s16 =	sld [smem:s7+$0x0];
	_ =	sdelay $0x2  }
0xfb: {  	s26 =	sadd.s32 $0x1, s16  }
0xfc: {  	(v2sf) =	vpush v10, $0x8;
	s28 =	spop (v2sf);
	[smem:s7] =	sst s26  }
0xfd: {  	s15 =	sld [smem:s28+$0x0];
	_ =	sdelay $0x2  }
0xfe: {  	s30 =	sadd.s32 $0x1, s15  }
0xff: {  	(v2sf) =	vpush v10, $0x9;
	s11 =	spop (v2sf);
	[smem:s28] =	sst s30  }
0x100: {  	s1 =	sld [smem:s11+$0x0];
	_ =	sdelay $0x2  }
0x101: {  	[dreg:$0xb] =	wrdreg s8;
	s2 =	sadd.s32 $0x1, s1  }
0x102: {  	(v2sf) =	vpush v10, $0xA;
	s31 =	spop (v2sf);
	[smem:s11] =	sst s2  }
0x103: {  	s8 =	sld [smem:s31+$0x0];
	_ =	sdelay $0x2  }
0x104: {  	[dreg:$0xe] =	wrdreg s31;
	s9 =	sadd.s32 $0x1, s8  }
0x105: {  	s30 =	spop (v2sf);
	(v2sf) =	vpush v10, $0xB;
	[smem:s31] =	sst s9  }
0x106: {  	s31 =	sld [smem:s30+$0x0];
	_ =	sdelay $0x2  }
0x107: {  	s10 =	sadd.s32 $0x1, s31  }
0x108: {  	s9 =	spop (v2sf);
	(v2sf) =	vpush v10, $0xC;
	[smem:s30] =	sst s10  }
0x109: {  	p1 =	slt.s32 s29, $0x3F;
	s10 =	sld [smem:s9+$0x0]  }
0x10a: {  	s29 =	simm.s32 @!p1 $0x3F;
	s14 =	sshll.u32 s14, $0x6  }
0x10b: {  	[dreg:$0xd] =	wrdreg s0;
	s14 =	sadd.s32 s29, s14  }
0x10c: {  	[dreg:$0x13] =	wrdreg s14;
	s26 =	sadd.s32 $0x1, s10  }
0x10d: {  	s0 =	spop (v2sf);
	(v2sf) =	vpush v10, $0xD;
	[smem:s9] =	sst s26  }
0x10e: {  	p1 =	slt.s32 s18, $0x3F;
	s2 =	sld [smem:s0+$0x0]  }
0x10f: {  	s18 =	simm.s32 @!p1 $0x3F;
	s17 =	sshll.u32 s17, $0x6;
	p1 =	slt.s32 s20, $0x3F  }
0x110: {  	s17 =	sadd.s32 s18, s17;
	s20 =	simm.s32 @!p1 $0x3F;
	s19 =	sshll.u32 s19, $0x6  }
0x111: {  	s18 =	sadd.s32 s20, s19;
	s20 =	sshll.u32 s23, $0x6;
	s29 =	sadd.s32 $0x1, s2  }
0x112: {  	p1 =	slt.s32 s3, $0x3F;
	s14 =	spop (v2sf);
	(v2sf) =	vpush v10, $0xE;
	[smem:s0] =	sst s29  }
0x113: {  	s3 =	simm.s32 @!p1 $0x3F;
	p1 =	slt.s32 s16, $0x3F;
	s29 =	sld [smem:s14+$0x0]  }
0x114: {  	s16 =	simm.s32 @!p1 $0x3F;
	s7 =	sshll.u32 s7, $0x6;
	p1 =	slt.s32 s15, $0x3F  }
0x115: {  	s7 =	sadd.s32 s16, s7;
	s15 =	simm.s32 @!p1 $0x3F;
	p1 =	slt.s32 s1, $0x3F  }
0x116: {  	s1 =	simm.s32 @!p1 $0x3F;
	[dreg:$0x10] =	wrdreg s0;
	s23 =	sadd.s32 $0x1, s29  }
0x117: {  	s26 =	simm.s32 $0x9000;
	s19 =	spop (v2sf);
	(v2sf) =	vpush v10, $0xF;
	[smem:s14] =	sst s23  }
0x118: {  	p1 =	slt.s32 s8, $0x3F;
	s0 =	sadd.s32 s3, s20;
	v10 =	vld [tilespmem:s26+$0x0];
	s20 =	sld [smem:s19+$0x0]  }
0x119: {  	s11 =	sshll.u32 s11, $0x6;
	s8 =	simm.s32 @!p1 $0x3F;
	p1 =	slt.s32 s31, $0x3F  }
0x11a: {  	s1 =	sadd.s32 s1, s11;
	s31 =	simm.s32 @!p1 $0x3F;
	s23 =	sshll.u32 s28, $0x6  }
0x11b: {  	s15 =	sadd.s32 s15, s23;
	s23 =	rddreg [dreg:$0x13];
	s3 =	sadd.s32 $0x1, s20  }
0x11c: {  	v9 =	vshll.u32 v9, $0xE;
	p1 =	slt.s32 s10, $0x3F;
	s16 =	spop (v2sf);
	[smem:s19] =	sst s3  }
0x11d: {  	s30 =	sshll.u32 s30, $0x6;
	s10 =	simm.s32 @!p1 $0x3F;
	v9 =	vor.u32 v10, v9;
	s11 =	sld [smem:s16+$0x0]  }
0x11e: {  	s9 =	sshll.u32 s9, $0x6;
	p2 =	slt.s32 s2, $0x3F;
	[tilespmem:s23+$0xC000] =	vst.msk $0x1, v9;
	s23 =	rddreg [dreg:$0xe]  }
0x11f: {  	s2 =	simm.s32 @!p2 $0x3F;
	p2 =	slt.s32 s29, $0x3F;
	[tilespmem:s17+$0xC000] =	vst.msk vm1, v9;
	s3 =	sshll.u32 s23, $0x6  }
0x120: {  	s17 =	rddreg [dreg:$0xd];
	[tilespmem:s18+$0xC000] =	vst.msk vm2, v9;
	s3 =	sadd.s32 s8, s3;
	s23 =	sadd.s32 $0x1, s11  }
0x121: {  	[tilespmem:s0+$0xC000] =	vst.msk vm15, v9;
	s8 =	sadd.s32 s31, s30;
	s30 =	spop (v2sf);
	[smem:s16] =	sst s23  }
0x122: {  	s9 =	sadd.s32 s10, s9;
	s29 =	simm.s32 @!p2 $0x3F;
	[tilespmem:s7+$0xC000] =	vst.msk vm3, v9;
	s7 =	sld [smem:s30+$0x0]  }
0x123: {  	p1 =	sne.s32 s17, $0x1;
	p2 =	slt.s32 s20, $0x3F;
	s31 =	rddreg [dreg:$0x10];
	[tilespmem:s15+$0xC000] =	vst.msk vm4, v9  }
0x124: {  	s18 =	sshll.u32 s19, $0x6;
	s20 =	simm.s32 @!p2 $0x3F;
	s10 =	sshll.u32 s31, $0x6;
	[tilespmem:s1+$0xC000] =	vst.msk vm5, v9  }
0x125: {  	s2 =	sadd.s32 s2, s10;
	s10 =	sshll.u32 s14, $0x6;
	[tilespmem:s3+$0xC000] =	vst.msk vm6, v9;
	s14 =	sadd.s32 $0x1, s7  }
0x126: {  	s19 =	sshll.u32 s16, $0x6;
	[tilespmem:s8+$0xC000] =	vst.msk vm7, v9;
	s15 =	spop (v2sf);
	[smem:s30] =	sst s14  }
0x127: {  	s0 =	sshll.u32 s30, $0x6;
	p2 =	slt.s32 s11, $0x3F;
	[tilespmem:s9+$0xC000] =	vst.msk vm8, v9;
	s9 =	sld [smem:s15+$0x0]  }
.Ltmp4:
0x128: {  	s1 =	sadd.s32 s29, s10;
	s11 =	simm.s32 @!p2 $0x3F;
	[tilespmem:s2+$0xC000] =	vst.msk vm9, v9;
	(pc) =	sbr.rel @!p1 .LBB2_6-.Ltmp4, $4  }
0x129: {  	s23 =	sadd.s32 s20, s18;
	s29 =	sadd.s32 s11, s19;
	[tilespmem:s1+$0xC000] =	vst.msk vm10, v9;
	p2 =	slt.s32 s7, $0x3F  }
0x12a: {  	s31 =	sshll.u32 s15, $0x6;
	[tilespmem:s23+$0xC000] =	vst.msk vm11, v9;
	s7 =	simm.s32 @!p2 $0x3F;
	p2 =	slt.s32 s9, $0x3F  }
0x12b: {  	[tilespmem:s29+$0xC000] =	vst.msk vm12, v9;
	s0 =	sadd.s32 s7, s0;
	s30 =	sadd.s32 $0x1, s9;
	s9 =	simm.s32 @!p2 $0x3F  }
0x12c: {  	s28 =	sadd.s32 $0xFFFFFFFF, s17;
	[tilespmem:s0+$0xC000] =	vst.msk vm13, v9;
	[smem:s15] =	sst s30;
	s1 =	sadd.s32 s9, s31  }
.LBB2_5:
0x12d: {  	[tilespmem:s1+$0xC000] =	vst.msk vm14, v9;
	s24 =	sadd.s32 $0x10, s24;
	s26 =	sadd.s32 $0x10, s26;
	s25 =	sadd.s32 $0x10, s25  }
0x12e: {  	p1 =	sne.s32 s28, $0x1;
	s28 =	sadd.s32 $0xFFFFFFFF, s28;
	v9 =	vld [tilespmem:s24+$0x0];
	_ =	sdelay $0x4  }
0x12f: {  	v10 =	vor.u32 s25, v3;
	v9 =	vsub.s32 v9, v2  }
0x130: {  	vm0 =	vlt.s32 v10, v8;
	v10 =	vshrl.u32 v9, $0x9;
	v9 =	vshll.u32 v9, $0xE  }
0x131: {  	v10 =	vnsel vm0, $0x3F, v10  }
0x132: {  	(v2sf) =	vpush v10, $0x0;
	_ =	sdelay $0x4  }
0x133: {  	(v2sf) =	vpush v10, $0x1;
	_ =	sdelay $0x4  }
0x134: {  	(v2sf) =	vpush v10, $0x2;
	_ =	sdelay $0x4  }
0x135: {  	s0 =	spop (v2sf);
	(v2sf) =	vpush v10, $0x3  }
0x136: {  	s1 =	sld [smem:s0+$0x0];
	_ =	sdelay $0x2  }
0x137: {  	s2 =	sadd.s32 $0x1, s1;
	p2 =	slt.s32 s1, $0x3F  }
0x138: {  	[smem:s0] =	sst s2;
	s2 =	spop (v2sf);
	(v2sf) =	vpush v10, $0x4  }
0x139: {  	s1 =	simm.s32 @!p2 $0x3F;
	s0 =	sshll.u32 s0, $0x6;
	s3 =	sld [smem:s2+$0x0]  }
0x13a: {  	s29 =	sadd.s32 s1, s0;
	_ =	sdelay $0x1  }
0x13b: {  	s0 =	sadd.s32 $0x1, s3;
	p2 =	slt.s32 s3, $0x3F  }
0x13c: {  	[smem:s2] =	sst s0;
	s0 =	spop (v2sf);
	(v2sf) =	vpush v10, $0x5  }
0x13d: {  	s1 =	sshll.u32 s2, $0x6;
	s3 =	simm.s32 @!p2 $0x3F;
	s2 =	sld [smem:s0+$0x0]  }
0x13e: {  	s30 =	sadd.s32 s3, s1;
	_ =	sdelay $0x1  }
0x13f: {  	s1 =	sadd.s32 $0x1, s2;
	p2 =	slt.s32 s2, $0x3F  }
0x140: {  	[smem:s0] =	sst s1;
	s1 =	spop (v2sf);
	(v2sf) =	vpush v10, $0x6  }
0x141: {  	s2 =	simm.s32 @!p2 $0x3F;
	s0 =	sshll.u32 s0, $0x6;
	s3 =	sld [smem:s1+$0x0]  }
0x142: {  	s31 =	sadd.s32 s2, s0;
	_ =	sdelay $0x1  }
0x143: {  	s0 =	sadd.s32 $0x1, s3;
	p2 =	slt.s32 s3, $0x3F;
	(v2sf) =	vpush v10, $0x7  }
0x144: {  	[smem:s1] =	sst s0;
	s0 =	spop (v2sf)  }
0x145: {  	s3 =	simm.s32 @!p2 $0x3F;
	s1 =	sshll.u32 s1, $0x6;
	s2 =	sld [smem:s0+$0x0]  }
0x146: {  	s1 =	sadd.s32 s3, s1;
	_ =	sdelay $0x1  }
0x147: {  	s3 =	sadd.s32 $0x1, s2;
	p2 =	slt.s32 s2, $0x3F;
	(v2sf) =	vpush v10, $0x8  }
0x148: {  	[smem:s0] =	sst s3;
	s3 =	spop (v2sf)  }
0x149: {  	s2 =	simm.s32 @!p2 $0x3F;
	s0 =	sshll.u32 s0, $0x6;
	s7 =	sld [smem:s3+$0x0]  }
0x14a: {  	s2 =	sadd.s32 s2, s0;
	_ =	sdelay $0x1  }
0x14b: {  	s0 =	sadd.s32 $0x1, s7;
	p2 =	slt.s32 s7, $0x3F;
	(v2sf) =	vpush v10, $0x9  }
0x14c: {  	[smem:s3] =	sst s0;
	s0 =	spop (v2sf)  }
0x14d: {  	s7 =	simm.s32 @!p2 $0x3F;
	s3 =	sshll.u32 s3, $0x6;
	s8 =	sld [smem:s0+$0x0]  }
0x14e: {  	s10 =	sadd.s32 s7, s3;
	_ =	sdelay $0x1  }
0x14f: {  	s3 =	sadd.s32 $0x1, s8;
	p2 =	slt.s32 s8, $0x3F;
	s7 =	spop (v2sf);
	(v2sf) =	vpush v10, $0xA  }
0x150: {  	[smem:s0] =	sst s3;
	s8 =	simm.s32 @!p2 $0x3F;
	s0 =	sshll.u32 s0, $0x6  }
0x151: {  	s8 =	sadd.s32 s8, s0;
	s0 =	sld [smem:s7+$0x0];
	_ =	sdelay $0x2  }
0x152: {  	s3 =	sadd.s32 $0x1, s0;
	p2 =	slt.s32 s0, $0x3F;
	s11 =	spop (v2sf);
	(v2sf) =	vpush v10, $0xB  }
0x153: {  	[smem:s7] =	sst s3;
	s0 =	simm.s32 @!p2 $0x3F;
	s3 =	sshll.u32 s7, $0x6  }
0x154: {  	s9 =	sadd.s32 s0, s3;
	s0 =	sld [smem:s11+$0x0];
	_ =	sdelay $0x2  }
0x155: {  	s3 =	sadd.s32 $0x1, s0;
	p2 =	slt.s32 s0, $0x3F;
	s7 =	spop (v2sf);
	(v2sf) =	vpush v10, $0xC  }
0x156: {  	[smem:s11] =	sst s3;
	s0 =	simm.s32 @!p2 $0x3F;
	s3 =	sshll.u32 s11, $0x6  }
0x157: {  	s3 =	sadd.s32 s0, s3;
	s0 =	sld [smem:s7+$0x0];
	_ =	sdelay $0x2  }
0x158: {  	s11 =	sadd.s32 $0x1, s0;
	p2 =	slt.s32 s0, $0x3F;
	s15 =	spop (v2sf);
	(v2sf) =	vpush v10, $0xD  }
0x159: {  	[smem:s7] =	sst s11;
	s0 =	simm.s32 @!p2 $0x3F;
	s7 =	sshll.u32 s7, $0x6  }
0x15a: {  	s14 =	sadd.s32 s0, s7;
	s0 =	sld [smem:s15+$0x0];
	_ =	sdelay $0x2  }
0x15b: {  	s7 =	sadd.s32 $0x1, s0;
	p2 =	slt.s32 s0, $0x3F;
	s11 =	spop (v2sf);
	(v2sf) =	vpush v10, $0xE  }
0x15c: {  	[smem:s15] =	sst s7;
	s0 =	simm.s32 @!p2 $0x3F;
	s7 =	sshll.u32 s15, $0x6  }
0x15d: {  	s0 =	sadd.s32 s0, s7;
	s7 =	sld [smem:s11+$0x0]  }
0x15e: {  	v11 =	vld [tilespmem:s26+$0x0];
	_ =	sdelay $0x1  }
0x15f: {  	s15 =	sadd.s32 $0x1, s7;
	p2 =	slt.s32 s7, $0x3F;
	s16 =	spop (v2sf);
	(v2sf) =	vpush v10, $0xF  }
0x160: {  	[smem:s11] =	sst s15;
	s7 =	simm.s32 @!p2 $0x3F;
	s11 =	sshll.u32 s11, $0x6  }
0x161: {  	s7 =	sadd.s32 s7, s11;
	s11 =	sld [smem:s16+$0x0]  }
0x162: {  	v9 =	vor.u32 v11, v9  }
0x163: {  	[tilespmem:s29+$0xC000] =	vst.msk $0x1, v9  }
0x164: {  	[tilespmem:s30+$0xC000] =	vst.msk vm1, v9;
	s15 =	sadd.s32 $0x1, s11;
	p2 =	slt.s32 s11, $0x3F;
	s17 =	spop (v2sf)  }
0x165: {  	[tilespmem:s31+$0xC000] =	vst.msk vm2, v9;
	[smem:s16] =	sst s15;
	s11 =	simm.s32 @!p2 $0x3F;
	s15 =	sshll.u32 s16, $0x6  }
0x166: {  	[tilespmem:s1+$0xC000] =	vst.msk vm15, v9;
	s1 =	sadd.s32 s11, s15;
	s11 =	sld [smem:s17+$0x0]  }
0x167: {  	[tilespmem:s2+$0xC000] =	vst.msk vm3, v9  }
0x168: {  	[tilespmem:s10+$0xC000] =	vst.msk vm4, v9  }
0x169: {  	[tilespmem:s8+$0xC000] =	vst.msk vm5, v9;
	s2 =	sadd.s32 $0x1, s11;
	p2 =	slt.s32 s11, $0x3F;
	s8 =	spop (v2sf)  }
0x16a: {  	[tilespmem:s9+$0xC000] =	vst.msk vm6, v9;
	[smem:s17] =	sst s2;
	s11 =	simm.s32 @!p2 $0x3F;
	s2 =	sshll.u32 s17, $0x6  }
0x16b: {  	[tilespmem:s3+$0xC000] =	vst.msk vm7, v9;
	s2 =	sadd.s32 s11, s2;
	s3 =	sld [smem:s8+$0x0]  }
0x16c: {  	[tilespmem:s14+$0xC000] =	vst.msk vm8, v9  }
0x16d: {  	[tilespmem:s0+$0xC000] =	vst.msk vm9, v9  }
0x16e: {  	[tilespmem:s7+$0xC000] =	vst.msk vm10, v9;
	s0 =	sadd.s32 $0x1, s3;
	p2 =	slt.s32 s3, $0x3F;
	s7 =	spop (v2sf)  }
0x16f: {  	[tilespmem:s1+$0xC000] =	vst.msk vm11, v9;
	[smem:s8] =	sst s0;
	s3 =	simm.s32 @!p2 $0x3F;
	s0 =	sshll.u32 s8, $0x6  }
0x170: {  	[tilespmem:s2+$0xC000] =	vst.msk vm12, v9;
	s0 =	sadd.s32 s3, s0;
	s1 =	sld [smem:s7+$0x0]  }
.Ltmp5:
0x171: {  	[tilespmem:s0+$0xC000] =	vst.msk vm13, v9;
	(pc) =	sbr.rel @p1 .LBB2_5-.Ltmp5, $4  }
0x172: {  	_ = 	snop  }
0x173: {  	s0 =	sadd.s32 $0x1, s1;
	p2 =	slt.s32 s1, $0x3F  }
0x174: {  	[smem:s7] =	sst s0;
	s1 =	simm.s32 @!p2 $0x3F;
	s0 =	sshll.u32 s7, $0x6  }
0x175: {  	s1 =	sadd.s32 s1, s0  }
.LBB2_6:
0x176: {  	s11 =	rddreg [dreg:$0x5]  }
0x177: {  	s14 =	simm.s32 $0xF500;
	s15 =	simm.s32 $0x10900;
	s16 =	simm.s32 $0x11D00  }
0x178: {  	s17 =	simm.s32 $0x13100;
	s18 =	simm.s32 $0x14500;
	s7 =	rddreg [dreg:$0xa]  }
0x179: {  	[tilespmem:s1+$0xC000] =	vst.msk vm14, v9;
	s19 =	simm.s32 $0x15900;
	s20 =	simm.s32 $0x16D00;
	s8 =	rddreg [dreg:$0xb]  }
.LBB2_7:
0x17a: {  	s0 =	sadd.s32 $0xF, s7  }
0x17b: {  	s1 =	sand.u32 $0xF, s0  }
0x17c: {  	p1 =	slt.s32 s8, $0xFFFFFFF2;
	s2 =	sshra.s32 s0, $0x1F;
	p2 =	sne.s32 s1, $0x0  }
0x17d: {  	s31 =	sshrl.u32 s2, $0x1C;
	p1 =	por !p1, !p2  }
0x17e: {  	s1 =	simm.s32 $0x1;
	s0 =	sadd.s32 s31, s0;
	p1 =	por !p1, !p1  }
0x17f: {  	s0 =	sshra.s32 s0, $0x4;
	s1 =	simm.s32 @!p1 $0x0  }
0x180: {  	s0 =	ssub.s32 s0, s1  }
0x181: {  	p1 =	slt.s32 s0, $0x1  }
.Ltmp6:
0x182: {  	_ = 	snop;
	(pc) =	sbr.rel @p1 .LBB2_11-.Ltmp6, $1  }
0x183: {  	_ =	sdelay $0x3  }
0x184: {  	s23 =	simm.s32 $0xA000  }
0x185: {  	v9 =	vld [tilespmem:s23+$0x0];
	_ =	sdelay $0x3  }
0x186: {  	s24 =	simm.s32 $0x0  }
0x187: {  	v8 =	vmov s7;
	v10 =	vor.u32 s24, v3;
	v9 =	vsub.s32 v9, v2  }
0x188: {  	vm0 =	vlt.s32 v10, v8;
	v10 =	vshrl.u32 v9, $0x9  }
0x189: {  	v10 =	vnsel vm0, $0x3F, v10  }
0x18a: {  	(v2sf) =	vpush v10, $0x0;
	_ =	sdelay $0x4  }
0x18b: {  	(v2sf) =	vpush v10, $0x1;
	_ =	sdelay $0x4  }
0x18c: {  	(v2sf) =	vpush v10, $0x2;
	_ =	sdelay $0x4  }
0x18d: {  	(v2sf) =	vpush v10, $0x3;
	s7 =	spop (v2sf)  }
0x18e: {  	s11 =	sld [smem:s7+$0x80];
	_ =	sdelay $0x2  }
0x18f: {  	s10 =	sadd.s32 $0x1, s11  }
0x190: {  	s2 =	spop (v2sf);
	(v2sf) =	vpush v10, $0x4;
	[smem:s7+$0x80] =	sst s10  }
0x191: {  	s17 =	sld [smem:s2+$0x80];
	_ =	sdelay $0x2  }
0x192: {  	s14 =	sadd.s32 $0x1, s17  }
0x193: {  	s18 =	spop (v2sf);
	(v2sf) =	vpush v10, $0x5;
	[smem:s2+$0x80] =	sst s14  }
0x194: {  	s19 =	sld [smem:s18+$0x80];
	_ =	sdelay $0x2  }
0x195: {  	s15 =	sadd.s32 $0x1, s19  }
0x196: {  	s20 =	spop (v2sf);
	(v2sf) =	vpush v10, $0x6;
	[smem:s18+$0x80] =	sst s15  }
0x197: {  	s30 =	sld [smem:s20+$0x80];
	_ =	sdelay $0x2  }
0x198: {  	s16 =	sadd.s32 $0x1, s30  }
0x199: {  	(v2sf) =	vpush v10, $0x7;
	s31 =	spop (v2sf);
	[smem:s20+$0x80] =	sst s16  }
0x19a: {  	s16 =	sld [smem:s31+$0x80];
	_ =	sdelay $0x2  }
0x19b: {  	s25 =	sadd.s32 $0x1, s16  }
0x19c: {  	(v2sf) =	vpush v10, $0x8;
	[smem:s31+$0x80] =	sst s25;
	s25 =	spop (v2sf)  }
0x19d: {  	s15 =	sld [smem:s25+$0x80];
	_ =	sdelay $0x2  }
0x19e: {  	s26 =	sadd.s32 $0x1, s15  }
0x19f: {  	(v2sf) =	vpush v10, $0x9;
	s3 =	spop (v2sf);
	[smem:s25+$0x80] =	sst s26  }
0x1a0: {  	s1 =	sld [smem:s3+$0x80];
	_ =	sdelay $0x2  }
0x1a1: {  	s28 =	sadd.s32 $0x1, s1  }
0x1a2: {  	(v2sf) =	vpush v10, $0xA;
	s9 =	spop (v2sf);
	[smem:s3+$0x80] =	sst s28  }
0x1a3: {  	s8 =	sld [smem:s9+$0x80];
	_ =	sdelay $0x2  }
0x1a4: {  	s29 =	sadd.s32 $0x1, s8  }
0x1a5: {  	s28 =	spop (v2sf);
	(v2sf) =	vpush v10, $0xB;
	[smem:s9+$0x80] =	sst s29  }
0x1a6: {  	s29 =	sld [smem:s28+$0x80];
	_ =	sdelay $0x2  }
0x1a7: {  	[dreg:$0xf] =	wrdreg s9;
	s10 =	sadd.s32 $0x1, s29  }
0x1a8: {  	s9 =	spop (v2sf);
	(v2sf) =	vpush v10, $0xC;
	[smem:s28+$0x80] =	sst s10  }
0x1a9: {  	s10 =	sld [smem:s9+$0x80];
	_ =	sdelay $0x1  }
0x1aa: {  	[dreg:$0xc] =	wrdreg s0;
	p1 =	slt.s32 s11, $0x3F  }
0x1ab: {  	s0 =	simm.s32 $0xB000;
	s11 =	simm.s32 @!p1 $0x3F;
	s14 =	sadd.s32 $0x1, s10  }
0x1ac: {  	s7 =	sshll.u32 s7, $0x6;
	s26 =	spop (v2sf);
	(v2sf) =	vpush v10, $0xD;
	[smem:s9+$0x80] =	sst s14  }
0x1ad: {  	s7 =	sadd.s32 s11, s7;
	p1 =	slt.s32 s17, $0x3F;
	s14 =	sld [smem:s26+$0x80]  }
0x1ae: {  	s17 =	simm.s32 @!p1 $0x3F;
	s2 =	sshll.u32 s2, $0x6;
	p1 =	slt.s32 s19, $0x3F  }
0x1af: {  	s2 =	sadd.s32 s17, s2;
	s19 =	simm.s32 @!p1 $0x3F;
	s18 =	sshll.u32 s18, $0x6  }
0x1b0: {  	s17 =	sadd.s32 s19, s18;
	[dreg:$0x11] =	wrdreg s26;
	s11 =	sadd.s32 $0x1, s14  }
0x1b1: {  	p1 =	slt.s32 s30, $0x3F;
	[smem:s26+$0x80] =	sst s11;
	s11 =	spop (v2sf);
	(v2sf) =	vpush v10, $0xE  }
0x1b2: {  	s30 =	simm.s32 @!p1 $0x3F;
	p1 =	slt.s32 s16, $0x3F;
	s26 =	sld [smem:s11+$0x80]  }
0x1b3: {  	s20 =	sshll.u32 s20, $0x6;
	s16 =	simm.s32 @!p1 $0x3F;
	s31 =	sshll.u32 s31, $0x6  }
0x1b4: {  	s18 =	sadd.s32 s30, s20;
	s16 =	sadd.s32 s16, s31;
	p1 =	slt.s32 s15, $0x3F  }
0x1b5: {  	s31 =	rddreg [dreg:$0xf];
	s15 =	simm.s32 @!p1 $0x3F;
	s19 =	sadd.s32 $0x1, s26  }
0x1b6: {  	p1 =	slt.s32 s1, $0x3F;
	s20 =	spop (v2sf);
	(v2sf) =	vpush v10, $0xF;
	[smem:s11+$0x80] =	sst s19  }
0x1b7: {  	s1 =	simm.s32 @!p1 $0x3F;
	p1 =	slt.s32 s8, $0x3F;
	v10 =	vld [tilespmem:s0+$0x0];
	s30 =	sld [smem:s20+$0x80]  }
0x1b8: {  	s3 =	sshll.u32 s3, $0x6;
	s8 =	simm.s32 @!p1 $0x3F;
	p1 =	slt.s32 s29, $0x3F  }
0x1b9: {  	s1 =	sadd.s32 s1, s3;
	s29 =	simm.s32 @!p1 $0x3F;
	p1 =	slt.s32 s10, $0x3F  }
0x1ba: {  	[dreg:$0x12] =	wrdreg s11;
	s11 =	sshll.u32 s25, $0x6;
	s25 =	sadd.s32 $0x1, s30  }
0x1bb: {  	v9 =	vshll.u32 v9, $0xE;
	s10 =	simm.s32 @!p1 $0x3F;
	s19 =	spop (v2sf);
	[smem:s20+$0x80] =	sst s25  }
0x1bc: {  	s9 =	sshll.u32 s9, $0x6;
	p2 =	slt.s32 s14, $0x3F;
	v9 =	vor.u32 v10, v9;
	s3 =	sld [smem:s19+$0x80]  }
0x1bd: {  	s9 =	sadd.s32 s10, s9;
	s14 =	simm.s32 @!p2 $0x3F;
	p2 =	slt.s32 s26, $0x3F;
	[tilespmem:s7+$0xD080] =	vst.msk $0x1, v9  }
0x1be: {  	s15 =	sadd.s32 s15, s11;
	s7 =	sshll.u32 s31, $0x6;
	s31 =	rddreg [dreg:$0x11];
	[tilespmem:s2+$0xD080] =	vst.msk vm1, v9  }
0x1bf: {  	s11 =	sshll.u32 s28, $0x6;
	[tilespmem:s17+$0xD080] =	vst.msk vm2, v9;
	s17 =	rddreg [dreg:$0xc];
	s28 =	sadd.s32 $0x1, s3  }
0x1c0: {  	s25 =	sadd.s32 s29, s11;
	[tilespmem:s18+$0xD080] =	vst.msk vm15, v9;
	[smem:s19+$0x80] =	sst s28;
	s29 =	spop (v2sf)  }
0x1c1: {  	s26 =	simm.s32 @!p2 $0x3F;
	s2 =	sshll.u32 s31, $0x6;
	[tilespmem:s16+$0xD080] =	vst.msk vm3, v9;
	s11 =	sld [smem:s29+$0x80]  }
0x1c2: {  	s7 =	sadd.s32 s8, s7;
	s2 =	sadd.s32 s14, s2;
	[tilespmem:s15+$0xD080] =	vst.msk vm4, v9;
	s15 =	rddreg [dreg:$0x12]  }
0x1c3: {  	p2 =	slt.s32 s30, $0x3F;
	p1 =	sne.s32 s17, $0x1;
	[tilespmem:s1+$0xD080] =	vst.msk vm5, v9;
	s1 =	sshll.u32 s15, $0x6  }
0x1c4: {  	s30 =	simm.s32 @!p2 $0x3F;
	[tilespmem:s7+$0xD080] =	vst.msk vm6, v9;
	s1 =	sadd.s32 s26, s1;
	s16 =	sadd.s32 $0x1, s11  }
0x1c5: {  	p2 =	slt.s32 s3, $0x3F;
	[tilespmem:s25+$0xD080] =	vst.msk vm7, v9;
	s18 =	spop (v2sf);
	[smem:s29+$0x80] =	sst s16  }
0x1c6: {  	s26 =	sshll.u32 s19, $0x6;
	s25 =	sshll.u32 s20, $0x6;
	[tilespmem:s9+$0xD080] =	vst.msk vm8, v9;
	s9 =	sld [smem:s18+$0x80]  }
.Ltmp7:
0x1c7: {  	s3 =	simm.s32 @!p2 $0x3F;
	s28 =	sadd.s32 s30, s25;
	[tilespmem:s2+$0xD080] =	vst.msk vm9, v9;
	(pc) =	sbr.rel @!p1 .LBB2_10-.Ltmp7, $4  }
0x1c8: {  	s3 =	sadd.s32 s3, s26;
	s31 =	sshll.u32 s18, $0x6;
	[tilespmem:s1+$0xD080] =	vst.msk vm10, v9;
	p2 =	slt.s32 s11, $0x3F  }
0x1c9: {  	[tilespmem:s28+$0xD080] =	vst.msk vm11, v9;
	s11 =	simm.s32 @!p2 $0x3F;
	s29 =	sshll.u32 s29, $0x6;
	p2 =	slt.s32 s9, $0x3F  }
0x1ca: {  	[tilespmem:s3+$0xD080] =	vst.msk vm12, v9;
	s1 =	sadd.s32 s11, s29;
	s30 =	sadd.s32 $0x1, s9;
	s9 =	simm.s32 @!p2 $0x3F  }
0x1cb: {  	s25 =	sadd.s32 $0xFFFFFFFF, s17;
	[tilespmem:s1+$0xD080] =	vst.msk vm13, v9;
	[smem:s18+$0x80] =	sst s30;
	s1 =	sadd.s32 s9, s31  }
.LBB2_9:
0x1cc: {  	[tilespmem:s1+$0xD080] =	vst.msk vm14, v9;
	s23 =	sadd.s32 $0x10, s23;
	s0 =	sadd.s32 $0x10, s0;
	s24 =	sadd.s32 $0x10, s24  }
0x1cd: {  	p1 =	sne.s32 s25, $0x1;
	s25 =	sadd.s32 $0xFFFFFFFF, s25;
	v9 =	vld [tilespmem:s23+$0x0];
	_ =	sdelay $0x4  }
0x1ce: {  	v10 =	vor.u32 s24, v3;
	v9 =	vsub.s32 v9, v2  }
0x1cf: {  	vm0 =	vlt.s32 v10, v8;
	v10 =	vshrl.u32 v9, $0x9;
	v9 =	vshll.u32 v9, $0xE  }
0x1d0: {  	v10 =	vnsel vm0, $0x3F, v10  }
0x1d1: {  	(v2sf) =	vpush v10, $0x0;
	_ =	sdelay $0x4  }
0x1d2: {  	(v2sf) =	vpush v10, $0x1;
	_ =	sdelay $0x4  }
0x1d3: {  	(v2sf) =	vpush v10, $0x2;
	_ =	sdelay $0x4  }
0x1d4: {  	s1 =	spop (v2sf);
	(v2sf) =	vpush v10, $0x3  }
0x1d5: {  	s2 =	sld [smem:s1+$0x80];
	_ =	sdelay $0x2  }
0x1d6: {  	s3 =	sadd.s32 $0x1, s2;
	p2 =	slt.s32 s2, $0x3F  }
0x1d7: {  	[smem:s1+$0x80] =	sst s3;
	s3 =	spop (v2sf);
	(v2sf) =	vpush v10, $0x4  }
0x1d8: {  	s2 =	simm.s32 @!p2 $0x3F;
	s1 =	sshll.u32 s1, $0x6;
	s7 =	sld [smem:s3+$0x80]  }
0x1d9: {  	s26 =	sadd.s32 s2, s1;
	_ =	sdelay $0x1  }
0x1da: {  	s1 =	sadd.s32 $0x1, s7;
	p2 =	slt.s32 s7, $0x3F  }
0x1db: {  	[smem:s3+$0x80] =	sst s1;
	s1 =	spop (v2sf);
	(v2sf) =	vpush v10, $0x5  }
0x1dc: {  	s2 =	sshll.u32 s3, $0x6;
	s7 =	simm.s32 @!p2 $0x3F;
	s3 =	sld [smem:s1+$0x80]  }
0x1dd: {  	s28 =	sadd.s32 s7, s2;
	_ =	sdelay $0x1  }
0x1de: {  	s2 =	sadd.s32 $0x1, s3;
	p2 =	slt.s32 s3, $0x3F  }
0x1df: {  	[smem:s1+$0x80] =	sst s2;
	s2 =	spop (v2sf);
	(v2sf) =	vpush v10, $0x6  }
0x1e0: {  	s3 =	simm.s32 @!p2 $0x3F;
	s1 =	sshll.u32 s1, $0x6;
	s7 =	sld [smem:s2+$0x80]  }
0x1e1: {  	s29 =	sadd.s32 s3, s1;
	_ =	sdelay $0x1  }
0x1e2: {  	s1 =	sadd.s32 $0x1, s7;
	p2 =	slt.s32 s7, $0x3F;
	(v2sf) =	vpush v10, $0x7  }
0x1e3: {  	[smem:s2+$0x80] =	sst s1;
	s3 =	spop (v2sf)  }
0x1e4: {  	s7 =	simm.s32 @!p2 $0x3F;
	s1 =	sshll.u32 s2, $0x6;
	s2 =	sld [smem:s3+$0x80]  }
0x1e5: {  	s1 =	sadd.s32 s7, s1;
	_ =	sdelay $0x1  }
0x1e6: {  	s7 =	sadd.s32 $0x1, s2;
	p2 =	slt.s32 s2, $0x3F;
	(v2sf) =	vpush v10, $0x8  }
0x1e7: {  	[smem:s3+$0x80] =	sst s7;
	s7 =	spop (v2sf)  }
0x1e8: {  	s2 =	simm.s32 @!p2 $0x3F;
	s3 =	sshll.u32 s3, $0x6;
	s8 =	sld [smem:s7+$0x80]  }
0x1e9: {  	s2 =	sadd.s32 s2, s3;
	_ =	sdelay $0x1  }
0x1ea: {  	s3 =	sadd.s32 $0x1, s8;
	p2 =	slt.s32 s8, $0x3F;
	(v2sf) =	vpush v10, $0x9  }
0x1eb: {  	[smem:s7+$0x80] =	sst s3;
	s3 =	spop (v2sf)  }
0x1ec: {  	s8 =	simm.s32 @!p2 $0x3F;
	s7 =	sshll.u32 s7, $0x6;
	s9 =	sld [smem:s3+$0x80]  }
0x1ed: {  	s10 =	sadd.s32 s8, s7;
	_ =	sdelay $0x1  }
0x1ee: {  	s7 =	sadd.s32 $0x1, s9;
	p2 =	slt.s32 s9, $0x3F;
	s11 =	spop (v2sf);
	(v2sf) =	vpush v10, $0xA  }
0x1ef: {  	[smem:s3+$0x80] =	sst s7;
	s9 =	simm.s32 @!p2 $0x3F;
	s3 =	sshll.u32 s3, $0x6  }
0x1f0: {  	s8 =	sadd.s32 s9, s3;
	s3 =	sld [smem:s11+$0x80];
	_ =	sdelay $0x2  }
0x1f1: {  	s7 =	sadd.s32 $0x1, s3;
	p2 =	slt.s32 s3, $0x3F;
	s14 =	spop (v2sf);
	(v2sf) =	vpush v10, $0xB  }
0x1f2: {  	[smem:s11+$0x80] =	sst s7;
	s3 =	simm.s32 @!p2 $0x3F;
	s7 =	sshll.u32 s11, $0x6  }
0x1f3: {  	s9 =	sadd.s32 s3, s7;
	s3 =	sld [smem:s14+$0x80];
	_ =	sdelay $0x2  }
0x1f4: {  	s7 =	sadd.s32 $0x1, s3;
	p2 =	slt.s32 s3, $0x3F;
	s11 =	spop (v2sf);
	(v2sf) =	vpush v10, $0xC  }
0x1f5: {  	[smem:s14+$0x80] =	sst s7;
	s3 =	simm.s32 @!p2 $0x3F;
	s7 =	sshll.u32 s14, $0x6  }
0x1f6: {  	s3 =	sadd.s32 s3, s7;
	s7 =	sld [smem:s11+$0x80];
	_ =	sdelay $0x2  }
0x1f7: {  	s14 =	sadd.s32 $0x1, s7;
	p2 =	slt.s32 s7, $0x3F;
	s15 =	spop (v2sf);
	(v2sf) =	vpush v10, $0xD  }
0x1f8: {  	[smem:s11+$0x80] =	sst s14;
	s7 =	simm.s32 @!p2 $0x3F;
	s11 =	sshll.u32 s11, $0x6  }
0x1f9: {  	s14 =	sadd.s32 s7, s11;
	s7 =	sld [smem:s15+$0x80];
	_ =	sdelay $0x2  }
0x1fa: {  	s11 =	sadd.s32 $0x1, s7;
	p2 =	slt.s32 s7, $0x3F;
	s16 =	spop (v2sf);
	(v2sf) =	vpush v10, $0xE  }
0x1fb: {  	[smem:s15+$0x80] =	sst s11;
	s7 =	simm.s32 @!p2 $0x3F;
	s11 =	sshll.u32 s15, $0x6  }
0x1fc: {  	s7 =	sadd.s32 s7, s11;
	s11 =	sld [smem:s16+$0x80]  }
0x1fd: {  	v11 =	vld [tilespmem:s0+$0x0];
	_ =	sdelay $0x1  }
0x1fe: {  	s15 =	sadd.s32 $0x1, s11;
	p2 =	slt.s32 s11, $0x3F;
	s17 =	spop (v2sf);
	(v2sf) =	vpush v10, $0xF  }
0x1ff: {  	[smem:s16+$0x80] =	sst s15;
	s11 =	simm.s32 @!p2 $0x3F;
	s15 =	sshll.u32 s16, $0x6  }
0x200: {  	s11 =	sadd.s32 s11, s15;
	s15 =	sld [smem:s17+$0x80]  }
0x201: {  	v9 =	vor.u32 v11, v9  }
0x202: {  	[tilespmem:s26+$0xD080] =	vst.msk $0x1, v9  }
0x203: {  	[tilespmem:s28+$0xD080] =	vst.msk vm1, v9;
	s16 =	sadd.s32 $0x1, s15;
	p2 =	slt.s32 s15, $0x3F;
	s18 =	spop (v2sf)  }
0x204: {  	[tilespmem:s29+$0xD080] =	vst.msk vm2, v9;
	[smem:s17+$0x80] =	sst s16;
	s15 =	simm.s32 @!p2 $0x3F;
	s16 =	sshll.u32 s17, $0x6  }
0x205: {  	[tilespmem:s1+$0xD080] =	vst.msk vm15, v9;
	s1 =	sadd.s32 s15, s16;
	s15 =	sld [smem:s18+$0x80]  }
0x206: {  	[tilespmem:s2+$0xD080] =	vst.msk vm3, v9  }
0x207: {  	[tilespmem:s10+$0xD080] =	vst.msk vm4, v9  }
0x208: {  	[tilespmem:s8+$0xD080] =	vst.msk vm5, v9;
	s2 =	sadd.s32 $0x1, s15;
	p2 =	slt.s32 s15, $0x3F;
	s8 =	spop (v2sf)  }
0x209: {  	[tilespmem:s9+$0xD080] =	vst.msk vm6, v9;
	[smem:s18+$0x80] =	sst s2;
	s15 =	simm.s32 @!p2 $0x3F;
	s2 =	sshll.u32 s18, $0x6  }
0x20a: {  	[tilespmem:s3+$0xD080] =	vst.msk vm7, v9;
	s2 =	sadd.s32 s15, s2;
	s3 =	sld [smem:s8+$0x80]  }
0x20b: {  	[tilespmem:s14+$0xD080] =	vst.msk vm8, v9  }
0x20c: {  	[tilespmem:s7+$0xD080] =	vst.msk vm9, v9  }
0x20d: {  	[tilespmem:s11+$0xD080] =	vst.msk vm10, v9;
	s7 =	sadd.s32 $0x1, s3;
	p2 =	slt.s32 s3, $0x3F;
	s9 =	spop (v2sf)  }
0x20e: {  	[tilespmem:s1+$0xD080] =	vst.msk vm11, v9;
	[smem:s8+$0x80] =	sst s7;
	s3 =	simm.s32 @!p2 $0x3F;
	s1 =	sshll.u32 s8, $0x6  }
0x20f: {  	[tilespmem:s2+$0xD080] =	vst.msk vm12, v9;
	s1 =	sadd.s32 s3, s1;
	s2 =	sld [smem:s9+$0x80]  }
.Ltmp8:
0x210: {  	[tilespmem:s1+$0xD080] =	vst.msk vm13, v9;
	(pc) =	sbr.rel @p1 .LBB2_9-.Ltmp8, $4  }
0x211: {  	_ = 	snop  }
0x212: {  	s1 =	sadd.s32 $0x1, s2;
	p2 =	slt.s32 s2, $0x3F  }
0x213: {  	[smem:s9+$0x80] =	sst s1;
	s2 =	simm.s32 @!p2 $0x3F;
	s1 =	sshll.u32 s9, $0x6  }
0x214: {  	s1 =	sadd.s32 s2, s1  }
.LBB2_10:
0x215: {  	s11 =	rddreg [dreg:$0x5];
	s14 =	simm.s32 $0xF500  }
0x216: {  	s15 =	simm.s32 $0x10900;
	s16 =	simm.s32 $0x11D00;
	s17 =	simm.s32 $0x13100  }
0x217: {  	[tilespmem:s1+$0xD080] =	vst.msk vm14, v9;
	s18 =	simm.s32 $0x14500;
	s19 =	simm.s32 $0x15900;
	s20 =	simm.s32 $0x16D00  }
.LBB2_11:
.Ltmp9:
0x218: {  	(pc) =	sbr.rel .LBB2_12-.Ltmp9, $3  }
0x219: {  	_ =	sdelay $0x1  }
0x21a: {  	_ =	strace $0x90000049;
	s0 =	simm.s32 $0x0  }
0x21b: {  	s23 =	simm.s32 $0x0;
	s10 =	simm.s32 $0x2;
	_ =	strace $0x8000004A  }
.LBB2_22:
0x21c: {  	s23 =	sadd.s32 $0x1, s23  }
0x21d: {  	p1 =	sne.s32 s23, $0x3D  }
.Ltmp10:
0x21e: {  	_ = 	snop;
	(pc) =	sbr.rel @!p1 .LBB2_23-.Ltmp10, $1  }
0x21f: {  	_ =	sdelay $0x3  }
.LBB2_12:
0x220: {  	s2 =	sshll.u32 s23, $0x9  }
0x221: {  	s1 =	sadd.s32 s2, s11  }
0x222: {  	[tilespmem:s13], [sflag:$0x2] =	stream.linear.gather [hbm4b:s1+s4], $0x1000, $0x200038;
	[tilespmem:$0x1C580] =	vst v63  }
0x223: {  	s3 =	sadd.s32 $0xF4280, s1  }
0x224: {  	[tilespmem:s14], [sflag:$0x2] =	stream.linear.gather [hbm4b:s3+s4], $0x1000, $0x200038;
	[tilespmem:$0x1C580] =	vst v63  }
0x225: {  	s9 =	sadd.s32 $0x1E8500, s1  }
0x226: {  	[tilespmem:s15], [sflag:$0x2] =	stream.linear.gather [hbm4b:s9+s4], $0x1000, $0x200038;
	[tilespmem:$0x1C580] =	vst v63  }
0x227: {  	s24 =	sadd.s32 $0x2DC780, s1  }
0x228: {  	[tilespmem:s16], [sflag:$0x2] =	stream.linear.gather [hbm4b:s24+s4], $0x1000, $0x200038;
	[tilespmem:$0x1C580] =	vst v63  }
0x229: {  	s25 =	sadd.s32 $0x3D0A00, s1  }
0x22a: {  	[tilespmem:s17], [sflag:$0x2] =	stream.linear.gather [hbm4b:s25+s4], $0x1000, $0x200038;
	[tilespmem:$0x1C580] =	vst v63  }
0x22b: {  	s26 =	sadd.s32 $0x4C4C80, s1  }
0x22c: {  	[tilespmem:s18], [sflag:$0x2] =	stream.linear.gather [hbm4b:s26+s4], $0x1000, $0x200038;
	[tilespmem:$0x1C580] =	vst v63  }
0x22d: {  	s28 =	sadd.s32 $0x5B8F00, s1  }
0x22e: {  	[tilespmem:s19], [sflag:$0x2] =	stream.linear.gather [hbm4b:s28+s4], $0x1000, $0x200038;
	[tilespmem:$0x1C580] =	vst v63  }
0x22f: {  	s1 =	sadd.s32 $0x6AD180, s1  }
0x230: {  	[tilespmem:s20], [sflag:$0x2] =	stream.linear.gather [hbm4b:s1+s4], $0x1000, $0x200038;
	[tilespmem:$0x1C580] =	vst v63  }
0x231: {  	_ =	swait.ge [sflag:s10], $0x8000  }
0x232: {  	[sflag:s10] =	ssyncset.done $0x0  }
0x233: {  	[sflag:s10] =	ssyncadd.s32 $0xFFFF8000  }
0x234: {  	s1 =	sld [smem:s23+$0x0];
	_ =	sdelay $0x2  }
0x235: {  	p1 =	slt.s32 s1, $0x40  }
0x236: {  	p2 =	slt.s32 s1, $0xFFFFFFF2;
	s1 =	simm.s32 @!p1 $0x40  }
0x237: {  	s29 =	sadd.s32 $0xF, s1  }
0x238: {  	s7 =	sand.u32 $0xF, s29  }
0x239: {  	s30 =	sshra.s32 s29, $0x1F;
	p6 =	sne.s32 s7, $0x0  }
0x23a: {  	s7 =	sshrl.u32 s30, $0x1C;
	p1 =	por !p2, !p6  }
0x23b: {  	s3 =	sadd.s32 s7, s29;
	s7 =	simm.s32 $0x1;
	p1 =	por !p1, !p1  }
0x23c: {  	s3 =	sshra.s32 s3, $0x4;
	s7 =	simm.s32 @!p1 $0x0  }
0x23d: {  	s25 =	ssub.s32 s3, s7  }
0x23e: {  	p1 =	slt.s32 s25, $0x1  }
.Ltmp11:
0x23f: {  	_ = 	snop;
	(pc) =	sbr.rel @p1 .LBB2_17-.Ltmp11, $3  }
0x240: {  	_ =	sdelay $0x1  }
0x241: {  	s31 =	sshll.u32 s23, $0x6  }
0x242: {  	v8 =	vmov s2;
	s24 =	sand.u32 $0x3FFFFFC0, s31  }
0x243: {  	s2 =	sadd.s32 $0xC000, s24  }
0x244: {  	v9 =	vmov s1;
	s26 =	simm.s32 $0x0;
	s28 =	smov.u32 s0;
	s29 =	simm.s32 $0x0;
	v10 =	vmov s2  }
.LBB2_14:
0x245: {  	_ =	sdelay $0x2  }
0x246: {  	s1 =	sshll.u32 s29, $0x4  }
0x247: {  	v11 =	vld.idx.msk [tilespmem:v10+s1+$0x0 ss:$0x1], $0xffff;
	_ =	sdelay $0x4  }
0x248: {  	p1 =	slt.s32 s0, $0x8;
	v12 =	vshrl.u32 v11, $0xE  }
0x249: {  	s2 =	simm.s32 @!p1 $0x1;
	v12 =	vsub.s32 v12, v8  }
0x24a: {  	v13 =	vmov s26;
	_ =	swait.ge @!p1 [sflag:s2], $0x800;
	vm0 =	vgt.s32 v12, $0x0  }
0x24b: {  	v14 =	vor.u32 s1, v3;
	[sflag:s2] =	ssyncset.done @!p1 $0x0;
	v12 =	vnsel vm0, $0x0, v12  }
0x24c: {  	s30 =	sand.u32 $0x7, s0;
	[sflag:s2] =	ssyncadd.s32 @!p1 $0xFFFFF800;
	v11 =	vand.u32 $0x3FFF, v11;
	vm0 =	vlt.s32 v14, v9;
	v12 =	vmin.u32 v12, $0x1FF  }
0x24d: {  	s3 =	sshll.u32 s30, $0x7;
	v11 =	vnsel vm0, $0x4000, v11;
	[tilespmem:$0x1C500] =	vst v12  }
0x24e: {  	[tilespmem:s3+$0x1C100] =	vst v11  }
0x24f: {  	v11 =	vld.idx.msk [tilespmem:v13+s21+$0x0], $0xffff;
	_ =	sdelay $0x4  }
0x250: {  	v12 =	vshll.u32 v11, $0x3  }
0x251: {  	v11 =	vand.u32 $0x7F, v11;
	v12 =	vand.u32 $0xFFFFFC00, v12  }
0x252: {  	v11 =	vor.u32 v11, v12  }
0x253: {  	v12 =	vadd.s32 v4, v11;
	_ =	sdelay $0x4  }
0x254: {  	v12 =	vld.idx.msk [tilespmem:v12+s13+$0x0], $0xffff  }
0x255: {  	v13 =	vadd.s32 v5, v11  }
0x256: {  	s31 =	sand.u32 $0x7, s28  }
0x257: {  	s2 =	sshll.u32 s31, $0xB  }
0x258: {  	s2 =	sor.u32 $0x18120, s2  }
0x259: {  	[tilespmem:s2+$0xFFFFFFE0] =	vst v12  }
0x25a: {  	v12 =	vld.idx.msk [tilespmem:v13+s13+$0x0], $0xffff  }
0x25b: {  	v13 =	vadd.s32 v6, v11;
	_ =	sdelay $0x3  }
0x25c: {  	[tilespmem:s2+$0xFFFFFFF0] =	vst v12  }
0x25d: {  	v12 =	vld.idx.msk [tilespmem:v13+s13+$0x0], $0xffff  }
0x25e: {  	v11 =	vadd.s32 v7, v11;
	_ =	sdelay $0x3  }
0x25f: {  	[tilespmem:s2+$0x0] =	vst v12  }
0x260: {  	s9 =	simm.s32 $0x1;
	s7 =	sshll.u32 s30, $0xB;
	v12 =	vld.idx.msk [tilespmem:v11+s13+$0x0], $0xffff  }
0x261: {  	s1 =	sadd.s32 $0x1C100, s3;
	s8 =	sor.u32 $0x18100, s7;
	s3 =	simm.s32 $0x2;
	v11 =	vmov s9  }
.LBB2_15:
0x262: {  	_ =	sdelay $0x1  }
0x263: {  	p1 =	sne.s32 s3, $0xF  }
0x264: {  	s7 =	smov.u32 s3;
	s3 =	sadd.s32 $0x1, s3;
	[tilespmem:s2+$0x10] =	vst v12;
	s2 =	sadd.s32 $0x80, s2  }
0x265: {  	v11 =	vld.idx.msk [tilespmem:v11+s21+$0x0], $0xffff;
	_ =	sdelay $0x5  }
0x266: {  	v12 =	vshll.u32 v11, $0x3  }
0x267: {  	v11 =	vand.u32 $0x7F, v11;
	v12 =	vand.u32 $0xFFFFFC00, v12  }
0x268: {  	v11 =	vor.u32 v11, v12  }
0x269: {  	v12 =	vadd.s32 v4, v11;
	_ =	sdelay $0x4  }
0x26a: {  	v12 =	vld.idx.msk [tilespmem:v12+s13+$0x0], $0xffff;
	_ =	sdelay $0x1  }
0x26b: {  	v13 =	vadd.s32 v5, v11;
	_ =	sdelay $0x3  }
0x26c: {  	[tilespmem:s2+$0xFFFFFFE0] =	vst v12  }
0x26d: {  	v12 =	vld.idx.msk [tilespmem:v13+s13+$0x0], $0xffff;
	_ =	sdelay $0x1  }
0x26e: {  	v13 =	vadd.s32 v6, v11;
	_ =	sdelay $0x3  }
0x26f: {  	[tilespmem:s2+$0xFFFFFFF0] =	vst v12  }
0x270: {  	v12 =	vld.idx.msk [tilespmem:v13+s13+$0x0], $0xffff;
	_ =	sdelay $0x1  }
0x271: {  	v11 =	vadd.s32 v7, v11;
	_ =	sdelay $0x2  }
.Ltmp12:
0x272: {  	(pc) =	sbr.rel @p1 .LBB2_15-.Ltmp12, $3  }
0x273: {  	[tilespmem:s2+$0x0] =	vst v12  }
0x274: {  	v12 =	vld.idx.msk [tilespmem:v11+s13+$0x0], $0xffff;
	_ =	sdelay $0x1  }
0x275: {  	v11 =	vmov s7  }
0x276: {  	_ =	sdelay $0x2  }
0x277: {  	[tilespmem:s2+$0x10] =	vst v12  }
0x278: {  	v11 =	vld.idx.msk [tilespmem:v11+s21+$0x0], $0xffff;
	_ =	sdelay $0x4  }
0x279: {  	v62 =	vshll.u32 v11, $0x3  }
0x27a: {  	v11 =	vand.u32 $0x7F, v11;
	v12 =	vand.u32 $0xFFFFFC00, v62  }
0x27b: {  	v11 =	vor.u32 v11, v12  }
0x27c: {  	v12 =	vadd.s32 v4, v11;
	_ =	sdelay $0x4  }
0x27d: {  	v12 =	vld.idx.msk [tilespmem:v12+s13+$0x0], $0xffff  }
0x27e: {  	v13 =	vadd.s32 v5, v11;
	_ =	sdelay $0x2  }
0x27f: {  	s31 =	sadd.s32 $0x80, s2  }
0x280: {  	[tilespmem:s31+$0xFFFFFFE0] =	vst v12  }
0x281: {  	v12 =	vld.idx.msk [tilespmem:v13+s13+$0x0], $0xffff  }
0x282: {  	v63 =	vadd.s32 v6, v11;
	_ =	sdelay $0x3  }
0x283: {  	[tilespmem:s31+$0xFFFFFFF0] =	vst v12  }
0x284: {  	v12 =	vld.idx.msk [tilespmem:v63+s13+$0x0], $0xffff  }
0x285: {  	v11 =	vadd.s32 v7, v11;
	_ =	sdelay $0x3  }
0x286: {  	[tilespmem:s31+$0x0] =	vst v12  }
0x287: {  	s29 =	sadd.s32 $0x1, s29;
	v11 =	vld.idx.msk [tilespmem:v11+s13+$0x0], $0xffff  }
0x288: {  	p1 =	sne.s32 s29, s25  }
.Ltmp13:
0x289: {  	_ = 	snop;
	(pc) =	sbr.rel @p1 .LBB2_14-.Ltmp13, $3  }
0x28a: {  	_ =	sdelay $0x1  }
0x28b: {  	s0 =	sadd.s32 $0x1, s0;
	s28 =	sadd.s32 $0x1, s28;
	[tilespmem:s31+$0x10] =	vst v11  }
0x28c: {  	[hbm4b:s5+s22] =	stream.indirect.scatter [tilespmem:s8], [sflag:$0x1], $0x80, s1, s22, $0x2000b8;
	[tilespmem:$0x1C580] =	vst v63  }
.LBB2_17:
0x28d: {  	s1 =	sld [smem:s23+$0x80];
	_ =	sdelay $0x2  }
0x28e: {  	p1 =	slt.s32 s1, $0x40  }
0x28f: {  	p2 =	slt.s32 s1, $0xFFFFFFF2;
	s1 =	simm.s32 @!p1 $0x40  }
0x290: {  	s2 =	sadd.s32 $0xF, s1  }
0x291: {  	s3 =	sand.u32 $0xF, s2  }
0x292: {  	s31 =	sshra.s32 s2, $0x1F;
	p6 =	sne.s32 s3, $0x0  }
0x293: {  	s3 =	sshrl.u32 s31, $0x1C;
	p1 =	por !p2, !p6  }
0x294: {  	s2 =	sadd.s32 s3, s2;
	s3 =	simm.s32 $0x1;
	p1 =	por !p1, !p1  }
0x295: {  	s2 =	sshra.s32 s2, $0x4;
	s3 =	simm.s32 @!p1 $0x0  }
0x296: {  	s25 =	ssub.s32 s2, s3  }
0x297: {  	p1 =	slt.s32 s25, $0x1  }
.Ltmp14:
0x298: {  	_ = 	snop;
	(pc) =	sbr.rel @p1 .LBB2_22-.Ltmp14, $1  }
0x299: {  	_ =	sdelay $0x3  }
0x29a: {  	s2 =	sadd.s32 $0xD080, s24  }
0x29b: {  	v9 =	vmov s1;
	s24 =	simm.s32 $0x0;
	s26 =	smov.u32 s0;
	s28 =	simm.s32 $0x0;
	v10 =	vmov s2  }
.LBB2_19:
0x29c: {  	_ =	sdelay $0x2  }
0x29d: {  	s1 =	sshll.u32 s28, $0x4  }
0x29e: {  	v11 =	vld.idx.msk [tilespmem:v10+s1+$0x0 ss:$0x1], $0xffff;
	_ =	sdelay $0x4  }
0x29f: {  	p1 =	slt.s32 s0, $0x8;
	v12 =	vshrl.u32 v11, $0xE  }
0x2a0: {  	s2 =	simm.s32 @!p1 $0x1;
	v12 =	vsub.s32 v12, v8  }
0x2a1: {  	v13 =	vmov s24;
	_ =	swait.ge @!p1 [sflag:s2], $0x800;
	vm0 =	vgt.s32 v12, $0x0  }
0x2a2: {  	v14 =	vor.u32 s1, v3;
	[sflag:s2] =	ssyncset.done @!p1 $0x0;
	v12 =	vnsel vm0, $0x0, v12  }
0x2a3: {  	s30 =	sand.u32 $0x7, s0;
	[sflag:s2] =	ssyncadd.s32 @!p1 $0xFFFFF800;
	v11 =	vand.u32 $0x3FFF, v11;
	vm0 =	vlt.s32 v14, v9;
	v12 =	vmin.u32 v12, $0x1FF  }
0x2a4: {  	s3 =	sshll.u32 s30, $0x7;
	v11 =	vnsel vm0, $0x4000, v11;
	[tilespmem:$0x1C500] =	vst v12  }
0x2a5: {  	[tilespmem:s3+$0x1C100] =	vst v11  }
0x2a6: {  	v11 =	vld.idx.msk [tilespmem:v13+s21+$0x0], $0xffff;
	_ =	sdelay $0x4  }
0x2a7: {  	v12 =	vshll.u32 v11, $0x3  }
0x2a8: {  	v11 =	vand.u32 $0x7F, v11;
	v12 =	vand.u32 $0xFFFFFC00, v12  }
0x2a9: {  	v11 =	vor.u32 v11, v12  }
0x2aa: {  	v12 =	vadd.s32 v4, v11;
	_ =	sdelay $0x4  }
0x2ab: {  	v12 =	vld.idx.msk [tilespmem:v12+s13+$0x0], $0xffff  }
0x2ac: {  	v13 =	vadd.s32 v5, v11  }
0x2ad: {  	s31 =	sand.u32 $0x7, s26  }
0x2ae: {  	s2 =	sshll.u32 s31, $0xB  }
0x2af: {  	s2 =	sor.u32 $0x18120, s2  }
0x2b0: {  	[tilespmem:s2+$0xFFFFFFE0] =	vst v12  }
0x2b1: {  	v12 =	vld.idx.msk [tilespmem:v13+s13+$0x0], $0xffff  }
0x2b2: {  	v13 =	vadd.s32 v6, v11;
	_ =	sdelay $0x3  }
0x2b3: {  	[tilespmem:s2+$0xFFFFFFF0] =	vst v12  }
0x2b4: {  	v12 =	vld.idx.msk [tilespmem:v13+s13+$0x0], $0xffff  }
0x2b5: {  	v11 =	vadd.s32 v7, v11;
	_ =	sdelay $0x3  }
0x2b6: {  	[tilespmem:s2+$0x0] =	vst v12  }
0x2b7: {  	s9 =	simm.s32 $0x1;
	s7 =	sshll.u32 s30, $0xB;
	v12 =	vld.idx.msk [tilespmem:v11+s13+$0x0], $0xffff  }
0x2b8: {  	s1 =	sadd.s32 $0x1C100, s3;
	s8 =	sor.u32 $0x18100, s7;
	s3 =	simm.s32 $0x2;
	v11 =	vmov s9  }
.LBB2_20:
0x2b9: {  	_ =	sdelay $0x1  }
0x2ba: {  	p1 =	sne.s32 s3, $0xF  }
0x2bb: {  	s7 =	smov.u32 s3;
	s3 =	sadd.s32 $0x1, s3;
	[tilespmem:s2+$0x10] =	vst v12;
	s2 =	sadd.s32 $0x80, s2  }
0x2bc: {  	v11 =	vld.idx.msk [tilespmem:v11+s21+$0x0], $0xffff;
	_ =	sdelay $0x5  }
0x2bd: {  	v12 =	vshll.u32 v11, $0x3  }
0x2be: {  	v11 =	vand.u32 $0x7F, v11;
	v12 =	vand.u32 $0xFFFFFC00, v12  }
0x2bf: {  	v11 =	vor.u32 v11, v12  }
0x2c0: {  	v12 =	vadd.s32 v4, v11;
	_ =	sdelay $0x4  }
0x2c1: {  	v12 =	vld.idx.msk [tilespmem:v12+s13+$0x0], $0xffff;
	_ =	sdelay $0x1  }
0x2c2: {  	v13 =	vadd.s32 v5, v11;
	_ =	sdelay $0x3  }
0x2c3: {  	[tilespmem:s2+$0xFFFFFFE0] =	vst v12  }
0x2c4: {  	v12 =	vld.idx.msk [tilespmem:v13+s13+$0x0], $0xffff;
	_ =	sdelay $0x1  }
0x2c5: {  	v13 =	vadd.s32 v6, v11;
	_ =	sdelay $0x3  }
0x2c6: {  	[tilespmem:s2+$0xFFFFFFF0] =	vst v12  }
0x2c7: {  	v12 =	vld.idx.msk [tilespmem:v13+s13+$0x0], $0xffff;
	_ =	sdelay $0x1  }
0x2c8: {  	v11 =	vadd.s32 v7, v11;
	_ =	sdelay $0x2  }
.Ltmp15:
0x2c9: {  	(pc) =	sbr.rel @p1 .LBB2_20-.Ltmp15, $3  }
0x2ca: {  	[tilespmem:s2+$0x0] =	vst v12  }
0x2cb: {  	v12 =	vld.idx.msk [tilespmem:v11+s13+$0x0], $0xffff;
	_ =	sdelay $0x1  }
0x2cc: {  	v11 =	vmov s7  }
0x2cd: {  	_ =	sdelay $0x2  }
0x2ce: {  	[tilespmem:s2+$0x10] =	vst v12  }
0x2cf: {  	v11 =	vld.idx.msk [tilespmem:v11+s21+$0x0], $0xffff;
	_ =	sdelay $0x4  }
0x2d0: {  	v62 =	vshll.u32 v11, $0x3  }
0x2d1: {  	v11 =	vand.u32 $0x7F, v11;
	v12 =	vand.u32 $0xFFFFFC00, v62  }
0x2d2: {  	v11 =	vor.u32 v11, v12  }
0x2d3: {  	v12 =	vadd.s32 v4, v11;
	_ =	sdelay $0x4  }
0x2d4: {  	v12 =	vld.idx.msk [tilespmem:v12+s13+$0x0], $0xffff  }
0x2d5: {  	v13 =	vadd.s32 v5, v11;
	_ =	sdelay $0x2  }
0x2d6: {  	s31 =	sadd.s32 $0x80, s2  }
0x2d7: {  	[tilespmem:s31+$0xFFFFFFE0] =	vst v12  }
0x2d8: {  	v12 =	vld.idx.msk [tilespmem:v13+s13+$0x0], $0xffff  }
0x2d9: {  	v63 =	vadd.s32 v6, v11;
	_ =	sdelay $0x3  }
0x2da: {  	[tilespmem:s31+$0xFFFFFFF0] =	vst v12  }
0x2db: {  	v12 =	vld.idx.msk [tilespmem:v63+s13+$0x0], $0xffff  }
0x2dc: {  	v11 =	vadd.s32 v7, v11;
	_ =	sdelay $0x3  }
0x2dd: {  	[tilespmem:s31+$0x0] =	vst v12  }
0x2de: {  	s28 =	sadd.s32 $0x1, s28;
	v11 =	vld.idx.msk [tilespmem:v11+s13+$0x0], $0xffff  }
0x2df: {  	p1 =	sne.s32 s28, s25  }
.Ltmp16:
0x2e0: {  	_ = 	snop;
	(pc) =	sbr.rel @p1 .LBB2_19-.Ltmp16, $4  }
.Ltmp17:
0x2e1: {  	_ = 	snop;
	(pc) =	sbr.rel @!p1 .LBB2_22-.Ltmp17, $4  }
0x2e2: {  	_ = 	snop  }
0x2e3: {  	s0 =	sadd.s32 $0x1, s0;
	s26 =	sadd.s32 $0x1, s26;
	[tilespmem:s31+$0x10] =	vst v11  }
0x2e4: {  	[hbm4b:s6+s22] =	stream.indirect.scatter [tilespmem:s8], [sflag:$0x1], $0x80, s1, s22, $0x2000b8;
	[tilespmem:$0x1C580] =	vst v63  }
0x2e5: {  	_ = 	snop  }
.LBB2_23:
.Ltmp18:
0x2e6: {  	(pc) =	sbr.rel @p0 .LBB2_48-.Ltmp18, $2  }
0x2e7: {  	_ =	sdelay $0x2  }
0x2e8: {  	_ =	strace $0x9000004A  }
0x2e9: {  	s2 =	rddreg [dreg:$0x6]  }
0x2ea: {  	[tilespmem:s13], [sflag:$0x2] =	stream.linear.gather [hbm4b:s2+s4], $0x1000, $0x38;
	[tilespmem:$0x1C580] =	vst v63  }
0x2eb: {  	s1 =	sadd.s32 $0xF4280, s2  }
0x2ec: {  	[tilespmem:s14], [sflag:$0x2] =	stream.linear.gather [hbm4b:s1+s4], $0x1000, $0x38;
	[tilespmem:$0x1C580] =	vst v63  }
0x2ed: {  	s3 =	sadd.s32 $0x1E8500, s2  }
0x2ee: {  	[tilespmem:s15], [sflag:$0x2] =	stream.linear.gather [hbm4b:s3+s4], $0x1000, $0x38;
	[tilespmem:$0x1C580] =	vst v63  }
0x2ef: {  	s7 =	sadd.s32 $0x2DC780, s2  }
0x2f0: {  	[tilespmem:s16], [sflag:$0x2] =	stream.linear.gather [hbm4b:s7+s4], $0x1000, $0x38;
	[tilespmem:$0x1C580] =	vst v63  }
0x2f1: {  	s8 =	sadd.s32 $0x3D0A00, s2  }
0x2f2: {  	[tilespmem:s17], [sflag:$0x2] =	stream.linear.gather [hbm4b:s8+s4], $0x1000, $0x38;
	[tilespmem:$0x1C580] =	vst v63  }
0x2f3: {  	s9 =	sadd.s32 $0x4C4C80, s2  }
0x2f4: {  	[tilespmem:s18], [sflag:$0x2] =	stream.linear.gather [hbm4b:s9+s4], $0x1000, $0x38;
	[tilespmem:$0x1C580] =	vst v63  }
0x2f5: {  	s23 =	sadd.s32 $0x5B8F00, s2  }
0x2f6: {  	[tilespmem:s19], [sflag:$0x2] =	stream.linear.gather [hbm4b:s23+s4], $0x1000, $0x38;
	[tilespmem:$0x1C580] =	vst v63  }
0x2f7: {  	s24 =	sadd.s32 $0x6AD180, s2  }
0x2f8: {  	[tilespmem:s20], [sflag:$0x2] =	stream.linear.gather [hbm4b:s24+s4], $0x1000, $0x38;
	[tilespmem:$0x1C580] =	vst v63  }
0x2f9: {  	_ =	swait.ge [sflag:s10], $0x8000  }
0x2fa: {  	[sflag:s10] =	ssyncset.done $0x0  }
0x2fb: {  	s25 =	simm.s32 $0xF100;
	s2 =	rddreg [dreg:$0x7];
	[sflag:s10] =	ssyncadd.s32 $0xFFFF8000  }
0x2fc: {  	[tilespmem:s25], [sflag:$0x2] =	stream.linear.gather [hbm4b:s2+s4], $0x400, $0x38;
	[tilespmem:$0x1C580] =	vst v63  }
0x2fd: {  	s3 =	simm.s32 $0x10500;
	s26 =	sadd.s32 $0xF4280, s2  }
0x2fe: {  	[tilespmem:s3], [sflag:$0x2] =	stream.linear.gather [hbm4b:s26+s4], $0x400, $0x38;
	[tilespmem:$0x1C580] =	vst v63  }
0x2ff: {  	s29 =	simm.s32 $0x11900;
	s28 =	sadd.s32 $0x1E8500, s2  }
0x300: {  	[tilespmem:s29], [sflag:$0x2] =	stream.linear.gather [hbm4b:s28+s4], $0x400, $0x38;
	[tilespmem:$0x1C580] =	vst v63  }
0x301: {  	s31 =	simm.s32 $0x12D00;
	s30 =	sadd.s32 $0x2DC780, s2  }
0x302: {  	[tilespmem:s31], [sflag:$0x2] =	stream.linear.gather [hbm4b:s30+s4], $0x400, $0x38;
	[tilespmem:$0x1C580] =	vst v63  }
0x303: {  	s8 =	simm.s32 $0x14100;
	s7 =	sadd.s32 $0x3D0A00, s2  }
0x304: {  	[tilespmem:s8], [sflag:$0x2] =	stream.linear.gather [hbm4b:s7+s4], $0x400, $0x38;
	[tilespmem:$0x1C580] =	vst v63  }
0x305: {  	s23 =	simm.s32 $0x15500;
	s9 =	sadd.s32 $0x4C4C80, s2  }
0x306: {  	[tilespmem:s23], [sflag:$0x2] =	stream.linear.gather [hbm4b:s9+s4], $0x400, $0x38;
	[tilespmem:$0x1C580] =	vst v63  }
0x307: {  	s24 =	sadd.s32 $0x5B8F00, s2;
	s25 =	simm.s32 $0x16900  }
0x308: {  	[tilespmem:s25], [sflag:$0x2] =	stream.linear.gather [hbm4b:s24+s4], $0x400, $0x38;
	[tilespmem:$0x1C580] =	vst v63  }
0x309: {  	s26 =	sadd.s32 $0x6AD180, s2;
	s28 =	simm.s32 $0x17D00  }
0x30a: {  	[tilespmem:s28], [sflag:$0x2] =	stream.linear.gather [hbm4b:s26+s4], $0x400, $0x38;
	[tilespmem:$0x1C580] =	vst v63  }
0x30b: {  	_ =	swait.ge [sflag:s10], $0x2000  }
0x30c: {  	[sflag:s10] =	ssyncset.done $0x0  }
0x30d: {  	[sflag:s10] =	ssyncadd.s32 $0xFFFFE000  }
0x30e: {  	s1 =	sld [smem:$0x3D];
	_ =	sdelay $0x2  }
0x30f: {  	p1 =	slt.s32 s1, $0x40  }
0x310: {  	p2 =	slt.s32 s1, $0xFFFFFFF2;
	s1 =	simm.s32 @!p1 $0x40  }
0x311: {  	s29 =	sadd.s32 $0xF, s1  }
0x312: {  	s30 =	sand.u32 $0xF, s29  }
0x313: {  	s31 =	sshra.s32 s29, $0x1F;
	p6 =	sne.s32 s30, $0x0  }
0x314: {  	s3 =	sshrl.u32 s31, $0x1C;
	p1 =	por !p2, !p6  }
0x315: {  	s2 =	sadd.s32 s3, s29;
	s3 =	simm.s32 $0x1;
	p1 =	por !p1, !p1  }
0x316: {  	s2 =	sshra.s32 s2, $0x4;
	s3 =	simm.s32 @!p1 $0x0  }
0x317: {  	s23 =	ssub.s32 s2, s3  }
0x318: {  	p1 =	slt.s32 s23, $0x1  }
.Ltmp19:
0x319: {  	_ = 	snop;
	(pc) =	sbr.rel @p1 .LBB2_29-.Ltmp19, $1  }
0x31a: {  	_ =	sdelay $0x3  }
0x31b: {  	v8 =	vmov s1;
	s24 =	simm.s32 $0x0;
	s25 =	smov.u32 s0;
	s26 =	simm.s32 $0x0  }
.LBB2_26:
0x31c: {  	s1 =	sshll.u32 s26, $0x4  }
0x31d: {  	v9 =	vld [tilespmem:s1+$0xCF40];
	_ =	sdelay $0x3  }
0x31e: {  	p1 =	slt.s32 s0, $0x8  }
0x31f: {  	s2 =	simm.s32 @!p1 $0x1;
	v10 =	vshrl.u32 v9, $0xE  }
0x320: {  	v11 =	vmov s24;
	_ =	swait.ge @!p1 [sflag:s2], $0x800;
	v10 =	vmax.u32 v10, $0x7A00  }
0x321: {  	v12 =	vor.u32 s1, v3;
	[sflag:s2] =	ssyncset.done @!p1 $0x0;
	v10 =	vmin.u32 v10, $0x7C3F  }
0x322: {  	s30 =	sand.u32 $0x7, s0;
	vm0 =	vlt.s32 v12, v8;
	[sflag:s2] =	ssyncadd.s32 @!p1 $0xFFFFF800;
	v9 =	vand.u32 $0x3FFF, v9;
	v10 =	vadd.s32 $0xFFFF8600, v10  }
0x323: {  	s3 =	sshll.u32 s30, $0x7;
	v9 =	vnsel vm0, $0x4000, v9;
	[tilespmem:$0x1C500] =	vst v10  }
0x324: {  	[tilespmem:s3+$0x1C100] =	vst v9  }
0x325: {  	v9 =	vld.idx.msk [tilespmem:v11+s21+$0x0], $0xffff;
	_ =	sdelay $0x4  }
0x326: {  	v10 =	vshll.u32 v9, $0x3  }
0x327: {  	v9 =	vand.u32 $0x7F, v9;
	v10 =	vand.u32 $0xFFFFFC00, v10  }
0x328: {  	v9 =	vor.u32 v9, v10  }
0x329: {  	v10 =	vadd.s32 v4, v9;
	_ =	sdelay $0x4  }
0x32a: {  	v10 =	vld.idx.msk [tilespmem:v10+s13+$0x0], $0xffff  }
0x32b: {  	v11 =	vadd.s32 v5, v9  }
0x32c: {  	s31 =	sand.u32 $0x7, s25  }
0x32d: {  	s2 =	sshll.u32 s31, $0xB  }
0x32e: {  	s2 =	sor.u32 $0x18120, s2  }
0x32f: {  	[tilespmem:s2+$0xFFFFFFE0] =	vst v10  }
0x330: {  	v10 =	vld.idx.msk [tilespmem:v11+s13+$0x0], $0xffff  }
0x331: {  	v11 =	vadd.s32 v6, v9;
	_ =	sdelay $0x3  }
0x332: {  	[tilespmem:s2+$0xFFFFFFF0] =	vst v10  }
0x333: {  	v10 =	vld.idx.msk [tilespmem:v11+s13+$0x0], $0xffff  }
0x334: {  	v9 =	vadd.s32 v7, v9;
	_ =	sdelay $0x3  }
0x335: {  	[tilespmem:s2+$0x0] =	vst v10  }
0x336: {  	s9 =	simm.s32 $0x1;
	s7 =	sshll.u32 s30, $0xB;
	v10 =	vld.idx.msk [tilespmem:v9+s13+$0x0], $0xffff  }
0x337: {  	s1 =	sadd.s32 $0x1C100, s3;
	s8 =	sor.u32 $0x18100, s7;
	s3 =	simm.s32 $0x2;
	v9 =	vmov s9  }
.LBB2_27:
0x338: {  	_ =	sdelay $0x1  }
0x339: {  	p1 =	sne.s32 s3, $0xF  }
0x33a: {  	s7 =	smov.u32 s3;
	s3 =	sadd.s32 $0x1, s3;
	[tilespmem:s2+$0x10] =	vst v10;
	s2 =	sadd.s32 $0x80, s2  }
0x33b: {  	v9 =	vld.idx.msk [tilespmem:v9+s21+$0x0], $0xffff;
	_ =	sdelay $0x5  }
0x33c: {  	v10 =	vshll.u32 v9, $0x3  }
0x33d: {  	v9 =	vand.u32 $0x7F, v9;
	v10 =	vand.u32 $0xFFFFFC00, v10  }
0x33e: {  	v9 =	vor.u32 v9, v10  }
0x33f: {  	v10 =	vadd.s32 v4, v9;
	_ =	sdelay $0x4  }
0x340: {  	v10 =	vld.idx.msk [tilespmem:v10+s13+$0x0], $0xffff;
	_ =	sdelay $0x1  }
0x341: {  	v11 =	vadd.s32 v5, v9;
	_ =	sdelay $0x3  }
0x342: {  	[tilespmem:s2+$0xFFFFFFE0] =	vst v10  }
0x343: {  	v10 =	vld.idx.msk [tilespmem:v11+s13+$0x0], $0xffff;
	_ =	sdelay $0x1  }
0x344: {  	v11 =	vadd.s32 v6, v9;
	_ =	sdelay $0x3  }
0x345: {  	[tilespmem:s2+$0xFFFFFFF0] =	vst v10  }
0x346: {  	v10 =	vld.idx.msk [tilespmem:v11+s13+$0x0], $0xffff;
	_ =	sdelay $0x1  }
0x347: {  	v9 =	vadd.s32 v7, v9;
	_ =	sdelay $0x2  }
.Ltmp20:
0x348: {  	(pc) =	sbr.rel @p1 .LBB2_27-.Ltmp20, $3  }
0x349: {  	[tilespmem:s2+$0x0] =	vst v10  }
0x34a: {  	v10 =	vld.idx.msk [tilespmem:v9+s13+$0x0], $0xffff;
	_ =	sdelay $0x1  }
0x34b: {  	v9 =	vmov s7  }
0x34c: {  	_ =	sdelay $0x2  }
0x34d: {  	[tilespmem:s2+$0x10] =	vst v10  }
0x34e: {  	v9 =	vld.idx.msk [tilespmem:v9+s21+$0x0], $0xffff;
	_ =	sdelay $0x4  }
0x34f: {  	v10 =	vshll.u32 v9, $0x3  }
0x350: {  	v9 =	vand.u32 $0x7F, v9;
	v10 =	vand.u32 $0xFFFFFC00, v10  }
0x351: {  	v9 =	vor.u32 v9, v10  }
0x352: {  	v10 =	vadd.s32 v4, v9;
	_ =	sdelay $0x4  }
0x353: {  	v10 =	vld.idx.msk [tilespmem:v10+s13+$0x0], $0xffff  }
0x354: {  	v11 =	vadd.s32 v5, v9;
	_ =	sdelay $0x2  }
0x355: {  	s31 =	sadd.s32 $0x80, s2  }
0x356: {  	[tilespmem:s31+$0xFFFFFFE0] =	vst v10  }
0x357: {  	v10 =	vld.idx.msk [tilespmem:v11+s13+$0x0], $0xffff  }
0x358: {  	v11 =	vadd.s32 v6, v9;
	_ =	sdelay $0x3  }
0x359: {  	[tilespmem:s31+$0xFFFFFFF0] =	vst v10  }
0x35a: {  	v10 =	vld.idx.msk [tilespmem:v11+s13+$0x0], $0xffff  }
0x35b: {  	v9 =	vadd.s32 v7, v9;
	_ =	sdelay $0x3  }
0x35c: {  	[tilespmem:s31+$0x0] =	vst v10  }
0x35d: {  	s26 =	sadd.s32 $0x1, s26;
	v9 =	vld.idx.msk [tilespmem:v9+s13+$0x0], $0xffff  }
0x35e: {  	p1 =	sne.s32 s26, s23  }
.Ltmp21:
0x35f: {  	_ = 	snop;
	(pc) =	sbr.rel @p1 .LBB2_26-.Ltmp21, $3  }
0x360: {  	_ =	sdelay $0x1  }
0x361: {  	s0 =	sadd.s32 $0x1, s0;
	s25 =	sadd.s32 $0x1, s25;
	[tilespmem:s31+$0x10] =	vst v9  }
0x362: {  	[hbm4b:s5+s22] =	stream.indirect.scatter [tilespmem:s8], [sflag:$0x1], $0x80, s1, s22, $0xb8;
	[tilespmem:$0x1C580] =	vst v63  }
.LBB2_29:
0x363: {  	s1 =	sld [smem:$0xBD];
	_ =	sdelay $0x2  }
0x364: {  	p1 =	slt.s32 s1, $0x40  }
0x365: {  	p2 =	slt.s32 s1, $0xFFFFFFF2;
	s1 =	simm.s32 @!p1 $0x40  }
0x366: {  	s2 =	sadd.s32 $0xF, s1  }
0x367: {  	s3 =	sand.u32 $0xF, s2  }
0x368: {  	s31 =	sshra.s32 s2, $0x1F;
	p6 =	sne.s32 s3, $0x0  }
0x369: {  	s3 =	sshrl.u32 s31, $0x1C;
	p1 =	por !p2, !p6  }
0x36a: {  	s2 =	sadd.s32 s3, s2;
	s3 =	simm.s32 $0x1;
	p1 =	por !p1, !p1  }
0x36b: {  	s2 =	sshra.s32 s2, $0x4;
	s3 =	simm.s32 @!p1 $0x0  }
0x36c: {  	s23 =	ssub.s32 s2, s3  }
0x36d: {  	p1 =	slt.s32 s23, $0x1  }
.Ltmp22:
0x36e: {  	_ = 	snop;
	(pc) =	sbr.rel @p1 .LBB2_34-.Ltmp22, $1  }
0x36f: {  	_ =	sdelay $0x3  }
0x370: {  	v8 =	vmov s1;
	s24 =	simm.s32 $0x0;
	s25 =	smov.u32 s0;
	s26 =	simm.s32 $0x0  }
.LBB2_31:
0x371: {  	s1 =	sshll.u32 s26, $0x4  }
0x372: {  	v9 =	vld [tilespmem:s1+$0xDFC0];
	_ =	sdelay $0x3  }
0x373: {  	p1 =	slt.s32 s0, $0x8  }
0x374: {  	s2 =	simm.s32 @!p1 $0x1;
	v10 =	vshrl.u32 v9, $0xE  }
0x375: {  	v11 =	vmov s24;
	_ =	swait.ge @!p1 [sflag:s2], $0x800;
	v10 =	vmax.u32 v10, $0x7A00  }
0x376: {  	v12 =	vor.u32 s1, v3;
	[sflag:s2] =	ssyncset.done @!p1 $0x0;
	v10 =	vmin.u32 v10, $0x7C3F  }
0x377: {  	s30 =	sand.u32 $0x7, s0;
	vm0 =	vlt.s32 v12, v8;
	[sflag:s2] =	ssyncadd.s32 @!p1 $0xFFFFF800;
	v9 =	vand.u32 $0x3FFF, v9;
	v10 =	vadd.s32 $0xFFFF8600, v10  }
0x378: {  	s3 =	sshll.u32 s30, $0x7;
	v9 =	vnsel vm0, $0x4000, v9;
	[tilespmem:$0x1C500] =	vst v10  }
0x379: {  	[tilespmem:s3+$0x1C100] =	vst v9  }
0x37a: {  	v9 =	vld.idx.msk [tilespmem:v11+s21+$0x0], $0xffff;
	_ =	sdelay $0x4  }
0x37b: {  	v10 =	vshll.u32 v9, $0x3  }
0x37c: {  	v9 =	vand.u32 $0x7F, v9;
	v10 =	vand.u32 $0xFFFFFC00, v10  }
0x37d: {  	v9 =	vor.u32 v9, v10  }
0x37e: {  	v10 =	vadd.s32 v4, v9;
	_ =	sdelay $0x4  }
0x37f: {  	v10 =	vld.idx.msk [tilespmem:v10+s13+$0x0], $0xffff  }
0x380: {  	v11 =	vadd.s32 v5, v9  }
0x381: {  	s31 =	sand.u32 $0x7, s25  }
0x382: {  	s2 =	sshll.u32 s31, $0xB  }
0x383: {  	s2 =	sor.u32 $0x18120, s2  }
0x384: {  	[tilespmem:s2+$0xFFFFFFE0] =	vst v10  }
0x385: {  	v10 =	vld.idx.msk [tilespmem:v11+s13+$0x0], $0xffff  }
0x386: {  	v11 =	vadd.s32 v6, v9;
	_ =	sdelay $0x3  }
0x387: {  	[tilespmem:s2+$0xFFFFFFF0] =	vst v10  }
0x388: {  	v10 =	vld.idx.msk [tilespmem:v11+s13+$0x0], $0xffff  }
0x389: {  	v9 =	vadd.s32 v7, v9;
	_ =	sdelay $0x3  }
0x38a: {  	[tilespmem:s2+$0x0] =	vst v10  }
0x38b: {  	s9 =	simm.s32 $0x1;
	s7 =	sshll.u32 s30, $0xB;
	v10 =	vld.idx.msk [tilespmem:v9+s13+$0x0], $0xffff  }
0x38c: {  	s1 =	sadd.s32 $0x1C100, s3;
	s8 =	sor.u32 $0x18100, s7;
	s3 =	simm.s32 $0x2;
	v9 =	vmov s9  }
.LBB2_32:
0x38d: {  	_ =	sdelay $0x1  }
0x38e: {  	p1 =	sne.s32 s3, $0xF  }
0x38f: {  	s7 =	smov.u32 s3;
	s3 =	sadd.s32 $0x1, s3;
	[tilespmem:s2+$0x10] =	vst v10;
	s2 =	sadd.s32 $0x80, s2  }
0x390: {  	v9 =	vld.idx.msk [tilespmem:v9+s21+$0x0], $0xffff;
	_ =	sdelay $0x5  }
0x391: {  	v10 =	vshll.u32 v9, $0x3  }
0x392: {  	v9 =	vand.u32 $0x7F, v9;
	v10 =	vand.u32 $0xFFFFFC00, v10  }
0x393: {  	v9 =	vor.u32 v9, v10  }
0x394: {  	v10 =	vadd.s32 v4, v9;
	_ =	sdelay $0x4  }
0x395: {  	v10 =	vld.idx.msk [tilespmem:v10+s13+$0x0], $0xffff;
	_ =	sdelay $0x1  }
0x396: {  	v11 =	vadd.s32 v5, v9;
	_ =	sdelay $0x3  }
0x397: {  	[tilespmem:s2+$0xFFFFFFE0] =	vst v10  }
0x398: {  	v10 =	vld.idx.msk [tilespmem:v11+s13+$0x0], $0xffff;
	_ =	sdelay $0x1  }
0x399: {  	v11 =	vadd.s32 v6, v9;
	_ =	sdelay $0x3  }
0x39a: {  	[tilespmem:s2+$0xFFFFFFF0] =	vst v10  }
0x39b: {  	v10 =	vld.idx.msk [tilespmem:v11+s13+$0x0], $0xffff;
	_ =	sdelay $0x1  }
0x39c: {  	v9 =	vadd.s32 v7, v9;
	_ =	sdelay $0x2  }
.Ltmp23:
0x39d: {  	(pc) =	sbr.rel @p1 .LBB2_32-.Ltmp23, $3  }
0x39e: {  	[tilespmem:s2+$0x0] =	vst v10  }
0x39f: {  	v10 =	vld.idx.msk [tilespmem:v9+s13+$0x0], $0xffff;
	_ =	sdelay $0x1  }
0x3a0: {  	v9 =	vmov s7  }
0x3a1: {  	_ =	sdelay $0x2  }
0x3a2: {  	[tilespmem:s2+$0x10] =	vst v10  }
0x3a3: {  	v9 =	vld.idx.msk [tilespmem:v9+s21+$0x0], $0xffff;
	_ =	sdelay $0x4  }
0x3a4: {  	v10 =	vshll.u32 v9, $0x3  }
0x3a5: {  	v9 =	vand.u32 $0x7F, v9;
	v10 =	vand.u32 $0xFFFFFC00, v10  }
0x3a6: {  	v9 =	vor.u32 v9, v10  }
0x3a7: {  	v10 =	vadd.s32 v4, v9;
	_ =	sdelay $0x4  }
0x3a8: {  	v10 =	vld.idx.msk [tilespmem:v10+s13+$0x0], $0xffff  }
0x3a9: {  	v11 =	vadd.s32 v5, v9;
	_ =	sdelay $0x2  }
0x3aa: {  	s31 =	sadd.s32 $0x80, s2  }
0x3ab: {  	[tilespmem:s31+$0xFFFFFFE0] =	vst v10  }
0x3ac: {  	v10 =	vld.idx.msk [tilespmem:v11+s13+$0x0], $0xffff  }
0x3ad: {  	v11 =	vadd.s32 v6, v9;
	_ =	sdelay $0x3  }
0x3ae: {  	[tilespmem:s31+$0xFFFFFFF0] =	vst v10  }
0x3af: {  	v10 =	vld.idx.msk [tilespmem:v11+s13+$0x0], $0xffff  }
0x3b0: {  	v9 =	vadd.s32 v7, v9;
	_ =	sdelay $0x3  }
0x3b1: {  	[tilespmem:s31+$0x0] =	vst v10  }
0x3b2: {  	s26 =	sadd.s32 $0x1, s26;
	v9 =	vld.idx.msk [tilespmem:v9+s13+$0x0], $0xffff  }
0x3b3: {  	p1 =	sne.s32 s26, s23  }
.Ltmp24:
0x3b4: {  	_ = 	snop;
	(pc) =	sbr.rel @p1 .LBB2_31-.Ltmp24, $3  }
0x3b5: {  	_ =	sdelay $0x1  }
0x3b6: {  	s0 =	sadd.s32 $0x1, s0;
	s25 =	sadd.s32 $0x1, s25;
	[tilespmem:s31+$0x10] =	vst v9  }
0x3b7: {  	[hbm4b:s6+s22] =	stream.indirect.scatter [tilespmem:s8], [sflag:$0x1], $0x80, s1, s22, $0xb8;
	[tilespmem:$0x1C580] =	vst v63  }
.LBB2_34:
0x3b8: {  	s1 =	sld [smem:$0x3E];
	_ =	sdelay $0x2  }
0x3b9: {  	p1 =	slt.s32 s1, $0x40  }
0x3ba: {  	p2 =	slt.s32 s1, $0xFFFFFFF2;
	s1 =	simm.s32 @!p1 $0x40  }
0x3bb: {  	s2 =	sadd.s32 $0xF, s1  }
0x3bc: {  	s3 =	sand.u32 $0xF, s2  }
0x3bd: {  	s31 =	sshra.s32 s2, $0x1F;
	p6 =	sne.s32 s3, $0x0  }
0x3be: {  	s3 =	sshrl.u32 s31, $0x1C;
	p1 =	por !p2, !p6  }
0x3bf: {  	s2 =	sadd.s32 s3, s2;
	s3 =	simm.s32 $0x1;
	p1 =	por !p1, !p1  }
0x3c0: {  	s2 =	sshra.s32 s2, $0x4;
	s3 =	simm.s32 @!p1 $0x0  }
0x3c1: {  	s23 =	ssub.s32 s2, s3  }
0x3c2: {  	p1 =	slt.s32 s23, $0x1  }
.Ltmp25:
0x3c3: {  	_ = 	snop;
	(pc) =	sbr.rel @p1 .LBB2_39-.Ltmp25, $1  }
0x3c4: {  	_ =	sdelay $0x3  }
0x3c5: {  	v8 =	vmov s1;
	s24 =	simm.s32 $0x0;
	s25 =	smov.u32 s0;
	s26 =	simm.s32 $0x0  }
.LBB2_36:
0x3c6: {  	s1 =	sshll.u32 s26, $0x4  }
0x3c7: {  	v9 =	vld [tilespmem:s1+$0xCF80];
	_ =	sdelay $0x3  }
0x3c8: {  	p1 =	slt.s32 s0, $0x8  }
0x3c9: {  	s2 =	simm.s32 @!p1 $0x1;
	v10 =	vshrl.u32 v9, $0xE  }
0x3ca: {  	v11 =	vmov s24;
	_ =	swait.ge @!p1 [sflag:s2], $0x800;
	v10 =	vmax.u32 v10, $0x7A00  }
0x3cb: {  	v12 =	vor.u32 s1, v3;
	[sflag:s2] =	ssyncset.done @!p1 $0x0;
	v10 =	vmin.u32 v10, $0x7C3F  }
0x3cc: {  	s30 =	sand.u32 $0x7, s0;
	vm0 =	vlt.s32 v12, v8;
	[sflag:s2] =	ssyncadd.s32 @!p1 $0xFFFFF800;
	v9 =	vand.u32 $0x3FFF, v9;
	v10 =	vadd.s32 $0xFFFF8600, v10  }
0x3cd: {  	s3 =	sshll.u32 s30, $0x7;
	v9 =	vnsel vm0, $0x4000, v9;
	[tilespmem:$0x1C500] =	vst v10  }
0x3ce: {  	[tilespmem:s3+$0x1C100] =	vst v9  }
0x3cf: {  	v9 =	vld.idx.msk [tilespmem:v11+s21+$0x0], $0xffff;
	_ =	sdelay $0x4  }
0x3d0: {  	v10 =	vshll.u32 v9, $0x3  }
0x3d1: {  	v9 =	vand.u32 $0x7F, v9;
	v10 =	vand.u32 $0xFFFFFC00, v10  }
0x3d2: {  	v9 =	vor.u32 v9, v10  }
0x3d3: {  	v10 =	vadd.s32 v4, v9;
	_ =	sdelay $0x4  }
0x3d4: {  	v10 =	vld.idx.msk [tilespmem:v10+s13+$0x0], $0xffff  }
0x3d5: {  	v11 =	vadd.s32 v5, v9  }
0x3d6: {  	s31 =	sand.u32 $0x7, s25  }
0x3d7: {  	s2 =	sshll.u32 s31, $0xB  }
0x3d8: {  	s2 =	sor.u32 $0x18120, s2  }
0x3d9: {  	[tilespmem:s2+$0xFFFFFFE0] =	vst v10  }
0x3da: {  	v10 =	vld.idx.msk [tilespmem:v11+s13+$0x0], $0xffff  }
0x3db: {  	v11 =	vadd.s32 v6, v9;
	_ =	sdelay $0x3  }
0x3dc: {  	[tilespmem:s2+$0xFFFFFFF0] =	vst v10  }
0x3dd: {  	v10 =	vld.idx.msk [tilespmem:v11+s13+$0x0], $0xffff  }
0x3de: {  	v9 =	vadd.s32 v7, v9;
	_ =	sdelay $0x3  }
0x3df: {  	[tilespmem:s2+$0x0] =	vst v10  }
0x3e0: {  	s9 =	simm.s32 $0x1;
	s7 =	sshll.u32 s30, $0xB;
	v10 =	vld.idx.msk [tilespmem:v9+s13+$0x0], $0xffff  }
0x3e1: {  	s1 =	sadd.s32 $0x1C100, s3;
	s8 =	sor.u32 $0x18100, s7;
	s3 =	simm.s32 $0x2;
	v9 =	vmov s9  }
.LBB2_37:
0x3e2: {  	_ =	sdelay $0x1  }
0x3e3: {  	p1 =	sne.s32 s3, $0xF  }
0x3e4: {  	s7 =	smov.u32 s3;
	s3 =	sadd.s32 $0x1, s3;
	[tilespmem:s2+$0x10] =	vst v10;
	s2 =	sadd.s32 $0x80, s2  }
0x3e5: {  	v9 =	vld.idx.msk [tilespmem:v9+s21+$0x0], $0xffff;
	_ =	sdelay $0x5  }
0x3e6: {  	v10 =	vshll.u32 v9, $0x3  }
0x3e7: {  	v9 =	vand.u32 $0x7F, v9;
	v10 =	vand.u32 $0xFFFFFC00, v10  }
0x3e8: {  	v9 =	vor.u32 v9, v10  }
0x3e9: {  	v10 =	vadd.s32 v4, v9;
	_ =	sdelay $0x4  }
0x3ea: {  	v10 =	vld.idx.msk [tilespmem:v10+s13+$0x0], $0xffff;
	_ =	sdelay $0x1  }
0x3eb: {  	v11 =	vadd.s32 v5, v9;
	_ =	sdelay $0x3  }
0x3ec: {  	[tilespmem:s2+$0xFFFFFFE0] =	vst v10  }
0x3ed: {  	v10 =	vld.idx.msk [tilespmem:v11+s13+$0x0], $0xffff;
	_ =	sdelay $0x1  }
0x3ee: {  	v11 =	vadd.s32 v6, v9;
	_ =	sdelay $0x3  }
0x3ef: {  	[tilespmem:s2+$0xFFFFFFF0] =	vst v10  }
0x3f0: {  	v10 =	vld.idx.msk [tilespmem:v11+s13+$0x0], $0xffff;
	_ =	sdelay $0x1  }
0x3f1: {  	v9 =	vadd.s32 v7, v9;
	_ =	sdelay $0x2  }
.Ltmp26:
0x3f2: {  	(pc) =	sbr.rel @p1 .LBB2_37-.Ltmp26, $3  }
0x3f3: {  	[tilespmem:s2+$0x0] =	vst v10  }
0x3f4: {  	v10 =	vld.idx.msk [tilespmem:v9+s13+$0x0], $0xffff;
	_ =	sdelay $0x1  }
0x3f5: {  	v9 =	vmov s7  }
0x3f6: {  	_ =	sdelay $0x2  }
0x3f7: {  	[tilespmem:s2+$0x10] =	vst v10  }
0x3f8: {  	v9 =	vld.idx.msk [tilespmem:v9+s21+$0x0], $0xffff;
	_ =	sdelay $0x4  }
0x3f9: {  	v10 =	vshll.u32 v9, $0x3  }
0x3fa: {  	v9 =	vand.u32 $0x7F, v9;
	v10 =	vand.u32 $0xFFFFFC00, v10  }
0x3fb: {  	v9 =	vor.u32 v9, v10  }
0x3fc: {  	v10 =	vadd.s32 v4, v9;
	_ =	sdelay $0x4  }
0x3fd: {  	v10 =	vld.idx.msk [tilespmem:v10+s13+$0x0], $0xffff  }
0x3fe: {  	v11 =	vadd.s32 v5, v9;
	_ =	sdelay $0x2  }
0x3ff: {  	s31 =	sadd.s32 $0x80, s2  }
0x400: {  	[tilespmem:s31+$0xFFFFFFE0] =	vst v10  }
0x401: {  	v10 =	vld.idx.msk [tilespmem:v11+s13+$0x0], $0xffff  }
0x402: {  	v11 =	vadd.s32 v6, v9;
	_ =	sdelay $0x3  }
0x403: {  	[tilespmem:s31+$0xFFFFFFF0] =	vst v10  }
0x404: {  	v10 =	vld.idx.msk [tilespmem:v11+s13+$0x0], $0xffff  }
0x405: {  	v9 =	vadd.s32 v7, v9;
	_ =	sdelay $0x3  }
0x406: {  	[tilespmem:s31+$0x0] =	vst v10  }
0x407: {  	s26 =	sadd.s32 $0x1, s26;
	v9 =	vld.idx.msk [tilespmem:v9+s13+$0x0], $0xffff  }
0x408: {  	p1 =	sne.s32 s26, s23  }
.Ltmp27:
0x409: {  	_ = 	snop;
	(pc) =	sbr.rel @p1 .LBB2_36-.Ltmp27, $3  }
0x40a: {  	_ =	sdelay $0x1  }
0x40b: {  	s0 =	sadd.s32 $0x1, s0;
	s25 =	sadd.s32 $0x1, s25;
	[tilespmem:s31+$0x10] =	vst v9  }
0x40c: {  	[hbm4b:s5+s22] =	stream.indirect.scatter [tilespmem:s8], [sflag:$0x1], $0x80, s1, s22, $0xb8;
	[tilespmem:$0x1C580] =	vst v63  }
.LBB2_39:
0x40d: {  	s1 =	sld [smem:$0xBE];
	_ =	sdelay $0x2  }
0x40e: {  	p1 =	slt.s32 s1, $0x40  }
0x40f: {  	p2 =	slt.s32 s1, $0xFFFFFFF2;
	s1 =	simm.s32 @!p1 $0x40  }
0x410: {  	s2 =	sadd.s32 $0xF, s1  }
0x411: {  	s3 =	sand.u32 $0xF, s2  }
0x412: {  	s31 =	sshra.s32 s2, $0x1F;
	p6 =	sne.s32 s3, $0x0  }
0x413: {  	s3 =	sshrl.u32 s31, $0x1C;
	p1 =	por !p2, !p6  }
0x414: {  	s2 =	sadd.s32 s3, s2;
	s3 =	simm.s32 $0x1;
	p1 =	por !p1, !p1  }
0x415: {  	s2 =	sshra.s32 s2, $0x4;
	s3 =	simm.s32 @!p1 $0x0  }
0x416: {  	s23 =	ssub.s32 s2, s3  }
0x417: {  	p1 =	slt.s32 s23, $0x1  }
.Ltmp28:
0x418: {  	_ = 	snop;
	(pc) =	sbr.rel @p1 .LBB2_44-.Ltmp28, $1  }
0x419: {  	_ =	sdelay $0x3  }
0x41a: {  	v8 =	vmov s1;
	s24 =	simm.s32 $0x0;
	s25 =	smov.u32 s0;
	s26 =	simm.s32 $0x0  }
.LBB2_41:
0x41b: {  	s1 =	sshll.u32 s26, $0x4  }
0x41c: {  	v9 =	vld [tilespmem:s1+$0xE000];
	_ =	sdelay $0x3  }
0x41d: {  	p1 =	slt.s32 s0, $0x8  }
0x41e: {  	s2 =	simm.s32 @!p1 $0x1;
	v10 =	vshrl.u32 v9, $0xE  }
0x41f: {  	v11 =	vmov s24;
	_ =	swait.ge @!p1 [sflag:s2], $0x800;
	v10 =	vmax.u32 v10, $0x7A00  }
0x420: {  	v12 =	vor.u32 s1, v3;
	[sflag:s2] =	ssyncset.done @!p1 $0x0;
	v10 =	vmin.u32 v10, $0x7C3F  }
0x421: {  	s30 =	sand.u32 $0x7, s0;
	vm0 =	vlt.s32 v12, v8;
	[sflag:s2] =	ssyncadd.s32 @!p1 $0xFFFFF800;
	v9 =	vand.u32 $0x3FFF, v9;
	v10 =	vadd.s32 $0xFFFF8600, v10  }
0x422: {  	s3 =	sshll.u32 s30, $0x7;
	v9 =	vnsel vm0, $0x4000, v9;
	[tilespmem:$0x1C500] =	vst v10  }
0x423: {  	[tilespmem:s3+$0x1C100] =	vst v9  }
0x424: {  	v9 =	vld.idx.msk [tilespmem:v11+s21+$0x0], $0xffff;
	_ =	sdelay $0x4  }
0x425: {  	v10 =	vshll.u32 v9, $0x3  }
0x426: {  	v9 =	vand.u32 $0x7F, v9;
	v10 =	vand.u32 $0xFFFFFC00, v10  }
0x427: {  	v9 =	vor.u32 v9, v10  }
0x428: {  	v10 =	vadd.s32 v4, v9;
	_ =	sdelay $0x4  }
0x429: {  	v10 =	vld.idx.msk [tilespmem:v10+s13+$0x0], $0xffff  }
0x42a: {  	v11 =	vadd.s32 v5, v9  }
0x42b: {  	s31 =	sand.u32 $0x7, s25  }
0x42c: {  	s2 =	sshll.u32 s31, $0xB  }
0x42d: {  	s2 =	sor.u32 $0x18120, s2  }
0x42e: {  	[tilespmem:s2+$0xFFFFFFE0] =	vst v10  }
0x42f: {  	v10 =	vld.idx.msk [tilespmem:v11+s13+$0x0], $0xffff  }
0x430: {  	v11 =	vadd.s32 v6, v9;
	_ =	sdelay $0x3  }
0x431: {  	[tilespmem:s2+$0xFFFFFFF0] =	vst v10  }
0x432: {  	v10 =	vld.idx.msk [tilespmem:v11+s13+$0x0], $0xffff  }
0x433: {  	v9 =	vadd.s32 v7, v9;
	_ =	sdelay $0x3  }
0x434: {  	[tilespmem:s2+$0x0] =	vst v10  }
0x435: {  	s9 =	simm.s32 $0x1;
	s7 =	sshll.u32 s30, $0xB;
	v10 =	vld.idx.msk [tilespmem:v9+s13+$0x0], $0xffff  }
0x436: {  	s1 =	sadd.s32 $0x1C100, s3;
	s8 =	sor.u32 $0x18100, s7;
	s3 =	simm.s32 $0x2;
	v9 =	vmov s9  }
.LBB2_42:
0x437: {  	_ =	sdelay $0x1  }
0x438: {  	p1 =	sne.s32 s3, $0xF  }
0x439: {  	s7 =	smov.u32 s3;
	s3 =	sadd.s32 $0x1, s3;
	[tilespmem:s2+$0x10] =	vst v10;
	s2 =	sadd.s32 $0x80, s2  }
0x43a: {  	v9 =	vld.idx.msk [tilespmem:v9+s21+$0x0], $0xffff;
	_ =	sdelay $0x5  }
0x43b: {  	v10 =	vshll.u32 v9, $0x3  }
0x43c: {  	v9 =	vand.u32 $0x7F, v9;
	v10 =	vand.u32 $0xFFFFFC00, v10  }
0x43d: {  	v9 =	vor.u32 v9, v10  }
0x43e: {  	v10 =	vadd.s32 v4, v9;
	_ =	sdelay $0x4  }
0x43f: {  	v10 =	vld.idx.msk [tilespmem:v10+s13+$0x0], $0xffff;
	_ =	sdelay $0x1  }
0x440: {  	v11 =	vadd.s32 v5, v9;
	_ =	sdelay $0x3  }
0x441: {  	[tilespmem:s2+$0xFFFFFFE0] =	vst v10  }
0x442: {  	v10 =	vld.idx.msk [tilespmem:v11+s13+$0x0], $0xffff;
	_ =	sdelay $0x1  }
0x443: {  	v11 =	vadd.s32 v6, v9;
	_ =	sdelay $0x3  }
0x444: {  	[tilespmem:s2+$0xFFFFFFF0] =	vst v10  }
0x445: {  	v10 =	vld.idx.msk [tilespmem:v11+s13+$0x0], $0xffff;
	_ =	sdelay $0x1  }
0x446: {  	v9 =	vadd.s32 v7, v9;
	_ =	sdelay $0x2  }
.Ltmp29:
0x447: {  	(pc) =	sbr.rel @p1 .LBB2_42-.Ltmp29, $3  }
0x448: {  	[tilespmem:s2+$0x0] =	vst v10  }
0x449: {  	v10 =	vld.idx.msk [tilespmem:v9+s13+$0x0], $0xffff;
	_ =	sdelay $0x1  }
0x44a: {  	v9 =	vmov s7  }
0x44b: {  	_ =	sdelay $0x2  }
0x44c: {  	[tilespmem:s2+$0x10] =	vst v10  }
0x44d: {  	v9 =	vld.idx.msk [tilespmem:v9+s21+$0x0], $0xffff;
	_ =	sdelay $0x4  }
0x44e: {  	v10 =	vshll.u32 v9, $0x3  }
0x44f: {  	v9 =	vand.u32 $0x7F, v9;
	v10 =	vand.u32 $0xFFFFFC00, v10  }
0x450: {  	v9 =	vor.u32 v9, v10  }
0x451: {  	v10 =	vadd.s32 v4, v9;
	_ =	sdelay $0x4  }
0x452: {  	v10 =	vld.idx.msk [tilespmem:v10+s13+$0x0], $0xffff  }
0x453: {  	v11 =	vadd.s32 v5, v9;
	_ =	sdelay $0x2  }
0x454: {  	s31 =	sadd.s32 $0x80, s2  }
0x455: {  	[tilespmem:s31+$0xFFFFFFE0] =	vst v10  }
0x456: {  	v10 =	vld.idx.msk [tilespmem:v11+s13+$0x0], $0xffff  }
0x457: {  	v11 =	vadd.s32 v6, v9;
	_ =	sdelay $0x3  }
0x458: {  	[tilespmem:s31+$0xFFFFFFF0] =	vst v10  }
0x459: {  	v10 =	vld.idx.msk [tilespmem:v11+s13+$0x0], $0xffff  }
0x45a: {  	v9 =	vadd.s32 v7, v9;
	_ =	sdelay $0x3  }
0x45b: {  	[tilespmem:s31+$0x0] =	vst v10  }
0x45c: {  	s26 =	sadd.s32 $0x1, s26;
	v9 =	vld.idx.msk [tilespmem:v9+s13+$0x0], $0xffff  }
0x45d: {  	p1 =	sne.s32 s26, s23  }
.Ltmp30:
0x45e: {  	_ = 	snop;
	(pc) =	sbr.rel @p1 .LBB2_41-.Ltmp30, $3  }
0x45f: {  	_ =	sdelay $0x1  }
0x460: {  	s0 =	sadd.s32 $0x1, s0;
	s25 =	sadd.s32 $0x1, s25;
	[tilespmem:s31+$0x10] =	vst v9  }
0x461: {  	[hbm4b:s6+s22] =	stream.indirect.scatter [tilespmem:s8], [sflag:$0x1], $0x80, s1, s22, $0xb8;
	[tilespmem:$0x1C580] =	vst v63  }
.LBB2_44:
0x462: {  	p1 =	slt.s32 s0, $0x1  }
.Ltmp31:
0x463: {  	_ = 	snop;
	(pc) =	sbr.rel @p1 .LBB2_52-.Ltmp31, $2  }
0x464: {  	_ =	sdelay $0x2  }
0x465: {  	s1 =	rddreg [dreg:$0x9]  }
0x466: {  	p1 =	slt.s32 s0, $0x8  }
0x467: {  	s0 =	simm.s32 @!p1 $0x8  }
0x468: {  	p1 =	seq.s32 s0, $0x1  }
.Ltmp32:
0x469: {  	_ = 	snop;
	(pc) =	sbr.rel @p1 .LBB2_47-.Ltmp32, $3  }
0x46a: {  	_ =	sdelay $0x1  }
0x46b: {  	_ =	swait.ge [sflag:s12], $0x800  }
0x46c: {  	[sflag:s12] =	ssyncset.done $0x0;
	s0 =	sadd.s32 $0xFFFFFFFF, s0  }
.LBB2_46:
0x46d: {  	p1 =	seq.s32 s0, $0x1;
	s0 =	sadd.s32 $0xFFFFFFFF, s0;
	[sflag:s12] =	ssyncadd.s32 $0xFFFFF800  }
.Ltmp33:
0x46e: {  	(pc) =	sbr.rel @!p1 .LBB2_46-.Ltmp33, $3  }
0x46f: {  	_ =	sdelay $0x1  }
0x470: {  	_ =	swait.ge [sflag:s12], $0x800  }
0x471: {  	[sflag:s12] =	ssyncset.done $0x0  }
.LBB2_47:
.Ltmp34:
0x472: {  	(pc) =	sbr.rel .LBB2_52-.Ltmp34, $2  }
0x473: {  	_ =	sdelay $0x2  }
0x474: {  	[sflag:s12] =	ssyncadd.s32 $0xFFFFF800  }
.LBB2_48:
0x475: {  	p1 =	slt.s32 s0, $0x1  }
.Ltmp35:
0x476: {  	_ = 	snop;
	(pc) =	sbr.rel @p1 .LBB2_52-.Ltmp35, $2  }
0x477: {  	_ =	sdelay $0x2  }
0x478: {  	s1 =	rddreg [dreg:$0x9]  }
0x479: {  	p1 =	slt.s32 s0, $0x8  }
0x47a: {  	s0 =	simm.s32 @!p1 $0x8  }
0x47b: {  	p1 =	sne.s32 s0, $0x1  }
.Ltmp36:
0x47c: {  	_ = 	snop;
	(pc) =	sbr.rel @!p1 .LBB2_51-.Ltmp36, $3  }
0x47d: {  	_ =	sdelay $0x1  }
0x47e: {  	_ =	swait.ge [sflag:s12], $0x800  }
0x47f: {  	[sflag:s12] =	ssyncset.done $0x0;
	s0 =	sadd.s32 $0xFFFFFFFF, s0  }
.LBB2_50:
0x480: {  	p1 =	sne.s32 s0, $0x1;
	s0 =	sadd.s32 $0xFFFFFFFF, s0;
	[sflag:s12] =	ssyncadd.s32 $0xFFFFF800  }
.Ltmp37:
0x481: {  	(pc) =	sbr.rel @p1 .LBB2_50-.Ltmp37, $3  }
0x482: {  	_ =	sdelay $0x1  }
0x483: {  	_ =	swait.ge [sflag:s12], $0x800  }
0x484: {  	[sflag:s12] =	ssyncset.done $0x0  }
.Ltmp38:
0x485: {  	_ = 	snop;
	(pc) =	sbr.rel .LBB2_51-.Ltmp38, $1  }
0x486: {  	_ =	sdelay $0x3  }
.LBB2_53:
0x487: {  	_ =	sfence.sel $0x180000  }
0x488: {  	[bflag:$0x0] =	sbarrier.arrive $0xFFFF  }
0x489: {  	_ =	strace $0x90000047  }
0x48a: {  	s0 =	stileid.u32;
	[bflag:$0x2] =	sbarrier.arrive $0xFFFF  }
0x48b: {  	p0 =	sne.s32 s0, $0x0;
	s0 =	rddreg [dreg:$0x4]  }
0x48c: {  	s0 =	sadd.s32 @!p0 $0x100000, s0  }
0x48d: {  	[sflag:s0] =	ssyncadd.tile.s32 @!p0 $0x1;
	_ =	shalt  }
.Lfunc_end2:
_tile_overlayer_lowered:
.L_overlay_start_2:
0x48e: {  	(tag) =	ssettag $0x2  }
0x48f: {  	s0 =	rddreg [dreg:$0x0];
	s2 =	stileid.u32  }
0x490: {  	s1 =	rddreg [dreg:$0x1];
	p0 =	sne.s32 s2, $0x0  }
0x491: {  	s3 =	rddreg [dreg:$0x2];
	[bflag:$0x3] =	sbarrier.arrive $0xFFFF;
	s2 =	simm.s32 @!p0 $0x1C02  }
0x492: {  	[timem:s3], [sflag:s2] =	dma.local @!p0 [hbm:s0], s1  }
0x493: {  	s0 =	simm.s32 @!p0 $0x2  }
0x494: {  	_ =	swait.ge @!p0 [sflag:s0], s1  }
0x495: {  	s1 =	ssub.s32 @!p0 $0x0, s1;
	[sflag:s0] =	ssyncset.done @!p0 $0x0  }
0x496: {  	[sflag:s0] =	ssyncadd.s32 @!p0 s1  }
0x497: {  	[bflag:$0x3] =	sbarrier.arrive $0xFFFF  }
0x498: {  	_ =	shalt  }

</sc_bundles>
